<compile_context>
chip_gen: v7x
topology: tpu7x:2x2x1
jax: 0.10.2.dev20260603
libtpu: 0.0.44.dev20260713+nightly
codegen_flags: <defaults>
</compile_context>

<pallas_src>
import functools

import jax
import jax.numpy as jnp
from jax import lax
from jax.experimental import pallas as pl
from jax.experimental.pallas import tpu as pltpu
from jax.experimental.pallas import tpu_sc as plsc

B = 8
K = 1024
NF = 2048
NG = 4096
NEG = -1e10
HALF_NEG = -5e9
EPS = 0.005
ITERS = 50
SR = 64
NSTRIP = K // SR


def _fps_body(gt_ref, sel_ref):
    gx = gt_ref[0]
    gy = gt_ref[1]
    gz = gt_ref[2]
    lane_i = jax.lax.broadcasted_iota(jnp.int32, (B, NG), 1)
    lane = lane_i.astype(jnp.float32)
    sel_ref[...] = lane_i * 0 + K

    def step(k, carry):
        last, dists = carry
        mask2 = lane == last
        sel_ref[...] = jnp.where(mask2, k, sel_ref[...])
        lx = jnp.sum(jnp.where(mask2, gx, 0.0), axis=1, keepdims=True)
        ly = jnp.sum(jnp.where(mask2, gy, 0.0), axis=1, keepdims=True)
        lz = jnp.sum(jnp.where(mask2, gz, 0.0), axis=1, keepdims=True)
        dx = gx - lx
        dy = gy - ly
        dz = gz - lz
        d = (dx * dx + dy * dy) + dz * dz
        dists = jnp.minimum(dists, d)
        m = jnp.max(dists, axis=1, keepdims=True)
        nxt = jnp.min(jnp.where(dists == m, lane, float(NG)), axis=1,
                      keepdims=True)
        return nxt, dists

    init = (jnp.zeros((B, 1), jnp.float32), gx * 0.0 + 1e10)
    jax.lax.fori_loop(0, K, step, init)


def _run_fps(gt3):
    return pl.pallas_call(
        _fps_body,
        out_shape=jax.ShapeDtypeStruct((B, NG), jnp.int32),
    )(gt3)


KP = K + 8
NCHUNK = NG // 128


def _run_scatter_sc(gt_pad, sel3):
    info = plsc.get_sparse_core_info()
    nc, ns, nl = info.num_cores, info.num_subcores, info.num_lanes

    @functools.partial(
        pl.kernel,
        mesh=plsc.VectorSubcoreMesh(core_axis_name="c", subcore_axis_name="s"),
        out_type=jax.ShapeDtypeStruct((B * KP, 128), jnp.float32),
        scratch_types=[
            pltpu.VMEM((NCHUNK, 128), jnp.int32),
            pltpu.VMEM((128, 128), jnp.float32),
            pltpu.SemaphoreType.DMA,
        ],
    )
    def k(gt_hbm, sel_hbm, out_hbm, idx_v, rows_v, sem):
        wid = lax.axis_index("s") * nc + lax.axis_index("c")

        @pl.when(wid < B)
        def _():
            b = wid
            pltpu.sync_copy(sel_hbm.at[b], idx_v)
            off = b * KP

            def obody(i, carry):
                r = i // (128 // nl)
                g = i % (128 // nl)
                s = pl.ds(g * nl, nl)
                idx_v[r, s] = idx_v[r, s] + off
                return carry

            lax.fori_loop(0, NCHUNK * (128 // nl), obody, jnp.int32(0))

            def body(j, carry):
                pltpu.sync_copy(gt_hbm.at[b, pl.ds(j * 128, 128)], rows_v)
                pltpu.async_copy(
                    rows_v,
                    out_hbm.at[idx_v.at[j]],
                    sem,
                ).wait()
                return carry

            lax.fori_loop(0, NCHUNK, body, jnp.int32(0))

    return k(gt_pad, sel3)


def _emd_body(coarse_ref, y_ref, out_ref, ncost_ref, pmax_ref, parg_ref,
              price_ref, owner_ref):
    gx = y_ref[0:1, :]
    gy = y_ref[1:2, :]
    gz = y_ref[2:3, :]
    colj = jax.lax.broadcasted_iota(jnp.int32, (SR, K), 1).astype(jnp.float32)
    rowi = jax.lax.broadcasted_iota(jnp.int32, (SR, 1), 0).astype(jnp.float32)
    KF = float(K)

    for s in range(NSTRIP):
        r = slice(s * SR, (s + 1) * SR)
        cx = coarse_ref[r, 0:1]
        cy = coarse_ref[r, 1:2]
        cz = coarse_ref[r, 2:3]
        dx = cx - gx
        dy = cy - gy
        dz = cz - gz
        ncost_ref[r, :] = -((dx * dx + dy * dy) + dz * dz)
    price_ref[...] = jnp.zeros((1, K), jnp.float32)
    owner_ref[...] = jnp.full((1, K), -1.0, jnp.float32)

    def auction_iter(_, carry):
        price = price_ref[...]
        owner = owner_ref[...]
        for s in range(NSTRIP):
            r = slice(s * SR, (s + 1) * SR)
            rid = rowi + (s * SR)
            unass = ~jnp.any(owner == rid, axis=1, keepdims=True)
            value = ncost_ref[r, :] - price
            m1 = jnp.max(value, axis=1, keepdims=True)
            i1 = jnp.min(jnp.where(value == m1, colj, KF), axis=1,
                         keepdims=True)
            mask = colj == i1
            v2 = jnp.max(jnp.where(mask, NEG, value), axis=1, keepdims=True)
            bid_m = jnp.where(unass, (m1 - v2) + EPS, NEG)
            contrib = jnp.where(mask, bid_m, NEG)
            pm = jnp.max(contrib, axis=0, keepdims=True)
            pa = jnp.min(
                jnp.where((contrib == pm) & (pm > HALF_NEG), rid, KF),
                axis=0, keepdims=True)
            pmax_ref[s:s + 1, :] = pm
            parg_ref[s:s + 1, :] = pa
        pms = pmax_ref[...]
        hd = jnp.max(pms, axis=0, keepdims=True)
        winner = jnp.min(
            jnp.where(pms == hd, parg_ref[...], KF), axis=0, keepdims=True)
        has_w = winner < KF
        wc = jnp.minimum(winner, KF - 1.0)
        price_ref[...] = jnp.where(has_w, price + hd, price)
        owner_ref[...] = jnp.where(has_w, wc, owner)
        return carry

    jax.lax.fori_loop(0, ITERS, auction_iter, jnp.int32(0))

    owner = owner_ref[...]
    acc = jnp.zeros((1, 1), jnp.float32)
    for s in range(NSTRIP):
        r = slice(s * SR, (s + 1) * SR)
        rid = rowi + (s * SR)
        a = jnp.min(jnp.where(owner == rid, colj, KF), axis=1, keepdims=True)
        nc = ncost_ref[r, :]
        cmax = jnp.max(nc, axis=1, keepdims=True)
        jmin = jnp.min(jnp.where(nc == cmax, colj, KF), axis=1, keepdims=True)
        a = jnp.where(a == KF, jmin, a)
        mask = colj == a
        mx = jnp.sum(jnp.where(mask, gx, 0.0), axis=1, keepdims=True)
        my = jnp.sum(jnp.where(mask, gy, 0.0), axis=1, keepdims=True)
        mz = jnp.sum(jnp.where(mask, gz, 0.0), axis=1, keepdims=True)
        cx = coarse_ref[r, 0:1]
        cy = coarse_ref[r, 1:2]
        cz = coarse_ref[r, 2:3]
        dx = cx - mx
        dy = cy - my
        dz = cz - mz
        dist = (dx * dx + dy * dy) + dz * dz
        acc = acc + jnp.sum(jnp.sqrt(jnp.maximum(dist, 1e-12)))
    out_ref[...] = acc


def _run_emd(coarse, gt_ds3):
    return pl.pallas_call(
        _emd_body,
        grid=(B,),
        in_specs=[
            pl.BlockSpec((None, K, 3), lambda b: (b, 0, 0)),
            pl.BlockSpec((None, 3, K), lambda b: (b, 0, 0)),
        ],
        out_specs=pl.BlockSpec((None, 1, 1), lambda b: (b, 0, 0)),
        out_shape=jax.ShapeDtypeStruct((B, 1, 1), jnp.float32),
        scratch_shapes=[
            pltpu.VMEM((K, K), jnp.float32),
            pltpu.VMEM((NSTRIP, K), jnp.float32),
            pltpu.VMEM((NSTRIP, K), jnp.float32),
            pltpu.VMEM((1, K), jnp.float32),
            pltpu.VMEM((1, K), jnp.float32),
        ],
        compiler_params=pltpu.CompilerParams(
            dimension_semantics=("parallel",)),
    )(coarse, gt_ds3)


CSR = 32
NCSTRIP = NF // CSR


def _chamfer_body(fine_ref, gt_ref, out_ref):
    g = gt_ref[...]
    gx = gt_ref[0:1, :]
    gy = gt_ref[1:2, :]
    gz = gt_ref[2:3, :]
    gn = (gx * gx + gy * gy) + gz * gz
    cm = jnp.full((1, NG), 1e30, jnp.float32)
    acc = jnp.zeros((1, 1), jnp.float32)
    for s in range(NCSTRIP):
        f = fine_ref[s * CSR:(s + 1) * CSR, :]
        fn = jnp.sum(f * f, axis=1, keepdims=True)
        m = jax.lax.dot_general(f, g, (((1,), (0,)), ((), ())),
                                precision=jax.lax.Precision.HIGHEST,
                                preferred_element_type=jnp.float32)
        d2 = (fn + gn) - (m + m)
        acc = acc + jnp.sum(jnp.min(d2, axis=1))
        cm = jnp.minimum(cm, jnp.min(d2, axis=0, keepdims=True))
    out_ref[...] = acc / NF + jnp.sum(cm) / NG


def _run_chamfer(fine, gt3):
    return pl.pallas_call(
        _chamfer_body,
        grid=(B,),
        in_specs=[
            pl.BlockSpec((None, NF, 3), lambda b: (b, 0, 0)),
            pl.BlockSpec((None, 3, NG), lambda b: (b, 0, 0)),
        ],
        out_specs=pl.BlockSpec((None, 1, 1), lambda b: (b, 0, 0)),
        out_shape=jax.ShapeDtypeStruct((B, 1, 1), jnp.float32),
        compiler_params=pltpu.CompilerParams(
            dimension_semantics=("parallel",)),
    )(fine, gt3)


def kernel(coarse, fine, gt, alpha):
    gt3 = jnp.transpose(gt, (1, 0, 2))
    sel = _run_fps(gt3)

    gt_pad = jnp.pad(jnp.transpose(gt, (0, 2, 1)), ((0, 0), (0, 0), (0, 125)))
    sel3 = sel.reshape(B, NCHUNK, 128)
    flat = _run_scatter_sc(gt_pad, sel3)
    gt_dsb = jnp.transpose(
        flat.reshape(B, KP, 128)[:, :K, :3], (0, 2, 1))

    sums = _run_emd(coarse, gt_dsb)
    cham = _run_chamfer(fine, gt)

    loss_coarse = jnp.sum(sums) / (B * K)
    loss_fine = jnp.mean(cham)
    loss = loss_coarse + alpha * loss_fine
    return (loss, loss_coarse, loss_fine)

# --- scband reference (transcript-rebuilt; emitter-appended) ---
"""Pipeline reference for scband-loss-39170101740023 (READ-ONLY COPY).

The authoritative reference and input builder live on the scoring server;
editing this copy changes nothing except your own understanding.
"""

import jax, jax.numpy as jnp
import numpy as np


def _fps_idx(points, K):
    N = points.shape[0]
    def step(carry, _):
        dists, last = carry
        lp = points[last]
        d = jnp.sum((points - lp) ** 2, axis=-1)
        dists = jnp.minimum(dists, d)
        nxt = jnp.argmax(dists).astype(jnp.int32)
        return (dists, nxt), last
    init = (jnp.full((N,), 1e10, points.dtype), jnp.array(0, jnp.int32))
    _, idxs = jax.lax.scan(step, init, None, length=K)
    return idxs


def _auction_assign(cost, eps, iters):
    n = cost.shape[0]
    NEG = jnp.asarray(-1e10, cost.dtype)
    ids = jnp.arange(n, dtype=jnp.int32)
    def step(carry, _):
        assign, owner, price = carry
        value = -cost - price[None, :]
        v2, i2 = jax.lax.top_k(value, 2)
        bj = i2[:, 0].astype(jnp.int32)
        bid = price[bj] + (v2[:, 0] - v2[:, 1]) + eps
        unass = assign < 0
        bid_m = jnp.where(unass, bid, NEG)
        high = jnp.full((n,), NEG, cost.dtype).at[bj].max(bid_m)
        is_win = unass & (bid_m >= high[bj]) & (bid_m > 0.5 * NEG)
        winner = jnp.full((n,), n, jnp.int32).at[bj].min(jnp.where(is_win, ids, n))
        has_w = winner < n
        wc = jnp.minimum(winner, n - 1)
        price = jnp.where(has_w, high, price)
        old = owner
        owner = jnp.where(has_w, wc, owner)
        drop_idx = jnp.where(has_w & (old >= 0), old, n)
        assign = assign.at[drop_idx].set(-1, mode='drop')
        set_idx = jnp.where(has_w, wc, n)
        assign = assign.at[set_idx].set(ids, mode='drop')
        return (assign, owner, price), None
    init = (jnp.full((n,), -1, jnp.int32), jnp.full((n,), -1, jnp.int32), jnp.zeros((n,), cost.dtype))
    (assign, _, _), _ = jax.lax.scan(step, init, None, length=iters)
    assign = jnp.where(assign < 0, jnp.argmin(cost, axis=1).astype(jnp.int32), assign)
    return assign


def _emd_dist(x, y, eps, iters):
    cost = jnp.sum((x[:, None, :] - y[None, :, :]) ** 2, axis=-1)
    assign = _auction_assign(jax.lax.stop_gradient(cost), eps, iters)
    matched = y[assign]
    return jnp.sum((x - matched) ** 2, axis=-1)


def _chamfer(a, b):
    def per(xy):
        x, y = xy
        d2 = jnp.sum((x[:, None, :] - y[None, :, :]) ** 2, axis=-1)
        return jnp.min(d2, axis=1).mean() + jnp.min(d2, axis=0).mean()
    return jax.lax.map(per, (a, b)).mean()


def _forward(coarse, fine, gt, alpha, eps=0.005, iters=50):
    gt_t = jnp.transpose(gt, (0, 2, 1))
    K = coarse.shape[1]
    idxs = jax.vmap(lambda p: _fps_idx(p, K))(jax.lax.stop_gradient(gt_t))
    gt_ds = jnp.take_along_axis(gt_t, idxs[:, :, None], axis=1)
    dist = jax.vmap(lambda x, y: _emd_dist(x, y, eps, iters))(coarse, gt_ds)
    loss_coarse = jnp.sqrt(jnp.maximum(dist, 1e-12)).mean()
    loss_fine = _chamfer(fine, gt_t)
    loss = loss_coarse + alpha * loss_fine
    return (loss, loss_coarse, loss_fine)


def setup_inputs(seed: int = 0):
    key = jax.random.key(seed)
    k1, k2, k3 = jax.random.split(key, 3)
    return {
        "coarse": jax.random.normal(k1, (8, 1024, 3), jnp.float32),
        "fine": jax.random.normal(k2, (8, 2048, 3), jnp.float32),
        "gt": jax.random.normal(k3, (8, 3, 4096), jnp.float32),
        "alpha": jnp.ones((), jnp.float32),
    }


def reference(coarse, fine, gt, alpha):
    return _forward(coarse, fine, gt, alpha)

if __name__ == "__main__":
    import jax
    _d = setup_inputs()
    print(jax.jit(kernel)(*tuple(_d.values())))

</pallas_src>

<mosaic_0001>
#map = affine_map<(d0, d1) -> (0, 0, 0)>
#map1 = affine_map<(d0, d1) -> (0, 0)>
module attributes {stable_mosaic.version = 14 : i64} {
  func.func @k(%arg0: i32, %arg1: i32, %arg2: memref<8x4096x128xf32, #tpu.memory_space<hbm>>, %arg3: memref<8x32x128xi32, #tpu.memory_space<hbm>>, %arg4: memref<8256x128xf32, #tpu.memory_space<hbm>>, %arg5: memref<32x128xi32, #tpu.memory_space<vmem>>, %arg6: memref<128x128xf32, #tpu.memory_space<vmem>>, %arg7: memref<!tpu.dma_semaphore, #tpu.memory_space<semaphore_mem>>) attributes {dimension_semantics = [#tpu.dimension_semantics<core_parallel>, #tpu.dimension_semantics<subcore_parallel>], iteration_bounds = array<i64: 2, 16>, scalar_prefetch = 0 : i64, scratch_operands = 3 : i64, tpu.core_type = #tpu.core_type<sc_vector_subcore>, window_params = [{transform_indices = #map}, {transform_indices = #map}, {transform_indices = #map1}]} {
    %mul3A = arith.constant 2 : i32
    %mul3A_0 = arith.muli %arg1, %mul3A : i32
    %add3A = arith.addi %mul3A_0, %arg0 : i32
    %lt3A = arith.constant 8 : i32
    %lt3A_1 = arith.cmpi slt, %add3A, %lt3A : i32
    %convert_element_type3A = arith.extui %lt3A_1 : i1 to i32
    %cond3A = arith.constant 0 : i32
    %cond3A_2 = arith.cmpi ne, %convert_element_type3A, %cond3A : i32
    scf.if %cond3A_2 {
      "tpu.region"() ({
        %run_scoped3A = tpu.sem_alloc : memref<!tpu.dma_semaphore, #tpu.memory_space<semaphore_mem>>
        %dma_start3A = arith.constant 0 : i32
        %dma_start3A_16 = arith.constant 0 : i32
        %dma_start3A_17 = tpu.memref_slice %arg3[%add3A, %dma_start3A, %dma_start3A_16] : memref<8x32x128xi32, #tpu.memory_space<hbm>> -> memref<1x32x128xi32, #tpu.memory_space<hbm>>
        %dma_start3A_18 = tpu.memref_squeeze %dma_start3A_17 : memref<1x32x128xi32, #tpu.memory_space<hbm>> -> memref<32x128xi32, #tpu.memory_space<hbm>>
        %dma_start3A_19 = arith.constant 0 : i32
        %dma_start3A_20 = arith.constant 0 : i32
        %dma_start3A_21 = tpu.memref_slice %arg3[%add3A, %dma_start3A_19, %dma_start3A_20] : memref<8x32x128xi32, #tpu.memory_space<hbm>> -> memref<1x32x128xi32, #tpu.memory_space<hbm>>
        %dma_start3A_22 = tpu.memref_squeeze %dma_start3A_21 : memref<1x32x128xi32, #tpu.memory_space<hbm>> -> memref<32x128xi32, #tpu.memory_space<hbm>>
        tpu.enqueue_dma source(%dma_start3A_22 : memref<32x128xi32, #tpu.memory_space<hbm>>) target(%arg5 : memref<32x128xi32, #tpu.memory_space<vmem>>) target_semaphore(%run_scoped3A : memref<!tpu.dma_semaphore, #tpu.memory_space<semaphore_mem>>)
        %dma_wait3A = arith.constant 0 : i32
        %dma_wait3A_23 = arith.constant 0 : i32
        %dma_wait3A_24 = tpu.memref_slice %arg3[%add3A, %dma_wait3A, %dma_wait3A_23] : memref<8x32x128xi32, #tpu.memory_space<hbm>> -> memref<1x32x128xi32, #tpu.memory_space<hbm>>
        %dma_wait3A_25 = tpu.memref_squeeze %dma_wait3A_24 : memref<1x32x128xi32, #tpu.memory_space<hbm>> -> memref<32x128xi32, #tpu.memory_space<hbm>>
        %dma_wait3A_26 = arith.constant 0 : i32
        %dma_wait3A_27 = arith.constant 0 : i32
        %dma_wait3A_28 = tpu.memref_slice %arg3[%add3A, %dma_wait3A_26, %dma_wait3A_27] : memref<8x32x128xi32, #tpu.memory_space<hbm>> -> memref<1x32x128xi32, #tpu.memory_space<hbm>>
        %dma_wait3A_29 = tpu.memref_squeeze %dma_wait3A_28 : memref<1x32x128xi32, #tpu.memory_space<hbm>> -> memref<32x128xi32, #tpu.memory_space<hbm>>
        tpu.wait_dma2 semaphore(%run_scoped3A : memref<!tpu.dma_semaphore, #tpu.memory_space<semaphore_mem>>) src(%dma_wait3A_29 : memref<32x128xi32, #tpu.memory_space<hbm>>) dst(%arg5 : memref<32x128xi32, #tpu.memory_space<vmem>>)
        tpu.yield
      }) : () -> ()
      %mul3A_3 = arith.constant 1032 : i32
      %mul3A_4 = arith.muli %add3A, %mul3A_3 : i32
      %scan3A = arith.constant 0 : i32
      %scan3A_5 = arith.constant 0 : i32
      %scan3A_6 = arith.constant 256 : i32
      %scan3A_7 = arith.addi %scan3A_5, %scan3A_6 : i32
      %scan3A_8 = arith.constant 1 : i32
      scf.for %scan3A_16 = %scan3A_5 to %scan3A_7 step %scan3A_8  : i32 {
        %jit3A = arith.constant 8 : i32
        %div3A = arith.divsi %scan3A_16, %jit3A : i32
        %sign3A = arith.constant 0 : i32
        %sign3A_17 = arith.cmpi sgt, %scan3A_16, %sign3A : i32
        %sign3A_18 = arith.extui %sign3A_17 : i1 to i32
        %sign3A_19 = arith.constant 0 : i32
        %sign3A_20 = arith.cmpi slt, %scan3A_16, %sign3A_19 : i32
        %sign3A_21 = arith.extui %sign3A_20 : i1 to i32
        %sign3A_22 = arith.subi %sign3A_18, %sign3A_21 : i32
        %sign3A_23 = arith.constant 0 : i32
        %sign3A_24 = arith.cmpi sgt, %jit3A, %sign3A_23 : i32
        %sign3A_25 = arith.extui %sign3A_24 : i1 to i32
        %sign3A_26 = arith.constant 0 : i32
        %sign3A_27 = arith.cmpi slt, %jit3A, %sign3A_26 : i32
        %sign3A_28 = arith.extui %sign3A_27 : i1 to i32
        %sign3A_29 = arith.subi %sign3A_25, %sign3A_28 : i32
        %ne3A = arith.cmpi ne, %sign3A_22, %sign3A_29 : i32
        %rem3A = arith.remsi %scan3A_16, %jit3A : i32
        %ne3A_30 = arith.constant 0 : i32
        %ne3A_31 = arith.cmpi ne, %rem3A, %ne3A_30 : i32
        %and3A = arith.andi %ne3A, %ne3A_31 : i1
        %sub3A = arith.constant 1 : i32
        %sub3A_32 = arith.subi %div3A, %sub3A : i32
        %select_n3A = arith.select %and3A, %sub3A_32, %div3A : i32
        %jit3A_33 = arith.constant 8 : i32
        %eq3A = arith.constant 0 : i32
        %eq3A_34 = arith.cmpi eq, %jit3A_33, %eq3A : i32
        %jit3A_35 = arith.constant 1 : i32
        %select_n3A_36 = arith.select %eq3A_34, %jit3A_35, %jit3A_33 : i32
        %rem3A_37 = arith.remsi %scan3A_16, %select_n3A_36 : i32
        %ne3A_38 = arith.constant 0 : i32
        %ne3A_39 = arith.cmpi ne, %rem3A_37, %ne3A_38 : i32
        %lt3A_40 = arith.constant 0 : i32
        %lt3A_41 = arith.cmpi slt, %rem3A_37, %lt3A_40 : i32
        %lt3A_42 = arith.constant 0 : i32
        %lt3A_43 = arith.cmpi slt, %select_n3A_36, %lt3A_42 : i32
        %ne3A_44 = arith.xori %lt3A_41, %lt3A_43 : i1
        %and3A_45 = arith.andi %ne3A_44, %ne3A_39 : i1
        %add3A_46 = arith.addi %rem3A_37, %select_n3A_36 : i32
        %select_n3A_47 = arith.select %and3A_45, %add3A_46, %rem3A_37 : i32
        %mul3A_48 = arith.constant 16 : i32
        %mul3A_49 = arith.muli %select_n3A_47, %mul3A_48 : i32
        %get3A = arith.index_cast %select_n3A : i32 to index
        %get3A_50 = arith.index_cast %mul3A_49 : i32 to index
        %get3A_51 = tpu.vector_load %arg5[%get3A, %get3A_50] {strides = array<i32>} : memref<32x128xi32, #tpu.memory_space<vmem>>, vector<1x16xi32>,
        %get3A_52 = vector.shape_cast %get3A_51 : vector<1x16xi32> to vector<16xi32>
        %add3A_53 = vector.broadcast %mul3A_4 : i32 to vector<16xi32>
        %add3A_54 = arith.addi %get3A_52, %add3A_53 : vector<16xi32>
        %swap3A = arith.index_cast %select_n3A : i32 to index
        %swap3A_55 = arith.index_cast %mul3A_49 : i32 to index
        %swap3A_56 = tpu.vector_load %arg5[%swap3A, %swap3A_55] {strides = array<i32>} : memref<32x128xi32, #tpu.memory_space<vmem>>, vector<1x16xi32>,
        %swap3A_57 = vector.shape_cast %swap3A_56 : vector<1x16xi32> to vector<16xi32>
        %swap3A_58 = vector.shape_cast %add3A_54 : vector<16xi32> to vector<1x16xi32>
        tpu.vector_store %arg5[%swap3A, %swap3A_55], %swap3A_58 {strides = array<i32>} : memref<32x128xi32, #tpu.memory_space<vmem>>, vector<1x16xi32>,
      }
      %scan3A_9 = arith.constant 256 : i32
      %scan3A_10 = arith.constant 0 : i32
      %scan3A_11 = arith.constant 0 : i32
      %scan3A_12 = arith.constant 32 : i32
      %scan3A_13 = arith.addi %scan3A_11, %scan3A_12 : i32
      %scan3A_14 = arith.constant 1 : i32
      scf.for %scan3A_16 = %scan3A_11 to %scan3A_13 step %scan3A_14  : i32 {
        %mul3A_17 = arith.constant 128 : i32
        %mul3A_18 = arith.muli %scan3A_16, %mul3A_17 : i32
        "tpu.region"() ({
          %run_scoped3A = tpu.sem_alloc : memref<!tpu.dma_semaphore, #tpu.memory_space<semaphore_mem>>
          %dma_start3A_29 = arith.constant 0 : i32
          %dma_start3A_30 = tpu.memref_slice %arg2[%add3A, %mul3A_18, %dma_start3A_29] : memref<8x4096x128xf32, #tpu.memory_space<hbm>> -> memref<1x128x128xf32, #tpu.memory_space<hbm>>
          %dma_start3A_31 = tpu.memref_squeeze %dma_start3A_30 : memref<1x128x128xf32, #tpu.memory_space<hbm>> -> memref<128x128xf32, #tpu.memory_space<hbm>>
          %dma_start3A_32 = arith.constant 0 : i32
          %dma_start3A_33 = tpu.memref_slice %arg2[%add3A, %mul3A_18, %dma_start3A_32] : memref<8x4096x128xf32, #tpu.memory_space<hbm>> -> memref<1x128x128xf32, #tpu.memory_space<hbm>>
          %dma_start3A_34 = tpu.memref_squeeze %dma_start3A_33 : memref<1x128x128xf32, #tpu.memory_space<hbm>> -> memref<128x128xf32, #tpu.memory_space<hbm>>
          tpu.enqueue_dma source(%dma_start3A_34 : memref<128x128xf32, #tpu.memory_space<hbm>>) target(%arg6 : memref<128x128xf32, #tpu.memory_space<vmem>>) target_semaphore(%run_scoped3A : memref<!tpu.dma_semaphore, #tpu.memory_space<semaphore_mem>>)
          %dma_wait3A_35 = arith.constant 0 : i32
          %dma_wait3A_36 = tpu.memref_slice %arg2[%add3A, %mul3A_18, %dma_wait3A_35] : memref<8x4096x128xf32, #tpu.memory_space<hbm>> -> memref<1x128x128xf32, #tpu.memory_space<hbm>>
          %dma_wait3A_37 = tpu.memref_squeeze %dma_wait3A_36 : memref<1x128x128xf32, #tpu.memory_space<hbm>> -> memref<128x128xf32, #tpu.memory_space<hbm>>
          %dma_wait3A_38 = arith.constant 0 : i32
          %dma_wait3A_39 = tpu.memref_slice %arg2[%add3A, %mul3A_18, %dma_wait3A_38] : memref<8x4096x128xf32, #tpu.memory_space<hbm>> -> memref<1x128x128xf32, #tpu.memory_space<hbm>>
          %dma_wait3A_40 = tpu.memref_squeeze %dma_wait3A_39 : memref<1x128x128xf32, #tpu.memory_space<hbm>> -> memref<128x128xf32, #tpu.memory_space<hbm>>
          tpu.wait_dma2 semaphore(%run_scoped3A : memref<!tpu.dma_semaphore, #tpu.memory_space<semaphore_mem>>) src(%dma_wait3A_40 : memref<128x128xf32, #tpu.memory_space<hbm>>) dst(%arg6 : memref<128x128xf32, #tpu.memory_space<vmem>>)
          tpu.yield
        }) : () -> ()
        %dma_start3A = arith.constant 0 : i32
        %dma_start3A_19 = tpu.memref_slice %arg5[%scan3A_16, %dma_start3A] : memref<32x128xi32, #tpu.memory_space<vmem>> -> memref<1x128xi32, #tpu.memory_space<vmem>>
        %dma_start3A_20 = tpu.memref_squeeze %dma_start3A_19 : memref<1x128xi32, #tpu.memory_space<vmem>> -> memref<128xi32, #tpu.memory_space<vmem>>
        %dma_start3A_21 = arith.constant 0 : i32
        %dma_start3A_22 = arith.constant 0 : i32
        %dma_start3A_23 = tpu.memref_slice %arg4[%dma_start3A_21, %dma_start3A_22] : memref<8256x128xf32, #tpu.memory_space<hbm>> -> memref<8256x128xf32, #tpu.memory_space<hbm>>
        tpu.enqueue_indirect_dma source(%arg6 : memref<128x128xf32, #tpu.memory_space<vmem>>) target(%dma_start3A_23 : memref<8256x128xf32, #tpu.memory_space<hbm>>) offsets(%dma_start3A_20 : memref<128xi32, #tpu.memory_space<vmem>>) semaphore(%arg7 : memref<!tpu.dma_semaphore, #tpu.memory_space<semaphore_mem>>)
        %dma_wait3A = arith.constant 0 : i32
        %dma_wait3A_24 = tpu.memref_slice %arg5[%scan3A_16, %dma_wait3A] : memref<32x128xi32, #tpu.memory_space<vmem>> -> memref<1x128xi32, #tpu.memory_space<vmem>>
        %dma_wait3A_25 = tpu.memref_squeeze %dma_wait3A_24 : memref<1x128xi32, #tpu.memory_space<vmem>> -> memref<128xi32, #tpu.memory_space<vmem>>
        %dma_wait3A_26 = arith.constant 0 : i32
        %dma_wait3A_27 = arith.constant 0 : i32
        %dma_wait3A_28 = tpu.memref_slice %arg4[%dma_wait3A_26, %dma_wait3A_27] : memref<8256x128xf32, #tpu.memory_space<hbm>> -> memref<8256x128xf32, #tpu.memory_space<hbm>>
        tpu.wait_indirect_dma semaphore(%arg7 : memref<!tpu.dma_semaphore, #tpu.memory_space<semaphore_mem>>) src(%arg6 : memref<128x128xf32, #tpu.memory_space<vmem>>) dst(%dma_wait3A_28 : memref<8256x128xf32, #tpu.memory_space<hbm>>)
      }
      %scan3A_15 = arith.constant 32 : i32
    } else {
    }
    return
  }
}

module attributes {stable_mosaic.version = 14 : i64} {
  func.func @_fps_body(%arg0: memref<3x8x4096xf32, #tpu.memory_space<vmem>>, %arg1: memref<8x4096xi32, #tpu.memory_space<vmem>>) attributes {dimension_semantics = [], scalar_prefetch = 0 : i64, scratch_operands = 0 : i64, tpu.core_type = #tpu.core_type<tc>} {
    %get3A = arith.constant 0 : index
    %get3A_0 = arith.constant 0 : index
    %get3A_1 = arith.constant 0 : index
    %get3A_2 = vector.load %arg0[%get3A, %get3A_0, %get3A_1] : memref<3x8x4096xf32, #tpu.memory_space<vmem>>, vector<1x8x4096xf32>
    %get3A_3 = vector.shape_cast %get3A_2 : vector<1x8x4096xf32> to vector<8x4096xf32>
    %get3A_4 = arith.constant 1 : index
    %get3A_5 = arith.constant 0 : index
    %get3A_6 = arith.constant 0 : index
    %get3A_7 = vector.load %arg0[%get3A_4, %get3A_5, %get3A_6] : memref<3x8x4096xf32, #tpu.memory_space<vmem>>, vector<1x8x4096xf32>
    %get3A_8 = vector.shape_cast %get3A_7 : vector<1x8x4096xf32> to vector<8x4096xf32>
    %get3A_9 = arith.constant 2 : index
    %get3A_10 = arith.constant 0 : index
    %get3A_11 = arith.constant 0 : index
    %get3A_12 = vector.load %arg0[%get3A_9, %get3A_10, %get3A_11] : memref<3x8x4096xf32, #tpu.memory_space<vmem>>, vector<1x8x4096xf32>
    %get3A_13 = vector.shape_cast %get3A_12 : vector<1x8x4096xf32> to vector<8x4096xf32>
    %iota3A = tpu.iota {dimensions = array<i32: 1>} : vector<8x4096xi32>
    %convert_element_type3A = arith.sitofp %iota3A : vector<8x4096xi32> to vector<8x4096xf32>
    %mul3A = arith.constant 0 : i32
    %mul3A_14 = vector.broadcast %mul3A : i32 to vector<8x4096xi32>
    %mul3A_15 = arith.muli %iota3A, %mul3A_14 : vector<8x4096xi32>
    %add3A = arith.constant 1024 : i32
    %add3A_16 = vector.broadcast %add3A : i32 to vector<8x4096xi32>
    %add3A_17 = arith.addi %mul3A_15, %add3A_16 : vector<8x4096xi32>
    %swap3A = arith.constant 0 : index
    %swap3A_18 = arith.constant 0 : index
    %swap3A_19 = vector.load %arg1[%swap3A, %swap3A_18] : memref<8x4096xi32, #tpu.memory_space<vmem>>, vector<8x4096xi32>
    tpu.vector_store %arg1[%swap3A, %swap3A_18], %add3A_17 {strides = array<i32>} : memref<8x4096xi32, #tpu.memory_space<vmem>>, vector<8x4096xi32>,
    %broadcast_in_dim3A = arith.constant 0.000000e+00 : f32
    %broadcast_in_dim3A_20 = vector.broadcast %broadcast_in_dim3A : f32 to vector<8x1xf32>
    %mul3A_21 = arith.constant 0.000000e+00 : f32
    %mul3A_22 = vector.broadcast %mul3A_21 : f32 to vector<8x4096xf32>
    %mul3A_23 = arith.mulf %get3A_3, %mul3A_22 : vector<8x4096xf32>
    %add3A_24 = arith.constant 1.000000e+10 : f32
    %add3A_25 = vector.broadcast %add3A_24 : f32 to vector<8x4096xf32>
    %add3A_26 = arith.addf %mul3A_23, %add3A_25 : vector<8x4096xf32>
    %scan3A = arith.constant 0 : i32
    %scan3A_27 = arith.constant 1024 : i32
    %scan3A_28 = arith.addi %scan3A, %scan3A_27 : i32
    %scan3A_29 = arith.constant 1 : i32
    %scan3A_30:2 = scf.for %scan3A_32 = %scan3A to %scan3A_28 step %scan3A_29 iter_args(%scan3A_33 = %broadcast_in_dim3A_20, %scan3A_34 = %add3A_26) -> (vector<8x1xf32>, vector<8x4096xf32>)  : i32 {
      %eq3A = vector.broadcast %scan3A_33 : vector<8x1xf32> to vector<8x4096xf32>
      %eq3A_35 = arith.cmpf oeq, %convert_element_type3A, %eq3A : vector<8x4096xf32>
      %get3A_36 = arith.constant 0 : index
      %get3A_37 = arith.constant 0 : index
      %get3A_38 = vector.load %arg1[%get3A_36, %get3A_37] : memref<8x4096xi32, #tpu.memory_space<vmem>>, vector<8x4096xi32>
      %broadcast_in_dim3A_39 = vector.broadcast %scan3A_32 : i32 to vector<8x4096xi32>
      %select_n3A = arith.select %eq3A_35, %broadcast_in_dim3A_39, %get3A_38 : vector<8x4096xi1>, vector<8x4096xi32>
      %swap3A_40 = arith.constant 0 : index
      %swap3A_41 = arith.constant 0 : index
      %swap3A_42 = vector.load %arg1[%swap3A_40, %swap3A_41] : memref<8x4096xi32, #tpu.memory_space<vmem>>, vector<8x4096xi32>
      tpu.vector_store %arg1[%swap3A_40, %swap3A_41], %select_n3A {strides = array<i32>} : memref<8x4096xi32, #tpu.memory_space<vmem>>, vector<8x4096xi32>,
      %jit3A = arith.constant 0.000000e+00 : f32
      %broadcast_in_dim3A_43 = vector.broadcast %jit3A : f32 to vector<8x4096xf32>
      %select_n3A_44 = arith.select %eq3A_35, %get3A_3, %broadcast_in_dim3A_43 : vector<8x4096xi1>, vector<8x4096xf32>
      %reduce_sum3A = arith.constant dense<0.000000e+00> : vector<8xf32>
      %reduce_sum3A_45 = vector.multi_reduction <add>, %select_n3A_44, %reduce_sum3A [1] : vector<8x4096xf32> to vector<8xf32>
      %broadcast_in_dim3A_46 = vector.shape_cast %reduce_sum3A_45 : vector<8xf32> to vector<8x1xf32>
      %jit3A_47 = arith.constant 0.000000e+00 : f32
      %broadcast_in_dim3A_48 = vector.broadcast %jit3A_47 : f32 to vector<8x4096xf32>
      %select_n3A_49 = arith.select %eq3A_35, %get3A_8, %broadcast_in_dim3A_48 : vector<8x4096xi1>, vector<8x4096xf32>
      %reduce_sum3A_50 = arith.constant dense<0.000000e+00> : vector<8xf32>
      %reduce_sum3A_51 = vector.multi_reduction <add>, %select_n3A_49, %reduce_sum3A_50 [1] : vector<8x4096xf32> to vector<8xf32>
      %broadcast_in_dim3A_52 = vector.shape_cast %reduce_sum3A_51 : vector<8xf32> to vector<8x1xf32>
      %jit3A_53 = arith.constant 0.000000e+00 : f32
      %broadcast_in_dim3A_54 = vector.broadcast %jit3A_53 : f32 to vector<8x4096xf32>
      %select_n3A_55 = arith.select %eq3A_35, %get3A_13, %broadcast_in_dim3A_54 : vector<8x4096xi1>, vector<8x4096xf32>
      %reduce_sum3A_56 = arith.constant dense<0.000000e+00> : vector<8xf32>
      %reduce_sum3A_57 = vector.multi_reduction <add>, %select_n3A_55, %reduce_sum3A_56 [1] : vector<8x4096xf32> to vector<8xf32>
      %broadcast_in_dim3A_58 = vector.shape_cast %reduce_sum3A_57 : vector<8xf32> to vector<8x1xf32>
      %sub3A = vector.broadcast %broadcast_in_dim3A_46 : vector<8x1xf32> to vector<8x4096xf32>
      %sub3A_59 = arith.subf %get3A_3, %sub3A : vector<8x4096xf32>
      %sub3A_60 = vector.broadcast %broadcast_in_dim3A_52 : vector<8x1xf32> to vector<8x4096xf32>
      %sub3A_61 = arith.subf %get3A_8, %sub3A_60 : vector<8x4096xf32>
      %sub3A_62 = vector.broadcast %broadcast_in_dim3A_58 : vector<8x1xf32> to vector<8x4096xf32>
      %sub3A_63 = arith.subf %get3A_13, %sub3A_62 : vector<8x4096xf32>
      %mul3A_64 = arith.mulf %sub3A_59, %sub3A_59 : vector<8x4096xf32>
      %mul3A_65 = arith.mulf %sub3A_61, %sub3A_61 : vector<8x4096xf32>
      %add3A_66 = arith.addf %mul3A_64, %mul3A_65 : vector<8x4096xf32>
      %mul3A_67 = arith.mulf %sub3A_63, %sub3A_63 : vector<8x4096xf32>
      %add3A_68 = arith.addf %add3A_66, %mul3A_67 : vector<8x4096xf32>
      %min3A = arith.minimumf %scan3A_34, %add3A_68 : vector<8x4096xf32>
      %reduce_max3A = arith.constant dense<0xFF800000> : vector<8xf32>
      %reduce_max3A_69 = vector.multi_reduction <maximumf>, %min3A, %reduce_max3A [1] : vector<8x4096xf32> to vector<8xf32>
      %broadcast_in_dim3A_70 = vector.shape_cast %reduce_max3A_69 : vector<8xf32> to vector<8x1xf32>
      %eq3A_71 = vector.broadcast %broadcast_in_dim3A_70 : vector<8x1xf32> to vector<8x4096xf32>
      %eq3A_72 = arith.cmpf oeq, %min3A, %eq3A_71 : vector<8x4096xf32>
      %jit3A_73 = arith.constant 4.096000e+03 : f32
      %broadcast_in_dim3A_74 = vector.broadcast %jit3A_73 : f32 to vector<8x4096xf32>
      %select_n3A_75 = arith.select %eq3A_72, %convert_element_type3A, %broadcast_in_dim3A_74 : vector<8x4096xi1>, vector<8x4096xf32>
      %reduce_min3A = arith.constant dense<0x7F800000> : vector<8xf32>
      %reduce_min3A_76 = vector.multi_reduction <minimumf>, %select_n3A_75, %reduce_min3A [1] : vector<8x4096xf32> to vector<8xf32>
      %broadcast_in_dim3A_77 = vector.shape_cast %reduce_min3A_76 : vector<8xf32> to vector<8x1xf32>
      scf.yield %broadcast_in_dim3A_77, %min3A : vector<8x1xf32>, vector<8x4096xf32>
    }
    %scan3A_31 = arith.constant 1024 : i32
    return
  }
}

module attributes {stable_mosaic.version = 14 : i64} {
  func.func @_chamfer_body(%arg0: i32, %arg1: memref<1x2048x3xf32, #tpu.memory_space<vmem>>, %arg2: memref<1x3x4096xf32, #tpu.memory_space<vmem>>, %arg3: memref<1x1x1xf32, #tpu.memory_space<vmem>>) attributes {dimension_semantics = [#tpu.dimension_semantics<parallel>], iteration_bounds = array<i64: 8>, scalar_prefetch = 0 : i64, scratch_operands = 0 : i64, tpu.core_type = #tpu.core_type<tc>, window_params = [{transform_indices = @transform_0, window_bounds = array<i64: 1, 2048, 3>}, {transform_indices = @transform_1, window_bounds = array<i64: 1, 3, 4096>}, {transform_indices = @transform_2, window_bounds = array<i64: 1, 1, 1>}]} {
    %get3A = arith.constant 0 : index
    %get3A_0 = arith.constant 0 : index
    %get3A_1 = arith.constant 0 : index
    %get3A_2 = vector.load %arg2[%get3A, %get3A_0, %get3A_1] : memref<1x3x4096xf32, #tpu.memory_space<vmem>>, vector<1x3x4096xf32>
    %get3A_3 = vector.shape_cast %get3A_2 : vector<1x3x4096xf32> to vector<3x4096xf32>
    %get3A_4 = arith.constant 0 : index
    %get3A_5 = arith.constant 0 : index
    %get3A_6 = arith.constant 0 : index
    %get3A_7 = vector.load %arg2[%get3A_4, %get3A_5, %get3A_6] : memref<1x3x4096xf32, #tpu.memory_space<vmem>>, vector<1x1x4096xf32>
    %get3A_8 = vector.shape_cast %get3A_7 : vector<1x1x4096xf32> to vector<1x4096xf32>
    %get3A_9 = arith.constant 0 : index
    %get3A_10 = arith.constant 1 : index
    %get3A_11 = arith.constant 0 : index
    %get3A_12 = vector.load %arg2[%get3A_9, %get3A_10, %get3A_11] : memref<1x3x4096xf32, #tpu.memory_space<vmem>>, vector<1x1x4096xf32>
    %get3A_13 = vector.shape_cast %get3A_12 : vector<1x1x4096xf32> to vector<1x4096xf32>
    %get3A_14 = arith.constant 0 : index
    %get3A_15 = arith.constant 2 : index
    %get3A_16 = arith.constant 0 : index
    %get3A_17 = vector.load %arg2[%get3A_14, %get3A_15, %get3A_16] : memref<1x3x4096xf32, #tpu.memory_space<vmem>>, vector<1x1x4096xf32>
    %get3A_18 = vector.shape_cast %get3A_17 : vector<1x1x4096xf32> to vector<1x4096xf32>
    %mul3A = arith.mulf %get3A_8, %get3A_8 : vector<1x4096xf32>
    %mul3A_19 = arith.mulf %get3A_13, %get3A_13 : vector<1x4096xf32>
    %add3A = arith.addf %mul3A, %mul3A_19 : vector<1x4096xf32>
    %mul3A_20 = arith.mulf %get3A_18, %get3A_18 : vector<1x4096xf32>
    %add3A_21 = arith.addf %add3A, %mul3A_20 : vector<1x4096xf32>
    %broadcast_in_dim3A = arith.constant 1.000000e+30 : f32
    %broadcast_in_dim3A_22 = vector.broadcast %broadcast_in_dim3A : f32 to vector<1x4096xf32>
    %broadcast_in_dim3A_23 = arith.constant 0.000000e+00 : f32
    %broadcast_in_dim3A_24 = vector.broadcast %broadcast_in_dim3A_23 : f32 to vector<1x1xf32>
    %get3A_25 = arith.constant 0 : index
    %get3A_26 = arith.constant 0 : index
    %get3A_27 = arith.constant 0 : index
    %get3A_28 = vector.load %arg1[%get3A_25, %get3A_26, %get3A_27] : memref<1x2048x3xf32, #tpu.memory_space<vmem>>, vector<1x32x3xf32>
    %get3A_29 = vector.shape_cast %get3A_28 : vector<1x32x3xf32> to vector<32x3xf32>
    %mul3A_30 = arith.mulf %get3A_29, %get3A_29 : vector<32x3xf32>
    %reduce_sum3A = arith.constant dense<0.000000e+00> : vector<32xf32>
    %reduce_sum3A_31 = vector.multi_reduction <add>, %mul3A_30, %reduce_sum3A [1] : vector<32x3xf32> to vector<32xf32>
    %broadcast_in_dim3A_32 = vector.shape_cast %reduce_sum3A_31 : vector<32xf32> to vector<32x1xf32>
    %dot_general3A = arith.constant dense<0.000000e+00> : vector<32x4096xf32>
    %dot_general3A_33 = tpu.matmul %get3A_29, %get3A_3, %dot_general3A {dimension_numbers = #tpu.dot_dimension_numbers<[1], [0], [0], [1], [0, 0, 1, 1], [], []>, precision = #tpu.contract_precision<fp32>, transpose_lhs_hint = false} : vector<32x3xf32>, vector<3x4096xf32>, vector<32x4096xf32> -> vector<32x4096xf32>
    %add3A_34 = vector.broadcast %broadcast_in_dim3A_32 : vector<32x1xf32> to vector<32x4096xf32>
    %add3A_35 = vector.broadcast %add3A_21 : vector<1x4096xf32> to vector<32x4096xf32>
    %add3A_36 = arith.addf %add3A_34, %add3A_35 : vector<32x4096xf32>
    %add3A_37 = arith.addf %dot_general3A_33, %dot_general3A_33 : vector<32x4096xf32>
    %sub3A = arith.subf %add3A_36, %add3A_37 : vector<32x4096xf32>
    %reduce_min3A = arith.constant dense<0x7F800000> : vector<32xf32>
    %reduce_min3A_38 = vector.multi_reduction <minimumf>, %sub3A, %reduce_min3A [1] : vector<32x4096xf32> to vector<32xf32>
    %reduce_sum3A_39 = vector.shape_cast %reduce_min3A_38 : vector<32xf32> to vector<1x32xf32>
    %reduce_sum3A_40 = arith.constant dense<0.000000e+00> : vector<1xf32>
    %reduce_sum3A_41 = vector.multi_reduction <add>, %reduce_sum3A_39, %reduce_sum3A_40 [1] : vector<1x32xf32> to vector<1xf32>
    %reduce_sum3A_42 = vector.shape_cast %reduce_sum3A_41 : vector<1xf32> to vector<1x1xf32>
    %reduce_sum3A_43 = vector.extract %reduce_sum3A_42[0, 0] : f32 from vector<1x1xf32>
    %add3A_44 = vector.broadcast %reduce_sum3A_43 : f32 to vector<1x1xf32>
    %add3A_45 = arith.addf %broadcast_in_dim3A_24, %add3A_44 : vector<1x1xf32>
    %reduce_min3A_46 = arith.constant dense<0x7F800000> : vector<4096xf32>
    %reduce_min3A_47 = vector.multi_reduction <minimumf>, %sub3A, %reduce_min3A_46 [0] : vector<32x4096xf32> to vector<4096xf32>
    %broadcast_in_dim3A_48 = vector.shape_cast %reduce_min3A_47 : vector<4096xf32> to vector<1x4096xf32>
    %min3A = arith.minimumf %broadcast_in_dim3A_22, %broadcast_in_dim3A_48 : vector<1x4096xf32>
    %get3A_49 = arith.constant 0 : index
    %get3A_50 = arith.constant 32 : index
    %get3A_51 = arith.constant 0 : index
    %get3A_52 = vector.load %arg1[%get3A_49, %get3A_50, %get3A_51] : memref<1x2048x3xf32, #tpu.memory_space<vmem>>, vector<1x32x3xf32>
    %get3A_53 = vector.shape_cast %get3A_52 : vector<1x32x3xf32> to vector<32x3xf32>
    %mul3A_54 = arith.mulf %get3A_53, %get3A_53 : vector<32x3xf32>
    %reduce_sum3A_55 = arith.constant dense<0.000000e+00> : vector<32xf32>
    %reduce_sum3A_56 = vector.multi_reduction <add>, %mul3A_54, %reduce_sum3A_55 [1] : vector<32x3xf32> to vector<32xf32>
    %broadcast_in_dim3A_57 = vector.shape_cast %reduce_sum3A_56 : vector<32xf32> to vector<32x1xf32>
    %dot_general3A_58 = arith.constant dense<0.000000e+00> : vector<32x4096xf32>
    %dot_general3A_59 = tpu.matmul %get3A_53, %get3A_3, %dot_general3A_58 {dimension_numbers = #tpu.dot_dimension_numbers<[1], [0], [0], [1], [0, 0, 1, 1], [], []>, precision = #tpu.contract_precision<fp32>, transpose_lhs_hint = false} : vector<32x3xf32>, vector<3x4096xf32>, vector<32x4096xf32> -> vector<32x4096xf32>
    %add3A_60 = vector.broadcast %broadcast_in_dim3A_57 : vector<32x1xf32> to vector<32x4096xf32>
    %add3A_61 = vector.broadcast %add3A_21 : vector<1x4096xf32> to vector<32x4096xf32>
    %add3A_62 = arith.addf %add3A_60, %add3A_61 : vector<32x4096xf32>
    %add3A_63 = arith.addf %dot_general3A_59, %dot_general3A_59 : vector<32x4096xf32>
    %sub3A_64 = arith.subf %add3A_62, %add3A_63 : vector<32x4096xf32>
    %reduce_min3A_65 = arith.constant dense<0x7F800000> : vector<32xf32>
    %reduce_min3A_66 = vector.multi_reduction <minimumf>, %sub3A_64, %reduce_min3A_65 [1] : vector<32x4096xf32> to vector<32xf32>
    %reduce_sum3A_67 = vector.shape_cast %reduce_min3A_66 : vector<32xf32> to vector<1x32xf32>
    %reduce_sum3A_68 = arith.constant dense<0.000000e+00> : vector<1xf32>
    %reduce_sum3A_69 = vector.multi_reduction <add>, %reduce_sum3A_67, %reduce_sum3A_68 [1] : vector<1x32xf32> to vector<1xf32>
    %reduce_sum3A_70 = vector.shape_cast %reduce_sum3A_69 : vector<1xf32> to vector<1x1xf32>
    %reduce_sum3A_71 = vector.extract %reduce_sum3A_70[0, 0] : f32 from vector<1x1xf32>
    %add3A_72 = vector.broadcast %reduce_sum3A_71 : f32 to vector<1x1xf32>
    %add3A_73 = arith.addf %add3A_45, %add3A_72 : vector<1x1xf32>
    %reduce_min3A_74 = arith.constant dense<0x7F800000> : vector<4096xf32>
    %reduce_min3A_75 = vector.multi_reduction <minimumf>, %sub3A_64, %reduce_min3A_74 [0] : vector<32x4096xf32> to vector<4096xf32>
    %broadcast_in_dim3A_76 = vector.shape_cast %reduce_min3A_75 : vector<4096xf32> to vector<1x4096xf32>
    %min3A_77 = arith.minimumf %min3A, %broadcast_in_dim3A_76 : vector<1x4096xf32>
    %get3A_78 = arith.constant 0 : index
    %get3A_79 = arith.constant 64 : index
    %get3A_80 = arith.constant 0 : index
    %get3A_81 = vector.load %arg1[%get3A_78, %get3A_79, %get3A_80] : memref<1x2048x3xf32, #tpu.memory_space<vmem>>, vector<1x32x3xf32>
    %get3A_82 = vector.shape_cast %get3A_81 : vector<1x32x3xf32> to vector<32x3xf32>
    %mul3A_83 = arith.mulf %get3A_82, %get3A_82 : vector<32x3xf32>
    %reduce_sum3A_84 = arith.constant dense<0.000000e+00> : vector<32xf32>
    %reduce_sum3A_85 = vector.multi_reduction <add>, %mul3A_83, %reduce_sum3A_84 [1] : vector<32x3xf32> to vector<32xf32>
    %broadcast_in_dim3A_86 = vector.shape_cast %reduce_sum3A_85 : vector<32xf32> to vector<32x1xf32>
    %dot_general3A_87 = arith.constant dense<0.000000e+00> : vector<32x4096xf32>
    %dot_general3A_88 = tpu.matmul %get3A_82, %get3A_3, %dot_general3A_87 {dimension_numbers = #tpu.dot_dimension_numbers<[1], [0], [0], [1], [0, 0, 1, 1], [], []>, precision = #tpu.contract_precision<fp32>, transpose_lhs_hint = false} : vector<32x3xf32>, vector<3x4096xf32>, vector<32x4096xf32> -> vector<32x4096xf32>
    %add3A_89 = vector.broadcast %broadcast_in_dim3A_86 : vector<32x1xf32> to vector<32x4096xf32>
    %add3A_90 = vector.broadcast %add3A_21 : vector<1x4096xf32> to vector<32x4096xf32>
    %add3A_91 = arith.addf %add3A_89, %add3A_90 : vector<32x4096xf32>
    %add3A_92 = arith.addf %dot_general3A_88, %dot_general3A_88 : vector<32x4096xf32>
    %sub3A_93 = arith.subf %add3A_91, %add3A_92 : vector<32x4096xf32>
    %reduce_min3A_94 = arith.constant dense<0x7F800000> : vector<32xf32>
    %reduce_min3A_95 = vector.multi_reduction <minimumf>, %sub3A_93, %reduce_min3A_94 [1] : vector<32x4096xf32> to vector<32xf32>
    %reduce_sum3A_96 = vector.shape_cast %reduce_min3A_95 : vector<32xf32> to vector<1x32xf32>
    %reduce_sum3A_97 = arith.constant dense<0.000000e+00> : vector<1xf32>
    %reduce_sum3A_98 = vector.multi_reduction <add>, %reduce_sum3A_96, %reduce_sum3A_97 [1] : vector<1x32xf32> to vector<1xf32>
    %reduce_sum3A_99 = vector.shape_cast %reduce_sum3A_98 : vector<1xf32> to vector<1x1xf32>
    %reduce_sum3A_100 = vector.extract %reduce_sum3A_99[0, 0] : f32 from vector<1x1xf32>
    %add3A_101 = vector.broadcast %reduce_sum3A_100 : f32 to vector<1x1xf32>
    %add3A_102 = arith.addf %add3A_73, %add3A_101 : vector<1x1xf32>
    %reduce_min3A_103 = arith.constant dense<0x7F800000> : vector<4096xf32>
    %reduce_min3A_104 = vector.multi_reduction <minimumf>, %sub3A_93, %reduce_min3A_103 [0] : vector<32x4096xf32> to vector<4096xf32>
    %broadcast_in_dim3A_105 = vector.shape_cast %reduce_min3A_104 : vector<4096xf32> to vector<1x4096xf32>
    %min3A_106 = arith.minimumf %min3A_77, %broadcast_in_dim3A_105 : vector<1x4096xf32>
    %get3A_107 = arith.constant 0 : index
    %get3A_108 = arith.constant 96 : index
    %get3A_109 = arith.constant 0 : index
    %get3A_110 = vector.load %arg1[%get3A_107, %get3A_108, %get3A_109] : memref<1x2048x3xf32, #tpu.memory_space<vmem>>, vector<1x32x3xf32>
    %get3A_111 = vector.shape_cast %get3A_110 : vector<1x32x3xf32> to vector<32x3xf32>
    %mul3A_112 = arith.mulf %get3A_111, %get3A_111 : vector<32x3xf32>
    %reduce_sum3A_113 = arith.constant dense<0.000000e+00> : vector<32xf32>
    %reduce_sum3A_114 = vector.multi_reduction <add>, %mul3A_112, %reduce_sum3A_113 [1] : vector<32x3xf32> to vector<32xf32>
    %broadcast_in_dim3A_115 = vector.shape_cast %reduce_sum3A_114 : vector<32xf32> to vector<32x1xf32>
    %dot_general3A_116 = arith.constant dense<0.000000e+00> : vector<32x4096xf32>
    %dot_general3A_117 = tpu.matmul %get3A_111, %get3A_3, %dot_general3A_116 {dimension_numbers = #tpu.dot_dimension_numbers<[1], [0], [0], [1], [0, 0, 1, 1], [], []>, precision = #tpu.contract_precision<fp32>, transpose_lhs_hint = false} : vector<32x3xf32>, vector<3x4096xf32>, vector<32x4096xf32> -> vector<32x4096xf32>
    %add3A_118 = vector.broadcast %broadcast_in_dim3A_115 : vector<32x1xf32> to vector<32x4096xf32>
    %add3A_119 = vector.broadcast %add3A_21 : vector<1x4096xf32> to vector<32x4096xf32>
    %add3A_120 = arith.addf %add3A_118, %add3A_119 : vector<32x4096xf32>
    %add3A_121 = arith.addf %dot_general3A_117, %dot_general3A_117 : vector<32x4096xf32>
    %sub3A_122 = arith.subf %add3A_120, %add3A_121 : vector<32x4096xf32>
    %reduce_min3A_123 = arith.constant dense<0x7F800000> : vector<32xf32>
    %reduce_min3A_124 = vector.multi_reduction <minimumf>, %sub3A_122, %reduce_min3A_123 [1] : vector<32x4096xf32> to vector<32xf32>
    %reduce_sum3A_125 = vector.shape_cast %reduce_min3A_124 : vector<32xf32> to vector<1x32xf32>
    %reduce_sum3A_126 = arith.constant dense<0.000000e+00> : vector<1xf32>
    %reduce_sum3A_127 = vector.multi_reduction <add>, %reduce_sum3A_125, %reduce_sum3A_126 [1] : vector<1x32xf32> to vector<1xf32>
    %reduce_sum3A_128 = vector.shape_cast %reduce_sum3A_127 : vector<1xf32> to vector<1x1xf32>
    %reduce_sum3A_129 = vector.extract %reduce_sum3A_128[0, 0] : f32 from vector<1x1xf32>
    %add3A_130 = vector.broadcast %reduce_sum3A_129 : f32 to vector<1x1xf32>
    %add3A_131 = arith.addf %add3A_102, %add3A_130 : vector<1x1xf32>
    %reduce_min3A_132 = arith.constant dense<0x7F800000> : vector<4096xf32>
    %reduce_min3A_133 = vector.multi_reduction <minimumf>, %sub3A_122, %reduce_min3A_132 [0] : vector<32x4096xf32> to vector<4096xf32>
    %broadcast_in_dim3A_134 = vector.shape_cast %reduce_min3A_133 : vector<4096xf32> to vector<1x4096xf32>
    %min3A_135 = arith.minimumf %min3A_106, %broadcast_in_dim3A_134 : vector<1x4096xf32>
    %get3A_136 = arith.constant 0 : index
    %get3A_137 = arith.constant 128 : index
    %get3A_138 = arith.constant 0 : index
    %get3A_139 = vector.load %arg1[%get3A_136, %get3A_137, %get3A_138] : memref<1x2048x3xf32, #tpu.memory_space<vmem>>, vector<1x32x3xf32>
    %get3A_140 = vector.shape_cast %get3A_139 : vector<1x32x3xf32> to vector<32x3xf32>
    %mul3A_141 = arith.mulf %get3A_140, %get3A_140 : vector<32x3xf32>
    %reduce_sum3A_142 = arith.constant dense<0.000000e+00> : vector<32xf32>
    %reduce_sum3A_143 = vector.multi_reduction <add>, %mul3A_141, %reduce_sum3A_142 [1] : vector<32x3xf32> to vector<32xf32>
    %broadcast_in_dim3A_144 = vector.shape_cast %reduce_sum3A_143 : vector<32xf32> to vector<32x1xf32>
    %dot_general3A_145 = arith.constant dense<0.000000e+00> : vector<32x4096xf32>
    %dot_general3A_146 = tpu.matmul %get3A_140, %get3A_3, %dot_general3A_145 {dimension_numbers = #tpu.dot_dimension_numbers<[1], [0], [0], [1], [0, 0, 1, 1], [], []>, precision = #tpu.contract_precision<fp32>, transpose_lhs_hint = false} : vector<32x3xf32>, vector<3x4096xf32>, vector<32x4096xf32> -> vector<32x4096xf32>
    %add3A_147 = vector.broadcast %broadcast_in_dim3A_144 : vector<32x1xf32> to vector<32x4096xf32>
    %add3A_148 = vector.broadcast %add3A_21 : vector<1x4096xf32> to vector<32x4096xf32>
    %add3A_149 = arith.addf %add3A_147, %add3A_148 : vector<32x4096xf32>
    %add3A_150 = arith.addf %dot_general3A_146, %dot_general3A_146 : vector<32x4096xf32>
    %sub3A_151 = arith.subf %add3A_149, %add3A_150 : vector<32x4096xf32>
    %reduce_min3A_152 = arith.constant dense<0x7F800000> : vector<32xf32>
    %reduce_min3A_153 = vector.multi_reduction <minimumf>, %sub3A_151, %reduce_min3A_152 [1] : vector<32x4096xf32> to vector<32xf32>
    %reduce_sum3A_154 = vector.shape_cast %reduce_min3A_153 : vector<32xf32> to vector<1x32xf32>
    %reduce_sum3A_155 = arith.constant dense<0.000000e+00> : vector<1xf32>
    %reduce_sum3A_156 = vector.multi_reduction <add>, %reduce_sum3A_154, %reduce_sum3A_155 [1] : vector<1x32xf32> to vector<1xf32>
    %reduce_sum3A_157 = vector.shape_cast %reduce_sum3A_156 : vector<1xf32> to vector<1x1xf32>
    %reduce_sum3A_158 = vector.extract %reduce_sum3A_157[0, 0] : f32 from vector<1x1xf32>
    %add3A_159 = vector.broadcast %reduce_sum3A_158 : f32 to vector<1x1xf32>
    %add3A_160 = arith.addf %add3A_131, %add3A_159 : vector<1x1xf32>
    %reduce_min3A_161 = arith.constant dense<0x7F800000> : vector<4096xf32>
    %reduce_min3A_162 = vector.multi_reduction <minimumf>, %sub3A_151, %reduce_min3A_161 [0] : vector<32x4096xf32> to vector<4096xf32>
    %broadcast_in_dim3A_163 = vector.shape_cast %reduce_min3A_162 : vector<4096xf32> to vector<1x4096xf32>
    %min3A_164 = arith.minimumf %min3A_135, %broadcast_in_dim3A_163 : vector<1x4096xf32>
    %get3A_165 = arith.constant 0 : index
    %get3A_166 = arith.constant 160 : index
    %get3A_167 = arith.constant 0 : index
    %get3A_168 = vector.load %arg1[%get3A_165, %get3A_166, %get3A_167] : memref<1x2048x3xf32, #tpu.memory_space<vmem>>, vector<1x32x3xf32>
    %get3A_169 = vector.shape_cast %get3A_168 : vector<1x32x3xf32> to vector<32x3xf32>
    %mul3A_170 = arith.mulf %get3A_169, %get3A_169 : vector<32x3xf32>
    %reduce_sum3A_171 = arith.constant dense<0.000000e+00> : vector<32xf32>
    %reduce_sum3A_172 = vector.multi_reduction <add>, %mul3A_170, %reduce_sum3A_171 [1] : vector<32x3xf32> to vector<32xf32>
    %broadcast_in_dim3A_173 = vector.shape_cast %reduce_sum3A_172 : vector<32xf32> to vector<32x1xf32>
    %dot_general3A_174 = arith.constant dense<0.000000e+00> : vector<32x4096xf32>
    %dot_general3A_175 = tpu.matmul %get3A_169, %get3A_3, %dot_general3A_174 {dimension_numbers = #tpu.dot_dimension_numbers<[1], [0], [0], [1], [0, 0, 1, 1], [], []>, precision = #tpu.contract_precision<fp32>, transpose_lhs_hint = false} : vector<32x3xf32>, vector<3x4096xf32>, vector<32x4096xf32> -> vector<32x4096xf32>
    %add3A_176 = vector.broadcast %broadcast_in_dim3A_173 : vector<32x1xf32> to vector<32x4096xf32>
    %add3A_177 = vector.broadcast %add3A_21 : vector<1x4096xf32> to vector<32x4096xf32>
    %add3A_178 = arith.addf %add3A_176, %add3A_177 : vector<32x4096xf32>
    %add3A_179 = arith.addf %dot_general3A_175, %dot_general3A_175 : vector<32x4096xf32>
    %sub3A_180 = arith.subf %add3A_178, %add3A_179 : vector<32x4096xf32>
    %reduce_min3A_181 = arith.constant dense<0x7F800000> : vector<32xf32>
    %reduce_min3A_182 = vector.multi_reduction <minimumf>, %sub3A_180, %reduce_min3A_181 [1] : vector<32x4096xf32> to vector<32xf32>
    %reduce_sum3A_183 = vector.shape_cast %reduce_min3A_182 : vector<32xf32> to vector<1x32xf32>
    %reduce_sum3A_184 = arith.constant dense<0.000000e+00> : vector<1xf32>
    %reduce_sum3A_185 = vector.multi_reduction <add>, %reduce_sum3A_183, %reduce_sum3A_184 [1] : vector<1x32xf32> to vector<1xf32>
    %reduce_sum3A_186 = vector.shape_cast %reduce_sum3A_185 : vector<1xf32> to vector<1x1xf32>
    %reduce_sum3A_187 = vector.extract %reduce_sum3A_186[0, 0] : f32 from vector<1x1xf32>
    %add3A_188 = vector.broadcast %reduce_sum3A_187 : f32 to vector<1x1xf32>
    %add3A_189 = arith.addf %add3A_160, %add3A_188 : vector<1x1xf32>
    %reduce_min3A_190 = arith.constant dense<0x7F800000> : vector<4096xf32>
    %reduce_min3A_191 = vector.multi_reduction <minimumf>, %sub3A_180, %reduce_min3A_190 [0] : vector<32x4096xf32> to vector<4096xf32>
    %broadcast_in_dim3A_192 = vector.shape_cast %reduce_min3A_191 : vector<4096xf32> to vector<1x4096xf32>
    %min3A_193 = arith.minimumf %min3A_164, %broadcast_in_dim3A_192 : vector<1x4096xf32>
    %get3A_194 = arith.constant 0 : index
    %get3A_195 = arith.constant 192 : index
    %get3A_196 = arith.constant 0 : index
    %get3A_197 = vector.load %arg1[%get3A_194, %get3A_195, %get3A_196] : memref<1x2048x3xf32, #tpu.memory_space<vmem>>, vector<1x32x3xf32>
    %get3A_198 = vector.shape_cast %get3A_197 : vector<1x32x3xf32> to vector<32x3xf32>
    %mul3A_199 = arith.mulf %get3A_198, %get3A_198 : vector<32x3xf32>
    %reduce_sum3A_200 = arith.constant dense<0.000000e+00> : vector<32xf32>
    %reduce_sum3A_201 = vector.multi_reduction <add>, %mul3A_199, %reduce_sum3A_200 [1] : vector<32x3xf32> to vector<32xf32>
    %broadcast_in_dim3A_202 = vector.shape_cast %reduce_sum3A_201 : vector<32xf32> to vector<32x1xf32>
    %dot_general3A_203 = arith.constant dense<0.000000e+00> : vector<32x4096xf32>
    %dot_general3A_204 = tpu.matmul %get3A_198, %get3A_3, %dot_general3A_203 {dimension_numbers = #tpu.dot_dimension_numbers<[1], [0], [0], [1], [0, 0, 1, 1], [], []>, precision = #tpu.contract_precision<fp32>, transpose_lhs_hint = false} : vector<32x3xf32>, vector<3x4096xf32>, vector<32x4096xf32> -> vector<32x4096xf32>
    %add3A_205 = vector.broadcast %broadcast_in_dim3A_202 : vector<32x1xf32> to vector<32x4096xf32>
    %add3A_206 = vector.broadcast %add3A_21 : vector<1x4096xf32> to vector<32x4096xf32>
    %add3A_207 = arith.addf %add3A_205, %add3A_206 : vector<32x4096xf32>
    %add3A_208 = arith.addf %dot_general3A_204, %dot_general3A_204 : vector<32x4096xf32>
    %sub3A_209 = arith.subf %add3A_207, %add3A_208 : vector<32x4096xf32>
    %reduce_min3A_210 = arith.constant dense<0x7F800000> : vector<32xf32>
    %reduce_min3A_211 = vector.multi_reduction <minimumf>, %sub3A_209, %reduce_min3A_210 [1] : vector<32x4096xf32> to vector<32xf32>
    %reduce_sum3A_212 = vector.shape_cast %reduce_min3A_211 : vector<32xf32> to vector<1x32xf32>
    %reduce_sum3A_213 = arith.constant dense<0.000000e+00> : vector<1xf32>
    %reduce_sum3A_214 = vector.multi_reduction <add>, %reduce_sum3A_212, %reduce_sum3A_213 [1] : vector<1x32xf32> to vector<1xf32>
    %reduce_sum3A_215 = vector.shape_cast %reduce_sum3A_214 : vector<1xf32> to vector<1x1xf32>
    %reduce_sum3A_216 = vector.extract %reduce_sum3A_215[0, 0] : f32 from vector<1x1xf32>
    %add3A_217 = vector.broadcast %reduce_sum3A_216 : f32 to vector<1x1xf32>
    %add3A_218 = arith.addf %add3A_189, %add3A_217 : vector<1x1xf32>
    %reduce_min3A_219 = arith.constant dense<0x7F800000> : vector<4096xf32>
    %reduce_min3A_220 = vector.multi_reduction <minimumf>, %sub3A_209, %reduce_min3A_219 [0] : vector<32x4096xf32> to vector<4096xf32>
    %broadcast_in_dim3A_221 = vector.shape_cast %reduce_min3A_220 : vector<4096xf32> to vector<1x4096xf32>
    %min3A_222 = arith.minimumf %min3A_193, %broadcast_in_dim3A_221 : vector<1x4096xf32>
    %get3A_223 = arith.constant 0 : index
    %get3A_224 = arith.constant 224 : index
    %get3A_225 = arith.constant 0 : index
    %get3A_226 = vector.load %arg1[%get3A_223, %get3A_224, %get3A_225] : memref<1x2048x3xf32, #tpu.memory_space<vmem>>, vector<1x32x3xf32>
    %get3A_227 = vector.shape_cast %get3A_226 : vector<1x32x3xf32> to vector<32x3xf32>
    %mul3A_228 = arith.mulf %get3A_227, %get3A_227 : vector<32x3xf32>
    %reduce_sum3A_229 = arith.constant dense<0.000000e+00> : vector<32xf32>
    %reduce_sum3A_230 = vector.multi_reduction <add>, %mul3A_228, %reduce_sum3A_229 [1] : vector<32x3xf32> to vector<32xf32>
    %broadcast_in_dim3A_231 = vector.shape_cast %reduce_sum3A_230 : vector<32xf32> to vector<32x1xf32>
    %dot_general3A_232 = arith.constant dense<0.000000e+00> : vector<32x4096xf32>
    %dot_general3A_233 = tpu.matmul %get3A_227, %get3A_3, %dot_general3A_232 {dimension_numbers = #tpu.dot_dimension_numbers<[1], [0], [0], [1], [0, 0, 1, 1], [], []>, precision = #tpu.contract_precision<fp32>, transpose_lhs_hint = false} : vector<32x3xf32>, vector<3x4096xf32>, vector<32x4096xf32> -> vector<32x4096xf32>
    %add3A_234 = vector.broadcast %broadcast_in_dim3A_231 : vector<32x1xf32> to vector<32x4096xf32>
    %add3A_235 = vector.broadcast %add3A_21 : vector<1x4096xf32> to vector<32x4096xf32>
    %add3A_236 = arith.addf %add3A_234, %add3A_235 : vector<32x4096xf32>
    %add3A_237 = arith.addf %dot_general3A_233, %dot_general3A_233 : vector<32x4096xf32>
    %sub3A_238 = arith.subf %add3A_236, %add3A_237 : vector<32x4096xf32>
    %reduce_min3A_239 = arith.constant dense<0x7F800000> : vector<32xf32>
    %reduce_min3A_240 = vector.multi_reduction <minimumf>, %sub3A_238, %reduce_min3A_239 [1] : vector<32x4096xf32> to vector<32xf32>
    %reduce_sum3A_241 = vector.shape_cast %reduce_min3A_240 : vector<32xf32> to vector<1x32xf32>
    %reduce_sum3A_242 = arith.constant dense<0.000000e+00> : vector<1xf32>
    %reduce_sum3A_243 = vector.multi_reduction <add>, %reduce_sum3A_241, %reduce_sum3A_242 [1] : vector<1x32xf32> to vector<1xf32>
    %reduce_sum3A_244 = vector.shape_cast %reduce_sum3A_243 : vector<1xf32> to vector<1x1xf32>
    %reduce_sum3A_245 = vector.extract %reduce_sum3A_244[0, 0] : f32 from vector<1x1xf32>
    %add3A_246 = vector.broadcast %reduce_sum3A_245 : f32 to vector<1x1xf32>
    %add3A_247 = arith.addf %add3A_218, %add3A_246 : vector<1x1xf32>
    %reduce_min3A_248 = arith.constant dense<0x7F800000> : vector<4096xf32>
    %reduce_min3A_249 = vector.multi_reduction <minimumf>, %sub3A_238, %reduce_min3A_248 [0] : vector<32x4096xf32> to vector<4096xf32>
    %broadcast_in_dim3A_250 = vector.shape_cast %reduce_min3A_249 : vector<4096xf32> to vector<1x4096xf32>
    %min3A_251 = arith.minimumf %min3A_222, %broadcast_in_dim3A_250 : vector<1x4096xf32>
    %get3A_252 = arith.constant 0 : index
    %get3A_253 = arith.constant 256 : index
    %get3A_254 = arith.constant 0 : index
    %get3A_255 = vector.load %arg1[%get3A_252, %get3A_253, %get3A_254] : memref<1x2048x3xf32, #tpu.memory_space<vmem>>, vector<1x32x3xf32>
    %get3A_256 = vector.shape_cast %get3A_255 : vector<1x32x3xf32> to vector<32x3xf32>
    %mul3A_257 = arith.mulf %get3A_256, %get3A_256 : vector<32x3xf32>
    %reduce_sum3A_258 = arith.constant dense<0.000000e+00> : vector<32xf32>
    %reduce_sum3A_259 = vector.multi_reduction <add>, %mul3A_257, %reduce_sum3A_258 [1] : vector<32x3xf32> to vector<32xf32>
    %broadcast_in_dim3A_260 = vector.shape_cast %reduce_sum3A_259 : vector<32xf32> to vector<32x1xf32>
    %dot_general3A_261 = arith.constant dense<0.000000e+00> : vector<32x4096xf32>
    %dot_general3A_262 = tpu.matmul %get3A_256, %get3A_3, %dot_general3A_261 {dimension_numbers = #tpu.dot_dimension_numbers<[1], [0], [0], [1], [0, 0, 1, 1], [], []>, precision = #tpu.contract_precision<fp32>, transpose_lhs_hint = false} : vector<32x3xf32>, vector<3x4096xf32>, vector<32x4096xf32> -> vector<32x4096xf32>
    %add3A_263 = vector.broadcast %broadcast_in_dim3A_260 : vector<32x1xf32> to vector<32x4096xf32>
    %add3A_264 = vector.broadcast %add3A_21 : vector<1x4096xf32> to vector<32x4096xf32>
    %add3A_265 = arith.addf %add3A_263, %add3A_264 : vector<32x4096xf32>
    %add3A_266 = arith.addf %dot_general3A_262, %dot_general3A_262 : vector<32x4096xf32>
    %sub3A_267 = arith.subf %add3A_265, %add3A_266 : vector<32x4096xf32>
    %reduce_min3A_268 = arith.constant dense<0x7F800000> : vector<32xf32>
    %reduce_min3A_269 = vector.multi_reduction <minimumf>, %sub3A_267, %reduce_min3A_268 [1] : vector<32x4096xf32> to vector<32xf32>
    %reduce_sum3A_270 = vector.shape_cast %reduce_min3A_269 : vector<32xf32> to vector<1x32xf32>
    %reduce_sum3A_271 = arith.constant dense<0.000000e+00> : vector<1xf32>
    %reduce_sum3A_272 = vector.multi_reduction <add>, %reduce_sum3A_270, %reduce_sum3A_271 [1] : vector<1x32xf32> to vector<1xf32>
    %reduce_sum3A_273 = vector.shape_cast %reduce_sum3A_272 : vector<1xf32> to vector<1x1xf32>
    %reduce_sum3A_274 = vector.extract %reduce_sum3A_273[0, 0] : f32 from vector<1x1xf32>
    %add3A_275 = vector.broadcast %reduce_sum3A_274 : f32 to vector<1x1xf32>
    %add3A_276 = arith.addf %add3A_247, %add3A_275 : vector<1x1xf32>
    %reduce_min3A_277 = arith.constant dense<0x7F800000> : vector<4096xf32>
    %reduce_min3A_278 = vector.multi_reduction <minimumf>, %sub3A_267, %reduce_min3A_277 [0] : vector<32x4096xf32> to vector<4096xf32>
    %broadcast_in_dim3A_279 = vector.shape_cast %reduce_min3A_278 : vector<4096xf32> to vector<1x4096xf32>
    %min3A_280 = arith.minimumf %min3A_251, %broadcast_in_dim3A_279 : vector<1x4096xf32>
    %get3A_281 = arith.constant 0 : index
    %get3A_282 = arith.constant 288 : index
    %get3A_283 = arith.constant 0 : index
    %get3A_284 = vector.load %arg1[%get3A_281, %get3A_282, %get3A_283] : memref<1x2048x3xf32, #tpu.memory_space<vmem>>, vector<1x32x3xf32>
    %get3A_285 = vector.shape_cast %get3A_284 : vector<1x32x3xf32> to vector<32x3xf32>
    %mul3A_286 = arith.mulf %get3A_285, %get3A_285 : vector<32x3xf32>
    %reduce_sum3A_287 = arith.constant dense<0.000000e+00> : vector<32xf32>
    %reduce_sum3A_288 = vector.multi_reduction <add>, %mul3A_286, %reduce_sum3A_287 [1] : vector<32x3xf32> to vector<32xf32>
    %broadcast_in_dim3A_289 = vector.shape_cast %reduce_sum3A_288 : vector<32xf32> to vector<32x1xf32>
    %dot_general3A_290 = arith.constant dense<0.000000e+00> : vector<32x4096xf32>
    %dot_general3A_291 = tpu.matmul %get3A_285, %get3A_3, %dot_general3A_290 {dimension_numbers = #tpu.dot_dimension_numbers<[1], [0], [0], [1], [0, 0, 1, 1], [], []>, precision = #tpu.contract_precision<fp32>, transpose_lhs_hint = false} : vector<32x3xf32>, vector<3x4096xf32>, vector<32x4096xf32> -> vector<32x4096xf32>
    %add3A_292 = vector.broadcast %broadcast_in_dim3A_289 : vector<32x1xf32> to vector<32x4096xf32>
    %add3A_293 = vector.broadcast %add3A_21 : vector<1x4096xf32> to vector<32x4096xf32>
    %add3A_294 = arith.addf %add3A_292, %add3A_293 : vector<32x4096xf32>
    %add3A_295 = arith.addf %dot_general3A_291, %dot_general3A_291 : vector<32x4096xf32>
    %sub3A_296 = arith.subf %add3A_294, %add3A_295 : vector<32x4096xf32>
    %reduce_min3A_297 = arith.constant dense<0x7F800000> : vector<32xf32>
    %reduce_min3A_298 = vector.multi_reduction <minimumf>, %sub3A_296, %reduce_min3A_297 [1] : vector<32x4096xf32> to vector<32xf32>
    %reduce_sum3A_299 = vector.shape_cast %reduce_min3A_298 : vector<32xf32> to vector<1x32xf32>
    %reduce_sum3A_300 = arith.constant dense<0.000000e+00> : vector<1xf32>
    %reduce_sum3A_301 = vector.multi_reduction <add>, %reduce_sum3A_299, %reduce_sum3A_300 [1] : vector<1x32xf32> to vector<1xf32>
    %reduce_sum3A_302 = vector.shape_cast %reduce_sum3A_301 : vector<1xf32> to vector<1x1xf32>
    %reduce_sum3A_303 = vector.extract %reduce_sum3A_302[0, 0] : f32 from vector<1x1xf32>
    %add3A_304 = vector.broadcast %reduce_sum3A_303 : f32 to vector<1x1xf32>
    %add3A_305 = arith.addf %add3A_276, %add3A_304 : vector<1x1xf32>
    %reduce_min3A_306 = arith.constant dense<0x7F800000> : vector<4096xf32>
    %reduce_min3A_307 = vector.multi_reduction <minimumf>, %sub3A_296, %reduce_min3A_306 [0] : vector<32x4096xf32> to vector<4096xf32>
    %broadcast_in_dim3A_308 = vector.shape_cast %reduce_min3A_307 : vector<4096xf32> to vector<1x4096xf32>
    %min3A_309 = arith.minimumf %min3A_280, %broadcast_in_dim3A_308 : vector<1x4096xf32>
    %get3A_310 = arith.constant 0 : index
    %get3A_311 = arith.constant 320 : index
    %get3A_312 = arith.constant 0 : index
    %get3A_313 = vector.load %arg1[%get3A_310, %get3A_311, %get3A_312] : memref<1x2048x3xf32, #tpu.memory_space<vmem>>, vector<1x32x3xf32>
    %get3A_314 = vector.shape_cast %get3A_313 : vector<1x32x3xf32> to vector<32x3xf32>
    %mul3A_315 = arith.mulf %get3A_314, %get3A_314 : vector<32x3xf32>
    %reduce_sum3A_316 = arith.constant dense<0.000000e+00> : vector<32xf32>
    %reduce_sum3A_317 = vector.multi_reduction <add>, %mul3A_315, %reduce_sum3A_316 [1] : vector<32x3xf32> to vector<32xf32>
    %broadcast_in_dim3A_318 = vector.shape_cast %reduce_sum3A_317 : vector<32xf32> to vector<32x1xf32>
    %dot_general3A_319 = arith.constant dense<0.000000e+00> : vector<32x4096xf32>
    %dot_general3A_320 = tpu.matmul %get3A_314, %get3A_3, %dot_general3A_319 {dimension_numbers = #tpu.dot_dimension_numbers<[1], [0], [0], [1], [0, 0, 1, 1], [], []>, precision = #tpu.contract_precision<fp32>, transpose_lhs_hint = false} : vector<32x3xf32>, vector<3x4096xf32>, vector<32x4096xf32> -> vector<32x4096xf32>
    %add3A_321 = vector.broadcast %broadcast_in_dim3A_318 : vector<32x1xf32> to vector<32x4096xf32>
    %add3A_322 = vector.broadcast %add3A_21 : vector<1x4096xf32> to vector<32x4096xf32>
    %add3A_323 = arith.addf %add3A_321, %add3A_322 : vector<32x4096xf32>
    %add3A_324 = arith.addf %dot_general3A_320, %dot_general3A_320 : vector<32x4096xf32>
    %sub3A_325 = arith.subf %add3A_323, %add3A_324 : vector<32x4096xf32>
    %reduce_min3A_326 = arith.constant dense<0x7F800000> : vector<32xf32>
    %reduce_min3A_327 = vector.multi_reduction <minimumf>, %sub3A_325, %reduce_min3A_326 [1] : vector<32x4096xf32> to vector<32xf32>
    %reduce_sum3A_328 = vector.shape_cast %reduce_min3A_327 : vector<32xf32> to vector<1x32xf32>
    %reduce_sum3A_329 = arith.constant dense<0.000000e+00> : vector<1xf32>
    %reduce_sum3A_330 = vector.multi_reduction <add>, %reduce_sum3A_328, %reduce_sum3A_329 [1] : vector<1x32xf32> to vector<1xf32>
    %reduce_sum3A_331 = vector.shape_cast %reduce_sum3A_330 : vector<1xf32> to vector<1x1xf32>
    %reduce_sum3A_332 = vector.extract %reduce_sum3A_331[0, 0] : f32 from vector<1x1xf32>
    %add3A_333 = vector.broadcast %reduce_sum3A_332 : f32 to vector<1x1xf32>
    %add3A_334 = arith.addf %add3A_305, %add3A_333 : vector<1x1xf32>
    %reduce_min3A_335 = arith.constant dense<0x7F800000> : vector<4096xf32>
    %reduce_min3A_336 = vector.multi_reduction <minimumf>, %sub3A_325, %reduce_min3A_335 [0] : vector<32x4096xf32> to vector<4096xf32>
    %broadcast_in_dim3A_337 = vector.shape_cast %reduce_min3A_336 : vector<4096xf32> to vector<1x4096xf32>
    %min3A_338 = arith.minimumf %min3A_309, %broadcast_in_dim3A_337 : vector<1x4096xf32>
    %get3A_339 = arith.constant 0 : index
    %get3A_340 = arith.constant 352 : index
    %get3A_341 = arith.constant 0 : index
    %get3A_342 = vector.load %arg1[%get3A_339, %get3A_340, %get3A_341] : memref<1x2048x3xf32, #tpu.memory_space<vmem>>, vector<1x32x3xf32>
    %get3A_343 = vector.shape_cast %get3A_342 : vector<1x32x3xf32> to vector<32x3xf32>
    %mul3A_344 = arith.mulf %get3A_343, %get3A_343 : vector<32x3xf32>
    %reduce_sum3A_345 = arith.constant dense<0.000000e+00> : vector<32xf32>
    %reduce_sum3A_346 = vector.multi_reduction <add>, %mul3A_344, %reduce_sum3A_345 [1] : vector<32x3xf32> to vector<32xf32>
    %broadcast_in_dim3A_347 = vector.shape_cast %reduce_sum3A_346 : vector<32xf32> to vector<32x1xf32>
    %dot_general3A_348 = arith.constant dense<0.000000e+00> : vector<32x4096xf32>
    %dot_general3A_349 = tpu.matmul %get3A_343, %get3A_3, %dot_general3A_348 {dimension_numbers = #tpu.dot_dimension_numbers<[1], [0], [0], [1], [0, 0, 1, 1], [], []>, precision = #tpu.contract_precision<fp32>, transpose_lhs_hint = false} : vector<32x3xf32>, vector<3x4096xf32>, vector<32x4096xf32> -> vector<32x4096xf32>
    %add3A_350 = vector.broadcast %broadcast_in_dim3A_347 : vector<32x1xf32> to vector<32x4096xf32>
    %add3A_351 = vector.broadcast %add3A_21 : vector<1x4096xf32> to vector<32x4096xf32>
    %add3A_352 = arith.addf %add3A_350, %add3A_351 : vector<32x4096xf32>
    %add3A_353 = arith.addf %dot_general3A_349, %dot_general3A_349 : vector<32x4096xf32>
    %sub3A_354 = arith.subf %add3A_352, %add3A_353 : vector<32x4096xf32>
    %reduce_min3A_355 = arith.constant dense<0x7F800000> : vector<32xf32>
    %reduce_min3A_356 = vector.multi_reduction <minimumf>, %sub3A_354, %reduce_min3A_355 [1] : vector<32x4096xf32> to vector<32xf32>
    %reduce_sum3A_357 = vector.shape_cast %reduce_min3A_356 : vector<32xf32> to vector<1x32xf32>
    %reduce_sum3A_358 = arith.constant dense<0.000000e+00> : vector<1xf32>
    %reduce_sum3A_359 = vector.multi_reduction <add>, %reduce_sum3A_357, %reduce_sum3A_358 [1] : vector<1x32xf32> to vector<1xf32>
    %reduce_sum3A_360 = vector.shape_cast %reduce_sum3A_359 : vector<1xf32> to vector<1x1xf32>
    %reduce_sum3A_361 = vector.extract %reduce_sum3A_360[0, 0] : f32 from vector<1x1xf32>
    %add3A_362 = vector.broadcast %reduce_sum3A_361 : f32 to vector<1x1xf32>
    %add3A_363 = arith.addf %add3A_334, %add3A_362 : vector<1x1xf32>
    %reduce_min3A_364 = arith.constant dense<0x7F800000> : vector<4096xf32>
    %reduce_min3A_365 = vector.multi_reduction <minimumf>, %sub3A_354, %reduce_min3A_364 [0] : vector<32x4096xf32> to vector<4096xf32>
    %broadcast_in_dim3A_366 = vector.shape_cast %reduce_min3A_365 : vector<4096xf32> to vector<1x4096xf32>
    %min3A_367 = arith.minimumf %min3A_338, %broadcast_in_dim3A_366 : vector<1x4096xf32>
    %get3A_368 = arith.constant 0 : index
    %get3A_369 = arith.constant 384 : index
    %get3A_370 = arith.constant 0 : index
    %get3A_371 = vector.load %arg1[%get3A_368, %get3A_369, %get3A_370] : memref<1x2048x3xf32, #tpu.memory_space<vmem>>, vector<1x32x3xf32>
    %get3A_372 = vector.shape_cast %get3A_371 : vector<1x32x3xf32> to vector<32x3xf32>
    %mul3A_373 = arith.mulf %get3A_372, %get3A_372 : vector<32x3xf32>
    %reduce_sum3A_374 = arith.constant dense<0.000000e+00> : vector<32xf32>
    %reduce_sum3A_375 = vector.multi_reduction <add>, %mul3A_373, %reduce_sum3A_374 [1] : vector<32x3xf32> to vector<32xf32>
    %broadcast_in_dim3A_376 = vector.shape_cast %reduce_sum3A_375 : vector<32xf32> to vector<32x1xf32>
    %dot_general3A_377 = arith.constant dense<0.000000e+00> : vector<32x4096xf32>
    %dot_general3A_378 = tpu.matmul %get3A_372, %get3A_3, %dot_general3A_377 {dimension_numbers = #tpu.dot_dimension_numbers<[1], [0], [0], [1], [0, 0, 1, 1], [], []>, precision = #tpu.contract_precision<fp32>, transpose_lhs_hint = false} : vector<32x3xf32>, vector<3x4096xf32>, vector<32x4096xf32> -> vector<32x4096xf32>
    %add3A_379 = vector.broadcast %broadcast_in_dim3A_376 : vector<32x1xf32> to vector<32x4096xf32>
    %add3A_380 = vector.broadcast %add3A_21 : vector<1x4096xf32> to vector<32x4096xf32>
    %add3A_381 = arith.addf %add3A_379, %add3A_380 : vector<32x4096xf32>
    %add3A_382 = arith.addf %dot_general3A_378, %dot_general3A_378 : vector<32x4096xf32>
    %sub3A_383 = arith.subf %add3A_381, %add3A_382 : vector<32x4096xf32>
    %reduce_min3A_384 = arith.constant dense<0x7F800000> : vector<32xf32>
    %reduce_min3A_385 = vector.multi_reduction <minimumf>, %sub3A_383, %reduce_min3A_384 [1] : vector<32x4096xf32> to vector<32xf32>
    %reduce_sum3A_386 = vector.shape_cast %reduce_min3A_385 : vector<32xf32> to vector<1x32xf32>
    %reduce_sum3A_387 = arith.constant dense<0.000000e+00> : vector<1xf32>
    %reduce_sum3A_388 = vector.multi_reduction <add>, %reduce_sum3A_386, %reduce_sum3A_387 [1] : vector<1x32xf32> to vector<1xf32>
    %reduce_sum3A_389 = vector.shape_cast %reduce_sum3A_388 : vector<1xf32> to vector<1x1xf32>
    %reduce_sum3A_390 = vector.extract %reduce_sum3A_389[0, 0] : f32 from vector<1x1xf32>
    %add3A_391 = vector.broadcast %reduce_sum3A_390 : f32 to vector<1x1xf32>
    %add3A_392 = arith.addf %add3A_363, %add3A_391 : vector<1x1xf32>
    %reduce_min3A_393 = arith.constant dense<0x7F800000> : vector<4096xf32>
    %reduce_min3A_394 = vector.multi_reduction <minimumf>, %sub3A_383, %reduce_min3A_393 [0] : vector<32x4096xf32> to vector<4096xf32>
    %broadcast_in_dim3A_395 = vector.shape_cast %reduce_min3A_394 : vector<4096xf32> to vector<1x4096xf32>
    %min3A_396 = arith.minimumf %min3A_367, %broadcast_in_dim3A_395 : vector<1x4096xf32>
    %get3A_397 = arith.constant 0 : index
    %get3A_398 = arith.constant 416 : index
    %get3A_399 = arith.constant 0 : index
    %get3A_400 = vector.load %arg1[%get3A_397, %get3A_398, %get3A_399] : memref<1x2048x3xf32, #tpu.memory_space<vmem>>, vector<1x32x3xf32>
    %get3A_401 = vector.shape_cast %get3A_400 : vector<1x32x3xf32> to vector<32x3xf32>
    %mul3A_402 = arith.mulf %get3A_401, %get3A_401 : vector<32x3xf32>
    %reduce_sum3A_403 = arith.constant dense<0.000000e+00> : vector<32xf32>
    %reduce_sum3A_404 = vector.multi_reduction <add>, %mul3A_402, %reduce_sum3A_403 [1] : vector<32x3xf32> to vector<32xf32>
    %broadcast_in_dim3A_405 = vector.shape_cast %reduce_sum3A_404 : vector<32xf32> to vector<32x1xf32>
    %dot_general3A_406 = arith.constant dense<0.000000e+00> : vector<32x4096xf32>
    %dot_general3A_407 = tpu.matmul %get3A_401, %get3A_3, %dot_general3A_406 {dimension_numbers = #tpu.dot_dimension_numbers<[1], [0], [0], [1], [0, 0, 1, 1], [], []>, precision = #tpu.contract_precision<fp32>, transpose_lhs_hint = false} : vector<32x3xf32>, vector<3x4096xf32>, vector<32x4096xf32> -> vector<32x4096xf32>
    %add3A_408 = vector.broadcast %broadcast_in_dim3A_405 : vector<32x1xf32> to vector<32x4096xf32>
    %add3A_409 = vector.broadcast %add3A_21 : vector<1x4096xf32> to vector<32x4096xf32>
    %add3A_410 = arith.addf %add3A_408, %add3A_409 : vector<32x4096xf32>
    %add3A_411 = arith.addf %dot_general3A_407, %dot_general3A_407 : vector<32x4096xf32>
    %sub3A_412 = arith.subf %add3A_410, %add3A_411 : vector<32x4096xf32>
    %reduce_min3A_413 = arith.constant dense<0x7F800000> : vector<32xf32>
    %reduce_min3A_414 = vector.multi_reduction <minimumf>, %sub3A_412, %reduce_min3A_413 [1] : vector<32x4096xf32> to vector<32xf32>
    %reduce_sum3A_415 = vector.shape_cast %reduce_min3A_414 : vector<32xf32> to vector<1x32xf32>
    %reduce_sum3A_416 = arith.constant dense<0.000000e+00> : vector<1xf32>
    %reduce_sum3A_417 = vector.multi_reduction <add>, %reduce_sum3A_415, %reduce_sum3A_416 [1] : vector<1x32xf32> to vector<1xf32>
    %reduce_sum3A_418 = vector.shape_cast %reduce_sum3A_417 : vector<1xf32> to vector<1x1xf32>
    %reduce_sum3A_419 = vector.extract %reduce_sum3A_418[0, 0] : f32 from vector<1x1xf32>
    %add3A_420 = vector.broadcast %reduce_sum3A_419 : f32 to vector<1x1xf32>
    %add3A_421 = arith.addf %add3A_392, %add3A_420 : vector<1x1xf32>
    %reduce_min3A_422 = arith.constant dense<0x7F800000> : vector<4096xf32>
    %reduce_min3A_423 = vector.multi_reduction <minimumf>, %sub3A_412, %reduce_min3A_422 [0] : vector<32x4096xf32> to vector<4096xf32>
    %broadcast_in_dim3A_424 = vector.shape_cast %reduce_min3A_423 : vector<4096xf32> to vector<1x4096xf32>
    %min3A_425 = arith.minimumf %min3A_396, %broadcast_in_dim3A_424 : vector<1x4096xf32>
    %get3A_426 = arith.constant 0 : index
    %get3A_427 = arith.constant 448 : index
    %get3A_428 = arith.constant 0 : index
    %get3A_429 = vector.load %arg1[%get3A_426, %get3A_427, %get3A_428] : memref<1x2048x3xf32, #tpu.memory_space<vmem>>, vector<1x32x3xf32>
    %get3A_430 = vector.shape_cast %get3A_429 : vector<1x32x3xf32> to vector<32x3xf32>
    %mul3A_431 = arith.mulf %get3A_430, %get3A_430 : vector<32x3xf32>
    %reduce_sum3A_432 = arith.constant dense<0.000000e+00> : vector<32xf32>
    %reduce_sum3A_433 = vector.multi_reduction <add>, %mul3A_431, %reduce_sum3A_432 [1] : vector<32x3xf32> to vector<32xf32>
    %broadcast_in_dim3A_434 = vector.shape_cast %reduce_sum3A_433 : vector<32xf32> to vector<32x1xf32>
    %dot_general3A_435 = arith.constant dense<0.000000e+00> : vector<32x4096xf32>
    %dot_general3A_436 = tpu.matmul %get3A_430, %get3A_3, %dot_general3A_435 {dimension_numbers = #tpu.dot_dimension_numbers<[1], [0], [0], [1], [0, 0, 1, 1], [], []>, precision = #tpu.contract_precision<fp32>, transpose_lhs_hint = false} : vector<32x3xf32>, vector<3x4096xf32>, vector<32x4096xf32> -> vector<32x4096xf32>
    %add3A_437 = vector.broadcast %broadcast_in_dim3A_434 : vector<32x1xf32> to vector<32x4096xf32>
    %add3A_438 = vector.broadcast %add3A_21 : vector<1x4096xf32> to vector<32x4096xf32>
    %add3A_439 = arith.addf %add3A_437, %add3A_438 : vector<32x4096xf32>
    %add3A_440 = arith.addf %dot_general3A_436, %dot_general3A_436 : vector<32x4096xf32>
    %sub3A_441 = arith.subf %add3A_439, %add3A_440 : vector<32x4096xf32>
    %reduce_min3A_442 = arith.constant dense<0x7F800000> : vector<32xf32>
    %reduce_min3A_443 = vector.multi_reduction <minimumf>, %sub3A_441, %reduce_min3A_442 [1] : vector<32x4096xf32> to vector<32xf32>
    %reduce_sum3A_444 = vector.shape_cast %reduce_min3A_443 : vector<32xf32> to vector<1x32xf32>
    %reduce_sum3A_445 = arith.constant dense<0.000000e+00> : vector<1xf32>
    %reduce_sum3A_446 = vector.multi_reduction <add>, %reduce_sum3A_444, %reduce_sum3A_445 [1] : vector<1x32xf32> to vector<1xf32>
    %reduce_sum3A_447 = vector.shape_cast %reduce_sum3A_446 : vector<1xf32> to vector<1x1xf32>
    %reduce_sum3A_448 = vector.extract %reduce_sum3A_447[0, 0] : f32 from vector<1x1xf32>
    %add3A_449 = vector.broadcast %reduce_sum3A_448 : f32 to vector<1x1xf32>
    %add3A_450 = arith.addf %add3A_421, %add3A_449 : vector<1x1xf32>
    %reduce_min3A_451 = arith.constant dense<0x7F800000> : vector<4096xf32>
    %reduce_min3A_452 = vector.multi_reduction <minimumf>, %sub3A_441, %reduce_min3A_451 [0] : vector<32x4096xf32> to vector<4096xf32>
    %broadcast_in_dim3A_453 = vector.shape_cast %reduce_min3A_452 : vector<4096xf32> to vector<1x4096xf32>
    %min3A_454 = arith.minimumf %min3A_425, %broadcast_in_dim3A_453 : vector<1x4096xf32>
    %get3A_455 = arith.constant 0 : index
    %get3A_456 = arith.constant 480 : index
    %get3A_457 = arith.constant 0 : index
    %get3A_458 = vector.load %arg1[%get3A_455, %get3A_456, %get3A_457] : memref<1x2048x3xf32, #tpu.memory_space<vmem>>, vector<1x32x3xf32>
    %get3A_459 = vector.shape_cast %get3A_458 : vector<1x32x3xf32> to vector<32x3xf32>
    %mul3A_460 = arith.mulf %get3A_459, %get3A_459 : vector<32x3xf32>
    %reduce_sum3A_461 = arith.constant dense<0.000000e+00> : vector<32xf32>
    %reduce_sum3A_462 = vector.multi_reduction <add>, %mul3A_460, %reduce_sum3A_461 [1] : vector<32x3xf32> to vector<32xf32>
    %broadcast_in_dim3A_463 = vector.shape_cast %reduce_sum3A_462 : vector<32xf32> to vector<32x1xf32>
    %dot_general3A_464 = arith.constant dense<0.000000e+00> : vector<32x4096xf32>
    %dot_general3A_465 = tpu.matmul %get3A_459, %get3A_3, %dot_general3A_464 {dimension_numbers = #tpu.dot_dimension_numbers<[1], [0], [0], [1], [0, 0, 1, 1], [], []>, precision = #tpu.contract_precision<fp32>, transpose_lhs_hint = false} : vector<32x3xf32>, vector<3x4096xf32>, vector<32x4096xf32> -> vector<32x4096xf32>
    %add3A_466 = vector.broadcast %broadcast_in_dim3A_463 : vector<32x1xf32> to vector<32x4096xf32>
    %add3A_467 = vector.broadcast %add3A_21 : vector<1x4096xf32> to vector<32x4096xf32>
    %add3A_468 = arith.addf %add3A_466, %add3A_467 : vector<32x4096xf32>
    %add3A_469 = arith.addf %dot_general3A_465, %dot_general3A_465 : vector<32x4096xf32>
    %sub3A_470 = arith.subf %add3A_468, %add3A_469 : vector<32x4096xf32>
    %reduce_min3A_471 = arith.constant dense<0x7F800000> : vector<32xf32>
    %reduce_min3A_472 = vector.multi_reduction <minimumf>, %sub3A_470, %reduce_min3A_471 [1] : vector<32x4096xf32> to vector<32xf32>
    %reduce_sum3A_473 = vector.shape_cast %reduce_min3A_472 : vector<32xf32> to vector<1x32xf32>
    %reduce_sum3A_474 = arith.constant dense<0.000000e+00> : vector<1xf32>
    %reduce_sum3A_475 = vector.multi_reduction <add>, %reduce_sum3A_473, %reduce_sum3A_474 [1] : vector<1x32xf32> to vector<1xf32>
    %reduce_sum3A_476 = vector.shape_cast %reduce_sum3A_475 : vector<1xf32> to vector<1x1xf32>
    %reduce_sum3A_477 = vector.extract %reduce_sum3A_476[0, 0] : f32 from vector<1x1xf32>
    %add3A_478 = vector.broadcast %reduce_sum3A_477 : f32 to vector<1x1xf32>
    %add3A_479 = arith.addf %add3A_450, %add3A_478 : vector<1x1xf32>
    %reduce_min3A_480 = arith.constant dense<0x7F800000> : vector<4096xf32>
    %reduce_min3A_481 = vector.multi_reduction <minimumf>, %sub3A_470, %reduce_min3A_480 [0] : vector<32x4096xf32> to vector<4096xf32>
    %broadcast_in_dim3A_482 = vector.shape_cast %reduce_min3A_481 : vector<4096xf32> to vector<1x4096xf32>
    %min3A_483 = arith.minimumf %min3A_454, %broadcast_in_dim3A_482 : vector<1x4096xf32>
    %get3A_484 = arith.constant 0 : index
    %get3A_485 = arith.constant 512 : index
    %get3A_486 = arith.constant 0 : index
    %get3A_487 = vector.load %arg1[%get3A_484, %get3A_485, %get3A_486] : memref<1x2048x3xf32, #tpu.memory_space<vmem>>, vector<1x32x3xf32>
    %get3A_488 = vector.shape_cast %get3A_487 : vector<1x32x3xf32> to vector<32x3xf32>
    %mul3A_489 = arith.mulf %get3A_488, %get3A_488 : vector<32x3xf32>
    %reduce_sum3A_490 = arith.constant dense<0.000000e+00> : vector<32xf32>
    %reduce_sum3A_491 = vector.multi_reduction <add>, %mul3A_489, %reduce_sum3A_490 [1] : vector<32x3xf32> to vector<32xf32>
    %broadcast_in_dim3A_492 = vector.shape_cast %reduce_sum3A_491 : vector<32xf32> to vector<32x1xf32>
    %dot_general3A_493 = arith.constant dense<0.000000e+00> : vector<32x4096xf32>
    %dot_general3A_494 = tpu.matmul %get3A_488, %get3A_3, %dot_general3A_493 {dimension_numbers = #tpu.dot_dimension_numbers<[1], [0], [0], [1], [0, 0, 1, 1], [], []>, precision = #tpu.contract_precision<fp32>, transpose_lhs_hint = false} : vector<32x3xf32>, vector<3x4096xf32>, vector<32x4096xf32> -> vector<32x4096xf32>
    %add3A_495 = vector.broadcast %broadcast_in_dim3A_492 : vector<32x1xf32> to vector<32x4096xf32>
    %add3A_496 = vector.broadcast %add3A_21 : vector<1x4096xf32> to vector<32x4096xf32>
    %add3A_497 = arith.addf %add3A_495, %add3A_496 : vector<32x4096xf32>
    %add3A_498 = arith.addf %dot_general3A_494, %dot_general3A_494 : vector<32x4096xf32>
    %sub3A_499 = arith.subf %add3A_497, %add3A_498 : vector<32x4096xf32>
    %reduce_min3A_500 = arith.constant dense<0x7F800000> : vector<32xf32>
    %reduce_min3A_501 = vector.multi_reduction <minimumf>, %sub3A_499, %reduce_min3A_500 [1] : vector<32x4096xf32> to vector<32xf32>
    %reduce_sum3A_502 = vector.shape_cast %reduce_min3A_501 : vector<32xf32> to vector<1x32xf32>
    %reduce_sum3A_503 = arith.constant dense<0.000000e+00> : vector<1xf32>
    %reduce_sum3A_504 = vector.multi_reduction <add>, %reduce_sum3A_502, %reduce_sum3A_503 [1] : vector<1x32xf32> to vector<1xf32>
    %reduce_sum3A_505 = vector.shape_cast %reduce_sum3A_504 : vector<1xf32> to vector<1x1xf32>
    %reduce_sum3A_506 = vector.extract %reduce_sum3A_505[0, 0] : f32 from vector<1x1xf32>
    %add3A_507 = vector.broadcast %reduce_sum3A_506 : f32 to vector<1x1xf32>
    %add3A_508 = arith.addf %add3A_479, %add3A_507 : vector<1x1xf32>
    %reduce_min3A_509 = arith.constant dense<0x7F800000> : vector<4096xf32>
    %reduce_min3A_510 = vector.multi_reduction <minimumf>, %sub3A_499, %reduce_min3A_509 [0] : vector<32x4096xf32> to vector<4096xf32>
    %broadcast_in_dim3A_511 = vector.shape_cast %reduce_min3A_510 : vector<4096xf32> to vector<1x4096xf32>
    %min3A_512 = arith.minimumf %min3A_483, %broadcast_in_dim3A_511 : vector<1x4096xf32>
    %get3A_513 = arith.constant 0 : index
    %get3A_514 = arith.constant 544 : index
    %get3A_515 = arith.constant 0 : index
    %get3A_516 = vector.load %arg1[%get3A_513, %get3A_514, %get3A_515] : memref<1x2048x3xf32, #tpu.memory_space<vmem>>, vector<1x32x3xf32>
    %get3A_517 = vector.shape_cast %get3A_516 : vector<1x32x3xf32> to vector<32x3xf32>
    %mul3A_518 = arith.mulf %get3A_517, %get3A_517 : vector<32x3xf32>
    %reduce_sum3A_519 = arith.constant dense<0.000000e+00> : vector<32xf32>
    %reduce_sum3A_520 = vector.multi_reduction <add>, %mul3A_518, %reduce_sum3A_519 [1] : vector<32x3xf32> to vector<32xf32>
    %broadcast_in_dim3A_521 = vector.shape_cast %reduce_sum3A_520 : vector<32xf32> to vector<32x1xf32>
    %dot_general3A_522 = arith.constant dense<0.000000e+00> : vector<32x4096xf32>
    %dot_general3A_523 = tpu.matmul %get3A_517, %get3A_3, %dot_general3A_522 {dimension_numbers = #tpu.dot_dimension_numbers<[1], [0], [0], [1], [0, 0, 1, 1], [], []>, precision = #tpu.contract_precision<fp32>, transpose_lhs_hint = false} : vector<32x3xf32>, vector<3x4096xf32>, vector<32x4096xf32> -> vector<32x4096xf32>
    %add3A_524 = vector.broadcast %broadcast_in_dim3A_521 : vector<32x1xf32> to vector<32x4096xf32>
    %add3A_525 = vector.broadcast %add3A_21 : vector<1x4096xf32> to vector<32x4096xf32>
    %add3A_526 = arith.addf %add3A_524, %add3A_525 : vector<32x4096xf32>
    %add3A_527 = arith.addf %dot_general3A_523, %dot_general3A_523 : vector<32x4096xf32>
    %sub3A_528 = arith.subf %add3A_526, %add3A_527 : vector<32x4096xf32>
    %reduce_min3A_529 = arith.constant dense<0x7F800000> : vector<32xf32>
    %reduce_min3A_530 = vector.multi_reduction <minimumf>, %sub3A_528, %reduce_min3A_529 [1] : vector<32x4096xf32> to vector<32xf32>
    %reduce_sum3A_531 = vector.shape_cast %reduce_min3A_530 : vector<32xf32> to vector<1x32xf32>
    %reduce_sum3A_532 = arith.constant dense<0.000000e+00> : vector<1xf32>
    %reduce_sum3A_533 = vector.multi_reduction <add>, %reduce_sum3A_531, %reduce_sum3A_532 [1] : vector<1x32xf32> to vector<1xf32>
    %reduce_sum3A_534 = vector.shape_cast %reduce_sum3A_533 : vector<1xf32> to vector<1x1xf32>
    %reduce_sum3A_535 = vector.extract %reduce_sum3A_534[0, 0] : f32 from vector<1x1xf32>
    %add3A_536 = vector.broadcast %reduce_sum3A_535 : f32 to vector<1x1xf32>
    %add3A_537 = arith.addf %add3A_508, %add3A_536 : vector<1x1xf32>
    %reduce_min3A_538 = arith.constant dense<0x7F800000> : vector<4096xf32>
    %reduce_min3A_539 = vector.multi_reduction <minimumf>, %sub3A_528, %reduce_min3A_538 [0] : vector<32x4096xf32> to vector<4096xf32>
    %broadcast_in_dim3A_540 = vector.shape_cast %reduce_min3A_539 : vector<4096xf32> to vector<1x4096xf32>
    %min3A_541 = arith.minimumf %min3A_512, %broadcast_in_dim3A_540 : vector<1x4096xf32>
    %get3A_542 = arith.constant 0 : index
    %get3A_543 = arith.constant 576 : index
    %get3A_544 = arith.constant 0 : index
    %get3A_545 = vector.load %arg1[%get3A_542, %get3A_543, %get3A_544] : memref<1x2048x3xf32, #tpu.memory_space<vmem>>, vector<1x32x3xf32>
    %get3A_546 = vector.shape_cast %get3A_545 : vector<1x32x3xf32> to vector<32x3xf32>
    %mul3A_547 = arith.mulf %get3A_546, %get3A_546 : vector<32x3xf32>
    %reduce_sum3A_548 = arith.constant dense<0.000000e+00> : vector<32xf32>
    %reduce_sum3A_549 = vector.multi_reduction <add>, %mul3A_547, %reduce_sum3A_548 [1] : vector<32x3xf32> to vector<32xf32>
    %broadcast_in_dim3A_550 = vector.shape_cast %reduce_sum3A_549 : vector<32xf32> to vector<32x1xf32>
    %dot_general3A_551 = arith.constant dense<0.000000e+00> : vector<32x4096xf32>
    %dot_general3A_552 = tpu.matmul %get3A_546, %get3A_3, %dot_general3A_551 {dimension_numbers = #tpu.dot_dimension_numbers<[1], [0], [0], [1], [0, 0, 1, 1], [], []>, precision = #tpu.contract_precision<fp32>, transpose_lhs_hint = false} : vector<32x3xf32>, vector<3x4096xf32>, vector<32x4096xf32> -> vector<32x4096xf32>
    %add3A_553 = vector.broadcast %broadcast_in_dim3A_550 : vector<32x1xf32> to vector<32x4096xf32>
    %add3A_554 = vector.broadcast %add3A_21 : vector<1x4096xf32> to vector<32x4096xf32>
    %add3A_555 = arith.addf %add3A_553, %add3A_554 : vector<32x4096xf32>
    %add3A_556 = arith.addf %dot_general3A_552, %dot_general3A_552 : vector<32x4096xf32>
    %sub3A_557 = arith.subf %add3A_555, %add3A_556 : vector<32x4096xf32>
    %reduce_min3A_558 = arith.constant dense<0x7F800000> : vector<32xf32>
    %reduce_min3A_559 = vector.multi_reduction <minimumf>, %sub3A_557, %reduce_min3A_558 [1] : vector<32x4096xf32> to vector<32xf32>
    %reduce_sum3A_560 = vector.shape_cast %reduce_min3A_559 : vector<32xf32> to vector<1x32xf32>
    %reduce_sum3A_561 = arith.constant dense<0.000000e+00> : vector<1xf32>
    %reduce_sum3A_562 = vector.multi_reduction <add>, %reduce_sum3A_560, %reduce_sum3A_561 [1] : vector<1x32xf32> to vector<1xf32>
    %reduce_sum3A_563 = vector.shape_cast %reduce_sum3A_562 : vector<1xf32> to vector<1x1xf32>
    %reduce_sum3A_564 = vector.extract %reduce_sum3A_563[0, 0] : f32 from vector<1x1xf32>
    %add3A_565 = vector.broadcast %reduce_sum3A_564 : f32 to vector<1x1xf32>
    %add3A_566 = arith.addf %add3A_537, %add3A_565 : vector<1x1xf32>
    %reduce_min3A_567 = arith.constant dense<0x7F800000> : vector<4096xf32>
    %reduce_min3A_568 = vector.multi_reduction <minimumf>, %sub3A_557, %reduce_min3A_567 [0] : vector<32x4096xf32> to vector<4096xf32>
    %broadcast_in_dim3A_569 = vector.shape_cast %reduce_min3A_568 : vector<4096xf32> to vector<1x4096xf32>
    %min3A_570 = arith.minimumf %min3A_541, %broadcast_in_dim3A_569 : vector<1x4096xf32>
    %get3A_571 = arith.constant 0 : index
    %get3A_572 = arith.constant 608 : index
    %get3A_573 = arith.constant 0 : index
    %get3A_574 = vector.load %arg1[%get3A_571, %get3A_572, %get3A_573] : memref<1x2048x3xf32, #tpu.memory_space<vmem>>, vector<1x32x3xf32>
    %get3A_575 = vector.shape_cast %get3A_574 : vector<1x32x3xf32> to vector<32x3xf32>
    %mul3A_576 = arith.mulf %get3A_575, %get3A_575 : vector<32x3xf32>
    %reduce_sum3A_577 = arith.constant dense<0.000000e+00> : vector<32xf32>
    %reduce_sum3A_578 = vector.multi_reduction <add>, %mul3A_576, %reduce_sum3A_577 [1] : vector<32x3xf32> to vector<32xf32>
    %broadcast_in_dim3A_579 = vector.shape_cast %reduce_sum3A_578 : vector<32xf32> to vector<32x1xf32>
    %dot_general3A_580 = arith.constant dense<0.000000e+00> : vector<32x4096xf32>
    %dot_general3A_581 = tpu.matmul %get3A_575, %get3A_3, %dot_general3A_580 {dimension_numbers = #tpu.dot_dimension_numbers<[1], [0], [0], [1], [0, 0, 1, 1], [], []>, precision = #tpu.contract_precision<fp32>, transpose_lhs_hint = false} : vector<32x3xf32>, vector<3x4096xf32>, vector<32x4096xf32> -> vector<32x4096xf32>
    %add3A_582 = vector.broadcast %broadcast_in_dim3A_579 : vector<32x1xf32> to vector<32x4096xf32>
    %add3A_583 = vector.broadcast %add3A_21 : vector<1x4096xf32> to vector<32x4096xf32>
    %add3A_584 = arith.addf %add3A_582, %add3A_583 : vector<32x4096xf32>
    %add3A_585 = arith.addf %dot_general3A_581, %dot_general3A_581 : vector<32x4096xf32>
    %sub3A_586 = arith.subf %add3A_584, %add3A_585 : vector<32x4096xf32>
    %reduce_min3A_587 = arith.constant dense<0x7F800000> : vector<32xf32>
    %reduce_min3A_588 = vector.multi_reduction <minimumf>, %sub3A_586, %reduce_min3A_587 [1] : vector<32x4096xf32> to vector<32xf32>
    %reduce_sum3A_589 = vector.shape_cast %reduce_min3A_588 : vector<32xf32> to vector<1x32xf32>
    %reduce_sum3A_590 = arith.constant dense<0.000000e+00> : vector<1xf32>
    %reduce_sum3A_591 = vector.multi_reduction <add>, %reduce_sum3A_589, %reduce_sum3A_590 [1] : vector<1x32xf32> to vector<1xf32>
    %reduce_sum3A_592 = vector.shape_cast %reduce_sum3A_591 : vector<1xf32> to vector<1x1xf32>
    %reduce_sum3A_593 = vector.extract %reduce_sum3A_592[0, 0] : f32 from vector<1x1xf32>
    %add3A_594 = vector.broadcast %reduce_sum3A_593 : f32 to vector<1x1xf32>
    %add3A_595 = arith.addf %add3A_566, %add3A_594 : vector<1x1xf32>
    %reduce_min3A_596 = arith.constant dense<0x7F800000> : vector<4096xf32>
    %reduce_min3A_597 = vector.multi_reduction <minimumf>, %sub3A_586, %reduce_min3A_596 [0] : vector<32x4096xf32> to vector<4096xf32>
    %broadcast_in_dim3A_598 = vector.shape_cast %reduce_min3A_597 : vector<4096xf32> to vector<1x4096xf32>
    %min3A_599 = arith.minimumf %min3A_570, %broadcast_in_dim3A_598 : vector<1x4096xf32>
    %get3A_600 = arith.constant 0 : index
    %get3A_601 = arith.constant 640 : index
    %get3A_602 = arith.constant 0 : index
    %get3A_603 = vector.load %arg1[%get3A_600, %get3A_601, %get3A_602] : memref<1x2048x3xf32, #tpu.memory_space<vmem>>, vector<1x32x3xf32>
    %get3A_604 = vector.shape_cast %get3A_603 : vector<1x32x3xf32> to vector<32x3xf32>
    %mul3A_605 = arith.mulf %get3A_604, %get3A_604 : vector<32x3xf32>
    %reduce_sum3A_606 = arith.constant dense<0.000000e+00> : vector<32xf32>
    %reduce_sum3A_607 = vector.multi_reduction <add>, %mul3A_605, %reduce_sum3A_606 [1] : vector<32x3xf32> to vector<32xf32>
    %broadcast_in_dim3A_608 = vector.shape_cast %reduce_sum3A_607 : vector<32xf32> to vector<32x1xf32>
    %dot_general3A_609 = arith.constant dense<0.000000e+00> : vector<32x4096xf32>
    %dot_general3A_610 = tpu.matmul %get3A_604, %get3A_3, %dot_general3A_609 {dimension_numbers = #tpu.dot_dimension_numbers<[1], [0], [0], [1], [0, 0, 1, 1], [], []>, precision = #tpu.contract_precision<fp32>, transpose_lhs_hint = false} : vector<32x3xf32>, vector<3x4096xf32>, vector<32x4096xf32> -> vector<32x4096xf32>
    %add3A_611 = vector.broadcast %broadcast_in_dim3A_608 : vector<32x1xf32> to vector<32x4096xf32>
    %add3A_612 = vector.broadcast %add3A_21 : vector<1x4096xf32> to vector<32x4096xf32>
    %add3A_613 = arith.addf %add3A_611, %add3A_612 : vector<32x4096xf32>
    %add3A_614 = arith.addf %dot_general3A_610, %dot_general3A_610 : vector<32x4096xf32>
    %sub3A_615 = arith.subf %add3A_613, %add3A_614 : vector<32x4096xf32>
    %reduce_min3A_616 = arith.constant dense<0x7F800000> : vector<32xf32>
    %reduce_min3A_617 = vector.multi_reduction <minimumf>, %sub3A_615, %reduce_min3A_616 [1] : vector<32x4096xf32> to vector<32xf32>
    %reduce_sum3A_618 = vector.shape_cast %reduce_min3A_617 : vector<32xf32> to vector<1x32xf32>
    %reduce_sum3A_619 = arith.constant dense<0.000000e+00> : vector<1xf32>
    %reduce_sum3A_620 = vector.multi_reduction <add>, %reduce_sum3A_618, %reduce_sum3A_619 [1] : vector<1x32xf32> to vector<1xf32>
    %reduce_sum3A_621 = vector.shape_cast %reduce_sum3A_620 : vector<1xf32> to vector<1x1xf32>
    %reduce_sum3A_622 = vector.extract %reduce_sum3A_621[0, 0] : f32 from vector<1x1xf32>
    %add3A_623 = vector.broadcast %reduce_sum3A_622 : f32 to vector<1x1xf32>
    %add3A_624 = arith.addf %add3A_595, %add3A_623 : vector<1x1xf32>
    %reduce_min3A_625 = arith.constant dense<0x7F800000> : vector<4096xf32>
    %reduce_min3A_626 = vector.multi_reduction <minimumf>, %sub3A_615, %reduce_min3A_625 [0] : vector<32x4096xf32> to vector<4096xf32>
    %broadcast_in_dim3A_627 = vector.shape_cast %reduce_min3A_626 : vector<4096xf32> to vector<1x4096xf32>
    %min3A_628 = arith.minimumf %min3A_599, %broadcast_in_dim3A_627 : vector<1x4096xf32>
    %get3A_629 = arith.constant 0 : index
    %get3A_630 = arith.constant 672 : index
    %get3A_631 = arith.constant 0 : index
    %get3A_632 = vector.load %arg1[%get3A_629, %get3A_630, %get3A_631] : memref<1x2048x3xf32, #tpu.memory_space<vmem>>, vector<1x32x3xf32>
    %get3A_633 = vector.shape_cast %get3A_632 : vector<1x32x3xf32> to vector<32x3xf32>
    %mul3A_634 = arith.mulf %get3A_633, %get3A_633 : vector<32x3xf32>
    %reduce_sum3A_635 = arith.constant dense<0.000000e+00> : vector<32xf32>
    %reduce_sum3A_636 = vector.multi_reduction <add>, %mul3A_634, %reduce_sum3A_635 [1] : vector<32x3xf32> to vector<32xf32>
    %broadcast_in_dim3A_637 = vector.shape_cast %reduce_sum3A_636 : vector<32xf32> to vector<32x1xf32>
    %dot_general3A_638 = arith.constant dense<0.000000e+00> : vector<32x4096xf32>
    %dot_general3A_639 = tpu.matmul %get3A_633, %get3A_3, %dot_general3A_638 {dimension_numbers = #tpu.dot_dimension_numbers<[1], [0], [0], [1], [0, 0, 1, 1], [], []>, precision = #tpu.contract_precision<fp32>, transpose_lhs_hint = false} : vector<32x3xf32>, vector<3x4096xf32>, vector<32x4096xf32> -> vector<32x4096xf32>
    %add3A_640 = vector.broadcast %broadcast_in_dim3A_637 : vector<32x1xf32> to vector<32x4096xf32>
    %add3A_641 = vector.broadcast %add3A_21 : vector<1x4096xf32> to vector<32x4096xf32>
    %add3A_642 = arith.addf %add3A_640, %add3A_641 : vector<32x4096xf32>
    %add3A_643 = arith.addf %dot_general3A_639, %dot_general3A_639 : vector<32x4096xf32>
    %sub3A_644 = arith.subf %add3A_642, %add3A_643 : vector<32x4096xf32>
    %reduce_min3A_645 = arith.constant dense<0x7F800000> : vector<32xf32>
    %reduce_min3A_646 = vector.multi_reduction <minimumf>, %sub3A_644, %reduce_min3A_645 [1] : vector<32x4096xf32> to vector<32xf32>
    %reduce_sum3A_647 = vector.shape_cast %reduce_min3A_646 : vector<32xf32> to vector<1x32xf32>
    %reduce_sum3A_648 = arith.constant dense<0.000000e+00> : vector<1xf32>
    %reduce_sum3A_649 = vector.multi_reduction <add>, %reduce_sum3A_647, %reduce_sum3A_648 [1] : vector<1x32xf32> to vector<1xf32>
    %reduce_sum3A_650 = vector.shape_cast %reduce_sum3A_649 : vector<1xf32> to vector<1x1xf32>
    %reduce_sum3A_651 = vector.extract %reduce_sum3A_650[0, 0] : f32 from vector<1x1xf32>
    %add3A_652 = vector.broadcast %reduce_sum3A_651 : f32 to vector<1x1xf32>
    %add3A_653 = arith.addf %add3A_624, %add3A_652 : vector<1x1xf32>
    %reduce_min3A_654 = arith.constant dense<0x7F800000> : vector<4096xf32>
    %reduce_min3A_655 = vector.multi_reduction <minimumf>, %sub3A_644, %reduce_min3A_654 [0] : vector<32x4096xf32> to vector<4096xf32>
    %broadcast_in_dim3A_656 = vector.shape_cast %reduce_min3A_655 : vector<4096xf32> to vector<1x4096xf32>
    %min3A_657 = arith.minimumf %min3A_628, %broadcast_in_dim3A_656 : vector<1x4096xf32>
    %get3A_658 = arith.constant 0 : index
    %get3A_659 = arith.constant 704 : index
    %get3A_660 = arith.constant 0 : index
    %get3A_661 = vector.load %arg1[%get3A_658, %get3A_659, %get3A_660] : memref<1x2048x3xf32, #tpu.memory_space<vmem>>, vector<1x32x3xf32>
    %get3A_662 = vector.shape_cast %get3A_661 : vector<1x32x3xf32> to vector<32x3xf32>
    %mul3A_663 = arith.mulf %get3A_662, %get3A_662 : vector<32x3xf32>
    %reduce_sum3A_664 = arith.constant dense<0.000000e+00> : vector<32xf32>
    %reduce_sum3A_665 = vector.multi_reduction <add>, %mul3A_663, %reduce_sum3A_664 [1] : vector<32x3xf32> to vector<32xf32>
    %broadcast_in_dim3A_666 = vector.shape_cast %reduce_sum3A_665 : vector<32xf32> to vector<32x1xf32>
    %dot_general3A_667 = arith.constant dense<0.000000e+00> : vector<32x4096xf32>
    %dot_general3A_668 = tpu.matmul %get3A_662, %get3A_3, %dot_general3A_667 {dimension_numbers = #tpu.dot_dimension_numbers<[1], [0], [0], [1], [0, 0, 1, 1], [], []>, precision = #tpu.contract_precision<fp32>, transpose_lhs_hint = false} : vector<32x3xf32>, vector<3x4096xf32>, vector<32x4096xf32> -> vector<32x4096xf32>
    %add3A_669 = vector.broadcast %broadcast_in_dim3A_666 : vector<32x1xf32> to vector<32x4096xf32>
    %add3A_670 = vector.broadcast %add3A_21 : vector<1x4096xf32> to vector<32x4096xf32>
    %add3A_671 = arith.addf %add3A_669, %add3A_670 : vector<32x4096xf32>
    %add3A_672 = arith.addf %dot_general3A_668, %dot_general3A_668 : vector<32x4096xf32>
    %sub3A_673 = arith.subf %add3A_671, %add3A_672 : vector<32x4096xf32>
    %reduce_min3A_674 = arith.constant dense<0x7F800000> : vector<32xf32>
    %reduce_min3A_675 = vector.multi_reduction <minimumf>, %sub3A_673, %reduce_min3A_674 [1] : vector<32x4096xf32> to vector<32xf32>
    %reduce_sum3A_676 = vector.shape_cast %reduce_min3A_675 : vector<32xf32> to vector<1x32xf32>
    %reduce_sum3A_677 = arith.constant dense<0.000000e+00> : vector<1xf32>
    %reduce_sum3A_678 = vector.multi_reduction <add>, %reduce_sum3A_676, %reduce_sum3A_677 [1] : vector<1x32xf32> to vector<1xf32>
    %reduce_sum3A_679 = vector.shape_cast %reduce_sum3A_678 : vector<1xf32> to vector<1x1xf32>
    %reduce_sum3A_680 = vector.extract %reduce_sum3A_679[0, 0] : f32 from vector<1x1xf32>
    %add3A_681 = vector.broadcast %reduce_sum3A_680 : f32 to vector<1x1xf32>
    %add3A_682 = arith.addf %add3A_653, %add3A_681 : vector<1x1xf32>
    %reduce_min3A_683 = arith.constant dense<0x7F800000> : vector<4096xf32>
    %reduce_min3A_684 = vector.multi_reduction <minimumf>, %sub3A_673, %reduce_min3A_683 [0] : vector<32x4096xf32> to vector<4096xf32>
    %broadcast_in_dim3A_685 = vector.shape_cast %reduce_min3A_684 : vector<4096xf32> to vector<1x4096xf32>
    %min3A_686 = arith.minimumf %min3A_657, %broadcast_in_dim3A_685 : vector<1x4096xf32>
    %get3A_687 = arith.constant 0 : index
    %get3A_688 = arith.constant 736 : index
    %get3A_689 = arith.constant 0 : index
    %get3A_690 = vector.load %arg1[%get3A_687, %get3A_688, %get3A_689] : memref<1x2048x3xf32, #tpu.memory_space<vmem>>, vector<1x32x3xf32>
    %get3A_691 = vector.shape_cast %get3A_690 : vector<1x32x3xf32> to vector<32x3xf32>
    %mul3A_692 = arith.mulf %get3A_691, %get3A_691 : vector<32x3xf32>
    %reduce_sum3A_693 = arith.constant dense<0.000000e+00> : vector<32xf32>
    %reduce_sum3A_694 = vector.multi_reduction <add>, %mul3A_692, %reduce_sum3A_693 [1] : vector<32x3xf32> to vector<32xf32>
    %broadcast_in_dim3A_695 = vector.shape_cast %reduce_sum3A_694 : vector<32xf32> to vector<32x1xf32>
    %dot_general3A_696 = arith.constant dense<0.000000e+00> : vector<32x4096xf32>
    %dot_general3A_697 = tpu.matmul %get3A_691, %get3A_3, %dot_general3A_696 {dimension_numbers = #tpu.dot_dimension_numbers<[1], [0], [0], [1], [0, 0, 1, 1], [], []>, precision = #tpu.contract_precision<fp32>, transpose_lhs_hint = false} : vector<32x3xf32>, vector<3x4096xf32>, vector<32x4096xf32> -> vector<32x4096xf32>
    %add3A_698 = vector.broadcast %broadcast_in_dim3A_695 : vector<32x1xf32> to vector<32x4096xf32>
    %add3A_699 = vector.broadcast %add3A_21 : vector<1x4096xf32> to vector<32x4096xf32>
    %add3A_700 = arith.addf %add3A_698, %add3A_699 : vector<32x4096xf32>
    %add3A_701 = arith.addf %dot_general3A_697, %dot_general3A_697 : vector<32x4096xf32>
    %sub3A_702 = arith.subf %add3A_700, %add3A_701 : vector<32x4096xf32>
    %reduce_min3A_703 = arith.constant dense<0x7F800000> : vector<32xf32>
    %reduce_min3A_704 = vector.multi_reduction <minimumf>, %sub3A_702, %reduce_min3A_703 [1] : vector<32x4096xf32> to vector<32xf32>
    %reduce_sum3A_705 = vector.shape_cast %reduce_min3A_704 : vector<32xf32> to vector<1x32xf32>
    %reduce_sum3A_706 = arith.constant dense<0.000000e+00> : vector<1xf32>
    %reduce_sum3A_707 = vector.multi_reduction <add>, %reduce_sum3A_705, %reduce_sum3A_706 [1] : vector<1x32xf32> to vector<1xf32>
    %reduce_sum3A_708 = vector.shape_cast %reduce_sum3A_707 : vector<1xf32> to vector<1x1xf32>
    %reduce_sum3A_709 = vector.extract %reduce_sum3A_708[0, 0] : f32 from vector<1x1xf32>
    %add3A_710 = vector.broadcast %reduce_sum3A_709 : f32 to vector<1x1xf32>
    %add3A_711 = arith.addf %add3A_682, %add3A_710 : vector<1x1xf32>
    %reduce_min3A_712 = arith.constant dense<0x7F800000> : vector<4096xf32>
    %reduce_min3A_713 = vector.multi_reduction <minimumf>, %sub3A_702, %reduce_min3A_712 [0] : vector<32x4096xf32> to vector<4096xf32>
    %broadcast_in_dim3A_714 = vector.shape_cast %reduce_min3A_713 : vector<4096xf32> to vector<1x4096xf32>
    %min3A_715 = arith.minimumf %min3A_686, %broadcast_in_dim3A_714 : vector<1x4096xf32>
    %get3A_716 = arith.constant 0 : index
    %get3A_717 = arith.constant 768 : index
    %get3A_718 = arith.constant 0 : index
    %get3A_719 = vector.load %arg1[%get3A_716, %get3A_717, %get3A_718] : memref<1x2048x3xf32, #tpu.memory_space<vmem>>, vector<1x32x3xf32>
    %get3A_720 = vector.shape_cast %get3A_719 : vector<1x32x3xf32> to vector<32x3xf32>
    %mul3A_721 = arith.mulf %get3A_720, %get3A_720 : vector<32x3xf32>
    %reduce_sum3A_722 = arith.constant dense<0.000000e+00> : vector<32xf32>
    %reduce_sum3A_723 = vector.multi_reduction <add>, %mul3A_721, %reduce_sum3A_722 [1] : vector<32x3xf32> to vector<32xf32>
    %broadcast_in_dim3A_724 = vector.shape_cast %reduce_sum3A_723 : vector<32xf32> to vector<32x1xf32>
    %dot_general3A_725 = arith.constant dense<0.000000e+00> : vector<32x4096xf32>
    %dot_general3A_726 = tpu.matmul %get3A_720, %get3A_3, %dot_general3A_725 {dimension_numbers = #tpu.dot_dimension_numbers<[1], [0], [0], [1], [0, 0, 1, 1], [], []>, precision = #tpu.contract_precision<fp32>, transpose_lhs_hint = false} : vector<32x3xf32>, vector<3x4096xf32>, vector<32x4096xf32> -> vector<32x4096xf32>
    %add3A_727 = vector.broadcast %broadcast_in_dim3A_724 : vector<32x1xf32> to vector<32x4096xf32>
    %add3A_728 = vector.broadcast %add3A_21 : vector<1x4096xf32> to vector<32x4096xf32>
    %add3A_729 = arith.addf %add3A_727, %add3A_728 : vector<32x4096xf32>
    %add3A_730 = arith.addf %dot_general3A_726, %dot_general3A_726 : vector<32x4096xf32>
    %sub3A_731 = arith.subf %add3A_729, %add3A_730 : vector<32x4096xf32>
    %reduce_min3A_732 = arith.constant dense<0x7F800000> : vector<32xf32>
    %reduce_min3A_733 = vector.multi_reduction <minimumf>, %sub3A_731, %reduce_min3A_732 [1] : vector<32x4096xf32> to vector<32xf32>
    %reduce_sum3A_734 = vector.shape_cast %reduce_min3A_733 : vector<32xf32> to vector<1x32xf32>
    %reduce_sum3A_735 = arith.constant dense<0.000000e+00> : vector<1xf32>
    %reduce_sum3A_736 = vector.multi_reduction <add>, %reduce_sum3A_734, %reduce_sum3A_735 [1] : vector<1x32xf32> to vector<1xf32>
    %reduce_sum3A_737 = vector.shape_cast %reduce_sum3A_736 : vector<1xf32> to vector<1x1xf32>
    %reduce_sum3A_738 = vector.extract %reduce_sum3A_737[0, 0] : f32 from vector<1x1xf32>
    %add3A_739 = vector.broadcast %reduce_sum3A_738 : f32 to vector<1x1xf32>
    %add3A_740 = arith.addf %add3A_711, %add3A_739 : vector<1x1xf32>
    %reduce_min3A_741 = arith.constant dense<0x7F800000> : vector<4096xf32>
    %reduce_min3A_742 = vector.multi_reduction <minimumf>, %sub3A_731, %reduce_min3A_741 [0] : vector<32x4096xf32> to vector<4096xf32>
    %broadcast_in_dim3A_743 = vector.shape_cast %reduce_min3A_742 : vector<4096xf32> to vector<1x4096xf32>
    %min3A_744 = arith.minimumf %min3A_715, %broadcast_in_dim3A_743 : vector<1x4096xf32>
    %get3A_745 = arith.constant 0 : index
    %get3A_746 = arith.constant 800 : index
    %get3A_747 = arith.constant 0 : index
    %get3A_748 = vector.load %arg1[%get3A_745, %get3A_746, %get3A_747] : memref<1x2048x3xf32, #tpu.memory_space<vmem>>, vector<1x32x3xf32>
    %get3A_749 = vector.shape_cast %get3A_748 : vector<1x32x3xf32> to vector<32x3xf32>
    %mul3A_750 = arith.mulf %get3A_749, %get3A_749 : vector<32x3xf32>
    %reduce_sum3A_751 = arith.constant dense<0.000000e+00> : vector<32xf32>
    %reduce_sum3A_752 = vector.multi_reduction <add>, %mul3A_750, %reduce_sum3A_751 [1] : vector<32x3xf32> to vector<32xf32>
    %broadcast_in_dim3A_753 = vector.shape_cast %reduce_sum3A_752 : vector<32xf32> to vector<32x1xf32>
    %dot_general3A_754 = arith.constant dense<0.000000e+00> : vector<32x4096xf32>
    %dot_general3A_755 = tpu.matmul %get3A_749, %get3A_3, %dot_general3A_754 {dimension_numbers = #tpu.dot_dimension_numbers<[1], [0], [0], [1], [0, 0, 1, 1], [], []>, precision = #tpu.contract_precision<fp32>, transpose_lhs_hint = false} : vector<32x3xf32>, vector<3x4096xf32>, vector<32x4096xf32> -> vector<32x4096xf32>
    %add3A_756 = vector.broadcast %broadcast_in_dim3A_753 : vector<32x1xf32> to vector<32x4096xf32>
    %add3A_757 = vector.broadcast %add3A_21 : vector<1x4096xf32> to vector<32x4096xf32>
    %add3A_758 = arith.addf %add3A_756, %add3A_757 : vector<32x4096xf32>
    %add3A_759 = arith.addf %dot_general3A_755, %dot_general3A_755 : vector<32x4096xf32>
    %sub3A_760 = arith.subf %add3A_758, %add3A_759 : vector<32x4096xf32>
    %reduce_min3A_761 = arith.constant dense<0x7F800000> : vector<32xf32>
    %reduce_min3A_762 = vector.multi_reduction <minimumf>, %sub3A_760, %reduce_min3A_761 [1] : vector<32x4096xf32> to vector<32xf32>
    %reduce_sum3A_763 = vector.shape_cast %reduce_min3A_762 : vector<32xf32> to vector<1x32xf32>
    %reduce_sum3A_764 = arith.constant dense<0.000000e+00> : vector<1xf32>
    %reduce_sum3A_765 = vector.multi_reduction <add>, %reduce_sum3A_763, %reduce_sum3A_764 [1] : vector<1x32xf32> to vector<1xf32>
    %reduce_sum3A_766 = vector.shape_cast %reduce_sum3A_765 : vector<1xf32> to vector<1x1xf32>
    %reduce_sum3A_767 = vector.extract %reduce_sum3A_766[0, 0] : f32 from vector<1x1xf32>
    %add3A_768 = vector.broadcast %reduce_sum3A_767 : f32 to vector<1x1xf32>
    %add3A_769 = arith.addf %add3A_740, %add3A_768 : vector<1x1xf32>
    %reduce_min3A_770 = arith.constant dense<0x7F800000> : vector<4096xf32>
    %reduce_min3A_771 = vector.multi_reduction <minimumf>, %sub3A_760, %reduce_min3A_770 [0] : vector<32x4096xf32> to vector<4096xf32>
    %broadcast_in_dim3A_772 = vector.shape_cast %reduce_min3A_771 : vector<4096xf32> to vector<1x4096xf32>
    %min3A_773 = arith.minimumf %min3A_744, %broadcast_in_dim3A_772 : vector<1x4096xf32>
    %get3A_774 = arith.constant 0 : index
    %get3A_775 = arith.constant 832 : index
    %get3A_776 = arith.constant 0 : index
    %get3A_777 = vector.load %arg1[%get3A_774, %get3A_775, %get3A_776] : memref<1x2048x3xf32, #tpu.memory_space<vmem>>, vector<1x32x3xf32>
    %get3A_778 = vector.shape_cast %get3A_777 : vector<1x32x3xf32> to vector<32x3xf32>
    %mul3A_779 = arith.mulf %get3A_778, %get3A_778 : vector<32x3xf32>
    %reduce_sum3A_780 = arith.constant dense<0.000000e+00> : vector<32xf32>
    %reduce_sum3A_781 = vector.multi_reduction <add>, %mul3A_779, %reduce_sum3A_780 [1] : vector<32x3xf32> to vector<32xf32>
    %broadcast_in_dim3A_782 = vector.shape_cast %reduce_sum3A_781 : vector<32xf32> to vector<32x1xf32>
    %dot_general3A_783 = arith.constant dense<0.000000e+00> : vector<32x4096xf32>
    %dot_general3A_784 = tpu.matmul %get3A_778, %get3A_3, %dot_general3A_783 {dimension_numbers = #tpu.dot_dimension_numbers<[1], [0], [0], [1], [0, 0, 1, 1], [], []>, precision = #tpu.contract_precision<fp32>, transpose_lhs_hint = false} : vector<32x3xf32>, vector<3x4096xf32>, vector<32x4096xf32> -> vector<32x4096xf32>
    %add3A_785 = vector.broadcast %broadcast_in_dim3A_782 : vector<32x1xf32> to vector<32x4096xf32>
    %add3A_786 = vector.broadcast %add3A_21 : vector<1x4096xf32> to vector<32x4096xf32>
    %add3A_787 = arith.addf %add3A_785, %add3A_786 : vector<32x4096xf32>
    %add3A_788 = arith.addf %dot_general3A_784, %dot_general3A_784 : vector<32x4096xf32>
    %sub3A_789 = arith.subf %add3A_787, %add3A_788 : vector<32x4096xf32>
    %reduce_min3A_790 = arith.constant dense<0x7F800000> : vector<32xf32>
    %reduce_min3A_791 = vector.multi_reduction <minimumf>, %sub3A_789, %reduce_min3A_790 [1] : vector<32x4096xf32> to vector<32xf32>
    %reduce_sum3A_792 = vector.shape_cast %reduce_min3A_791 : vector<32xf32> to vector<1x32xf32>
    %reduce_sum3A_793 = arith.constant dense<0.000000e+00> : vector<1xf32>
    %reduce_sum3A_794 = vector.multi_reduction <add>, %reduce_sum3A_792, %reduce_sum3A_793 [1] : vector<1x32xf32> to vector<1xf32>
    %reduce_sum3A_795 = vector.shape_cast %reduce_sum3A_794 : vector<1xf32> to vector<1x1xf32>
    %reduce_sum3A_796 = vector.extract %reduce_sum3A_795[0, 0] : f32 from vector<1x1xf32>
    %add3A_797 = vector.broadcast %reduce_sum3A_796 : f32 to vector<1x1xf32>
    %add3A_798 = arith.addf %add3A_769, %add3A_797 : vector<1x1xf32>
    %reduce_min3A_799 = arith.constant dense<0x7F800000> : vector<4096xf32>
    %reduce_min3A_800 = vector.multi_reduction <minimumf>, %sub3A_789, %reduce_min3A_799 [0] : vector<32x4096xf32> to vector<4096xf32>
    %broadcast_in_dim3A_801 = vector.shape_cast %reduce_min3A_800 : vector<4096xf32> to vector<1x4096xf32>
    %min3A_802 = arith.minimumf %min3A_773, %broadcast_in_dim3A_801 : vector<1x4096xf32>
    %get3A_803 = arith.constant 0 : index
    %get3A_804 = arith.constant 864 : index
    %get3A_805 = arith.constant 0 : index
    %get3A_806 = vector.load %arg1[%get3A_803, %get3A_804, %get3A_805] : memref<1x2048x3xf32, #tpu.memory_space<vmem>>, vector<1x32x3xf32>
    %get3A_807 = vector.shape_cast %get3A_806 : vector<1x32x3xf32> to vector<32x3xf32>
    %mul3A_808 = arith.mulf %get3A_807, %get3A_807 : vector<32x3xf32>
    %reduce_sum3A_809 = arith.constant dense<0.000000e+00> : vector<32xf32>
    %reduce_sum3A_810 = vector.multi_reduction <add>, %mul3A_808, %reduce_sum3A_809 [1] : vector<32x3xf32> to vector<32xf32>
    %broadcast_in_dim3A_811 = vector.shape_cast %reduce_sum3A_810 : vector<32xf32> to vector<32x1xf32>
    %dot_general3A_812 = arith.constant dense<0.000000e+00> : vector<32x4096xf32>
    %dot_general3A_813 = tpu.matmul %get3A_807, %get3A_3, %dot_general3A_812 {dimension_numbers = #tpu.dot_dimension_numbers<[1], [0], [0], [1], [0, 0, 1, 1], [], []>, precision = #tpu.contract_precision<fp32>, transpose_lhs_hint = false} : vector<32x3xf32>, vector<3x4096xf32>, vector<32x4096xf32> -> vector<32x4096xf32>
    %add3A_814 = vector.broadcast %broadcast_in_dim3A_811 : vector<32x1xf32> to vector<32x4096xf32>
    %add3A_815 = vector.broadcast %add3A_21 : vector<1x4096xf32> to vector<32x4096xf32>
    %add3A_816 = arith.addf %add3A_814, %add3A_815 : vector<32x4096xf32>
    %add3A_817 = arith.addf %dot_general3A_813, %dot_general3A_813 : vector<32x4096xf32>
    %sub3A_818 = arith.subf %add3A_816, %add3A_817 : vector<32x4096xf32>
    %reduce_min3A_819 = arith.constant dense<0x7F800000> : vector<32xf32>
    %reduce_min3A_820 = vector.multi_reduction <minimumf>, %sub3A_818, %reduce_min3A_819 [1] : vector<32x4096xf32> to vector<32xf32>
    %reduce_sum3A_821 = vector.shape_cast %reduce_min3A_820 : vector<32xf32> to vector<1x32xf32>
    %reduce_sum3A_822 = arith.constant dense<0.000000e+00> : vector<1xf32>
    %reduce_sum3A_823 = vector.multi_reduction <add>, %reduce_sum3A_821, %reduce_sum3A_822 [1] : vector<1x32xf32> to vector<1xf32>
    %reduce_sum3A_824 = vector.shape_cast %reduce_sum3A_823 : vector<1xf32> to vector<1x1xf32>
    %reduce_sum3A_825 = vector.extract %reduce_sum3A_824[0, 0] : f32 from vector<1x1xf32>
    %add3A_826 = vector.broadcast %reduce_sum3A_825 : f32 to vector<1x1xf32>
    %add3A_827 = arith.addf %add3A_798, %add3A_826 : vector<1x1xf32>
    %reduce_min3A_828 = arith.constant dense<0x7F800000> : vector<4096xf32>
    %reduce_min3A_829 = vector.multi_reduction <minimumf>, %sub3A_818, %reduce_min3A_828 [0] : vector<32x4096xf32> to vector<4096xf32>
    %broadcast_in_dim3A_830 = vector.shape_cast %reduce_min3A_829 : vector<4096xf32> to vector<1x4096xf32>
    %min3A_831 = arith.minimumf %min3A_802, %broadcast_in_dim3A_830 : vector<1x4096xf32>
    %get3A_832 = arith.constant 0 : index
    %get3A_833 = arith.constant 896 : index
    %get3A_834 = arith.constant 0 : index
    %get3A_835 = vector.load %arg1[%get3A_832, %get3A_833, %get3A_834] : memref<1x2048x3xf32, #tpu.memory_space<vmem>>, vector<1x32x3xf32>
    %get3A_836 = vector.shape_cast %get3A_835 : vector<1x32x3xf32> to vector<32x3xf32>
    %mul3A_837 = arith.mulf %get3A_836, %get3A_836 : vector<32x3xf32>
    %reduce_sum3A_838 = arith.constant dense<0.000000e+00> : vector<32xf32>
    %reduce_sum3A_839 = vector.multi_reduction <add>, %mul3A_837, %reduce_sum3A_838 [1] : vector<32x3xf32> to vector<32xf32>
    %broadcast_in_dim3A_840 = vector.shape_cast %reduce_sum3A_839 : vector<32xf32> to vector<32x1xf32>
    %dot_general3A_841 = arith.constant dense<0.000000e+00> : vector<32x4096xf32>
    %dot_general3A_842 = tpu.matmul %get3A_836, %get3A_3, %dot_general3A_841 {dimension_numbers = #tpu.dot_dimension_numbers<[1], [0], [0], [1], [0, 0, 1, 1], [], []>, precision = #tpu.contract_precision<fp32>, transpose_lhs_hint = false} : vector<32x3xf32>, vector<3x4096xf32>, vector<32x4096xf32> -> vector<32x4096xf32>
    %add3A_843 = vector.broadcast %broadcast_in_dim3A_840 : vector<32x1xf32> to vector<32x4096xf32>
    %add3A_844 = vector.broadcast %add3A_21 : vector<1x4096xf32> to vector<32x4096xf32>
    %add3A_845 = arith.addf %add3A_843, %add3A_844 : vector<32x4096xf32>
    %add3A_846 = arith.addf %dot_general3A_842, %dot_general3A_842 : vector<32x4096xf32>
    %sub3A_847 = arith.subf %add3A_845, %add3A_846 : vector<32x4096xf32>
    %reduce_min3A_848 = arith.constant dense<0x7F800000> : vector<32xf32>
    %reduce_min3A_849 = vector.multi_reduction <minimumf>, %sub3A_847, %reduce_min3A_848 [1] : vector<32x4096xf32> to vector<32xf32>
    %reduce_sum3A_850 = vector.shape_cast %reduce_min3A_849 : vector<32xf32> to vector<1x32xf32>
    %reduce_sum3A_851 = arith.constant dense<0.000000e+00> : vector<1xf32>
    %reduce_sum3A_852 = vector.multi_reduction <add>, %reduce_sum3A_850, %reduce_sum3A_851 [1] : vector<1x32xf32> to vector<1xf32>
    %reduce_sum3A_853 = vector.shape_cast %reduce_sum3A_852 : vector<1xf32> to vector<1x1xf32>
    %reduce_sum3A_854 = vector.extract %reduce_sum3A_853[0, 0] : f32 from vector<1x1xf32>
    %add3A_855 = vector.broadcast %reduce_sum3A_854 : f32 to vector<1x1xf32>
    %add3A_856 = arith.addf %add3A_827, %add3A_855 : vector<1x1xf32>
    %reduce_min3A_857 = arith.constant dense<0x7F800000> : vector<4096xf32>
    %reduce_min3A_858 = vector.multi_reduction <minimumf>, %sub3A_847, %reduce_min3A_857 [0] : vector<32x4096xf32> to vector<4096xf32>
    %broadcast_in_dim3A_859 = vector.shape_cast %reduce_min3A_858 : vector<4096xf32> to vector<1x4096xf32>
    %min3A_860 = arith.minimumf %min3A_831, %broadcast_in_dim3A_859 : vector<1x4096xf32>
    %get3A_861 = arith.constant 0 : index
    %get3A_862 = arith.constant 928 : index
    %get3A_863 = arith.constant 0 : index
    %get3A_864 = vector.load %arg1[%get3A_861, %get3A_862, %get3A_863] : memref<1x2048x3xf32, #tpu.memory_space<vmem>>, vector<1x32x3xf32>
    %get3A_865 = vector.shape_cast %get3A_864 : vector<1x32x3xf32> to vector<32x3xf32>
    %mul3A_866 = arith.mulf %get3A_865, %get3A_865 : vector<32x3xf32>
    %reduce_sum3A_867 = arith.constant dense<0.000000e+00> : vector<32xf32>
    %reduce_sum3A_868 = vector.multi_reduction <add>, %mul3A_866, %reduce_sum3A_867 [1] : vector<32x3xf32> to vector<32xf32>
    %broadcast_in_dim3A_869 = vector.shape_cast %reduce_sum3A_868 : vector<32xf32> to vector<32x1xf32>
    %dot_general3A_870 = arith.constant dense<0.000000e+00> : vector<32x4096xf32>
    %dot_general3A_871 = tpu.matmul %get3A_865, %get3A_3, %dot_general3A_870 {dimension_numbers = #tpu.dot_dimension_numbers<[1], [0], [0], [1], [0, 0, 1, 1], [], []>, precision = #tpu.contract_precision<fp32>, transpose_lhs_hint = false} : vector<32x3xf32>, vector<3x4096xf32>, vector<32x4096xf32> -> vector<32x4096xf32>
    %add3A_872 = vector.broadcast %broadcast_in_dim3A_869 : vector<32x1xf32> to vector<32x4096xf32>
    %add3A_873 = vector.broadcast %add3A_21 : vector<1x4096xf32> to vector<32x4096xf32>
    %add3A_874 = arith.addf %add3A_872, %add3A_873 : vector<32x4096xf32>
    %add3A_875 = arith.addf %dot_general3A_871, %dot_general3A_871 : vector<32x4096xf32>
    %sub3A_876 = arith.subf %add3A_874, %add3A_875 : vector<32x4096xf32>
    %reduce_min3A_877 = arith.constant dense<0x7F800000> : vector<32xf32>
    %reduce_min3A_878 = vector.multi_reduction <minimumf>, %sub3A_876, %reduce_min3A_877 [1] : vector<32x4096xf32> to vector<32xf32>
    %reduce_sum3A_879 = vector.shape_cast %reduce_min3A_878 : vector<32xf32> to vector<1x32xf32>
    %reduce_sum3A_880 = arith.constant dense<0.000000e+00> : vector<1xf32>
    %reduce_sum3A_881 = vector.multi_reduction <add>, %reduce_sum3A_879, %reduce_sum3A_880 [1] : vector<1x32xf32> to vector<1xf32>
    %reduce_sum3A_882 = vector.shape_cast %reduce_sum3A_881 : vector<1xf32> to vector<1x1xf32>
    %reduce_sum3A_883 = vector.extract %reduce_sum3A_882[0, 0] : f32 from vector<1x1xf32>
    %add3A_884 = vector.broadcast %reduce_sum3A_883 : f32 to vector<1x1xf32>
    %add3A_885 = arith.addf %add3A_856, %add3A_884 : vector<1x1xf32>
    %reduce_min3A_886 = arith.constant dense<0x7F800000> : vector<4096xf32>
    %reduce_min3A_887 = vector.multi_reduction <minimumf>, %sub3A_876, %reduce_min3A_886 [0] : vector<32x4096xf32> to vector<4096xf32>
    %broadcast_in_dim3A_888 = vector.shape_cast %reduce_min3A_887 : vector<4096xf32> to vector<1x4096xf32>
    %min3A_889 = arith.minimumf %min3A_860, %broadcast_in_dim3A_888 : vector<1x4096xf32>
    %get3A_890 = arith.constant 0 : index
    %get3A_891 = arith.constant 960 : index
    %get3A_892 = arith.constant 0 : index
    %get3A_893 = vector.load %arg1[%get3A_890, %get3A_891, %get3A_892] : memref<1x2048x3xf32, #tpu.memory_space<vmem>>, vector<1x32x3xf32>
    %get3A_894 = vector.shape_cast %get3A_893 : vector<1x32x3xf32> to vector<32x3xf32>
    %mul3A_895 = arith.mulf %get3A_894, %get3A_894 : vector<32x3xf32>
    %reduce_sum3A_896 = arith.constant dense<0.000000e+00> : vector<32xf32>
    %reduce_sum3A_897 = vector.multi_reduction <add>, %mul3A_895, %reduce_sum3A_896 [1] : vector<32x3xf32> to vector<32xf32>
    %broadcast_in_dim3A_898 = vector.shape_cast %reduce_sum3A_897 : vector<32xf32> to vector<32x1xf32>
    %dot_general3A_899 = arith.constant dense<0.000000e+00> : vector<32x4096xf32>
    %dot_general3A_900 = tpu.matmul %get3A_894, %get3A_3, %dot_general3A_899 {dimension_numbers = #tpu.dot_dimension_numbers<[1], [0], [0], [1], [0, 0, 1, 1], [], []>, precision = #tpu.contract_precision<fp32>, transpose_lhs_hint = false} : vector<32x3xf32>, vector<3x4096xf32>, vector<32x4096xf32> -> vector<32x4096xf32>
    %add3A_901 = vector.broadcast %broadcast_in_dim3A_898 : vector<32x1xf32> to vector<32x4096xf32>
    %add3A_902 = vector.broadcast %add3A_21 : vector<1x4096xf32> to vector<32x4096xf32>
    %add3A_903 = arith.addf %add3A_901, %add3A_902 : vector<32x4096xf32>
    %add3A_904 = arith.addf %dot_general3A_900, %dot_general3A_900 : vector<32x4096xf32>
    %sub3A_905 = arith.subf %add3A_903, %add3A_904 : vector<32x4096xf32>
    %reduce_min3A_906 = arith.constant dense<0x7F800000> : vector<32xf32>
    %reduce_min3A_907 = vector.multi_reduction <minimumf>, %sub3A_905, %reduce_min3A_906 [1] : vector<32x4096xf32> to vector<32xf32>
    %reduce_sum3A_908 = vector.shape_cast %reduce_min3A_907 : vector<32xf32> to vector<1x32xf32>
    %reduce_sum3A_909 = arith.constant dense<0.000000e+00> : vector<1xf32>
    %reduce_sum3A_910 = vector.multi_reduction <add>, %reduce_sum3A_908, %reduce_sum3A_909 [1] : vector<1x32xf32> to vector<1xf32>
    %reduce_sum3A_911 = vector.shape_cast %reduce_sum3A_910 : vector<1xf32> to vector<1x1xf32>
    %reduce_sum3A_912 = vector.extract %reduce_sum3A_911[0, 0] : f32 from vector<1x1xf32>
    %add3A_913 = vector.broadcast %reduce_sum3A_912 : f32 to vector<1x1xf32>
    %add3A_914 = arith.addf %add3A_885, %add3A_913 : vector<1x1xf32>
    %reduce_min3A_915 = arith.constant dense<0x7F800000> : vector<4096xf32>
    %reduce_min3A_916 = vector.multi_reduction <minimumf>, %sub3A_905, %reduce_min3A_915 [0] : vector<32x4096xf32> to vector<4096xf32>
    %broadcast_in_dim3A_917 = vector.shape_cast %reduce_min3A_916 : vector<4096xf32> to vector<1x4096xf32>
    %min3A_918 = arith.minimumf %min3A_889, %broadcast_in_dim3A_917 : vector<1x4096xf32>
    %get3A_919 = arith.constant 0 : index
    %get3A_920 = arith.constant 992 : index
    %get3A_921 = arith.constant 0 : index
    %get3A_922 = vector.load %arg1[%get3A_919, %get3A_920, %get3A_921] : memref<1x2048x3xf32, #tpu.memory_space<vmem>>, vector<1x32x3xf32>
    %get3A_923 = vector.shape_cast %get3A_922 : vector<1x32x3xf32> to vector<32x3xf32>
    %mul3A_924 = arith.mulf %get3A_923, %get3A_923 : vector<32x3xf32>
    %reduce_sum3A_925 = arith.constant dense<0.000000e+00> : vector<32xf32>
    %reduce_sum3A_926 = vector.multi_reduction <add>, %mul3A_924, %reduce_sum3A_925 [1] : vector<32x3xf32> to vector<32xf32>
    %broadcast_in_dim3A_927 = vector.shape_cast %reduce_sum3A_926 : vector<32xf32> to vector<32x1xf32>
    %dot_general3A_928 = arith.constant dense<0.000000e+00> : vector<32x4096xf32>
    %dot_general3A_929 = tpu.matmul %get3A_923, %get3A_3, %dot_general3A_928 {dimension_numbers = #tpu.dot_dimension_numbers<[1], [0], [0], [1], [0, 0, 1, 1], [], []>, precision = #tpu.contract_precision<fp32>, transpose_lhs_hint = false} : vector<32x3xf32>, vector<3x4096xf32>, vector<32x4096xf32> -> vector<32x4096xf32>
    %add3A_930 = vector.broadcast %broadcast_in_dim3A_927 : vector<32x1xf32> to vector<32x4096xf32>
    %add3A_931 = vector.broadcast %add3A_21 : vector<1x4096xf32> to vector<32x4096xf32>
    %add3A_932 = arith.addf %add3A_930, %add3A_931 : vector<32x4096xf32>
    %add3A_933 = arith.addf %dot_general3A_929, %dot_general3A_929 : vector<32x4096xf32>
    %sub3A_934 = arith.subf %add3A_932, %add3A_933 : vector<32x4096xf32>
    %reduce_min3A_935 = arith.constant dense<0x7F800000> : vector<32xf32>
    %reduce_min3A_936 = vector.multi_reduction <minimumf>, %sub3A_934, %reduce_min3A_935 [1] : vector<32x4096xf32> to vector<32xf32>
    %reduce_sum3A_937 = vector.shape_cast %reduce_min3A_936 : vector<32xf32> to vector<1x32xf32>
    %reduce_sum3A_938 = arith.constant dense<0.000000e+00> : vector<1xf32>
    %reduce_sum3A_939 = vector.multi_reduction <add>, %reduce_sum3A_937, %reduce_sum3A_938 [1] : vector<1x32xf32> to vector<1xf32>
    %reduce_sum3A_940 = vector.shape_cast %reduce_sum3A_939 : vector<1xf32> to vector<1x1xf32>
    %reduce_sum3A_941 = vector.extract %reduce_sum3A_940[0, 0] : f32 from vector<1x1xf32>
    %add3A_942 = vector.broadcast %reduce_sum3A_941 : f32 to vector<1x1xf32>
    %add3A_943 = arith.addf %add3A_914, %add3A_942 : vector<1x1xf32>
    %reduce_min3A_944 = arith.constant dense<0x7F800000> : vector<4096xf32>
    %reduce_min3A_945 = vector.multi_reduction <minimumf>, %sub3A_934, %reduce_min3A_944 [0] : vector<32x4096xf32> to vector<4096xf32>
    %broadcast_in_dim3A_946 = vector.shape_cast %reduce_min3A_945 : vector<4096xf32> to vector<1x4096xf32>
    %min3A_947 = arith.minimumf %min3A_918, %broadcast_in_dim3A_946 : vector<1x4096xf32>
    %get3A_948 = arith.constant 0 : index
    %get3A_949 = arith.constant 1024 : index
    %get3A_950 = arith.constant 0 : index
    %get3A_951 = vector.load %arg1[%get3A_948, %get3A_949, %get3A_950] : memref<1x2048x3xf32, #tpu.memory_space<vmem>>, vector<1x32x3xf32>
    %get3A_952 = vector.shape_cast %get3A_951 : vector<1x32x3xf32> to vector<32x3xf32>
    %mul3A_953 = arith.mulf %get3A_952, %get3A_952 : vector<32x3xf32>
    %reduce_sum3A_954 = arith.constant dense<0.000000e+00> : vector<32xf32>
    %reduce_sum3A_955 = vector.multi_reduction <add>, %mul3A_953, %reduce_sum3A_954 [1] : vector<32x3xf32> to vector<32xf32>
    %broadcast_in_dim3A_956 = vector.shape_cast %reduce_sum3A_955 : vector<32xf32> to vector<32x1xf32>
    %dot_general3A_957 = arith.constant dense<0.000000e+00> : vector<32x4096xf32>
    %dot_general3A_958 = tpu.matmul %get3A_952, %get3A_3, %dot_general3A_957 {dimension_numbers = #tpu.dot_dimension_numbers<[1], [0], [0], [1], [0, 0, 1, 1], [], []>, precision = #tpu.contract_precision<fp32>, transpose_lhs_hint = false} : vector<32x3xf32>, vector<3x4096xf32>, vector<32x4096xf32> -> vector<32x4096xf32>
    %add3A_959 = vector.broadcast %broadcast_in_dim3A_956 : vector<32x1xf32> to vector<32x4096xf32>
    %add3A_960 = vector.broadcast %add3A_21 : vector<1x4096xf32> to vector<32x4096xf32>
    %add3A_961 = arith.addf %add3A_959, %add3A_960 : vector<32x4096xf32>
    %add3A_962 = arith.addf %dot_general3A_958, %dot_general3A_958 : vector<32x4096xf32>
    %sub3A_963 = arith.subf %add3A_961, %add3A_962 : vector<32x4096xf32>
    %reduce_min3A_964 = arith.constant dense<0x7F800000> : vector<32xf32>
    %reduce_min3A_965 = vector.multi_reduction <minimumf>, %sub3A_963, %reduce_min3A_964 [1] : vector<32x4096xf32> to vector<32xf32>
    %reduce_sum3A_966 = vector.shape_cast %reduce_min3A_965 : vector<32xf32> to vector<1x32xf32>
    %reduce_sum3A_967 = arith.constant dense<0.000000e+00> : vector<1xf32>
    %reduce_sum3A_968 = vector.multi_reduction <add>, %reduce_sum3A_966, %reduce_sum3A_967 [1] : vector<1x32xf32> to vector<1xf32>
    %reduce_sum3A_969 = vector.shape_cast %reduce_sum3A_968 : vector<1xf32> to vector<1x1xf32>
    %reduce_sum3A_970 = vector.extract %reduce_sum3A_969[0, 0] : f32 from vector<1x1xf32>
    %add3A_971 = vector.broadcast %reduce_sum3A_970 : f32 to vector<1x1xf32>
    %add3A_972 = arith.addf %add3A_943, %add3A_971 : vector<1x1xf32>
    %reduce_min3A_973 = arith.constant dense<0x7F800000> : vector<4096xf32>
    %reduce_min3A_974 = vector.multi_reduction <minimumf>, %sub3A_963, %reduce_min3A_973 [0] : vector<32x4096xf32> to vector<4096xf32>
    %broadcast_in_dim3A_975 = vector.shape_cast %reduce_min3A_974 : vector<4096xf32> to vector<1x4096xf32>
    %min3A_976 = arith.minimumf %min3A_947, %broadcast_in_dim3A_975 : vector<1x4096xf32>
    %get3A_977 = arith.constant 0 : index
    %get3A_978 = arith.constant 1056 : index
    %get3A_979 = arith.constant 0 : index
    %get3A_980 = vector.load %arg1[%get3A_977, %get3A_978, %get3A_979] : memref<1x2048x3xf32, #tpu.memory_space<vmem>>, vector<1x32x3xf32>
    %get3A_981 = vector.shape_cast %get3A_980 : vector<1x32x3xf32> to vector<32x3xf32>
    %mul3A_982 = arith.mulf %get3A_981, %get3A_981 : vector<32x3xf32>
    %reduce_sum3A_983 = arith.constant dense<0.000000e+00> : vector<32xf32>
    %reduce_sum3A_984 = vector.multi_reduction <add>, %mul3A_982, %reduce_sum3A_983 [1] : vector<32x3xf32> to vector<32xf32>
    %broadcast_in_dim3A_985 = vector.shape_cast %reduce_sum3A_984 : vector<32xf32> to vector<32x1xf32>
    %dot_general3A_986 = arith.constant dense<0.000000e+00> : vector<32x4096xf32>
    %dot_general3A_987 = tpu.matmul %get3A_981, %get3A_3, %dot_general3A_986 {dimension_numbers = #tpu.dot_dimension_numbers<[1], [0], [0], [1], [0, 0, 1, 1], [], []>, precision = #tpu.contract_precision<fp32>, transpose_lhs_hint = false} : vector<32x3xf32>, vector<3x4096xf32>, vector<32x4096xf32> -> vector<32x4096xf32>
    %add3A_988 = vector.broadcast %broadcast_in_dim3A_985 : vector<32x1xf32> to vector<32x4096xf32>
    %add3A_989 = vector.broadcast %add3A_21 : vector<1x4096xf32> to vector<32x4096xf32>
    %add3A_990 = arith.addf %add3A_988, %add3A_989 : vector<32x4096xf32>
    %add3A_991 = arith.addf %dot_general3A_987, %dot_general3A_987 : vector<32x4096xf32>
    %sub3A_992 = arith.subf %add3A_990, %add3A_991 : vector<32x4096xf32>
    %reduce_min3A_993 = arith.constant dense<0x7F800000> : vector<32xf32>
    %reduce_min3A_994 = vector.multi_reduction <minimumf>, %sub3A_992, %reduce_min3A_993 [1] : vector<32x4096xf32> to vector<32xf32>
    %reduce_sum3A_995 = vector.shape_cast %reduce_min3A_994 : vector<32xf32> to vector<1x32xf32>
    %reduce_sum3A_996 = arith.constant dense<0.000000e+00> : vector<1xf32>
    %reduce_sum3A_997 = vector.multi_reduction <add>, %reduce_sum3A_995, %reduce_sum3A_996 [1] : vector<1x32xf32> to vector<1xf32>
    %reduce_sum3A_998 = vector.shape_cast %reduce_sum3A_997 : vector<1xf32> to vector<1x1xf32>
    %reduce_sum3A_999 = vector.extract %reduce_sum3A_998[0, 0] : f32 from vector<1x1xf32>
    %add3A_1000 = vector.broadcast %reduce_sum3A_999 : f32 to vector<1x1xf32>
    %add3A_1001 = arith.addf %add3A_972, %add3A_1000 : vector<1x1xf32>
    %reduce_min3A_1002 = arith.constant dense<0x7F800000> : vector<4096xf32>
    %reduce_min3A_1003 = vector.multi_reduction <minimumf>, %sub3A_992, %reduce_min3A_1002 [0] : vector<32x4096xf32> to vector<4096xf32>
    %broadcast_in_dim3A_1004 = vector.shape_cast %reduce_min3A_1003 : vector<4096xf32> to vector<1x4096xf32>
    %min3A_1005 = arith.minimumf %min3A_976, %broadcast_in_dim3A_1004 : vector<1x4096xf32>
    %get3A_1006 = arith.constant 0 : index
    %get3A_1007 = arith.constant 1088 : index
    %get3A_1008 = arith.constant 0 : index
    %get3A_1009 = vector.load %arg1[%get3A_1006, %get3A_1007, %get3A_1008] : memref<1x2048x3xf32, #tpu.memory_space<vmem>>, vector<1x32x3xf32>
    %get3A_1010 = vector.shape_cast %get3A_1009 : vector<1x32x3xf32> to vector<32x3xf32>
    %mul3A_1011 = arith.mulf %get3A_1010, %get3A_1010 : vector<32x3xf32>
    %reduce_sum3A_1012 = arith.constant dense<0.000000e+00> : vector<32xf32>
    %reduce_sum3A_1013 = vector.multi_reduction <add>, %mul3A_1011, %reduce_sum3A_1012 [1] : vector<32x3xf32> to vector<32xf32>
    %broadcast_in_dim3A_1014 = vector.shape_cast %reduce_sum3A_1013 : vector<32xf32> to vector<32x1xf32>
    %dot_general3A_1015 = arith.constant dense<0.000000e+00> : vector<32x4096xf32>
    %dot_general3A_1016 = tpu.matmul %get3A_1010, %get3A_3, %dot_general3A_1015 {dimension_numbers = #tpu.dot_dimension_numbers<[1], [0], [0], [1], [0, 0, 1, 1], [], []>, precision = #tpu.contract_precision<fp32>, transpose_lhs_hint = false} : vector<32x3xf32>, vector<3x4096xf32>, vector<32x4096xf32> -> vector<32x4096xf32>
    %add3A_1017 = vector.broadcast %broadcast_in_dim3A_1014 : vector<32x1xf32> to vector<32x4096xf32>
    %add3A_1018 = vector.broadcast %add3A_21 : vector<1x4096xf32> to vector<32x4096xf32>
    %add3A_1019 = arith.addf %add3A_1017, %add3A_1018 : vector<32x4096xf32>
    %add3A_1020 = arith.addf %dot_general3A_1016, %dot_general3A_1016 : vector<32x4096xf32>
    %sub3A_1021 = arith.subf %add3A_1019, %add3A_1020 : vector<32x4096xf32>
    %reduce_min3A_1022 = arith.constant dense<0x7F800000> : vector<32xf32>
    %reduce_min3A_1023 = vector.multi_reduction <minimumf>, %sub3A_1021, %reduce_min3A_1022 [1] : vector<32x4096xf32> to vector<32xf32>
    %reduce_sum3A_1024 = vector.shape_cast %reduce_min3A_1023 : vector<32xf32> to vector<1x32xf32>
    %reduce_sum3A_1025 = arith.constant dense<0.000000e+00> : vector<1xf32>
    %reduce_sum3A_1026 = vector.multi_reduction <add>, %reduce_sum3A_1024, %reduce_sum3A_1025 [1] : vector<1x32xf32> to vector<1xf32>
    %reduce_sum3A_1027 = vector.shape_cast %reduce_sum3A_1026 : vector<1xf32> to vector<1x1xf32>
    %reduce_sum3A_1028 = vector.extract %reduce_sum3A_1027[0, 0] : f32 from vector<1x1xf32>
    %add3A_1029 = vector.broadcast %reduce_sum3A_1028 : f32 to vector<1x1xf32>
    %add3A_1030 = arith.addf %add3A_1001, %add3A_1029 : vector<1x1xf32>
    %reduce_min3A_1031 = arith.constant dense<0x7F800000> : vector<4096xf32>
    %reduce_min3A_1032 = vector.multi_reduction <minimumf>, %sub3A_1021, %reduce_min3A_1031 [0] : vector<32x4096xf32> to vector<4096xf32>
    %broadcast_in_dim3A_1033 = vector.shape_cast %reduce_min3A_1032 : vector<4096xf32> to vector<1x4096xf32>
    %min3A_1034 = arith.minimumf %min3A_1005, %broadcast_in_dim3A_1033 : vector<1x4096xf32>
    %get3A_1035 = arith.constant 0 : index
    %get3A_1036 = arith.constant 1120 : index
    %get3A_1037 = arith.constant 0 : index
    %get3A_1038 = vector.load %arg1[%get3A_1035, %get3A_1036, %get3A_1037] : memref<1x2048x3xf32, #tpu.memory_space<vmem>>, vector<1x32x3xf32>
    %get3A_1039 = vector.shape_cast %get3A_1038 : vector<1x32x3xf32> to vector<32x3xf32>
    %mul3A_1040 = arith.mulf %get3A_1039, %get3A_1039 : vector<32x3xf32>
    %reduce_sum3A_1041 = arith.constant dense<0.000000e+00> : vector<32xf32>
    %reduce_sum3A_1042 = vector.multi_reduction <add>, %mul3A_1040, %reduce_sum3A_1041 [1] : vector<32x3xf32> to vector<32xf32>
    %broadcast_in_dim3A_1043 = vector.shape_cast %reduce_sum3A_1042 : vector<32xf32> to vector<32x1xf32>
    %dot_general3A_1044 = arith.constant dense<0.000000e+00> : vector<32x4096xf32>
    %dot_general3A_1045 = tpu.matmul %get3A_1039, %get3A_3, %dot_general3A_1044 {dimension_numbers = #tpu.dot_dimension_numbers<[1], [0], [0], [1], [0, 0, 1, 1], [], []>, precision = #tpu.contract_precision<fp32>, transpose_lhs_hint = false} : vector<32x3xf32>, vector<3x4096xf32>, vector<32x4096xf32> -> vector<32x4096xf32>
    %add3A_1046 = vector.broadcast %broadcast_in_dim3A_1043 : vector<32x1xf32> to vector<32x4096xf32>
    %add3A_1047 = vector.broadcast %add3A_21 : vector<1x4096xf32> to vector<32x4096xf32>
    %add3A_1048 = arith.addf %add3A_1046, %add3A_1047 : vector<32x4096xf32>
    %add3A_1049 = arith.addf %dot_general3A_1045, %dot_general3A_1045 : vector<32x4096xf32>
    %sub3A_1050 = arith.subf %add3A_1048, %add3A_1049 : vector<32x4096xf32>
    %reduce_min3A_1051 = arith.constant dense<0x7F800000> : vector<32xf32>
    %reduce_min3A_1052 = vector.multi_reduction <minimumf>, %sub3A_1050, %reduce_min3A_1051 [1] : vector<32x4096xf32> to vector<32xf32>
    %reduce_sum3A_1053 = vector.shape_cast %reduce_min3A_1052 : vector<32xf32> to vector<1x32xf32>
    %reduce_sum3A_1054 = arith.constant dense<0.000000e+00> : vector<1xf32>
    %reduce_sum3A_1055 = vector.multi_reduction <add>, %reduce_sum3A_1053, %reduce_sum3A_1054 [1] : vector<1x32xf32> to vector<1xf32>
    %reduce_sum3A_1056 = vector.shape_cast %reduce_sum3A_1055 : vector<1xf32> to vector<1x1xf32>
    %reduce_sum3A_1057 = vector.extract %reduce_sum3A_1056[0, 0] : f32 from vector<1x1xf32>
    %add3A_1058 = vector.broadcast %reduce_sum3A_1057 : f32 to vector<1x1xf32>
    %add3A_1059 = arith.addf %add3A_1030, %add3A_1058 : vector<1x1xf32>
    %reduce_min3A_1060 = arith.constant dense<0x7F800000> : vector<4096xf32>
    %reduce_min3A_1061 = vector.multi_reduction <minimumf>, %sub3A_1050, %reduce_min3A_1060 [0] : vector<32x4096xf32> to vector<4096xf32>
    %broadcast_in_dim3A_1062 = vector.shape_cast %reduce_min3A_1061 : vector<4096xf32> to vector<1x4096xf32>
    %min3A_1063 = arith.minimumf %min3A_1034, %broadcast_in_dim3A_1062 : vector<1x4096xf32>
    %get3A_1064 = arith.constant 0 : index
    %get3A_1065 = arith.constant 1152 : index
    %get3A_1066 = arith.constant 0 : index
    %get3A_1067 = vector.load %arg1[%get3A_1064, %get3A_1065, %get3A_1066] : memref<1x2048x3xf32, #tpu.memory_space<vmem>>, vector<1x32x3xf32>
    %get3A_1068 = vector.shape_cast %get3A_1067 : vector<1x32x3xf32> to vector<32x3xf32>
    %mul3A_1069 = arith.mulf %get3A_1068, %get3A_1068 : vector<32x3xf32>
    %reduce_sum3A_1070 = arith.constant dense<0.000000e+00> : vector<32xf32>
    %reduce_sum3A_1071 = vector.multi_reduction <add>, %mul3A_1069, %reduce_sum3A_1070 [1] : vector<32x3xf32> to vector<32xf32>
    %broadcast_in_dim3A_1072 = vector.shape_cast %reduce_sum3A_1071 : vector<32xf32> to vector<32x1xf32>
    %dot_general3A_1073 = arith.constant dense<0.000000e+00> : vector<32x4096xf32>
    %dot_general3A_1074 = tpu.matmul %get3A_1068, %get3A_3, %dot_general3A_1073 {dimension_numbers = #tpu.dot_dimension_numbers<[1], [0], [0], [1], [0, 0, 1, 1], [], []>, precision = #tpu.contract_precision<fp32>, transpose_lhs_hint = false} : vector<32x3xf32>, vector<3x4096xf32>, vector<32x4096xf32> -> vector<32x4096xf32>
    %add3A_1075 = vector.broadcast %broadcast_in_dim3A_1072 : vector<32x1xf32> to vector<32x4096xf32>
    %add3A_1076 = vector.broadcast %add3A_21 : vector<1x4096xf32> to vector<32x4096xf32>
    %add3A_1077 = arith.addf %add3A_1075, %add3A_1076 : vector<32x4096xf32>
    %add3A_1078 = arith.addf %dot_general3A_1074, %dot_general3A_1074 : vector<32x4096xf32>
    %sub3A_1079 = arith.subf %add3A_1077, %add3A_1078 : vector<32x4096xf32>
    %reduce_min3A_1080 = arith.constant dense<0x7F800000> : vector<32xf32>
    %reduce_min3A_1081 = vector.multi_reduction <minimumf>, %sub3A_1079, %reduce_min3A_1080 [1] : vector<32x4096xf32> to vector<32xf32>
    %reduce_sum3A_1082 = vector.shape_cast %reduce_min3A_1081 : vector<32xf32> to vector<1x32xf32>
    %reduce_sum3A_1083 = arith.constant dense<0.000000e+00> : vector<1xf32>
    %reduce_sum3A_1084 = vector.multi_reduction <add>, %reduce_sum3A_1082, %reduce_sum3A_1083 [1] : vector<1x32xf32> to vector<1xf32>
    %reduce_sum3A_1085 = vector.shape_cast %reduce_sum3A_1084 : vector<1xf32> to vector<1x1xf32>
    %reduce_sum3A_1086 = vector.extract %reduce_sum3A_1085[0, 0] : f32 from vector<1x1xf32>
    %add3A_1087 = vector.broadcast %reduce_sum3A_1086 : f32 to vector<1x1xf32>
    %add3A_1088 = arith.addf %add3A_1059, %add3A_1087 : vector<1x1xf32>
    %reduce_min3A_1089 = arith.constant dense<0x7F800000> : vector<4096xf32>
    %reduce_min3A_1090 = vector.multi_reduction <minimumf>, %sub3A_1079, %reduce_min3A_1089 [0] : vector<32x4096xf32> to vector<4096xf32>
    %broadcast_in_dim3A_1091 = vector.shape_cast %reduce_min3A_1090 : vector<4096xf32> to vector<1x4096xf32>
    %min3A_1092 = arith.minimumf %min3A_1063, %broadcast_in_dim3A_1091 : vector<1x4096xf32>
    %get3A_1093 = arith.constant 0 : index
    %get3A_1094 = arith.constant 1184 : index
    %get3A_1095 = arith.constant 0 : index
    %get3A_1096 = vector.load %arg1[%get3A_1093, %get3A_1094, %get3A_1095] : memref<1x2048x3xf32, #tpu.memory_space<vmem>>, vector<1x32x3xf32>
    %get3A_1097 = vector.shape_cast %get3A_1096 : vector<1x32x3xf32> to vector<32x3xf32>
    %mul3A_1098 = arith.mulf %get3A_1097, %get3A_1097 : vector<32x3xf32>
    %reduce_sum3A_1099 = arith.constant dense<0.000000e+00> : vector<32xf32>
    %reduce_sum3A_1100 = vector.multi_reduction <add>, %mul3A_1098, %reduce_sum3A_1099 [1] : vector<32x3xf32> to vector<32xf32>
    %broadcast_in_dim3A_1101 = vector.shape_cast %reduce_sum3A_1100 : vector<32xf32> to vector<32x1xf32>
    %dot_general3A_1102 = arith.constant dense<0.000000e+00> : vector<32x4096xf32>
    %dot_general3A_1103 = tpu.matmul %get3A_1097, %get3A_3, %dot_general3A_1102 {dimension_numbers = #tpu.dot_dimension_numbers<[1], [0], [0], [1], [0, 0, 1, 1], [], []>, precision = #tpu.contract_precision<fp32>, transpose_lhs_hint = false} : vector<32x3xf32>, vector<3x4096xf32>, vector<32x4096xf32> -> vector<32x4096xf32>
    %add3A_1104 = vector.broadcast %broadcast_in_dim3A_1101 : vector<32x1xf32> to vector<32x4096xf32>
    %add3A_1105 = vector.broadcast %add3A_21 : vector<1x4096xf32> to vector<32x4096xf32>
    %add3A_1106 = arith.addf %add3A_1104, %add3A_1105 : vector<32x4096xf32>
    %add3A_1107 = arith.addf %dot_general3A_1103, %dot_general3A_1103 : vector<32x4096xf32>
    %sub3A_1108 = arith.subf %add3A_1106, %add3A_1107 : vector<32x4096xf32>
    %reduce_min3A_1109 = arith.constant dense<0x7F800000> : vector<32xf32>
    %reduce_min3A_1110 = vector.multi_reduction <minimumf>, %sub3A_1108, %reduce_min3A_1109 [1] : vector<32x4096xf32> to vector<32xf32>
    %reduce_sum3A_1111 = vector.shape_cast %reduce_min3A_1110 : vector<32xf32> to vector<1x32xf32>
    %reduce_sum3A_1112 = arith.constant dense<0.000000e+00> : vector<1xf32>
    %reduce_sum3A_1113 = vector.multi_reduction <add>, %reduce_sum3A_1111, %reduce_sum3A_1112 [1] : vector<1x32xf32> to vector<1xf32>
    %reduce_sum3A_1114 = vector.shape_cast %reduce_sum3A_1113 : vector<1xf32> to vector<1x1xf32>
    %reduce_sum3A_1115 = vector.extract %reduce_sum3A_1114[0, 0] : f32 from vector<1x1xf32>
    %add3A_1116 = vector.broadcast %reduce_sum3A_1115 : f32 to vector<1x1xf32>
    %add3A_1117 = arith.addf %add3A_1088, %add3A_1116 : vector<1x1xf32>
    %reduce_min3A_1118 = arith.constant dense<0x7F800000> : vector<4096xf32>
    %reduce_min3A_1119 = vector.multi_reduction <minimumf>, %sub3A_1108, %reduce_min3A_1118 [0] : vector<32x4096xf32> to vector<4096xf32>
    %broadcast_in_dim3A_1120 = vector.shape_cast %reduce_min3A_1119 : vector<4096xf32> to vector<1x4096xf32>
    %min3A_1121 = arith.minimumf %min3A_1092, %broadcast_in_dim3A_1120 : vector<1x4096xf32>
    %get3A_1122 = arith.constant 0 : index
    %get3A_1123 = arith.constant 1216 : index
    %get3A_1124 = arith.constant 0 : index
    %get3A_1125 = vector.load %arg1[%get3A_1122, %get3A_1123, %get3A_1124] : memref<1x2048x3xf32, #tpu.memory_space<vmem>>, vector<1x32x3xf32>
    %get3A_1126 = vector.shape_cast %get3A_1125 : vector<1x32x3xf32> to vector<32x3xf32>
    %mul3A_1127 = arith.mulf %get3A_1126, %get3A_1126 : vector<32x3xf32>
    %reduce_sum3A_1128 = arith.constant dense<0.000000e+00> : vector<32xf32>
    %reduce_sum3A_1129 = vector.multi_reduction <add>, %mul3A_1127, %reduce_sum3A_1128 [1] : vector<32x3xf32> to vector<32xf32>
    %broadcast_in_dim3A_1130 = vector.shape_cast %reduce_sum3A_1129 : vector<32xf32> to vector<32x1xf32>
    %dot_general3A_1131 = arith.constant dense<0.000000e+00> : vector<32x4096xf32>
    %dot_general3A_1132 = tpu.matmul %get3A_1126, %get3A_3, %dot_general3A_1131 {dimension_numbers = #tpu.dot_dimension_numbers<[1], [0], [0], [1], [0, 0, 1, 1], [], []>, precision = #tpu.contract_precision<fp32>, transpose_lhs_hint = false} : vector<32x3xf32>, vector<3x4096xf32>, vector<32x4096xf32> -> vector<32x4096xf32>
    %add3A_1133 = vector.broadcast %broadcast_in_dim3A_1130 : vector<32x1xf32> to vector<32x4096xf32>
    %add3A_1134 = vector.broadcast %add3A_21 : vector<1x4096xf32> to vector<32x4096xf32>
    %add3A_1135 = arith.addf %add3A_1133, %add3A_1134 : vector<32x4096xf32>
    %add3A_1136 = arith.addf %dot_general3A_1132, %dot_general3A_1132 : vector<32x4096xf32>
    %sub3A_1137 = arith.subf %add3A_1135, %add3A_1136 : vector<32x4096xf32>
    %reduce_min3A_1138 = arith.constant dense<0x7F800000> : vector<32xf32>
    %reduce_min3A_1139 = vector.multi_reduction <minimumf>, %sub3A_1137, %reduce_min3A_1138 [1] : vector<32x4096xf32> to vector<32xf32>
    %reduce_sum3A_1140 = vector.shape_cast %reduce_min3A_1139 : vector<32xf32> to vector<1x32xf32>
    %reduce_sum3A_1141 = arith.constant dense<0.000000e+00> : vector<1xf32>
    %reduce_sum3A_1142 = vector.multi_reduction <add>, %reduce_sum3A_1140, %reduce_sum3A_1141 [1] : vector<1x32xf32> to vector<1xf32>
    %reduce_sum3A_1143 = vector.shape_cast %reduce_sum3A_1142 : vector<1xf32> to vector<1x1xf32>
    %reduce_sum3A_1144 = vector.extract %reduce_sum3A_1143[0, 0] : f32 from vector<1x1xf32>
    %add3A_1145 = vector.broadcast %reduce_sum3A_1144 : f32 to vector<1x1xf32>
    %add3A_1146 = arith.addf %add3A_1117, %add3A_1145 : vector<1x1xf32>
    %reduce_min3A_1147 = arith.constant dense<0x7F800000> : vector<4096xf32>
    %reduce_min3A_1148 = vector.multi_reduction <minimumf>, %sub3A_1137, %reduce_min3A_1147 [0] : vector<32x4096xf32> to vector<4096xf32>
    %broadcast_in_dim3A_1149 = vector.shape_cast %reduce_min3A_1148 : vector<4096xf32> to vector<1x4096xf32>
    %min3A_1150 = arith.minimumf %min3A_1121, %broadcast_in_dim3A_1149 : vector<1x4096xf32>
    %get3A_1151 = arith.constant 0 : index
    %get3A_1152 = arith.constant 1248 : index
    %get3A_1153 = arith.constant 0 : index
    %get3A_1154 = vector.load %arg1[%get3A_1151, %get3A_1152, %get3A_1153] : memref<1x2048x3xf32, #tpu.memory_space<vmem>>, vector<1x32x3xf32>
    %get3A_1155 = vector.shape_cast %get3A_1154 : vector<1x32x3xf32> to vector<32x3xf32>
    %mul3A_1156 = arith.mulf %get3A_1155, %get3A_1155 : vector<32x3xf32>
    %reduce_sum3A_1157 = arith.constant dense<0.000000e+00> : vector<32xf32>
    %reduce_sum3A_1158 = vector.multi_reduction <add>, %mul3A_1156, %reduce_sum3A_1157 [1] : vector<32x3xf32> to vector<32xf32>
    %broadcast_in_dim3A_1159 = vector.shape_cast %reduce_sum3A_1158 : vector<32xf32> to vector<32x1xf32>
    %dot_general3A_1160 = arith.constant dense<0.000000e+00> : vector<32x4096xf32>
    %dot_general3A_1161 = tpu.matmul %get3A_1155, %get3A_3, %dot_general3A_1160 {dimension_numbers = #tpu.dot_dimension_numbers<[1], [0], [0], [1], [0, 0, 1, 1], [], []>, precision = #tpu.contract_precision<fp32>, transpose_lhs_hint = false} : vector<32x3xf32>, vector<3x4096xf32>, vector<32x4096xf32> -> vector<32x4096xf32>
    %add3A_1162 = vector.broadcast %broadcast_in_dim3A_1159 : vector<32x1xf32> to vector<32x4096xf32>
    %add3A_1163 = vector.broadcast %add3A_21 : vector<1x4096xf32> to vector<32x4096xf32>
    %add3A_1164 = arith.addf %add3A_1162, %add3A_1163 : vector<32x4096xf32>
    %add3A_1165 = arith.addf %dot_general3A_1161, %dot_general3A_1161 : vector<32x4096xf32>
    %sub3A_1166 = arith.subf %add3A_1164, %add3A_1165 : vector<32x4096xf32>
    %reduce_min3A_1167 = arith.constant dense<0x7F800000> : vector<32xf32>
    %reduce_min3A_1168 = vector.multi_reduction <minimumf>, %sub3A_1166, %reduce_min3A_1167 [1] : vector<32x4096xf32> to vector<32xf32>
    %reduce_sum3A_1169 = vector.shape_cast %reduce_min3A_1168 : vector<32xf32> to vector<1x32xf32>
    %reduce_sum3A_1170 = arith.constant dense<0.000000e+00> : vector<1xf32>
    %reduce_sum3A_1171 = vector.multi_reduction <add>, %reduce_sum3A_1169, %reduce_sum3A_1170 [1] : vector<1x32xf32> to vector<1xf32>
    %reduce_sum3A_1172 = vector.shape_cast %reduce_sum3A_1171 : vector<1xf32> to vector<1x1xf32>
    %reduce_sum3A_1173 = vector.extract %reduce_sum3A_1172[0, 0] : f32 from vector<1x1xf32>
    %add3A_1174 = vector.broadcast %reduce_sum3A_1173 : f32 to vector<1x1xf32>
    %add3A_1175 = arith.addf %add3A_1146, %add3A_1174 : vector<1x1xf32>
    %reduce_min3A_1176 = arith.constant dense<0x7F800000> : vector<4096xf32>
    %reduce_min3A_1177 = vector.multi_reduction <minimumf>, %sub3A_1166, %reduce_min3A_1176 [0] : vector<32x4096xf32> to vector<4096xf32>
    %broadcast_in_dim3A_1178 = vector.shape_cast %reduce_min3A_1177 : vector<4096xf32> to vector<1x4096xf32>
    %min3A_1179 = arith.minimumf %min3A_1150, %broadcast_in_dim3A_1178 : vector<1x4096xf32>
    %get3A_1180 = arith.constant 0 : index
    %get3A_1181 = arith.constant 1280 : index
    %get3A_1182 = arith.constant 0 : index
    %get3A_1183 = vector.load %arg1[%get3A_1180, %get3A_1181, %get3A_1182] : memref<1x2048x3xf32, #tpu.memory_space<vmem>>, vector<1x32x3xf32>
    %get3A_1184 = vector.shape_cast %get3A_1183 : vector<1x32x3xf32> to vector<32x3xf32>
    %mul3A_1185 = arith.mulf %get3A_1184, %get3A_1184 : vector<32x3xf32>
    %reduce_sum3A_1186 = arith.constant dense<0.000000e+00> : vector<32xf32>
    %reduce_sum3A_1187 = vector.multi_reduction <add>, %mul3A_1185, %reduce_sum3A_1186 [1] : vector<32x3xf32> to vector<32xf32>
    %broadcast_in_dim3A_1188 = vector.shape_cast %reduce_sum3A_1187 : vector<32xf32> to vector<32x1xf32>
    %dot_general3A_1189 = arith.constant dense<0.000000e+00> : vector<32x4096xf32>
    %dot_general3A_1190 = tpu.matmul %get3A_1184, %get3A_3, %dot_general3A_1189 {dimension_numbers = #tpu.dot_dimension_numbers<[1], [0], [0], [1], [0, 0, 1, 1], [], []>, precision = #tpu.contract_precision<fp32>, transpose_lhs_hint = false} : vector<32x3xf32>, vector<3x4096xf32>, vector<32x4096xf32> -> vector<32x4096xf32>
    %add3A_1191 = vector.broadcast %broadcast_in_dim3A_1188 : vector<32x1xf32> to vector<32x4096xf32>
    %add3A_1192 = vector.broadcast %add3A_21 : vector<1x4096xf32> to vector<32x4096xf32>
    %add3A_1193 = arith.addf %add3A_1191, %add3A_1192 : vector<32x4096xf32>
    %add3A_1194 = arith.addf %dot_general3A_1190, %dot_general3A_1190 : vector<32x4096xf32>
    %sub3A_1195 = arith.subf %add3A_1193, %add3A_1194 : vector<32x4096xf32>
    %reduce_min3A_1196 = arith.constant dense<0x7F800000> : vector<32xf32>
    %reduce_min3A_1197 = vector.multi_reduction <minimumf>, %sub3A_1195, %reduce_min3A_1196 [1] : vector<32x4096xf32> to vector<32xf32>
    %reduce_sum3A_1198 = vector.shape_cast %reduce_min3A_1197 : vector<32xf32> to vector<1x32xf32>
    %reduce_sum3A_1199 = arith.constant dense<0.000000e+00> : vector<1xf32>
    %reduce_sum3A_1200 = vector.multi_reduction <add>, %reduce_sum3A_1198, %reduce_sum3A_1199 [1] : vector<1x32xf32> to vector<1xf32>
    %reduce_sum3A_1201 = vector.shape_cast %reduce_sum3A_1200 : vector<1xf32> to vector<1x1xf32>
    %reduce_sum3A_1202 = vector.extract %reduce_sum3A_1201[0, 0] : f32 from vector<1x1xf32>
    %add3A_1203 = vector.broadcast %reduce_sum3A_1202 : f32 to vector<1x1xf32>
    %add3A_1204 = arith.addf %add3A_1175, %add3A_1203 : vector<1x1xf32>
    %reduce_min3A_1205 = arith.constant dense<0x7F800000> : vector<4096xf32>
    %reduce_min3A_1206 = vector.multi_reduction <minimumf>, %sub3A_1195, %reduce_min3A_1205 [0] : vector<32x4096xf32> to vector<4096xf32>
    %broadcast_in_dim3A_1207 = vector.shape_cast %reduce_min3A_1206 : vector<4096xf32> to vector<1x4096xf32>
    %min3A_1208 = arith.minimumf %min3A_1179, %broadcast_in_dim3A_1207 : vector<1x4096xf32>
    %get3A_1209 = arith.constant 0 : index
    %get3A_1210 = arith.constant 1312 : index
    %get3A_1211 = arith.constant 0 : index
    %get3A_1212 = vector.load %arg1[%get3A_1209, %get3A_1210, %get3A_1211] : memref<1x2048x3xf32, #tpu.memory_space<vmem>>, vector<1x32x3xf32>
    %get3A_1213 = vector.shape_cast %get3A_1212 : vector<1x32x3xf32> to vector<32x3xf32>
    %mul3A_1214 = arith.mulf %get3A_1213, %get3A_1213 : vector<32x3xf32>
    %reduce_sum3A_1215 = arith.constant dense<0.000000e+00> : vector<32xf32>
    %reduce_sum3A_1216 = vector.multi_reduction <add>, %mul3A_1214, %reduce_sum3A_1215 [1] : vector<32x3xf32> to vector<32xf32>
    %broadcast_in_dim3A_1217 = vector.shape_cast %reduce_sum3A_1216 : vector<32xf32> to vector<32x1xf32>
    %dot_general3A_1218 = arith.constant dense<0.000000e+00> : vector<32x4096xf32>
    %dot_general3A_1219 = tpu.matmul %get3A_1213, %get3A_3, %dot_general3A_1218 {dimension_numbers = #tpu.dot_dimension_numbers<[1], [0], [0], [1], [0, 0, 1, 1], [], []>, precision = #tpu.contract_precision<fp32>, transpose_lhs_hint = false} : vector<32x3xf32>, vector<3x4096xf32>, vector<32x4096xf32> -> vector<32x4096xf32>
    %add3A_1220 = vector.broadcast %broadcast_in_dim3A_1217 : vector<32x1xf32> to vector<32x4096xf32>
    %add3A_1221 = vector.broadcast %add3A_21 : vector<1x4096xf32> to vector<32x4096xf32>
    %add3A_1222 = arith.addf %add3A_1220, %add3A_1221 : vector<32x4096xf32>
    %add3A_1223 = arith.addf %dot_general3A_1219, %dot_general3A_1219 : vector<32x4096xf32>
    %sub3A_1224 = arith.subf %add3A_1222, %add3A_1223 : vector<32x4096xf32>
    %reduce_min3A_1225 = arith.constant dense<0x7F800000> : vector<32xf32>
    %reduce_min3A_1226 = vector.multi_reduction <minimumf>, %sub3A_1224, %reduce_min3A_1225 [1] : vector<32x4096xf32> to vector<32xf32>
    %reduce_sum3A_1227 = vector.shape_cast %reduce_min3A_1226 : vector<32xf32> to vector<1x32xf32>
    %reduce_sum3A_1228 = arith.constant dense<0.000000e+00> : vector<1xf32>
    %reduce_sum3A_1229 = vector.multi_reduction <add>, %reduce_sum3A_1227, %reduce_sum3A_1228 [1] : vector<1x32xf32> to vector<1xf32>
    %reduce_sum3A_1230 = vector.shape_cast %reduce_sum3A_1229 : vector<1xf32> to vector<1x1xf32>
    %reduce_sum3A_1231 = vector.extract %reduce_sum3A_1230[0, 0] : f32 from vector<1x1xf32>
    %add3A_1232 = vector.broadcast %reduce_sum3A_1231 : f32 to vector<1x1xf32>
    %add3A_1233 = arith.addf %add3A_1204, %add3A_1232 : vector<1x1xf32>
    %reduce_min3A_1234 = arith.constant dense<0x7F800000> : vector<4096xf32>
    %reduce_min3A_1235 = vector.multi_reduction <minimumf>, %sub3A_1224, %reduce_min3A_1234 [0] : vector<32x4096xf32> to vector<4096xf32>
    %broadcast_in_dim3A_1236 = vector.shape_cast %reduce_min3A_1235 : vector<4096xf32> to vector<1x4096xf32>
    %min3A_1237 = arith.minimumf %min3A_1208, %broadcast_in_dim3A_1236 : vector<1x4096xf32>
    %get3A_1238 = arith.constant 0 : index
    %get3A_1239 = arith.constant 1344 : index
    %get3A_1240 = arith.constant 0 : index
    %get3A_1241 = vector.load %arg1[%get3A_1238, %get3A_1239, %get3A_1240] : memref<1x2048x3xf32, #tpu.memory_space<vmem>>, vector<1x32x3xf32>
    %get3A_1242 = vector.shape_cast %get3A_1241 : vector<1x32x3xf32> to vector<32x3xf32>
    %mul3A_1243 = arith.mulf %get3A_1242, %get3A_1242 : vector<32x3xf32>
    %reduce_sum3A_1244 = arith.constant dense<0.000000e+00> : vector<32xf32>
    %reduce_sum3A_1245 = vector.multi_reduction <add>, %mul3A_1243, %reduce_sum3A_1244 [1] : vector<32x3xf32> to vector<32xf32>
    %broadcast_in_dim3A_1246 = vector.shape_cast %reduce_sum3A_1245 : vector<32xf32> to vector<32x1xf32>
    %dot_general3A_1247 = arith.constant dense<0.000000e+00> : vector<32x4096xf32>
    %dot_general3A_1248 = tpu.matmul %get3A_1242, %get3A_3, %dot_general3A_1247 {dimension_numbers = #tpu.dot_dimension_numbers<[1], [0], [0], [1], [0, 0, 1, 1], [], []>, precision = #tpu.contract_precision<fp32>, transpose_lhs_hint = false} : vector<32x3xf32>, vector<3x4096xf32>, vector<32x4096xf32> -> vector<32x4096xf32>
    %add3A_1249 = vector.broadcast %broadcast_in_dim3A_1246 : vector<32x1xf32> to vector<32x4096xf32>
    %add3A_1250 = vector.broadcast %add3A_21 : vector<1x4096xf32> to vector<32x4096xf32>
    %add3A_1251 = arith.addf %add3A_1249, %add3A_1250 : vector<32x4096xf32>
    %add3A_1252 = arith.addf %dot_general3A_1248, %dot_general3A_1248 : vector<32x4096xf32>
    %sub3A_1253 = arith.subf %add3A_1251, %add3A_1252 : vector<32x4096xf32>
    %reduce_min3A_1254 = arith.constant dense<0x7F800000> : vector<32xf32>
    %reduce_min3A_1255 = vector.multi_reduction <minimumf>, %sub3A_1253, %reduce_min3A_1254 [1] : vector<32x4096xf32> to vector<32xf32>
    %reduce_sum3A_1256 = vector.shape_cast %reduce_min3A_1255 : vector<32xf32> to vector<1x32xf32>
    %reduce_sum3A_1257 = arith.constant dense<0.000000e+00> : vector<1xf32>
    %reduce_sum3A_1258 = vector.multi_reduction <add>, %reduce_sum3A_1256, %reduce_sum3A_1257 [1] : vector<1x32xf32> to vector<1xf32>
    %reduce_sum3A_1259 = vector.shape_cast %reduce_sum3A_1258 : vector<1xf32> to vector<1x1xf32>
    %reduce_sum3A_1260 = vector.extract %reduce_sum3A_1259[0, 0] : f32 from vector<1x1xf32>
    %add3A_1261 = vector.broadcast %reduce_sum3A_1260 : f32 to vector<1x1xf32>
    %add3A_1262 = arith.addf %add3A_1233, %add3A_1261 : vector<1x1xf32>
    %reduce_min3A_1263 = arith.constant dense<0x7F800000> : vector<4096xf32>
    %reduce_min3A_1264 = vector.multi_reduction <minimumf>, %sub3A_1253, %reduce_min3A_1263 [0] : vector<32x4096xf32> to vector<4096xf32>
    %broadcast_in_dim3A_1265 = vector.shape_cast %reduce_min3A_1264 : vector<4096xf32> to vector<1x4096xf32>
    %min3A_1266 = arith.minimumf %min3A_1237, %broadcast_in_dim3A_1265 : vector<1x4096xf32>
    %get3A_1267 = arith.constant 0 : index
    %get3A_1268 = arith.constant 1376 : index
    %get3A_1269 = arith.constant 0 : index
    %get3A_1270 = vector.load %arg1[%get3A_1267, %get3A_1268, %get3A_1269] : memref<1x2048x3xf32, #tpu.memory_space<vmem>>, vector<1x32x3xf32>
    %get3A_1271 = vector.shape_cast %get3A_1270 : vector<1x32x3xf32> to vector<32x3xf32>
    %mul3A_1272 = arith.mulf %get3A_1271, %get3A_1271 : vector<32x3xf32>
    %reduce_sum3A_1273 = arith.constant dense<0.000000e+00> : vector<32xf32>
    %reduce_sum3A_1274 = vector.multi_reduction <add>, %mul3A_1272, %reduce_sum3A_1273 [1] : vector<32x3xf32> to vector<32xf32>
    %broadcast_in_dim3A_1275 = vector.shape_cast %reduce_sum3A_1274 : vector<32xf32> to vector<32x1xf32>
    %dot_general3A_1276 = arith.constant dense<0.000000e+00> : vector<32x4096xf32>
    %dot_general3A_1277 = tpu.matmul %get3A_1271, %get3A_3, %dot_general3A_1276 {dimension_numbers = #tpu.dot_dimension_numbers<[1], [0], [0], [1], [0, 0, 1, 1], [], []>, precision = #tpu.contract_precision<fp32>, transpose_lhs_hint = false} : vector<32x3xf32>, vector<3x4096xf32>, vector<32x4096xf32> -> vector<32x4096xf32>
    %add3A_1278 = vector.broadcast %broadcast_in_dim3A_1275 : vector<32x1xf32> to vector<32x4096xf32>
    %add3A_1279 = vector.broadcast %add3A_21 : vector<1x4096xf32> to vector<32x4096xf32>
    %add3A_1280 = arith.addf %add3A_1278, %add3A_1279 : vector<32x4096xf32>
    %add3A_1281 = arith.addf %dot_general3A_1277, %dot_general3A_1277 : vector<32x4096xf32>
    %sub3A_1282 = arith.subf %add3A_1280, %add3A_1281 : vector<32x4096xf32>
    %reduce_min3A_1283 = arith.constant dense<0x7F800000> : vector<32xf32>
    %reduce_min3A_1284 = vector.multi_reduction <minimumf>, %sub3A_1282, %reduce_min3A_1283 [1] : vector<32x4096xf32> to vector<32xf32>
    %reduce_sum3A_1285 = vector.shape_cast %reduce_min3A_1284 : vector<32xf32> to vector<1x32xf32>
    %reduce_sum3A_1286 = arith.constant dense<0.000000e+00> : vector<1xf32>
    %reduce_sum3A_1287 = vector.multi_reduction <add>, %reduce_sum3A_1285, %reduce_sum3A_1286 [1] : vector<1x32xf32> to vector<1xf32>
    %reduce_sum3A_1288 = vector.shape_cast %reduce_sum3A_1287 : vector<1xf32> to vector<1x1xf32>
    %reduce_sum3A_1289 = vector.extract %reduce_sum3A_1288[0, 0] : f32 from vector<1x1xf32>
    %add3A_1290 = vector.broadcast %reduce_sum3A_1289 : f32 to vector<1x1xf32>
    %add3A_1291 = arith.addf %add3A_1262, %add3A_1290 : vector<1x1xf32>
    %reduce_min3A_1292 = arith.constant dense<0x7F800000> : vector<4096xf32>
    %reduce_min3A_1293 = vector.multi_reduction <minimumf>, %sub3A_1282, %reduce_min3A_1292 [0] : vector<32x4096xf32> to vector<4096xf32>
    %broadcast_in_dim3A_1294 = vector.shape_cast %reduce_min3A_1293 : vector<4096xf32> to vector<1x4096xf32>
    %min3A_1295 = arith.minimumf %min3A_1266, %broadcast_in_dim3A_1294 : vector<1x4096xf32>
    %get3A_1296 = arith.constant 0 : index
    %get3A_1297 = arith.constant 1408 : index
    %get3A_1298 = arith.constant 0 : index
    %get3A_1299 = vector.load %arg1[%get3A_1296, %get3A_1297, %get3A_1298] : memref<1x2048x3xf32, #tpu.memory_space<vmem>>, vector<1x32x3xf32>
    %get3A_1300 = vector.shape_cast %get3A_1299 : vector<1x32x3xf32> to vector<32x3xf32>
    %mul3A_1301 = arith.mulf %get3A_1300, %get3A_1300 : vector<32x3xf32>
    %reduce_sum3A_1302 = arith.constant dense<0.000000e+00> : vector<32xf32>
    %reduce_sum3A_1303 = vector.multi_reduction <add>, %mul3A_1301, %reduce_sum3A_1302 [1] : vector<32x3xf32> to vector<32xf32>
    %broadcast_in_dim3A_1304 = vector.shape_cast %reduce_sum3A_1303 : vector<32xf32> to vector<32x1xf32>
    %dot_general3A_1305 = arith.constant dense<0.000000e+00> : vector<32x4096xf32>
    %dot_general3A_1306 = tpu.matmul %get3A_1300, %get3A_3, %dot_general3A_1305 {dimension_numbers = #tpu.dot_dimension_numbers<[1], [0], [0], [1], [0, 0, 1, 1], [], []>, precision = #tpu.contract_precision<fp32>, transpose_lhs_hint = false} : vector<32x3xf32>, vector<3x4096xf32>, vector<32x4096xf32> -> vector<32x4096xf32>
    %add3A_1307 = vector.broadcast %broadcast_in_dim3A_1304 : vector<32x1xf32> to vector<32x4096xf32>
    %add3A_1308 = vector.broadcast %add3A_21 : vector<1x4096xf32> to vector<32x4096xf32>
    %add3A_1309 = arith.addf %add3A_1307, %add3A_1308 : vector<32x4096xf32>
    %add3A_1310 = arith.addf %dot_general3A_1306, %dot_general3A_1306 : vector<32x4096xf32>
    %sub3A_1311 = arith.subf %add3A_1309, %add3A_1310 : vector<32x4096xf32>
    %reduce_min3A_1312 = arith.constant dense<0x7F800000> : vector<32xf32>
    %reduce_min3A_1313 = vector.multi_reduction <minimumf>, %sub3A_1311, %reduce_min3A_1312 [1] : vector<32x4096xf32> to vector<32xf32>
    %reduce_sum3A_1314 = vector.shape_cast %reduce_min3A_1313 : vector<32xf32> to vector<1x32xf32>
    %reduce_sum3A_1315 = arith.constant dense<0.000000e+00> : vector<1xf32>
    %reduce_sum3A_1316 = vector.multi_reduction <add>, %reduce_sum3A_1314, %reduce_sum3A_1315 [1] : vector<1x32xf32> to vector<1xf32>
    %reduce_sum3A_1317 = vector.shape_cast %reduce_sum3A_1316 : vector<1xf32> to vector<1x1xf32>
    %reduce_sum3A_1318 = vector.extract %reduce_sum3A_1317[0, 0] : f32 from vector<1x1xf32>
    %add3A_1319 = vector.broadcast %reduce_sum3A_1318 : f32 to vector<1x1xf32>
    %add3A_1320 = arith.addf %add3A_1291, %add3A_1319 : vector<1x1xf32>
    %reduce_min3A_1321 = arith.constant dense<0x7F800000> : vector<4096xf32>
    %reduce_min3A_1322 = vector.multi_reduction <minimumf>, %sub3A_1311, %reduce_min3A_1321 [0] : vector<32x4096xf32> to vector<4096xf32>
    %broadcast_in_dim3A_1323 = vector.shape_cast %reduce_min3A_1322 : vector<4096xf32> to vector<1x4096xf32>
    %min3A_1324 = arith.minimumf %min3A_1295, %broadcast_in_dim3A_1323 : vector<1x4096xf32>
    %get3A_1325 = arith.constant 0 : index
    %get3A_1326 = arith.constant 1440 : index
    %get3A_1327 = arith.constant 0 : index
    %get3A_1328 = vector.load %arg1[%get3A_1325, %get3A_1326, %get3A_1327] : memref<1x2048x3xf32, #tpu.memory_space<vmem>>, vector<1x32x3xf32>
    %get3A_1329 = vector.shape_cast %get3A_1328 : vector<1x32x3xf32> to vector<32x3xf32>
    %mul3A_1330 = arith.mulf %get3A_1329, %get3A_1329 : vector<32x3xf32>
    %reduce_sum3A_1331 = arith.constant dense<0.000000e+00> : vector<32xf32>
    %reduce_sum3A_1332 = vector.multi_reduction <add>, %mul3A_1330, %reduce_sum3A_1331 [1] : vector<32x3xf32> to vector<32xf32>
    %broadcast_in_dim3A_1333 = vector.shape_cast %reduce_sum3A_1332 : vector<32xf32> to vector<32x1xf32>
    %dot_general3A_1334 = arith.constant dense<0.000000e+00> : vector<32x4096xf32>
    %dot_general3A_1335 = tpu.matmul %get3A_1329, %get3A_3, %dot_general3A_1334 {dimension_numbers = #tpu.dot_dimension_numbers<[1], [0], [0], [1], [0, 0, 1, 1], [], []>, precision = #tpu.contract_precision<fp32>, transpose_lhs_hint = false} : vector<32x3xf32>, vector<3x4096xf32>, vector<32x4096xf32> -> vector<32x4096xf32>
    %add3A_1336 = vector.broadcast %broadcast_in_dim3A_1333 : vector<32x1xf32> to vector<32x4096xf32>
    %add3A_1337 = vector.broadcast %add3A_21 : vector<1x4096xf32> to vector<32x4096xf32>
    %add3A_1338 = arith.addf %add3A_1336, %add3A_1337 : vector<32x4096xf32>
    %add3A_1339 = arith.addf %dot_general3A_1335, %dot_general3A_1335 : vector<32x4096xf32>
    %sub3A_1340 = arith.subf %add3A_1338, %add3A_1339 : vector<32x4096xf32>
    %reduce_min3A_1341 = arith.constant dense<0x7F800000> : vector<32xf32>
    %reduce_min3A_1342 = vector.multi_reduction <minimumf>, %sub3A_1340, %reduce_min3A_1341 [1] : vector<32x4096xf32> to vector<32xf32>
    %reduce_sum3A_1343 = vector.shape_cast %reduce_min3A_1342 : vector<32xf32> to vector<1x32xf32>
    %reduce_sum3A_1344 = arith.constant dense<0.000000e+00> : vector<1xf32>
    %reduce_sum3A_1345 = vector.multi_reduction <add>, %reduce_sum3A_1343, %reduce_sum3A_1344 [1] : vector<1x32xf32> to vector<1xf32>
    %reduce_sum3A_1346 = vector.shape_cast %reduce_sum3A_1345 : vector<1xf32> to vector<1x1xf32>
    %reduce_sum3A_1347 = vector.extract %reduce_sum3A_1346[0, 0] : f32 from vector<1x1xf32>
    %add3A_1348 = vector.broadcast %reduce_sum3A_1347 : f32 to vector<1x1xf32>
    %add3A_1349 = arith.addf %add3A_1320, %add3A_1348 : vector<1x1xf32>
    %reduce_min3A_1350 = arith.constant dense<0x7F800000> : vector<4096xf32>
    %reduce_min3A_1351 = vector.multi_reduction <minimumf>, %sub3A_1340, %reduce_min3A_1350 [0] : vector<32x4096xf32> to vector<4096xf32>
    %broadcast_in_dim3A_1352 = vector.shape_cast %reduce_min3A_1351 : vector<4096xf32> to vector<1x4096xf32>
    %min3A_1353 = arith.minimumf %min3A_1324, %broadcast_in_dim3A_1352 : vector<1x4096xf32>
    %get3A_1354 = arith.constant 0 : index
    %get3A_1355 = arith.constant 1472 : index
    %get3A_1356 = arith.constant 0 : index
    %get3A_1357 = vector.load %arg1[%get3A_1354, %get3A_1355, %get3A_1356] : memref<1x2048x3xf32, #tpu.memory_space<vmem>>, vector<1x32x3xf32>
    %get3A_1358 = vector.shape_cast %get3A_1357 : vector<1x32x3xf32> to vector<32x3xf32>
    %mul3A_1359 = arith.mulf %get3A_1358, %get3A_1358 : vector<32x3xf32>
    %reduce_sum3A_1360 = arith.constant dense<0.000000e+00> : vector<32xf32>
    %reduce_sum3A_1361 = vector.multi_reduction <add>, %mul3A_1359, %reduce_sum3A_1360 [1] : vector<32x3xf32> to vector<32xf32>
    %broadcast_in_dim3A_1362 = vector.shape_cast %reduce_sum3A_1361 : vector<32xf32> to vector<32x1xf32>
    %dot_general3A_1363 = arith.constant dense<0.000000e+00> : vector<32x4096xf32>
    %dot_general3A_1364 = tpu.matmul %get3A_1358, %get3A_3, %dot_general3A_1363 {dimension_numbers = #tpu.dot_dimension_numbers<[1], [0], [0], [1], [0, 0, 1, 1], [], []>, precision = #tpu.contract_precision<fp32>, transpose_lhs_hint = false} : vector<32x3xf32>, vector<3x4096xf32>, vector<32x4096xf32> -> vector<32x4096xf32>
    %add3A_1365 = vector.broadcast %broadcast_in_dim3A_1362 : vector<32x1xf32> to vector<32x4096xf32>
    %add3A_1366 = vector.broadcast %add3A_21 : vector<1x4096xf32> to vector<32x4096xf32>
    %add3A_1367 = arith.addf %add3A_1365, %add3A_1366 : vector<32x4096xf32>
    %add3A_1368 = arith.addf %dot_general3A_1364, %dot_general3A_1364 : vector<32x4096xf32>
    %sub3A_1369 = arith.subf %add3A_1367, %add3A_1368 : vector<32x4096xf32>
    %reduce_min3A_1370 = arith.constant dense<0x7F800000> : vector<32xf32>
    %reduce_min3A_1371 = vector.multi_reduction <minimumf>, %sub3A_1369, %reduce_min3A_1370 [1] : vector<32x4096xf32> to vector<32xf32>
    %reduce_sum3A_1372 = vector.shape_cast %reduce_min3A_1371 : vector<32xf32> to vector<1x32xf32>
    %reduce_sum3A_1373 = arith.constant dense<0.000000e+00> : vector<1xf32>
    %reduce_sum3A_1374 = vector.multi_reduction <add>, %reduce_sum3A_1372, %reduce_sum3A_1373 [1] : vector<1x32xf32> to vector<1xf32>
    %reduce_sum3A_1375 = vector.shape_cast %reduce_sum3A_1374 : vector<1xf32> to vector<1x1xf32>
    %reduce_sum3A_1376 = vector.extract %reduce_sum3A_1375[0, 0] : f32 from vector<1x1xf32>
    %add3A_1377 = vector.broadcast %reduce_sum3A_1376 : f32 to vector<1x1xf32>
    %add3A_1378 = arith.addf %add3A_1349, %add3A_1377 : vector<1x1xf32>
    %reduce_min3A_1379 = arith.constant dense<0x7F800000> : vector<4096xf32>
    %reduce_min3A_1380 = vector.multi_reduction <minimumf>, %sub3A_1369, %reduce_min3A_1379 [0] : vector<32x4096xf32> to vector<4096xf32>
    %broadcast_in_dim3A_1381 = vector.shape_cast %reduce_min3A_1380 : vector<4096xf32> to vector<1x4096xf32>
    %min3A_1382 = arith.minimumf %min3A_1353, %broadcast_in_dim3A_1381 : vector<1x4096xf32>
    %get3A_1383 = arith.constant 0 : index
    %get3A_1384 = arith.constant 1504 : index
    %get3A_1385 = arith.constant 0 : index
    %get3A_1386 = vector.load %arg1[%get3A_1383, %get3A_1384, %get3A_1385] : memref<1x2048x3xf32, #tpu.memory_space<vmem>>, vector<1x32x3xf32>
    %get3A_1387 = vector.shape_cast %get3A_1386 : vector<1x32x3xf32> to vector<32x3xf32>
    %mul3A_1388 = arith.mulf %get3A_1387, %get3A_1387 : vector<32x3xf32>
    %reduce_sum3A_1389 = arith.constant dense<0.000000e+00> : vector<32xf32>
    %reduce_sum3A_1390 = vector.multi_reduction <add>, %mul3A_1388, %reduce_sum3A_1389 [1] : vector<32x3xf32> to vector<32xf32>
    %broadcast_in_dim3A_1391 = vector.shape_cast %reduce_sum3A_1390 : vector<32xf32> to vector<32x1xf32>
    %dot_general3A_1392 = arith.constant dense<0.000000e+00> : vector<32x4096xf32>
    %dot_general3A_1393 = tpu.matmul %get3A_1387, %get3A_3, %dot_general3A_1392 {dimension_numbers = #tpu.dot_dimension_numbers<[1], [0], [0], [1], [0, 0, 1, 1], [], []>, precision = #tpu.contract_precision<fp32>, transpose_lhs_hint = false} : vector<32x3xf32>, vector<3x4096xf32>, vector<32x4096xf32> -> vector<32x4096xf32>
    %add3A_1394 = vector.broadcast %broadcast_in_dim3A_1391 : vector<32x1xf32> to vector<32x4096xf32>
    %add3A_1395 = vector.broadcast %add3A_21 : vector<1x4096xf32> to vector<32x4096xf32>
    %add3A_1396 = arith.addf %add3A_1394, %add3A_1395 : vector<32x4096xf32>
    %add3A_1397 = arith.addf %dot_general3A_1393, %dot_general3A_1393 : vector<32x4096xf32>
    %sub3A_1398 = arith.subf %add3A_1396, %add3A_1397 : vector<32x4096xf32>
    %reduce_min3A_1399 = arith.constant dense<0x7F800000> : vector<32xf32>
    %reduce_min3A_1400 = vector.multi_reduction <minimumf>, %sub3A_1398, %reduce_min3A_1399 [1] : vector<32x4096xf32> to vector<32xf32>
    %reduce_sum3A_1401 = vector.shape_cast %reduce_min3A_1400 : vector<32xf32> to vector<1x32xf32>
    %reduce_sum3A_1402 = arith.constant dense<0.000000e+00> : vector<1xf32>
    %reduce_sum3A_1403 = vector.multi_reduction <add>, %reduce_sum3A_1401, %reduce_sum3A_1402 [1] : vector<1x32xf32> to vector<1xf32>
    %reduce_sum3A_1404 = vector.shape_cast %reduce_sum3A_1403 : vector<1xf32> to vector<1x1xf32>
    %reduce_sum3A_1405 = vector.extract %reduce_sum3A_1404[0, 0] : f32 from vector<1x1xf32>
    %add3A_1406 = vector.broadcast %reduce_sum3A_1405 : f32 to vector<1x1xf32>
    %add3A_1407 = arith.addf %add3A_1378, %add3A_1406 : vector<1x1xf32>
    %reduce_min3A_1408 = arith.constant dense<0x7F800000> : vector<4096xf32>
    %reduce_min3A_1409 = vector.multi_reduction <minimumf>, %sub3A_1398, %reduce_min3A_1408 [0] : vector<32x4096xf32> to vector<4096xf32>
    %broadcast_in_dim3A_1410 = vector.shape_cast %reduce_min3A_1409 : vector<4096xf32> to vector<1x4096xf32>
    %min3A_1411 = arith.minimumf %min3A_1382, %broadcast_in_dim3A_1410 : vector<1x4096xf32>
    %get3A_1412 = arith.constant 0 : index
    %get3A_1413 = arith.constant 1536 : index
    %get3A_1414 = arith.constant 0 : index
    %get3A_1415 = vector.load %arg1[%get3A_1412, %get3A_1413, %get3A_1414] : memref<1x2048x3xf32, #tpu.memory_space<vmem>>, vector<1x32x3xf32>
    %get3A_1416 = vector.shape_cast %get3A_1415 : vector<1x32x3xf32> to vector<32x3xf32>
    %mul3A_1417 = arith.mulf %get3A_1416, %get3A_1416 : vector<32x3xf32>
    %reduce_sum3A_1418 = arith.constant dense<0.000000e+00> : vector<32xf32>
    %reduce_sum3A_1419 = vector.multi_reduction <add>, %mul3A_1417, %reduce_sum3A_1418 [1] : vector<32x3xf32> to vector<32xf32>
    %broadcast_in_dim3A_1420 = vector.shape_cast %reduce_sum3A_1419 : vector<32xf32> to vector<32x1xf32>
    %dot_general3A_1421 = arith.constant dense<0.000000e+00> : vector<32x4096xf32>
    %dot_general3A_1422 = tpu.matmul %get3A_1416, %get3A_3, %dot_general3A_1421 {dimension_numbers = #tpu.dot_dimension_numbers<[1], [0], [0], [1], [0, 0, 1, 1], [], []>, precision = #tpu.contract_precision<fp32>, transpose_lhs_hint = false} : vector<32x3xf32>, vector<3x4096xf32>, vector<32x4096xf32> -> vector<32x4096xf32>
    %add3A_1423 = vector.broadcast %broadcast_in_dim3A_1420 : vector<32x1xf32> to vector<32x4096xf32>
    %add3A_1424 = vector.broadcast %add3A_21 : vector<1x4096xf32> to vector<32x4096xf32>
    %add3A_1425 = arith.addf %add3A_1423, %add3A_1424 : vector<32x4096xf32>
    %add3A_1426 = arith.addf %dot_general3A_1422, %dot_general3A_1422 : vector<32x4096xf32>
    %sub3A_1427 = arith.subf %add3A_1425, %add3A_1426 : vector<32x4096xf32>
    %reduce_min3A_1428 = arith.constant dense<0x7F800000> : vector<32xf32>
    %reduce_min3A_1429 = vector.multi_reduction <minimumf>, %sub3A_1427, %reduce_min3A_1428 [1] : vector<32x4096xf32> to vector<32xf32>
    %reduce_sum3A_1430 = vector.shape_cast %reduce_min3A_1429 : vector<32xf32> to vector<1x32xf32>
    %reduce_sum3A_1431 = arith.constant dense<0.000000e+00> : vector<1xf32>
    %reduce_sum3A_1432 = vector.multi_reduction <add>, %reduce_sum3A_1430, %reduce_sum3A_1431 [1] : vector<1x32xf32> to vector<1xf32>
    %reduce_sum3A_1433 = vector.shape_cast %reduce_sum3A_1432 : vector<1xf32> to vector<1x1xf32>
    %reduce_sum3A_1434 = vector.extract %reduce_sum3A_1433[0, 0] : f32 from vector<1x1xf32>
    %add3A_1435 = vector.broadcast %reduce_sum3A_1434 : f32 to vector<1x1xf32>
    %add3A_1436 = arith.addf %add3A_1407, %add3A_1435 : vector<1x1xf32>
    %reduce_min3A_1437 = arith.constant dense<0x7F800000> : vector<4096xf32>
    %reduce_min3A_1438 = vector.multi_reduction <minimumf>, %sub3A_1427, %reduce_min3A_1437 [0] : vector<32x4096xf32> to vector<4096xf32>
    %broadcast_in_dim3A_1439 = vector.shape_cast %reduce_min3A_1438 : vector<4096xf32> to vector<1x4096xf32>
    %min3A_1440 = arith.minimumf %min3A_1411, %broadcast_in_dim3A_1439 : vector<1x4096xf32>
    %get3A_1441 = arith.constant 0 : index
    %get3A_1442 = arith.constant 1568 : index
    %get3A_1443 = arith.constant 0 : index
    %get3A_1444 = vector.load %arg1[%get3A_1441, %get3A_1442, %get3A_1443] : memref<1x2048x3xf32, #tpu.memory_space<vmem>>, vector<1x32x3xf32>
    %get3A_1445 = vector.shape_cast %get3A_1444 : vector<1x32x3xf32> to vector<32x3xf32>
    %mul3A_1446 = arith.mulf %get3A_1445, %get3A_1445 : vector<32x3xf32>
    %reduce_sum3A_1447 = arith.constant dense<0.000000e+00> : vector<32xf32>
    %reduce_sum3A_1448 = vector.multi_reduction <add>, %mul3A_1446, %reduce_sum3A_1447 [1] : vector<32x3xf32> to vector<32xf32>
    %broadcast_in_dim3A_1449 = vector.shape_cast %reduce_sum3A_1448 : vector<32xf32> to vector<32x1xf32>
    %dot_general3A_1450 = arith.constant dense<0.000000e+00> : vector<32x4096xf32>
    %dot_general3A_1451 = tpu.matmul %get3A_1445, %get3A_3, %dot_general3A_1450 {dimension_numbers = #tpu.dot_dimension_numbers<[1], [0], [0], [1], [0, 0, 1, 1], [], []>, precision = #tpu.contract_precision<fp32>, transpose_lhs_hint = false} : vector<32x3xf32>, vector<3x4096xf32>, vector<32x4096xf32> -> vector<32x4096xf32>
    %add3A_1452 = vector.broadcast %broadcast_in_dim3A_1449 : vector<32x1xf32> to vector<32x4096xf32>
    %add3A_1453 = vector.broadcast %add3A_21 : vector<1x4096xf32> to vector<32x4096xf32>
    %add3A_1454 = arith.addf %add3A_1452, %add3A_1453 : vector<32x4096xf32>
    %add3A_1455 = arith.addf %dot_general3A_1451, %dot_general3A_1451 : vector<32x4096xf32>
    %sub3A_1456 = arith.subf %add3A_1454, %add3A_1455 : vector<32x4096xf32>
    %reduce_min3A_1457 = arith.constant dense<0x7F800000> : vector<32xf32>
    %reduce_min3A_1458 = vector.multi_reduction <minimumf>, %sub3A_1456, %reduce_min3A_1457 [1] : vector<32x4096xf32> to vector<32xf32>
    %reduce_sum3A_1459 = vector.shape_cast %reduce_min3A_1458 : vector<32xf32> to vector<1x32xf32>
    %reduce_sum3A_1460 = arith.constant dense<0.000000e+00> : vector<1xf32>
    %reduce_sum3A_1461 = vector.multi_reduction <add>, %reduce_sum3A_1459, %reduce_sum3A_1460 [1] : vector<1x32xf32> to vector<1xf32>
    %reduce_sum3A_1462 = vector.shape_cast %reduce_sum3A_1461 : vector<1xf32> to vector<1x1xf32>
    %reduce_sum3A_1463 = vector.extract %reduce_sum3A_1462[0, 0] : f32 from vector<1x1xf32>
    %add3A_1464 = vector.broadcast %reduce_sum3A_1463 : f32 to vector<1x1xf32>
    %add3A_1465 = arith.addf %add3A_1436, %add3A_1464 : vector<1x1xf32>
    %reduce_min3A_1466 = arith.constant dense<0x7F800000> : vector<4096xf32>
    %reduce_min3A_1467 = vector.multi_reduction <minimumf>, %sub3A_1456, %reduce_min3A_1466 [0] : vector<32x4096xf32> to vector<4096xf32>
    %broadcast_in_dim3A_1468 = vector.shape_cast %reduce_min3A_1467 : vector<4096xf32> to vector<1x4096xf32>
    %min3A_1469 = arith.minimumf %min3A_1440, %broadcast_in_dim3A_1468 : vector<1x4096xf32>
    %get3A_1470 = arith.constant 0 : index
    %get3A_1471 = arith.constant 1600 : index
    %get3A_1472 = arith.constant 0 : index
    %get3A_1473 = vector.load %arg1[%get3A_1470, %get3A_1471, %get3A_1472] : memref<1x2048x3xf32, #tpu.memory_space<vmem>>, vector<1x32x3xf32>
    %get3A_1474 = vector.shape_cast %get3A_1473 : vector<1x32x3xf32> to vector<32x3xf32>
    %mul3A_1475 = arith.mulf %get3A_1474, %get3A_1474 : vector<32x3xf32>
    %reduce_sum3A_1476 = arith.constant dense<0.000000e+00> : vector<32xf32>
    %reduce_sum3A_1477 = vector.multi_reduction <add>, %mul3A_1475, %reduce_sum3A_1476 [1] : vector<32x3xf32> to vector<32xf32>
    %broadcast_in_dim3A_1478 = vector.shape_cast %reduce_sum3A_1477 : vector<32xf32> to vector<32x1xf32>
    %dot_general3A_1479 = arith.constant dense<0.000000e+00> : vector<32x4096xf32>
    %dot_general3A_1480 = tpu.matmul %get3A_1474, %get3A_3, %dot_general3A_1479 {dimension_numbers = #tpu.dot_dimension_numbers<[1], [0], [0], [1], [0, 0, 1, 1], [], []>, precision = #tpu.contract_precision<fp32>, transpose_lhs_hint = false} : vector<32x3xf32>, vector<3x4096xf32>, vector<32x4096xf32> -> vector<32x4096xf32>
    %add3A_1481 = vector.broadcast %broadcast_in_dim3A_1478 : vector<32x1xf32> to vector<32x4096xf32>
    %add3A_1482 = vector.broadcast %add3A_21 : vector<1x4096xf32> to vector<32x4096xf32>
    %add3A_1483 = arith.addf %add3A_1481, %add3A_1482 : vector<32x4096xf32>
    %add3A_1484 = arith.addf %dot_general3A_1480, %dot_general3A_1480 : vector<32x4096xf32>
    %sub3A_1485 = arith.subf %add3A_1483, %add3A_1484 : vector<32x4096xf32>
    %reduce_min3A_1486 = arith.constant dense<0x7F800000> : vector<32xf32>
    %reduce_min3A_1487 = vector.multi_reduction <minimumf>, %sub3A_1485, %reduce_min3A_1486 [1] : vector<32x4096xf32> to vector<32xf32>
    %reduce_sum3A_1488 = vector.shape_cast %reduce_min3A_1487 : vector<32xf32> to vector<1x32xf32>
    %reduce_sum3A_1489 = arith.constant dense<0.000000e+00> : vector<1xf32>
    %reduce_sum3A_1490 = vector.multi_reduction <add>, %reduce_sum3A_1488, %reduce_sum3A_1489 [1] : vector<1x32xf32> to vector<1xf32>
    %reduce_sum3A_1491 = vector.shape_cast %reduce_sum3A_1490 : vector<1xf32> to vector<1x1xf32>
    %reduce_sum3A_1492 = vector.extract %reduce_sum3A_1491[0, 0] : f32 from vector<1x1xf32>
    %add3A_1493 = vector.broadcast %reduce_sum3A_1492 : f32 to vector<1x1xf32>
    %add3A_1494 = arith.addf %add3A_1465, %add3A_1493 : vector<1x1xf32>
    %reduce_min3A_1495 = arith.constant dense<0x7F800000> : vector<4096xf32>
    %reduce_min3A_1496 = vector.multi_reduction <minimumf>, %sub3A_1485, %reduce_min3A_1495 [0] : vector<32x4096xf32> to vector<4096xf32>
    %broadcast_in_dim3A_1497 = vector.shape_cast %reduce_min3A_1496 : vector<4096xf32> to vector<1x4096xf32>
    %min3A_1498 = arith.minimumf %min3A_1469, %broadcast_in_dim3A_1497 : vector<1x4096xf32>
    %get3A_1499 = arith.constant 0 : index
    %get3A_1500 = arith.constant 1632 : index
    %get3A_1501 = arith.constant 0 : index
    %get3A_1502 = vector.load %arg1[%get3A_1499, %get3A_1500, %get3A_1501] : memref<1x2048x3xf32, #tpu.memory_space<vmem>>, vector<1x32x3xf32>
    %get3A_1503 = vector.shape_cast %get3A_1502 : vector<1x32x3xf32> to vector<32x3xf32>
    %mul3A_1504 = arith.mulf %get3A_1503, %get3A_1503 : vector<32x3xf32>
    %reduce_sum3A_1505 = arith.constant dense<0.000000e+00> : vector<32xf32>
    %reduce_sum3A_1506 = vector.multi_reduction <add>, %mul3A_1504, %reduce_sum3A_1505 [1] : vector<32x3xf32> to vector<32xf32>
    %broadcast_in_dim3A_1507 = vector.shape_cast %reduce_sum3A_1506 : vector<32xf32> to vector<32x1xf32>
    %dot_general3A_1508 = arith.constant dense<0.000000e+00> : vector<32x4096xf32>
    %dot_general3A_1509 = tpu.matmul %get3A_1503, %get3A_3, %dot_general3A_1508 {dimension_numbers = #tpu.dot_dimension_numbers<[1], [0], [0], [1], [0, 0, 1, 1], [], []>, precision = #tpu.contract_precision<fp32>, transpose_lhs_hint = false} : vector<32x3xf32>, vector<3x4096xf32>, vector<32x4096xf32> -> vector<32x4096xf32>
    %add3A_1510 = vector.broadcast %broadcast_in_dim3A_1507 : vector<32x1xf32> to vector<32x4096xf32>
    %add3A_1511 = vector.broadcast %add3A_21 : vector<1x4096xf32> to vector<32x4096xf32>
    %add3A_1512 = arith.addf %add3A_1510, %add3A_1511 : vector<32x4096xf32>
    %add3A_1513 = arith.addf %dot_general3A_1509, %dot_general3A_1509 : vector<32x4096xf32>
    %sub3A_1514 = arith.subf %add3A_1512, %add3A_1513 : vector<32x4096xf32>
    %reduce_min3A_1515 = arith.constant dense<0x7F800000> : vector<32xf32>
    %reduce_min3A_1516 = vector.multi_reduction <minimumf>, %sub3A_1514, %reduce_min3A_1515 [1] : vector<32x4096xf32> to vector<32xf32>
    %reduce_sum3A_1517 = vector.shape_cast %reduce_min3A_1516 : vector<32xf32> to vector<1x32xf32>
    %reduce_sum3A_1518 = arith.constant dense<0.000000e+00> : vector<1xf32>
    %reduce_sum3A_1519 = vector.multi_reduction <add>, %reduce_sum3A_1517, %reduce_sum3A_1518 [1] : vector<1x32xf32> to vector<1xf32>
    %reduce_sum3A_1520 = vector.shape_cast %reduce_sum3A_1519 : vector<1xf32> to vector<1x1xf32>
    %reduce_sum3A_1521 = vector.extract %reduce_sum3A_1520[0, 0] : f32 from vector<1x1xf32>
    %add3A_1522 = vector.broadcast %reduce_sum3A_1521 : f32 to vector<1x1xf32>
    %add3A_1523 = arith.addf %add3A_1494, %add3A_1522 : vector<1x1xf32>
    %reduce_min3A_1524 = arith.constant dense<0x7F800000> : vector<4096xf32>
    %reduce_min3A_1525 = vector.multi_reduction <minimumf>, %sub3A_1514, %reduce_min3A_1524 [0] : vector<32x4096xf32> to vector<4096xf32>
    %broadcast_in_dim3A_1526 = vector.shape_cast %reduce_min3A_1525 : vector<4096xf32> to vector<1x4096xf32>
    %min3A_1527 = arith.minimumf %min3A_1498, %broadcast_in_dim3A_1526 : vector<1x4096xf32>
    %get3A_1528 = arith.constant 0 : index
    %get3A_1529 = arith.constant 1664 : index
    %get3A_1530 = arith.constant 0 : index
    %get3A_1531 = vector.load %arg1[%get3A_1528, %get3A_1529, %get3A_1530] : memref<1x2048x3xf32, #tpu.memory_space<vmem>>, vector<1x32x3xf32>
    %get3A_1532 = vector.shape_cast %get3A_1531 : vector<1x32x3xf32> to vector<32x3xf32>
    %mul3A_1533 = arith.mulf %get3A_1532, %get3A_1532 : vector<32x3xf32>
    %reduce_sum3A_1534 = arith.constant dense<0.000000e+00> : vector<32xf32>
    %reduce_sum3A_1535 = vector.multi_reduction <add>, %mul3A_1533, %reduce_sum3A_1534 [1] : vector<32x3xf32> to vector<32xf32>
    %broadcast_in_dim3A_1536 = vector.shape_cast %reduce_sum3A_1535 : vector<32xf32> to vector<32x1xf32>
    %dot_general3A_1537 = arith.constant dense<0.000000e+00> : vector<32x4096xf32>
    %dot_general3A_1538 = tpu.matmul %get3A_1532, %get3A_3, %dot_general3A_1537 {dimension_numbers = #tpu.dot_dimension_numbers<[1], [0], [0], [1], [0, 0, 1, 1], [], []>, precision = #tpu.contract_precision<fp32>, transpose_lhs_hint = false} : vector<32x3xf32>, vector<3x4096xf32>, vector<32x4096xf32> -> vector<32x4096xf32>
    %add3A_1539 = vector.broadcast %broadcast_in_dim3A_1536 : vector<32x1xf32> to vector<32x4096xf32>
    %add3A_1540 = vector.broadcast %add3A_21 : vector<1x4096xf32> to vector<32x4096xf32>
    %add3A_1541 = arith.addf %add3A_1539, %add3A_1540 : vector<32x4096xf32>
    %add3A_1542 = arith.addf %dot_general3A_1538, %dot_general3A_1538 : vector<32x4096xf32>
    %sub3A_1543 = arith.subf %add3A_1541, %add3A_1542 : vector<32x4096xf32>
    %reduce_min3A_1544 = arith.constant dense<0x7F800000> : vector<32xf32>
    %reduce_min3A_1545 = vector.multi_reduction <minimumf>, %sub3A_1543, %reduce_min3A_1544 [1] : vector<32x4096xf32> to vector<32xf32>
    %reduce_sum3A_1546 = vector.shape_cast %reduce_min3A_1545 : vector<32xf32> to vector<1x32xf32>
    %reduce_sum3A_1547 = arith.constant dense<0.000000e+00> : vector<1xf32>
    %reduce_sum3A_1548 = vector.multi_reduction <add>, %reduce_sum3A_1546, %reduce_sum3A_1547 [1] : vector<1x32xf32> to vector<1xf32>
    %reduce_sum3A_1549 = vector.shape_cast %reduce_sum3A_1548 : vector<1xf32> to vector<1x1xf32>
    %reduce_sum3A_1550 = vector.extract %reduce_sum3A_1549[0, 0] : f32 from vector<1x1xf32>
    %add3A_1551 = vector.broadcast %reduce_sum3A_1550 : f32 to vector<1x1xf32>
    %add3A_1552 = arith.addf %add3A_1523, %add3A_1551 : vector<1x1xf32>
    %reduce_min3A_1553 = arith.constant dense<0x7F800000> : vector<4096xf32>
    %reduce_min3A_1554 = vector.multi_reduction <minimumf>, %sub3A_1543, %reduce_min3A_1553 [0] : vector<32x4096xf32> to vector<4096xf32>
    %broadcast_in_dim3A_1555 = vector.shape_cast %reduce_min3A_1554 : vector<4096xf32> to vector<1x4096xf32>
    %min3A_1556 = arith.minimumf %min3A_1527, %broadcast_in_dim3A_1555 : vector<1x4096xf32>
    %get3A_1557 = arith.constant 0 : index
    %get3A_1558 = arith.constant 1696 : index
    %get3A_1559 = arith.constant 0 : index
    %get3A_1560 = vector.load %arg1[%get3A_1557, %get3A_1558, %get3A_1559] : memref<1x2048x3xf32, #tpu.memory_space<vmem>>, vector<1x32x3xf32>
    %get3A_1561 = vector.shape_cast %get3A_1560 : vector<1x32x3xf32> to vector<32x3xf32>
    %mul3A_1562 = arith.mulf %get3A_1561, %get3A_1561 : vector<32x3xf32>
    %reduce_sum3A_1563 = arith.constant dense<0.000000e+00> : vector<32xf32>
    %reduce_sum3A_1564 = vector.multi_reduction <add>, %mul3A_1562, %reduce_sum3A_1563 [1] : vector<32x3xf32> to vector<32xf32>
    %broadcast_in_dim3A_1565 = vector.shape_cast %reduce_sum3A_1564 : vector<32xf32> to vector<32x1xf32>
    %dot_general3A_1566 = arith.constant dense<0.000000e+00> : vector<32x4096xf32>
    %dot_general3A_1567 = tpu.matmul %get3A_1561, %get3A_3, %dot_general3A_1566 {dimension_numbers = #tpu.dot_dimension_numbers<[1], [0], [0], [1], [0, 0, 1, 1], [], []>, precision = #tpu.contract_precision<fp32>, transpose_lhs_hint = false} : vector<32x3xf32>, vector<3x4096xf32>, vector<32x4096xf32> -> vector<32x4096xf32>
    %add3A_1568 = vector.broadcast %broadcast_in_dim3A_1565 : vector<32x1xf32> to vector<32x4096xf32>
    %add3A_1569 = vector.broadcast %add3A_21 : vector<1x4096xf32> to vector<32x4096xf32>
    %add3A_1570 = arith.addf %add3A_1568, %add3A_1569 : vector<32x4096xf32>
    %add3A_1571 = arith.addf %dot_general3A_1567, %dot_general3A_1567 : vector<32x4096xf32>
    %sub3A_1572 = arith.subf %add3A_1570, %add3A_1571 : vector<32x4096xf32>
    %reduce_min3A_1573 = arith.constant dense<0x7F800000> : vector<32xf32>
    %reduce_min3A_1574 = vector.multi_reduction <minimumf>, %sub3A_1572, %reduce_min3A_1573 [1] : vector<32x4096xf32> to vector<32xf32>
    %reduce_sum3A_1575 = vector.shape_cast %reduce_min3A_1574 : vector<32xf32> to vector<1x32xf32>
    %reduce_sum3A_1576 = arith.constant dense<0.000000e+00> : vector<1xf32>
    %reduce_sum3A_1577 = vector.multi_reduction <add>, %reduce_sum3A_1575, %reduce_sum3A_1576 [1] : vector<1x32xf32> to vector<1xf32>
    %reduce_sum3A_1578 = vector.shape_cast %reduce_sum3A_1577 : vector<1xf32> to vector<1x1xf32>
    %reduce_sum3A_1579 = vector.extract %reduce_sum3A_1578[0, 0] : f32 from vector<1x1xf32>
    %add3A_1580 = vector.broadcast %reduce_sum3A_1579 : f32 to vector<1x1xf32>
    %add3A_1581 = arith.addf %add3A_1552, %add3A_1580 : vector<1x1xf32>
    %reduce_min3A_1582 = arith.constant dense<0x7F800000> : vector<4096xf32>
    %reduce_min3A_1583 = vector.multi_reduction <minimumf>, %sub3A_1572, %reduce_min3A_1582 [0] : vector<32x4096xf32> to vector<4096xf32>
    %broadcast_in_dim3A_1584 = vector.shape_cast %reduce_min3A_1583 : vector<4096xf32> to vector<1x4096xf32>
    %min3A_1585 = arith.minimumf %min3A_1556, %broadcast_in_dim3A_1584 : vector<1x4096xf32>
    %get3A_1586 = arith.constant 0 : index
    %get3A_1587 = arith.constant 1728 : index
    %get3A_1588 = arith.constant 0 : index
    %get3A_1589 = vector.load %arg1[%get3A_1586, %get3A_1587, %get3A_1588] : memref<1x2048x3xf32, #tpu.memory_space<vmem>>, vector<1x32x3xf32>
    %get3A_1590 = vector.shape_cast %get3A_1589 : vector<1x32x3xf32> to vector<32x3xf32>
    %mul3A_1591 = arith.mulf %get3A_1590, %get3A_1590 : vector<32x3xf32>
    %reduce_sum3A_1592 = arith.constant dense<0.000000e+00> : vector<32xf32>
    %reduce_sum3A_1593 = vector.multi_reduction <add>, %mul3A_1591, %reduce_sum3A_1592 [1] : vector<32x3xf32> to vector<32xf32>
    %broadcast_in_dim3A_1594 = vector.shape_cast %reduce_sum3A_1593 : vector<32xf32> to vector<32x1xf32>
    %dot_general3A_1595 = arith.constant dense<0.000000e+00> : vector<32x4096xf32>
    %dot_general3A_1596 = tpu.matmul %get3A_1590, %get3A_3, %dot_general3A_1595 {dimension_numbers = #tpu.dot_dimension_numbers<[1], [0], [0], [1], [0, 0, 1, 1], [], []>, precision = #tpu.contract_precision<fp32>, transpose_lhs_hint = false} : vector<32x3xf32>, vector<3x4096xf32>, vector<32x4096xf32> -> vector<32x4096xf32>
    %add3A_1597 = vector.broadcast %broadcast_in_dim3A_1594 : vector<32x1xf32> to vector<32x4096xf32>
    %add3A_1598 = vector.broadcast %add3A_21 : vector<1x4096xf32> to vector<32x4096xf32>
    %add3A_1599 = arith.addf %add3A_1597, %add3A_1598 : vector<32x4096xf32>
    %add3A_1600 = arith.addf %dot_general3A_1596, %dot_general3A_1596 : vector<32x4096xf32>
    %sub3A_1601 = arith.subf %add3A_1599, %add3A_1600 : vector<32x4096xf32>
    %reduce_min3A_1602 = arith.constant dense<0x7F800000> : vector<32xf32>
    %reduce_min3A_1603 = vector.multi_reduction <minimumf>, %sub3A_1601, %reduce_min3A_1602 [1] : vector<32x4096xf32> to vector<32xf32>
    %reduce_sum3A_1604 = vector.shape_cast %reduce_min3A_1603 : vector<32xf32> to vector<1x32xf32>
    %reduce_sum3A_1605 = arith.constant dense<0.000000e+00> : vector<1xf32>
    %reduce_sum3A_1606 = vector.multi_reduction <add>, %reduce_sum3A_1604, %reduce_sum3A_1605 [1] : vector<1x32xf32> to vector<1xf32>
    %reduce_sum3A_1607 = vector.shape_cast %reduce_sum3A_1606 : vector<1xf32> to vector<1x1xf32>
    %reduce_sum3A_1608 = vector.extract %reduce_sum3A_1607[0, 0] : f32 from vector<1x1xf32>
    %add3A_1609 = vector.broadcast %reduce_sum3A_1608 : f32 to vector<1x1xf32>
    %add3A_1610 = arith.addf %add3A_1581, %add3A_1609 : vector<1x1xf32>
    %reduce_min3A_1611 = arith.constant dense<0x7F800000> : vector<4096xf32>
    %reduce_min3A_1612 = vector.multi_reduction <minimumf>, %sub3A_1601, %reduce_min3A_1611 [0] : vector<32x4096xf32> to vector<4096xf32>
    %broadcast_in_dim3A_1613 = vector.shape_cast %reduce_min3A_1612 : vector<4096xf32> to vector<1x4096xf32>
    %min3A_1614 = arith.minimumf %min3A_1585, %broadcast_in_dim3A_1613 : vector<1x4096xf32>
    %get3A_1615 = arith.constant 0 : index
    %get3A_1616 = arith.constant 1760 : index
    %get3A_1617 = arith.constant 0 : index
    %get3A_1618 = vector.load %arg1[%get3A_1615, %get3A_1616, %get3A_1617] : memref<1x2048x3xf32, #tpu.memory_space<vmem>>, vector<1x32x3xf32>
    %get3A_1619 = vector.shape_cast %get3A_1618 : vector<1x32x3xf32> to vector<32x3xf32>
    %mul3A_1620 = arith.mulf %get3A_1619, %get3A_1619 : vector<32x3xf32>
    %reduce_sum3A_1621 = arith.constant dense<0.000000e+00> : vector<32xf32>
    %reduce_sum3A_1622 = vector.multi_reduction <add>, %mul3A_1620, %reduce_sum3A_1621 [1] : vector<32x3xf32> to vector<32xf32>
    %broadcast_in_dim3A_1623 = vector.shape_cast %reduce_sum3A_1622 : vector<32xf32> to vector<32x1xf32>
    %dot_general3A_1624 = arith.constant dense<0.000000e+00> : vector<32x4096xf32>
    %dot_general3A_1625 = tpu.matmul %get3A_1619, %get3A_3, %dot_general3A_1624 {dimension_numbers = #tpu.dot_dimension_numbers<[1], [0], [0], [1], [0, 0, 1, 1], [], []>, precision = #tpu.contract_precision<fp32>, transpose_lhs_hint = false} : vector<32x3xf32>, vector<3x4096xf32>, vector<32x4096xf32> -> vector<32x4096xf32>
    %add3A_1626 = vector.broadcast %broadcast_in_dim3A_1623 : vector<32x1xf32> to vector<32x4096xf32>
    %add3A_1627 = vector.broadcast %add3A_21 : vector<1x4096xf32> to vector<32x4096xf32>
    %add3A_1628 = arith.addf %add3A_1626, %add3A_1627 : vector<32x4096xf32>
    %add3A_1629 = arith.addf %dot_general3A_1625, %dot_general3A_1625 : vector<32x4096xf32>
    %sub3A_1630 = arith.subf %add3A_1628, %add3A_1629 : vector<32x4096xf32>
    %reduce_min3A_1631 = arith.constant dense<0x7F800000> : vector<32xf32>
    %reduce_min3A_1632 = vector.multi_reduction <minimumf>, %sub3A_1630, %reduce_min3A_1631 [1] : vector<32x4096xf32> to vector<32xf32>
    %reduce_sum3A_1633 = vector.shape_cast %reduce_min3A_1632 : vector<32xf32> to vector<1x32xf32>
    %reduce_sum3A_1634 = arith.constant dense<0.000000e+00> : vector<1xf32>
    %reduce_sum3A_1635 = vector.multi_reduction <add>, %reduce_sum3A_1633, %reduce_sum3A_1634 [1] : vector<1x32xf32> to vector<1xf32>
    %reduce_sum3A_1636 = vector.shape_cast %reduce_sum3A_1635 : vector<1xf32> to vector<1x1xf32>
    %reduce_sum3A_1637 = vector.extract %reduce_sum3A_1636[0, 0] : f32 from vector<1x1xf32>
    %add3A_1638 = vector.broadcast %reduce_sum3A_1637 : f32 to vector<1x1xf32>
    %add3A_1639 = arith.addf %add3A_1610, %add3A_1638 : vector<1x1xf32>
    %reduce_min3A_1640 = arith.constant dense<0x7F800000> : vector<4096xf32>
    %reduce_min3A_1641 = vector.multi_reduction <minimumf>, %sub3A_1630, %reduce_min3A_1640 [0] : vector<32x4096xf32> to vector<4096xf32>
    %broadcast_in_dim3A_1642 = vector.shape_cast %reduce_min3A_1641 : vector<4096xf32> to vector<1x4096xf32>
    %min3A_1643 = arith.minimumf %min3A_1614, %broadcast_in_dim3A_1642 : vector<1x4096xf32>
    %get3A_1644 = arith.constant 0 : index
    %get3A_1645 = arith.constant 1792 : index
    %get3A_1646 = arith.constant 0 : index
    %get3A_1647 = vector.load %arg1[%get3A_1644, %get3A_1645, %get3A_1646] : memref<1x2048x3xf32, #tpu.memory_space<vmem>>, vector<1x32x3xf32>
    %get3A_1648 = vector.shape_cast %get3A_1647 : vector<1x32x3xf32> to vector<32x3xf32>
    %mul3A_1649 = arith.mulf %get3A_1648, %get3A_1648 : vector<32x3xf32>
    %reduce_sum3A_1650 = arith.constant dense<0.000000e+00> : vector<32xf32>
    %reduce_sum3A_1651 = vector.multi_reduction <add>, %mul3A_1649, %reduce_sum3A_1650 [1] : vector<32x3xf32> to vector<32xf32>
    %broadcast_in_dim3A_1652 = vector.shape_cast %reduce_sum3A_1651 : vector<32xf32> to vector<32x1xf32>
    %dot_general3A_1653 = arith.constant dense<0.000000e+00> : vector<32x4096xf32>
    %dot_general3A_1654 = tpu.matmul %get3A_1648, %get3A_3, %dot_general3A_1653 {dimension_numbers = #tpu.dot_dimension_numbers<[1], [0], [0], [1], [0, 0, 1, 1], [], []>, precision = #tpu.contract_precision<fp32>, transpose_lhs_hint = false} : vector<32x3xf32>, vector<3x4096xf32>, vector<32x4096xf32> -> vector<32x4096xf32>
    %add3A_1655 = vector.broadcast %broadcast_in_dim3A_1652 : vector<32x1xf32> to vector<32x4096xf32>
    %add3A_1656 = vector.broadcast %add3A_21 : vector<1x4096xf32> to vector<32x4096xf32>
    %add3A_1657 = arith.addf %add3A_1655, %add3A_1656 : vector<32x4096xf32>
    %add3A_1658 = arith.addf %dot_general3A_1654, %dot_general3A_1654 : vector<32x4096xf32>
    %sub3A_1659 = arith.subf %add3A_1657, %add3A_1658 : vector<32x4096xf32>
    %reduce_min3A_1660 = arith.constant dense<0x7F800000> : vector<32xf32>
    %reduce_min3A_1661 = vector.multi_reduction <minimumf>, %sub3A_1659, %reduce_min3A_1660 [1] : vector<32x4096xf32> to vector<32xf32>
    %reduce_sum3A_1662 = vector.shape_cast %reduce_min3A_1661 : vector<32xf32> to vector<1x32xf32>
    %reduce_sum3A_1663 = arith.constant dense<0.000000e+00> : vector<1xf32>
    %reduce_sum3A_1664 = vector.multi_reduction <add>, %reduce_sum3A_1662, %reduce_sum3A_1663 [1] : vector<1x32xf32> to vector<1xf32>
    %reduce_sum3A_1665 = vector.shape_cast %reduce_sum3A_1664 : vector<1xf32> to vector<1x1xf32>
    %reduce_sum3A_1666 = vector.extract %reduce_sum3A_1665[0, 0] : f32 from vector<1x1xf32>
    %add3A_1667 = vector.broadcast %reduce_sum3A_1666 : f32 to vector<1x1xf32>
    %add3A_1668 = arith.addf %add3A_1639, %add3A_1667 : vector<1x1xf32>
    %reduce_min3A_1669 = arith.constant dense<0x7F800000> : vector<4096xf32>
    %reduce_min3A_1670 = vector.multi_reduction <minimumf>, %sub3A_1659, %reduce_min3A_1669 [0] : vector<32x4096xf32> to vector<4096xf32>
    %broadcast_in_dim3A_1671 = vector.shape_cast %reduce_min3A_1670 : vector<4096xf32> to vector<1x4096xf32>
    %min3A_1672 = arith.minimumf %min3A_1643, %broadcast_in_dim3A_1671 : vector<1x4096xf32>
    %get3A_1673 = arith.constant 0 : index
    %get3A_1674 = arith.constant 1824 : index
    %get3A_1675 = arith.constant 0 : index
    %get3A_1676 = vector.load %arg1[%get3A_1673, %get3A_1674, %get3A_1675] : memref<1x2048x3xf32, #tpu.memory_space<vmem>>, vector<1x32x3xf32>
    %get3A_1677 = vector.shape_cast %get3A_1676 : vector<1x32x3xf32> to vector<32x3xf32>
    %mul3A_1678 = arith.mulf %get3A_1677, %get3A_1677 : vector<32x3xf32>
    %reduce_sum3A_1679 = arith.constant dense<0.000000e+00> : vector<32xf32>
    %reduce_sum3A_1680 = vector.multi_reduction <add>, %mul3A_1678, %reduce_sum3A_1679 [1] : vector<32x3xf32> to vector<32xf32>
    %broadcast_in_dim3A_1681 = vector.shape_cast %reduce_sum3A_1680 : vector<32xf32> to vector<32x1xf32>
    %dot_general3A_1682 = arith.constant dense<0.000000e+00> : vector<32x4096xf32>
    %dot_general3A_1683 = tpu.matmul %get3A_1677, %get3A_3, %dot_general3A_1682 {dimension_numbers = #tpu.dot_dimension_numbers<[1], [0], [0], [1], [0, 0, 1, 1], [], []>, precision = #tpu.contract_precision<fp32>, transpose_lhs_hint = false} : vector<32x3xf32>, vector<3x4096xf32>, vector<32x4096xf32> -> vector<32x4096xf32>
    %add3A_1684 = vector.broadcast %broadcast_in_dim3A_1681 : vector<32x1xf32> to vector<32x4096xf32>
    %add3A_1685 = vector.broadcast %add3A_21 : vector<1x4096xf32> to vector<32x4096xf32>
    %add3A_1686 = arith.addf %add3A_1684, %add3A_1685 : vector<32x4096xf32>
    %add3A_1687 = arith.addf %dot_general3A_1683, %dot_general3A_1683 : vector<32x4096xf32>
    %sub3A_1688 = arith.subf %add3A_1686, %add3A_1687 : vector<32x4096xf32>
    %reduce_min3A_1689 = arith.constant dense<0x7F800000> : vector<32xf32>
    %reduce_min3A_1690 = vector.multi_reduction <minimumf>, %sub3A_1688, %reduce_min3A_1689 [1] : vector<32x4096xf32> to vector<32xf32>
    %reduce_sum3A_1691 = vector.shape_cast %reduce_min3A_1690 : vector<32xf32> to vector<1x32xf32>
    %reduce_sum3A_1692 = arith.constant dense<0.000000e+00> : vector<1xf32>
    %reduce_sum3A_1693 = vector.multi_reduction <add>, %reduce_sum3A_1691, %reduce_sum3A_1692 [1] : vector<1x32xf32> to vector<1xf32>
    %reduce_sum3A_1694 = vector.shape_cast %reduce_sum3A_1693 : vector<1xf32> to vector<1x1xf32>
    %reduce_sum3A_1695 = vector.extract %reduce_sum3A_1694[0, 0] : f32 from vector<1x1xf32>
    %add3A_1696 = vector.broadcast %reduce_sum3A_1695 : f32 to vector<1x1xf32>
    %add3A_1697 = arith.addf %add3A_1668, %add3A_1696 : vector<1x1xf32>
    %reduce_min3A_1698 = arith.constant dense<0x7F800000> : vector<4096xf32>
    %reduce_min3A_1699 = vector.multi_reduction <minimumf>, %sub3A_1688, %reduce_min3A_1698 [0] : vector<32x4096xf32> to vector<4096xf32>
    %broadcast_in_dim3A_1700 = vector.shape_cast %reduce_min3A_1699 : vector<4096xf32> to vector<1x4096xf32>
    %min3A_1701 = arith.minimumf %min3A_1672, %broadcast_in_dim3A_1700 : vector<1x4096xf32>
    %get3A_1702 = arith.constant 0 : index
    %get3A_1703 = arith.constant 1856 : index
    %get3A_1704 = arith.constant 0 : index
    %get3A_1705 = vector.load %arg1[%get3A_1702, %get3A_1703, %get3A_1704] : memref<1x2048x3xf32, #tpu.memory_space<vmem>>, vector<1x32x3xf32>
    %get3A_1706 = vector.shape_cast %get3A_1705 : vector<1x32x3xf32> to vector<32x3xf32>
    %mul3A_1707 = arith.mulf %get3A_1706, %get3A_1706 : vector<32x3xf32>
    %reduce_sum3A_1708 = arith.constant dense<0.000000e+00> : vector<32xf32>
    %reduce_sum3A_1709 = vector.multi_reduction <add>, %mul3A_1707, %reduce_sum3A_1708 [1] : vector<32x3xf32> to vector<32xf32>
    %broadcast_in_dim3A_1710 = vector.shape_cast %reduce_sum3A_1709 : vector<32xf32> to vector<32x1xf32>
    %dot_general3A_1711 = arith.constant dense<0.000000e+00> : vector<32x4096xf32>
    %dot_general3A_1712 = tpu.matmul %get3A_1706, %get3A_3, %dot_general3A_1711 {dimension_numbers = #tpu.dot_dimension_numbers<[1], [0], [0], [1], [0, 0, 1, 1], [], []>, precision = #tpu.contract_precision<fp32>, transpose_lhs_hint = false} : vector<32x3xf32>, vector<3x4096xf32>, vector<32x4096xf32> -> vector<32x4096xf32>
    %add3A_1713 = vector.broadcast %broadcast_in_dim3A_1710 : vector<32x1xf32> to vector<32x4096xf32>
    %add3A_1714 = vector.broadcast %add3A_21 : vector<1x4096xf32> to vector<32x4096xf32>
    %add3A_1715 = arith.addf %add3A_1713, %add3A_1714 : vector<32x4096xf32>
    %add3A_1716 = arith.addf %dot_general3A_1712, %dot_general3A_1712 : vector<32x4096xf32>
    %sub3A_1717 = arith.subf %add3A_1715, %add3A_1716 : vector<32x4096xf32>
    %reduce_min3A_1718 = arith.constant dense<0x7F800000> : vector<32xf32>
    %reduce_min3A_1719 = vector.multi_reduction <minimumf>, %sub3A_1717, %reduce_min3A_1718 [1] : vector<32x4096xf32> to vector<32xf32>
    %reduce_sum3A_1720 = vector.shape_cast %reduce_min3A_1719 : vector<32xf32> to vector<1x32xf32>
    %reduce_sum3A_1721 = arith.constant dense<0.000000e+00> : vector<1xf32>
    %reduce_sum3A_1722 = vector.multi_reduction <add>, %reduce_sum3A_1720, %reduce_sum3A_1721 [1] : vector<1x32xf32> to vector<1xf32>
    %reduce_sum3A_1723 = vector.shape_cast %reduce_sum3A_1722 : vector<1xf32> to vector<1x1xf32>
    %reduce_sum3A_1724 = vector.extract %reduce_sum3A_1723[0, 0] : f32 from vector<1x1xf32>
    %add3A_1725 = vector.broadcast %reduce_sum3A_1724 : f32 to vector<1x1xf32>
    %add3A_1726 = arith.addf %add3A_1697, %add3A_1725 : vector<1x1xf32>
    %reduce_min3A_1727 = arith.constant dense<0x7F800000> : vector<4096xf32>
    %reduce_min3A_1728 = vector.multi_reduction <minimumf>, %sub3A_1717, %reduce_min3A_1727 [0] : vector<32x4096xf32> to vector<4096xf32>
    %broadcast_in_dim3A_1729 = vector.shape_cast %reduce_min3A_1728 : vector<4096xf32> to vector<1x4096xf32>
    %min3A_1730 = arith.minimumf %min3A_1701, %broadcast_in_dim3A_1729 : vector<1x4096xf32>
    %get3A_1731 = arith.constant 0 : index
    %get3A_1732 = arith.constant 1888 : index
    %get3A_1733 = arith.constant 0 : index
    %get3A_1734 = vector.load %arg1[%get3A_1731, %get3A_1732, %get3A_1733] : memref<1x2048x3xf32, #tpu.memory_space<vmem>>, vector<1x32x3xf32>
    %get3A_1735 = vector.shape_cast %get3A_1734 : vector<1x32x3xf32> to vector<32x3xf32>
    %mul3A_1736 = arith.mulf %get3A_1735, %get3A_1735 : vector<32x3xf32>
    %reduce_sum3A_1737 = arith.constant dense<0.000000e+00> : vector<32xf32>
    %reduce_sum3A_1738 = vector.multi_reduction <add>, %mul3A_1736, %reduce_sum3A_1737 [1] : vector<32x3xf32> to vector<32xf32>
    %broadcast_in_dim3A_1739 = vector.shape_cast %reduce_sum3A_1738 : vector<32xf32> to vector<32x1xf32>
    %dot_general3A_1740 = arith.constant dense<0.000000e+00> : vector<32x4096xf32>
    %dot_general3A_1741 = tpu.matmul %get3A_1735, %get3A_3, %dot_general3A_1740 {dimension_numbers = #tpu.dot_dimension_numbers<[1], [0], [0], [1], [0, 0, 1, 1], [], []>, precision = #tpu.contract_precision<fp32>, transpose_lhs_hint = false} : vector<32x3xf32>, vector<3x4096xf32>, vector<32x4096xf32> -> vector<32x4096xf32>
    %add3A_1742 = vector.broadcast %broadcast_in_dim3A_1739 : vector<32x1xf32> to vector<32x4096xf32>
    %add3A_1743 = vector.broadcast %add3A_21 : vector<1x4096xf32> to vector<32x4096xf32>
    %add3A_1744 = arith.addf %add3A_1742, %add3A_1743 : vector<32x4096xf32>
    %add3A_1745 = arith.addf %dot_general3A_1741, %dot_general3A_1741 : vector<32x4096xf32>
    %sub3A_1746 = arith.subf %add3A_1744, %add3A_1745 : vector<32x4096xf32>
    %reduce_min3A_1747 = arith.constant dense<0x7F800000> : vector<32xf32>
    %reduce_min3A_1748 = vector.multi_reduction <minimumf>, %sub3A_1746, %reduce_min3A_1747 [1] : vector<32x4096xf32> to vector<32xf32>
    %reduce_sum3A_1749 = vector.shape_cast %reduce_min3A_1748 : vector<32xf32> to vector<1x32xf32>
    %reduce_sum3A_1750 = arith.constant dense<0.000000e+00> : vector<1xf32>
    %reduce_sum3A_1751 = vector.multi_reduction <add>, %reduce_sum3A_1749, %reduce_sum3A_1750 [1] : vector<1x32xf32> to vector<1xf32>
    %reduce_sum3A_1752 = vector.shape_cast %reduce_sum3A_1751 : vector<1xf32> to vector<1x1xf32>
    %reduce_sum3A_1753 = vector.extract %reduce_sum3A_1752[0, 0] : f32 from vector<1x1xf32>
    %add3A_1754 = vector.broadcast %reduce_sum3A_1753 : f32 to vector<1x1xf32>
    %add3A_1755 = arith.addf %add3A_1726, %add3A_1754 : vector<1x1xf32>
    %reduce_min3A_1756 = arith.constant dense<0x7F800000> : vector<4096xf32>
    %reduce_min3A_1757 = vector.multi_reduction <minimumf>, %sub3A_1746, %reduce_min3A_1756 [0] : vector<32x4096xf32> to vector<4096xf32>
    %broadcast_in_dim3A_1758 = vector.shape_cast %reduce_min3A_1757 : vector<4096xf32> to vector<1x4096xf32>
    %min3A_1759 = arith.minimumf %min3A_1730, %broadcast_in_dim3A_1758 : vector<1x4096xf32>
    %get3A_1760 = arith.constant 0 : index
    %get3A_1761 = arith.constant 1920 : index
    %get3A_1762 = arith.constant 0 : index
    %get3A_1763 = vector.load %arg1[%get3A_1760, %get3A_1761, %get3A_1762] : memref<1x2048x3xf32, #tpu.memory_space<vmem>>, vector<1x32x3xf32>
    %get3A_1764 = vector.shape_cast %get3A_1763 : vector<1x32x3xf32> to vector<32x3xf32>
    %mul3A_1765 = arith.mulf %get3A_1764, %get3A_1764 : vector<32x3xf32>
    %reduce_sum3A_1766 = arith.constant dense<0.000000e+00> : vector<32xf32>
    %reduce_sum3A_1767 = vector.multi_reduction <add>, %mul3A_1765, %reduce_sum3A_1766 [1] : vector<32x3xf32> to vector<32xf32>
    %broadcast_in_dim3A_1768 = vector.shape_cast %reduce_sum3A_1767 : vector<32xf32> to vector<32x1xf32>
    %dot_general3A_1769 = arith.constant dense<0.000000e+00> : vector<32x4096xf32>
    %dot_general3A_1770 = tpu.matmul %get3A_1764, %get3A_3, %dot_general3A_1769 {dimension_numbers = #tpu.dot_dimension_numbers<[1], [0], [0], [1], [0, 0, 1, 1], [], []>, precision = #tpu.contract_precision<fp32>, transpose_lhs_hint = false} : vector<32x3xf32>, vector<3x4096xf32>, vector<32x4096xf32> -> vector<32x4096xf32>
    %add3A_1771 = vector.broadcast %broadcast_in_dim3A_1768 : vector<32x1xf32> to vector<32x4096xf32>
    %add3A_1772 = vector.broadcast %add3A_21 : vector<1x4096xf32> to vector<32x4096xf32>
    %add3A_1773 = arith.addf %add3A_1771, %add3A_1772 : vector<32x4096xf32>
    %add3A_1774 = arith.addf %dot_general3A_1770, %dot_general3A_1770 : vector<32x4096xf32>
    %sub3A_1775 = arith.subf %add3A_1773, %add3A_1774 : vector<32x4096xf32>
    %reduce_min3A_1776 = arith.constant dense<0x7F800000> : vector<32xf32>
    %reduce_min3A_1777 = vector.multi_reduction <minimumf>, %sub3A_1775, %reduce_min3A_1776 [1] : vector<32x4096xf32> to vector<32xf32>
    %reduce_sum3A_1778 = vector.shape_cast %reduce_min3A_1777 : vector<32xf32> to vector<1x32xf32>
    %reduce_sum3A_1779 = arith.constant dense<0.000000e+00> : vector<1xf32>
    %reduce_sum3A_1780 = vector.multi_reduction <add>, %reduce_sum3A_1778, %reduce_sum3A_1779 [1] : vector<1x32xf32> to vector<1xf32>
    %reduce_sum3A_1781 = vector.shape_cast %reduce_sum3A_1780 : vector<1xf32> to vector<1x1xf32>
    %reduce_sum3A_1782 = vector.extract %reduce_sum3A_1781[0, 0] : f32 from vector<1x1xf32>
    %add3A_1783 = vector.broadcast %reduce_sum3A_1782 : f32 to vector<1x1xf32>
    %add3A_1784 = arith.addf %add3A_1755, %add3A_1783 : vector<1x1xf32>
    %reduce_min3A_1785 = arith.constant dense<0x7F800000> : vector<4096xf32>
    %reduce_min3A_1786 = vector.multi_reduction <minimumf>, %sub3A_1775, %reduce_min3A_1785 [0] : vector<32x4096xf32> to vector<4096xf32>
    %broadcast_in_dim3A_1787 = vector.shape_cast %reduce_min3A_1786 : vector<4096xf32> to vector<1x4096xf32>
    %min3A_1788 = arith.minimumf %min3A_1759, %broadcast_in_dim3A_1787 : vector<1x4096xf32>
    %get3A_1789 = arith.constant 0 : index
    %get3A_1790 = arith.constant 1952 : index
    %get3A_1791 = arith.constant 0 : index
    %get3A_1792 = vector.load %arg1[%get3A_1789, %get3A_1790, %get3A_1791] : memref<1x2048x3xf32, #tpu.memory_space<vmem>>, vector<1x32x3xf32>
    %get3A_1793 = vector.shape_cast %get3A_1792 : vector<1x32x3xf32> to vector<32x3xf32>
    %mul3A_1794 = arith.mulf %get3A_1793, %get3A_1793 : vector<32x3xf32>
    %reduce_sum3A_1795 = arith.constant dense<0.000000e+00> : vector<32xf32>
    %reduce_sum3A_1796 = vector.multi_reduction <add>, %mul3A_1794, %reduce_sum3A_1795 [1] : vector<32x3xf32> to vector<32xf32>
    %broadcast_in_dim3A_1797 = vector.shape_cast %reduce_sum3A_1796 : vector<32xf32> to vector<32x1xf32>
    %dot_general3A_1798 = arith.constant dense<0.000000e+00> : vector<32x4096xf32>
    %dot_general3A_1799 = tpu.matmul %get3A_1793, %get3A_3, %dot_general3A_1798 {dimension_numbers = #tpu.dot_dimension_numbers<[1], [0], [0], [1], [0, 0, 1, 1], [], []>, precision = #tpu.contract_precision<fp32>, transpose_lhs_hint = false} : vector<32x3xf32>, vector<3x4096xf32>, vector<32x4096xf32> -> vector<32x4096xf32>
    %add3A_1800 = vector.broadcast %broadcast_in_dim3A_1797 : vector<32x1xf32> to vector<32x4096xf32>
    %add3A_1801 = vector.broadcast %add3A_21 : vector<1x4096xf32> to vector<32x4096xf32>
    %add3A_1802 = arith.addf %add3A_1800, %add3A_1801 : vector<32x4096xf32>
    %add3A_1803 = arith.addf %dot_general3A_1799, %dot_general3A_1799 : vector<32x4096xf32>
    %sub3A_1804 = arith.subf %add3A_1802, %add3A_1803 : vector<32x4096xf32>
    %reduce_min3A_1805 = arith.constant dense<0x7F800000> : vector<32xf32>
    %reduce_min3A_1806 = vector.multi_reduction <minimumf>, %sub3A_1804, %reduce_min3A_1805 [1] : vector<32x4096xf32> to vector<32xf32>
    %reduce_sum3A_1807 = vector.shape_cast %reduce_min3A_1806 : vector<32xf32> to vector<1x32xf32>
    %reduce_sum3A_1808 = arith.constant dense<0.000000e+00> : vector<1xf32>
    %reduce_sum3A_1809 = vector.multi_reduction <add>, %reduce_sum3A_1807, %reduce_sum3A_1808 [1] : vector<1x32xf32> to vector<1xf32>
    %reduce_sum3A_1810 = vector.shape_cast %reduce_sum3A_1809 : vector<1xf32> to vector<1x1xf32>
    %reduce_sum3A_1811 = vector.extract %reduce_sum3A_1810[0, 0] : f32 from vector<1x1xf32>
    %add3A_1812 = vector.broadcast %reduce_sum3A_1811 : f32 to vector<1x1xf32>
    %add3A_1813 = arith.addf %add3A_1784, %add3A_1812 : vector<1x1xf32>
    %reduce_min3A_1814 = arith.constant dense<0x7F800000> : vector<4096xf32>
    %reduce_min3A_1815 = vector.multi_reduction <minimumf>, %sub3A_1804, %reduce_min3A_1814 [0] : vector<32x4096xf32> to vector<4096xf32>
    %broadcast_in_dim3A_1816 = vector.shape_cast %reduce_min3A_1815 : vector<4096xf32> to vector<1x4096xf32>
    %min3A_1817 = arith.minimumf %min3A_1788, %broadcast_in_dim3A_1816 : vector<1x4096xf32>
    %get3A_1818 = arith.constant 0 : index
    %get3A_1819 = arith.constant 1984 : index
    %get3A_1820 = arith.constant 0 : index
    %get3A_1821 = vector.load %arg1[%get3A_1818, %get3A_1819, %get3A_1820] : memref<1x2048x3xf32, #tpu.memory_space<vmem>>, vector<1x32x3xf32>
    %get3A_1822 = vector.shape_cast %get3A_1821 : vector<1x32x3xf32> to vector<32x3xf32>
    %mul3A_1823 = arith.mulf %get3A_1822, %get3A_1822 : vector<32x3xf32>
    %reduce_sum3A_1824 = arith.constant dense<0.000000e+00> : vector<32xf32>
    %reduce_sum3A_1825 = vector.multi_reduction <add>, %mul3A_1823, %reduce_sum3A_1824 [1] : vector<32x3xf32> to vector<32xf32>
    %broadcast_in_dim3A_1826 = vector.shape_cast %reduce_sum3A_1825 : vector<32xf32> to vector<32x1xf32>
    %dot_general3A_1827 = arith.constant dense<0.000000e+00> : vector<32x4096xf32>
    %dot_general3A_1828 = tpu.matmul %get3A_1822, %get3A_3, %dot_general3A_1827 {dimension_numbers = #tpu.dot_dimension_numbers<[1], [0], [0], [1], [0, 0, 1, 1], [], []>, precision = #tpu.contract_precision<fp32>, transpose_lhs_hint = false} : vector<32x3xf32>, vector<3x4096xf32>, vector<32x4096xf32> -> vector<32x4096xf32>
    %add3A_1829 = vector.broadcast %broadcast_in_dim3A_1826 : vector<32x1xf32> to vector<32x4096xf32>
    %add3A_1830 = vector.broadcast %add3A_21 : vector<1x4096xf32> to vector<32x4096xf32>
    %add3A_1831 = arith.addf %add3A_1829, %add3A_1830 : vector<32x4096xf32>
    %add3A_1832 = arith.addf %dot_general3A_1828, %dot_general3A_1828 : vector<32x4096xf32>
    %sub3A_1833 = arith.subf %add3A_1831, %add3A_1832 : vector<32x4096xf32>
    %reduce_min3A_1834 = arith.constant dense<0x7F800000> : vector<32xf32>
    %reduce_min3A_1835 = vector.multi_reduction <minimumf>, %sub3A_1833, %reduce_min3A_1834 [1] : vector<32x4096xf32> to vector<32xf32>
    %reduce_sum3A_1836 = vector.shape_cast %reduce_min3A_1835 : vector<32xf32> to vector<1x32xf32>
    %reduce_sum3A_1837 = arith.constant dense<0.000000e+00> : vector<1xf32>
    %reduce_sum3A_1838 = vector.multi_reduction <add>, %reduce_sum3A_1836, %reduce_sum3A_1837 [1] : vector<1x32xf32> to vector<1xf32>
    %reduce_sum3A_1839 = vector.shape_cast %reduce_sum3A_1838 : vector<1xf32> to vector<1x1xf32>
    %reduce_sum3A_1840 = vector.extract %reduce_sum3A_1839[0, 0] : f32 from vector<1x1xf32>
    %add3A_1841 = vector.broadcast %reduce_sum3A_1840 : f32 to vector<1x1xf32>
    %add3A_1842 = arith.addf %add3A_1813, %add3A_1841 : vector<1x1xf32>
    %reduce_min3A_1843 = arith.constant dense<0x7F800000> : vector<4096xf32>
    %reduce_min3A_1844 = vector.multi_reduction <minimumf>, %sub3A_1833, %reduce_min3A_1843 [0] : vector<32x4096xf32> to vector<4096xf32>
    %broadcast_in_dim3A_1845 = vector.shape_cast %reduce_min3A_1844 : vector<4096xf32> to vector<1x4096xf32>
    %min3A_1846 = arith.minimumf %min3A_1817, %broadcast_in_dim3A_1845 : vector<1x4096xf32>
    %get3A_1847 = arith.constant 0 : index
    %get3A_1848 = arith.constant 2016 : index
    %get3A_1849 = arith.constant 0 : index
    %get3A_1850 = vector.load %arg1[%get3A_1847, %get3A_1848, %get3A_1849] : memref<1x2048x3xf32, #tpu.memory_space<vmem>>, vector<1x32x3xf32>
    %get3A_1851 = vector.shape_cast %get3A_1850 : vector<1x32x3xf32> to vector<32x3xf32>
    %mul3A_1852 = arith.mulf %get3A_1851, %get3A_1851 : vector<32x3xf32>
    %reduce_sum3A_1853 = arith.constant dense<0.000000e+00> : vector<32xf32>
    %reduce_sum3A_1854 = vector.multi_reduction <add>, %mul3A_1852, %reduce_sum3A_1853 [1] : vector<32x3xf32> to vector<32xf32>
    %broadcast_in_dim3A_1855 = vector.shape_cast %reduce_sum3A_1854 : vector<32xf32> to vector<32x1xf32>
    %dot_general3A_1856 = arith.constant dense<0.000000e+00> : vector<32x4096xf32>
    %dot_general3A_1857 = tpu.matmul %get3A_1851, %get3A_3, %dot_general3A_1856 {dimension_numbers = #tpu.dot_dimension_numbers<[1], [0], [0], [1], [0, 0, 1, 1], [], []>, precision = #tpu.contract_precision<fp32>, transpose_lhs_hint = false} : vector<32x3xf32>, vector<3x4096xf32>, vector<32x4096xf32> -> vector<32x4096xf32>
    %add3A_1858 = vector.broadcast %broadcast_in_dim3A_1855 : vector<32x1xf32> to vector<32x4096xf32>
    %add3A_1859 = vector.broadcast %add3A_21 : vector<1x4096xf32> to vector<32x4096xf32>
    %add3A_1860 = arith.addf %add3A_1858, %add3A_1859 : vector<32x4096xf32>
    %add3A_1861 = arith.addf %dot_general3A_1857, %dot_general3A_1857 : vector<32x4096xf32>
    %sub3A_1862 = arith.subf %add3A_1860, %add3A_1861 : vector<32x4096xf32>
    %reduce_min3A_1863 = arith.constant dense<0x7F800000> : vector<32xf32>
    %reduce_min3A_1864 = vector.multi_reduction <minimumf>, %sub3A_1862, %reduce_min3A_1863 [1] : vector<32x4096xf32> to vector<32xf32>
    %reduce_sum3A_1865 = vector.shape_cast %reduce_min3A_1864 : vector<32xf32> to vector<1x32xf32>
    %reduce_sum3A_1866 = arith.constant dense<0.000000e+00> : vector<1xf32>
    %reduce_sum3A_1867 = vector.multi_reduction <add>, %reduce_sum3A_1865, %reduce_sum3A_1866 [1] : vector<1x32xf32> to vector<1xf32>
    %reduce_sum3A_1868 = vector.shape_cast %reduce_sum3A_1867 : vector<1xf32> to vector<1x1xf32>
    %reduce_sum3A_1869 = vector.extract %reduce_sum3A_1868[0, 0] : f32 from vector<1x1xf32>
    %add3A_1870 = vector.broadcast %reduce_sum3A_1869 : f32 to vector<1x1xf32>
    %add3A_1871 = arith.addf %add3A_1842, %add3A_1870 : vector<1x1xf32>
    %reduce_min3A_1872 = arith.constant dense<0x7F800000> : vector<4096xf32>
    %reduce_min3A_1873 = vector.multi_reduction <minimumf>, %sub3A_1862, %reduce_min3A_1872 [0] : vector<32x4096xf32> to vector<4096xf32>
    %broadcast_in_dim3A_1874 = vector.shape_cast %reduce_min3A_1873 : vector<4096xf32> to vector<1x4096xf32>
    %min3A_1875 = arith.minimumf %min3A_1846, %broadcast_in_dim3A_1874 : vector<1x4096xf32>
    %div3A = arith.constant 2.048000e+03 : f32
    %div3A_1876 = vector.broadcast %div3A : f32 to vector<1x1xf32>
    %div3A_1877 = arith.divf %add3A_1871, %div3A_1876 : vector<1x1xf32>
    %reduce_sum3A_1878 = vector.shape_cast %min3A_1875 : vector<1x4096xf32> to vector<1x1x4096xf32>
    %reduce_sum3A_1879 = arith.constant dense<0.000000e+00> : vector<1xf32>
    %reduce_sum3A_1880 = vector.multi_reduction <add>, %reduce_sum3A_1878, %reduce_sum3A_1879 [1, 2] : vector<1x1x4096xf32> to vector<1xf32>
    %reduce_sum3A_1881 = vector.shape_cast %reduce_sum3A_1880 : vector<1xf32> to vector<1x1x1xf32>
    %reduce_sum3A_1882 = vector.extract %reduce_sum3A_1881[0, 0, 0] : f32 from vector<1x1x1xf32>
    %div3A_1883 = arith.constant 4.096000e+03 : f32
    %div3A_1884 = arith.divf %reduce_sum3A_1882, %div3A_1883 : f32
    %add3A_1885 = vector.broadcast %div3A_1884 : f32 to vector<1x1xf32>
    %add3A_1886 = arith.addf %div3A_1877, %add3A_1885 : vector<1x1xf32>
    %swap3A = arith.constant 0 : index
    %swap3A_1887 = arith.constant 0 : index
    %swap3A_1888 = arith.constant 0 : index
    %swap3A_1889 = vector.load %arg3[%swap3A, %swap3A_1887, %swap3A_1888] : memref<1x1x1xf32, #tpu.memory_space<vmem>>, vector<1x1x1xf32>
    %swap3A_1890 = vector.shape_cast %swap3A_1889 : vector<1x1x1xf32> to vector<1x1xf32>
    %swap3A_1891 = vector.shape_cast %add3A_1886 : vector<1x1xf32> to vector<1x1x1xf32>
    tpu.vector_store %arg3[%swap3A, %swap3A_1887, %swap3A_1888], %swap3A_1891 {strides = array<i32>} : memref<1x1x1xf32, #tpu.memory_space<vmem>>, vector<1x1x1xf32>,
    return
  }
  func.func @transform_0(%arg0: i32) -> (i32, i32, i32) {
    %c0_i32 = arith.constant 0 : i32
    %c0_i32_0 = arith.constant 0 : i32
    %c0_i32_1 = arith.constant 0 : i32
    return %arg0, %c0_i32, %c0_i32_0 : i32, i32, i32
  }
  func.func @transform_1(%arg0: i32) -> (i32, i32, i32) {
    %c0_i32 = arith.constant 0 : i32
    %c0_i32_0 = arith.constant 0 : i32
    %c0_i32_1 = arith.constant 0 : i32
    return %arg0, %c0_i32, %c0_i32_0 : i32, i32, i32
  }
  func.func @transform_2(%arg0: i32) -> (i32, i32, i32) {
    %c0_i32 = arith.constant 0 : i32
    %c0_i32_0 = arith.constant 0 : i32
    %c0_i32_1 = arith.constant 0 : i32
    return %arg0, %c0_i32, %c0_i32_0 : i32, i32, i32
  }
}

module attributes {stable_mosaic.version = 14 : i64} {
  func.func @_emd_body(%arg0: i32, %arg1: memref<1x1024x3xf32, #tpu.memory_space<vmem>>, %arg2: memref<1x3x1024xf32, #tpu.memory_space<vmem>>, %arg3: memref<1x1x1xf32, #tpu.memory_space<vmem>>, %arg4: memref<1024x1024xf32, #tpu.memory_space<vmem>>, %arg5: memref<16x1024xf32, #tpu.memory_space<vmem>>, %arg6: memref<16x1024xf32, #tpu.memory_space<vmem>>, %arg7: memref<1x1024xf32, #tpu.memory_space<vmem>>, %arg8: memref<1x1024xf32, #tpu.memory_space<vmem>>) attributes {dimension_semantics = [#tpu.dimension_semantics<parallel>], iteration_bounds = array<i64: 8>, scalar_prefetch = 0 : i64, scratch_operands = 5 : i64, tpu.core_type = #tpu.core_type<tc>, window_params = [{transform_indices = @transform_0, window_bounds = array<i64: 1, 1024, 3>}, {transform_indices = @transform_1, window_bounds = array<i64: 1, 3, 1024>}, {transform_indices = @transform_2, window_bounds = array<i64: 1, 1, 1>}]} {
    %get3A = arith.constant 0 : index
    %get3A_0 = arith.constant 0 : index
    %get3A_1 = arith.constant 0 : index
    %get3A_2 = vector.load %arg2[%get3A, %get3A_0, %get3A_1] : memref<1x3x1024xf32, #tpu.memory_space<vmem>>, vector<1x1x1024xf32>
    %get3A_3 = vector.shape_cast %get3A_2 : vector<1x1x1024xf32> to vector<1x1024xf32>
    %get3A_4 = arith.constant 0 : index
    %get3A_5 = arith.constant 1 : index
    %get3A_6 = arith.constant 0 : index
    %get3A_7 = vector.load %arg2[%get3A_4, %get3A_5, %get3A_6] : memref<1x3x1024xf32, #tpu.memory_space<vmem>>, vector<1x1x1024xf32>
    %get3A_8 = vector.shape_cast %get3A_7 : vector<1x1x1024xf32> to vector<1x1024xf32>
    %get3A_9 = arith.constant 0 : index
    %get3A_10 = arith.constant 2 : index
    %get3A_11 = arith.constant 0 : index
    %get3A_12 = vector.load %arg2[%get3A_9, %get3A_10, %get3A_11] : memref<1x3x1024xf32, #tpu.memory_space<vmem>>, vector<1x1x1024xf32>
    %get3A_13 = vector.shape_cast %get3A_12 : vector<1x1x1024xf32> to vector<1x1024xf32>
    %iota3A = tpu.iota {dimensions = array<i32: 1>} : vector<64x1024xi32>
    %convert_element_type3A = arith.sitofp %iota3A : vector<64x1024xi32> to vector<64x1024xf32>
    %iota3A_14 = tpu.iota {dimensions = array<i32: 0>} : vector<64x1xi32>
    %convert_element_type3A_15 = arith.sitofp %iota3A_14 : vector<64x1xi32> to vector<64x1xf32>
    %get3A_16 = arith.constant 0 : index
    %get3A_17 = arith.constant 0 : index
    %get3A_18 = arith.constant 0 : index
    %get3A_19 = vector.load %arg1[%get3A_16, %get3A_17, %get3A_18] : memref<1x1024x3xf32, #tpu.memory_space<vmem>>, vector<1x64x1xf32>
    %get3A_20 = vector.shape_cast %get3A_19 : vector<1x64x1xf32> to vector<64x1xf32>
    %get3A_21 = arith.constant 0 : index
    %get3A_22 = arith.constant 0 : index
    %get3A_23 = arith.constant 1 : index
    %get3A_24 = vector.load %arg1[%get3A_21, %get3A_22, %get3A_23] : memref<1x1024x3xf32, #tpu.memory_space<vmem>>, vector<1x64x1xf32>
    %get3A_25 = vector.shape_cast %get3A_24 : vector<1x64x1xf32> to vector<64x1xf32>
    %get3A_26 = arith.constant 0 : index
    %get3A_27 = arith.constant 0 : index
    %get3A_28 = arith.constant 2 : index
    %get3A_29 = vector.load %arg1[%get3A_26, %get3A_27, %get3A_28] : memref<1x1024x3xf32, #tpu.memory_space<vmem>>, vector<1x64x1xf32>
    %get3A_30 = vector.shape_cast %get3A_29 : vector<1x64x1xf32> to vector<64x1xf32>
    %sub3A = vector.broadcast %get3A_20 : vector<64x1xf32> to vector<64x1024xf32>
    %sub3A_31 = vector.broadcast %get3A_3 : vector<1x1024xf32> to vector<64x1024xf32>
    %sub3A_32 = arith.subf %sub3A, %sub3A_31 : vector<64x1024xf32>
    %sub3A_33 = vector.broadcast %get3A_25 : vector<64x1xf32> to vector<64x1024xf32>
    %sub3A_34 = vector.broadcast %get3A_8 : vector<1x1024xf32> to vector<64x1024xf32>
    %sub3A_35 = arith.subf %sub3A_33, %sub3A_34 : vector<64x1024xf32>
    %sub3A_36 = vector.broadcast %get3A_30 : vector<64x1xf32> to vector<64x1024xf32>
    %sub3A_37 = vector.broadcast %get3A_13 : vector<1x1024xf32> to vector<64x1024xf32>
    %sub3A_38 = arith.subf %sub3A_36, %sub3A_37 : vector<64x1024xf32>
    %mul3A = arith.mulf %sub3A_32, %sub3A_32 : vector<64x1024xf32>
    %mul3A_39 = arith.mulf %sub3A_35, %sub3A_35 : vector<64x1024xf32>
    %add3A = arith.addf %mul3A, %mul3A_39 : vector<64x1024xf32>
    %mul3A_40 = arith.mulf %sub3A_38, %sub3A_38 : vector<64x1024xf32>
    %add3A_41 = arith.addf %add3A, %mul3A_40 : vector<64x1024xf32>
    %neg3A = arith.constant 0.000000e+00 : f32
    %neg3A_42 = vector.broadcast %neg3A : f32 to vector<64x1024xf32>
    %neg3A_43 = arith.subf %neg3A_42, %add3A_41 : vector<64x1024xf32>
    %swap3A = arith.constant 0 : index
    %swap3A_44 = arith.constant 0 : index
    %swap3A_45 = vector.load %arg4[%swap3A, %swap3A_44] : memref<1024x1024xf32, #tpu.memory_space<vmem>>, vector<64x1024xf32>
    tpu.vector_store %arg4[%swap3A, %swap3A_44], %neg3A_43 {strides = array<i32>} : memref<1024x1024xf32, #tpu.memory_space<vmem>>, vector<64x1024xf32>,
    %get3A_46 = arith.constant 0 : index
    %get3A_47 = arith.constant 64 : index
    %get3A_48 = arith.constant 0 : index
    %get3A_49 = vector.load %arg1[%get3A_46, %get3A_47, %get3A_48] : memref<1x1024x3xf32, #tpu.memory_space<vmem>>, vector<1x64x1xf32>
    %get3A_50 = vector.shape_cast %get3A_49 : vector<1x64x1xf32> to vector<64x1xf32>
    %get3A_51 = arith.constant 0 : index
    %get3A_52 = arith.constant 64 : index
    %get3A_53 = arith.constant 1 : index
    %get3A_54 = vector.load %arg1[%get3A_51, %get3A_52, %get3A_53] : memref<1x1024x3xf32, #tpu.memory_space<vmem>>, vector<1x64x1xf32>
    %get3A_55 = vector.shape_cast %get3A_54 : vector<1x64x1xf32> to vector<64x1xf32>
    %get3A_56 = arith.constant 0 : index
    %get3A_57 = arith.constant 64 : index
    %get3A_58 = arith.constant 2 : index
    %get3A_59 = vector.load %arg1[%get3A_56, %get3A_57, %get3A_58] : memref<1x1024x3xf32, #tpu.memory_space<vmem>>, vector<1x64x1xf32>
    %get3A_60 = vector.shape_cast %get3A_59 : vector<1x64x1xf32> to vector<64x1xf32>
    %sub3A_61 = vector.broadcast %get3A_50 : vector<64x1xf32> to vector<64x1024xf32>
    %sub3A_62 = vector.broadcast %get3A_3 : vector<1x1024xf32> to vector<64x1024xf32>
    %sub3A_63 = arith.subf %sub3A_61, %sub3A_62 : vector<64x1024xf32>
    %sub3A_64 = vector.broadcast %get3A_55 : vector<64x1xf32> to vector<64x1024xf32>
    %sub3A_65 = vector.broadcast %get3A_8 : vector<1x1024xf32> to vector<64x1024xf32>
    %sub3A_66 = arith.subf %sub3A_64, %sub3A_65 : vector<64x1024xf32>
    %sub3A_67 = vector.broadcast %get3A_60 : vector<64x1xf32> to vector<64x1024xf32>
    %sub3A_68 = vector.broadcast %get3A_13 : vector<1x1024xf32> to vector<64x1024xf32>
    %sub3A_69 = arith.subf %sub3A_67, %sub3A_68 : vector<64x1024xf32>
    %mul3A_70 = arith.mulf %sub3A_63, %sub3A_63 : vector<64x1024xf32>
    %mul3A_71 = arith.mulf %sub3A_66, %sub3A_66 : vector<64x1024xf32>
    %add3A_72 = arith.addf %mul3A_70, %mul3A_71 : vector<64x1024xf32>
    %mul3A_73 = arith.mulf %sub3A_69, %sub3A_69 : vector<64x1024xf32>
    %add3A_74 = arith.addf %add3A_72, %mul3A_73 : vector<64x1024xf32>
    %neg3A_75 = arith.constant 0.000000e+00 : f32
    %neg3A_76 = vector.broadcast %neg3A_75 : f32 to vector<64x1024xf32>
    %neg3A_77 = arith.subf %neg3A_76, %add3A_74 : vector<64x1024xf32>
    %swap3A_78 = arith.constant 64 : index
    %swap3A_79 = arith.constant 0 : index
    %swap3A_80 = vector.load %arg4[%swap3A_78, %swap3A_79] : memref<1024x1024xf32, #tpu.memory_space<vmem>>, vector<64x1024xf32>
    tpu.vector_store %arg4[%swap3A_78, %swap3A_79], %neg3A_77 {strides = array<i32>} : memref<1024x1024xf32, #tpu.memory_space<vmem>>, vector<64x1024xf32>,
    %get3A_81 = arith.constant 0 : index
    %get3A_82 = arith.constant 128 : index
    %get3A_83 = arith.constant 0 : index
    %get3A_84 = vector.load %arg1[%get3A_81, %get3A_82, %get3A_83] : memref<1x1024x3xf32, #tpu.memory_space<vmem>>, vector<1x64x1xf32>
    %get3A_85 = vector.shape_cast %get3A_84 : vector<1x64x1xf32> to vector<64x1xf32>
    %get3A_86 = arith.constant 0 : index
    %get3A_87 = arith.constant 128 : index
    %get3A_88 = arith.constant 1 : index
    %get3A_89 = vector.load %arg1[%get3A_86, %get3A_87, %get3A_88] : memref<1x1024x3xf32, #tpu.memory_space<vmem>>, vector<1x64x1xf32>
    %get3A_90 = vector.shape_cast %get3A_89 : vector<1x64x1xf32> to vector<64x1xf32>
    %get3A_91 = arith.constant 0 : index
    %get3A_92 = arith.constant 128 : index
    %get3A_93 = arith.constant 2 : index
    %get3A_94 = vector.load %arg1[%get3A_91, %get3A_92, %get3A_93] : memref<1x1024x3xf32, #tpu.memory_space<vmem>>, vector<1x64x1xf32>
    %get3A_95 = vector.shape_cast %get3A_94 : vector<1x64x1xf32> to vector<64x1xf32>
    %sub3A_96 = vector.broadcast %get3A_85 : vector<64x1xf32> to vector<64x1024xf32>
    %sub3A_97 = vector.broadcast %get3A_3 : vector<1x1024xf32> to vector<64x1024xf32>
    %sub3A_98 = arith.subf %sub3A_96, %sub3A_97 : vector<64x1024xf32>
    %sub3A_99 = vector.broadcast %get3A_90 : vector<64x1xf32> to vector<64x1024xf32>
    %sub3A_100 = vector.broadcast %get3A_8 : vector<1x1024xf32> to vector<64x1024xf32>
    %sub3A_101 = arith.subf %sub3A_99, %sub3A_100 : vector<64x1024xf32>
    %sub3A_102 = vector.broadcast %get3A_95 : vector<64x1xf32> to vector<64x1024xf32>
    %sub3A_103 = vector.broadcast %get3A_13 : vector<1x1024xf32> to vector<64x1024xf32>
    %sub3A_104 = arith.subf %sub3A_102, %sub3A_103 : vector<64x1024xf32>
    %mul3A_105 = arith.mulf %sub3A_98, %sub3A_98 : vector<64x1024xf32>
    %mul3A_106 = arith.mulf %sub3A_101, %sub3A_101 : vector<64x1024xf32>
    %add3A_107 = arith.addf %mul3A_105, %mul3A_106 : vector<64x1024xf32>
    %mul3A_108 = arith.mulf %sub3A_104, %sub3A_104 : vector<64x1024xf32>
    %add3A_109 = arith.addf %add3A_107, %mul3A_108 : vector<64x1024xf32>
    %neg3A_110 = arith.constant 0.000000e+00 : f32
    %neg3A_111 = vector.broadcast %neg3A_110 : f32 to vector<64x1024xf32>
    %neg3A_112 = arith.subf %neg3A_111, %add3A_109 : vector<64x1024xf32>
    %swap3A_113 = arith.constant 128 : index
    %swap3A_114 = arith.constant 0 : index
    %swap3A_115 = vector.load %arg4[%swap3A_113, %swap3A_114] : memref<1024x1024xf32, #tpu.memory_space<vmem>>, vector<64x1024xf32>
    tpu.vector_store %arg4[%swap3A_113, %swap3A_114], %neg3A_112 {strides = array<i32>} : memref<1024x1024xf32, #tpu.memory_space<vmem>>, vector<64x1024xf32>,
    %get3A_116 = arith.constant 0 : index
    %get3A_117 = arith.constant 192 : index
    %get3A_118 = arith.constant 0 : index
    %get3A_119 = vector.load %arg1[%get3A_116, %get3A_117, %get3A_118] : memref<1x1024x3xf32, #tpu.memory_space<vmem>>, vector<1x64x1xf32>
    %get3A_120 = vector.shape_cast %get3A_119 : vector<1x64x1xf32> to vector<64x1xf32>
    %get3A_121 = arith.constant 0 : index
    %get3A_122 = arith.constant 192 : index
    %get3A_123 = arith.constant 1 : index
    %get3A_124 = vector.load %arg1[%get3A_121, %get3A_122, %get3A_123] : memref<1x1024x3xf32, #tpu.memory_space<vmem>>, vector<1x64x1xf32>
    %get3A_125 = vector.shape_cast %get3A_124 : vector<1x64x1xf32> to vector<64x1xf32>
    %get3A_126 = arith.constant 0 : index
    %get3A_127 = arith.constant 192 : index
    %get3A_128 = arith.constant 2 : index
    %get3A_129 = vector.load %arg1[%get3A_126, %get3A_127, %get3A_128] : memref<1x1024x3xf32, #tpu.memory_space<vmem>>, vector<1x64x1xf32>
    %get3A_130 = vector.shape_cast %get3A_129 : vector<1x64x1xf32> to vector<64x1xf32>
    %sub3A_131 = vector.broadcast %get3A_120 : vector<64x1xf32> to vector<64x1024xf32>
    %sub3A_132 = vector.broadcast %get3A_3 : vector<1x1024xf32> to vector<64x1024xf32>
    %sub3A_133 = arith.subf %sub3A_131, %sub3A_132 : vector<64x1024xf32>
    %sub3A_134 = vector.broadcast %get3A_125 : vector<64x1xf32> to vector<64x1024xf32>
    %sub3A_135 = vector.broadcast %get3A_8 : vector<1x1024xf32> to vector<64x1024xf32>
    %sub3A_136 = arith.subf %sub3A_134, %sub3A_135 : vector<64x1024xf32>
    %sub3A_137 = vector.broadcast %get3A_130 : vector<64x1xf32> to vector<64x1024xf32>
    %sub3A_138 = vector.broadcast %get3A_13 : vector<1x1024xf32> to vector<64x1024xf32>
    %sub3A_139 = arith.subf %sub3A_137, %sub3A_138 : vector<64x1024xf32>
    %mul3A_140 = arith.mulf %sub3A_133, %sub3A_133 : vector<64x1024xf32>
    %mul3A_141 = arith.mulf %sub3A_136, %sub3A_136 : vector<64x1024xf32>
    %add3A_142 = arith.addf %mul3A_140, %mul3A_141 : vector<64x1024xf32>
    %mul3A_143 = arith.mulf %sub3A_139, %sub3A_139 : vector<64x1024xf32>
    %add3A_144 = arith.addf %add3A_142, %mul3A_143 : vector<64x1024xf32>
    %neg3A_145 = arith.constant 0.000000e+00 : f32
    %neg3A_146 = vector.broadcast %neg3A_145 : f32 to vector<64x1024xf32>
    %neg3A_147 = arith.subf %neg3A_146, %add3A_144 : vector<64x1024xf32>
    %swap3A_148 = arith.constant 192 : index
    %swap3A_149 = arith.constant 0 : index
    %swap3A_150 = vector.load %arg4[%swap3A_148, %swap3A_149] : memref<1024x1024xf32, #tpu.memory_space<vmem>>, vector<64x1024xf32>
    tpu.vector_store %arg4[%swap3A_148, %swap3A_149], %neg3A_147 {strides = array<i32>} : memref<1024x1024xf32, #tpu.memory_space<vmem>>, vector<64x1024xf32>,
    %get3A_151 = arith.constant 0 : index
    %get3A_152 = arith.constant 256 : index
    %get3A_153 = arith.constant 0 : index
    %get3A_154 = vector.load %arg1[%get3A_151, %get3A_152, %get3A_153] : memref<1x1024x3xf32, #tpu.memory_space<vmem>>, vector<1x64x1xf32>
    %get3A_155 = vector.shape_cast %get3A_154 : vector<1x64x1xf32> to vector<64x1xf32>
    %get3A_156 = arith.constant 0 : index
    %get3A_157 = arith.constant 256 : index
    %get3A_158 = arith.constant 1 : index
    %get3A_159 = vector.load %arg1[%get3A_156, %get3A_157, %get3A_158] : memref<1x1024x3xf32, #tpu.memory_space<vmem>>, vector<1x64x1xf32>
    %get3A_160 = vector.shape_cast %get3A_159 : vector<1x64x1xf32> to vector<64x1xf32>
    %get3A_161 = arith.constant 0 : index
    %get3A_162 = arith.constant 256 : index
    %get3A_163 = arith.constant 2 : index
    %get3A_164 = vector.load %arg1[%get3A_161, %get3A_162, %get3A_163] : memref<1x1024x3xf32, #tpu.memory_space<vmem>>, vector<1x64x1xf32>
    %get3A_165 = vector.shape_cast %get3A_164 : vector<1x64x1xf32> to vector<64x1xf32>
    %sub3A_166 = vector.broadcast %get3A_155 : vector<64x1xf32> to vector<64x1024xf32>
    %sub3A_167 = vector.broadcast %get3A_3 : vector<1x1024xf32> to vector<64x1024xf32>
    %sub3A_168 = arith.subf %sub3A_166, %sub3A_167 : vector<64x1024xf32>
    %sub3A_169 = vector.broadcast %get3A_160 : vector<64x1xf32> to vector<64x1024xf32>
    %sub3A_170 = vector.broadcast %get3A_8 : vector<1x1024xf32> to vector<64x1024xf32>
    %sub3A_171 = arith.subf %sub3A_169, %sub3A_170 : vector<64x1024xf32>
    %sub3A_172 = vector.broadcast %get3A_165 : vector<64x1xf32> to vector<64x1024xf32>
    %sub3A_173 = vector.broadcast %get3A_13 : vector<1x1024xf32> to vector<64x1024xf32>
    %sub3A_174 = arith.subf %sub3A_172, %sub3A_173 : vector<64x1024xf32>
    %mul3A_175 = arith.mulf %sub3A_168, %sub3A_168 : vector<64x1024xf32>
    %mul3A_176 = arith.mulf %sub3A_171, %sub3A_171 : vector<64x1024xf32>
    %add3A_177 = arith.addf %mul3A_175, %mul3A_176 : vector<64x1024xf32>
    %mul3A_178 = arith.mulf %sub3A_174, %sub3A_174 : vector<64x1024xf32>
    %add3A_179 = arith.addf %add3A_177, %mul3A_178 : vector<64x1024xf32>
    %neg3A_180 = arith.constant 0.000000e+00 : f32
    %neg3A_181 = vector.broadcast %neg3A_180 : f32 to vector<64x1024xf32>
    %neg3A_182 = arith.subf %neg3A_181, %add3A_179 : vector<64x1024xf32>
    %swap3A_183 = arith.constant 256 : index
    %swap3A_184 = arith.constant 0 : index
    %swap3A_185 = vector.load %arg4[%swap3A_183, %swap3A_184] : memref<1024x1024xf32, #tpu.memory_space<vmem>>, vector<64x1024xf32>
    tpu.vector_store %arg4[%swap3A_183, %swap3A_184], %neg3A_182 {strides = array<i32>} : memref<1024x1024xf32, #tpu.memory_space<vmem>>, vector<64x1024xf32>,
    %get3A_186 = arith.constant 0 : index
    %get3A_187 = arith.constant 320 : index
    %get3A_188 = arith.constant 0 : index
    %get3A_189 = vector.load %arg1[%get3A_186, %get3A_187, %get3A_188] : memref<1x1024x3xf32, #tpu.memory_space<vmem>>, vector<1x64x1xf32>
    %get3A_190 = vector.shape_cast %get3A_189 : vector<1x64x1xf32> to vector<64x1xf32>
    %get3A_191 = arith.constant 0 : index
    %get3A_192 = arith.constant 320 : index
    %get3A_193 = arith.constant 1 : index
    %get3A_194 = vector.load %arg1[%get3A_191, %get3A_192, %get3A_193] : memref<1x1024x3xf32, #tpu.memory_space<vmem>>, vector<1x64x1xf32>
    %get3A_195 = vector.shape_cast %get3A_194 : vector<1x64x1xf32> to vector<64x1xf32>
    %get3A_196 = arith.constant 0 : index
    %get3A_197 = arith.constant 320 : index
    %get3A_198 = arith.constant 2 : index
    %get3A_199 = vector.load %arg1[%get3A_196, %get3A_197, %get3A_198] : memref<1x1024x3xf32, #tpu.memory_space<vmem>>, vector<1x64x1xf32>
    %get3A_200 = vector.shape_cast %get3A_199 : vector<1x64x1xf32> to vector<64x1xf32>
    %sub3A_201 = vector.broadcast %get3A_190 : vector<64x1xf32> to vector<64x1024xf32>
    %sub3A_202 = vector.broadcast %get3A_3 : vector<1x1024xf32> to vector<64x1024xf32>
    %sub3A_203 = arith.subf %sub3A_201, %sub3A_202 : vector<64x1024xf32>
    %sub3A_204 = vector.broadcast %get3A_195 : vector<64x1xf32> to vector<64x1024xf32>
    %sub3A_205 = vector.broadcast %get3A_8 : vector<1x1024xf32> to vector<64x1024xf32>
    %sub3A_206 = arith.subf %sub3A_204, %sub3A_205 : vector<64x1024xf32>
    %sub3A_207 = vector.broadcast %get3A_200 : vector<64x1xf32> to vector<64x1024xf32>
    %sub3A_208 = vector.broadcast %get3A_13 : vector<1x1024xf32> to vector<64x1024xf32>
    %sub3A_209 = arith.subf %sub3A_207, %sub3A_208 : vector<64x1024xf32>
    %mul3A_210 = arith.mulf %sub3A_203, %sub3A_203 : vector<64x1024xf32>
    %mul3A_211 = arith.mulf %sub3A_206, %sub3A_206 : vector<64x1024xf32>
    %add3A_212 = arith.addf %mul3A_210, %mul3A_211 : vector<64x1024xf32>
    %mul3A_213 = arith.mulf %sub3A_209, %sub3A_209 : vector<64x1024xf32>
    %add3A_214 = arith.addf %add3A_212, %mul3A_213 : vector<64x1024xf32>
    %neg3A_215 = arith.constant 0.000000e+00 : f32
    %neg3A_216 = vector.broadcast %neg3A_215 : f32 to vector<64x1024xf32>
    %neg3A_217 = arith.subf %neg3A_216, %add3A_214 : vector<64x1024xf32>
    %swap3A_218 = arith.constant 320 : index
    %swap3A_219 = arith.constant 0 : index
    %swap3A_220 = vector.load %arg4[%swap3A_218, %swap3A_219] : memref<1024x1024xf32, #tpu.memory_space<vmem>>, vector<64x1024xf32>
    tpu.vector_store %arg4[%swap3A_218, %swap3A_219], %neg3A_217 {strides = array<i32>} : memref<1024x1024xf32, #tpu.memory_space<vmem>>, vector<64x1024xf32>,
    %get3A_221 = arith.constant 0 : index
    %get3A_222 = arith.constant 384 : index
    %get3A_223 = arith.constant 0 : index
    %get3A_224 = vector.load %arg1[%get3A_221, %get3A_222, %get3A_223] : memref<1x1024x3xf32, #tpu.memory_space<vmem>>, vector<1x64x1xf32>
    %get3A_225 = vector.shape_cast %get3A_224 : vector<1x64x1xf32> to vector<64x1xf32>
    %get3A_226 = arith.constant 0 : index
    %get3A_227 = arith.constant 384 : index
    %get3A_228 = arith.constant 1 : index
    %get3A_229 = vector.load %arg1[%get3A_226, %get3A_227, %get3A_228] : memref<1x1024x3xf32, #tpu.memory_space<vmem>>, vector<1x64x1xf32>
    %get3A_230 = vector.shape_cast %get3A_229 : vector<1x64x1xf32> to vector<64x1xf32>
    %get3A_231 = arith.constant 0 : index
    %get3A_232 = arith.constant 384 : index
    %get3A_233 = arith.constant 2 : index
    %get3A_234 = vector.load %arg1[%get3A_231, %get3A_232, %get3A_233] : memref<1x1024x3xf32, #tpu.memory_space<vmem>>, vector<1x64x1xf32>
    %get3A_235 = vector.shape_cast %get3A_234 : vector<1x64x1xf32> to vector<64x1xf32>
    %sub3A_236 = vector.broadcast %get3A_225 : vector<64x1xf32> to vector<64x1024xf32>
    %sub3A_237 = vector.broadcast %get3A_3 : vector<1x1024xf32> to vector<64x1024xf32>
    %sub3A_238 = arith.subf %sub3A_236, %sub3A_237 : vector<64x1024xf32>
    %sub3A_239 = vector.broadcast %get3A_230 : vector<64x1xf32> to vector<64x1024xf32>
    %sub3A_240 = vector.broadcast %get3A_8 : vector<1x1024xf32> to vector<64x1024xf32>
    %sub3A_241 = arith.subf %sub3A_239, %sub3A_240 : vector<64x1024xf32>
    %sub3A_242 = vector.broadcast %get3A_235 : vector<64x1xf32> to vector<64x1024xf32>
    %sub3A_243 = vector.broadcast %get3A_13 : vector<1x1024xf32> to vector<64x1024xf32>
    %sub3A_244 = arith.subf %sub3A_242, %sub3A_243 : vector<64x1024xf32>
    %mul3A_245 = arith.mulf %sub3A_238, %sub3A_238 : vector<64x1024xf32>
    %mul3A_246 = arith.mulf %sub3A_241, %sub3A_241 : vector<64x1024xf32>
    %add3A_247 = arith.addf %mul3A_245, %mul3A_246 : vector<64x1024xf32>
    %mul3A_248 = arith.mulf %sub3A_244, %sub3A_244 : vector<64x1024xf32>
    %add3A_249 = arith.addf %add3A_247, %mul3A_248 : vector<64x1024xf32>
    %neg3A_250 = arith.constant 0.000000e+00 : f32
    %neg3A_251 = vector.broadcast %neg3A_250 : f32 to vector<64x1024xf32>
    %neg3A_252 = arith.subf %neg3A_251, %add3A_249 : vector<64x1024xf32>
    %swap3A_253 = arith.constant 384 : index
    %swap3A_254 = arith.constant 0 : index
    %swap3A_255 = vector.load %arg4[%swap3A_253, %swap3A_254] : memref<1024x1024xf32, #tpu.memory_space<vmem>>, vector<64x1024xf32>
    tpu.vector_store %arg4[%swap3A_253, %swap3A_254], %neg3A_252 {strides = array<i32>} : memref<1024x1024xf32, #tpu.memory_space<vmem>>, vector<64x1024xf32>,
    %get3A_256 = arith.constant 0 : index
    %get3A_257 = arith.constant 448 : index
    %get3A_258 = arith.constant 0 : index
    %get3A_259 = vector.load %arg1[%get3A_256, %get3A_257, %get3A_258] : memref<1x1024x3xf32, #tpu.memory_space<vmem>>, vector<1x64x1xf32>
    %get3A_260 = vector.shape_cast %get3A_259 : vector<1x64x1xf32> to vector<64x1xf32>
    %get3A_261 = arith.constant 0 : index
    %get3A_262 = arith.constant 448 : index
    %get3A_263 = arith.constant 1 : index
    %get3A_264 = vector.load %arg1[%get3A_261, %get3A_262, %get3A_263] : memref<1x1024x3xf32, #tpu.memory_space<vmem>>, vector<1x64x1xf32>
    %get3A_265 = vector.shape_cast %get3A_264 : vector<1x64x1xf32> to vector<64x1xf32>
    %get3A_266 = arith.constant 0 : index
    %get3A_267 = arith.constant 448 : index
    %get3A_268 = arith.constant 2 : index
    %get3A_269 = vector.load %arg1[%get3A_266, %get3A_267, %get3A_268] : memref<1x1024x3xf32, #tpu.memory_space<vmem>>, vector<1x64x1xf32>
    %get3A_270 = vector.shape_cast %get3A_269 : vector<1x64x1xf32> to vector<64x1xf32>
    %sub3A_271 = vector.broadcast %get3A_260 : vector<64x1xf32> to vector<64x1024xf32>
    %sub3A_272 = vector.broadcast %get3A_3 : vector<1x1024xf32> to vector<64x1024xf32>
    %sub3A_273 = arith.subf %sub3A_271, %sub3A_272 : vector<64x1024xf32>
    %sub3A_274 = vector.broadcast %get3A_265 : vector<64x1xf32> to vector<64x1024xf32>
    %sub3A_275 = vector.broadcast %get3A_8 : vector<1x1024xf32> to vector<64x1024xf32>
    %sub3A_276 = arith.subf %sub3A_274, %sub3A_275 : vector<64x1024xf32>
    %sub3A_277 = vector.broadcast %get3A_270 : vector<64x1xf32> to vector<64x1024xf32>
    %sub3A_278 = vector.broadcast %get3A_13 : vector<1x1024xf32> to vector<64x1024xf32>
    %sub3A_279 = arith.subf %sub3A_277, %sub3A_278 : vector<64x1024xf32>
    %mul3A_280 = arith.mulf %sub3A_273, %sub3A_273 : vector<64x1024xf32>
    %mul3A_281 = arith.mulf %sub3A_276, %sub3A_276 : vector<64x1024xf32>
    %add3A_282 = arith.addf %mul3A_280, %mul3A_281 : vector<64x1024xf32>
    %mul3A_283 = arith.mulf %sub3A_279, %sub3A_279 : vector<64x1024xf32>
    %add3A_284 = arith.addf %add3A_282, %mul3A_283 : vector<64x1024xf32>
    %neg3A_285 = arith.constant 0.000000e+00 : f32
    %neg3A_286 = vector.broadcast %neg3A_285 : f32 to vector<64x1024xf32>
    %neg3A_287 = arith.subf %neg3A_286, %add3A_284 : vector<64x1024xf32>
    %swap3A_288 = arith.constant 448 : index
    %swap3A_289 = arith.constant 0 : index
    %swap3A_290 = vector.load %arg4[%swap3A_288, %swap3A_289] : memref<1024x1024xf32, #tpu.memory_space<vmem>>, vector<64x1024xf32>
    tpu.vector_store %arg4[%swap3A_288, %swap3A_289], %neg3A_287 {strides = array<i32>} : memref<1024x1024xf32, #tpu.memory_space<vmem>>, vector<64x1024xf32>,
    %get3A_291 = arith.constant 0 : index
    %get3A_292 = arith.constant 512 : index
    %get3A_293 = arith.constant 0 : index
    %get3A_294 = vector.load %arg1[%get3A_291, %get3A_292, %get3A_293] : memref<1x1024x3xf32, #tpu.memory_space<vmem>>, vector<1x64x1xf32>
    %get3A_295 = vector.shape_cast %get3A_294 : vector<1x64x1xf32> to vector<64x1xf32>
    %get3A_296 = arith.constant 0 : index
    %get3A_297 = arith.constant 512 : index
    %get3A_298 = arith.constant 1 : index
    %get3A_299 = vector.load %arg1[%get3A_296, %get3A_297, %get3A_298] : memref<1x1024x3xf32, #tpu.memory_space<vmem>>, vector<1x64x1xf32>
    %get3A_300 = vector.shape_cast %get3A_299 : vector<1x64x1xf32> to vector<64x1xf32>
    %get3A_301 = arith.constant 0 : index
    %get3A_302 = arith.constant 512 : index
    %get3A_303 = arith.constant 2 : index
    %get3A_304 = vector.load %arg1[%get3A_301, %get3A_302, %get3A_303] : memref<1x1024x3xf32, #tpu.memory_space<vmem>>, vector<1x64x1xf32>
    %get3A_305 = vector.shape_cast %get3A_304 : vector<1x64x1xf32> to vector<64x1xf32>
    %sub3A_306 = vector.broadcast %get3A_295 : vector<64x1xf32> to vector<64x1024xf32>
    %sub3A_307 = vector.broadcast %get3A_3 : vector<1x1024xf32> to vector<64x1024xf32>
    %sub3A_308 = arith.subf %sub3A_306, %sub3A_307 : vector<64x1024xf32>
    %sub3A_309 = vector.broadcast %get3A_300 : vector<64x1xf32> to vector<64x1024xf32>
    %sub3A_310 = vector.broadcast %get3A_8 : vector<1x1024xf32> to vector<64x1024xf32>
    %sub3A_311 = arith.subf %sub3A_309, %sub3A_310 : vector<64x1024xf32>
    %sub3A_312 = vector.broadcast %get3A_305 : vector<64x1xf32> to vector<64x1024xf32>
    %sub3A_313 = vector.broadcast %get3A_13 : vector<1x1024xf32> to vector<64x1024xf32>
    %sub3A_314 = arith.subf %sub3A_312, %sub3A_313 : vector<64x1024xf32>
    %mul3A_315 = arith.mulf %sub3A_308, %sub3A_308 : vector<64x1024xf32>
    %mul3A_316 = arith.mulf %sub3A_311, %sub3A_311 : vector<64x1024xf32>
    %add3A_317 = arith.addf %mul3A_315, %mul3A_316 : vector<64x1024xf32>
    %mul3A_318 = arith.mulf %sub3A_314, %sub3A_314 : vector<64x1024xf32>
    %add3A_319 = arith.addf %add3A_317, %mul3A_318 : vector<64x1024xf32>
    %neg3A_320 = arith.constant 0.000000e+00 : f32
    %neg3A_321 = vector.broadcast %neg3A_320 : f32 to vector<64x1024xf32>
    %neg3A_322 = arith.subf %neg3A_321, %add3A_319 : vector<64x1024xf32>
    %swap3A_323 = arith.constant 512 : index
    %swap3A_324 = arith.constant 0 : index
    %swap3A_325 = vector.load %arg4[%swap3A_323, %swap3A_324] : memref<1024x1024xf32, #tpu.memory_space<vmem>>, vector<64x1024xf32>
    tpu.vector_store %arg4[%swap3A_323, %swap3A_324], %neg3A_322 {strides = array<i32>} : memref<1024x1024xf32, #tpu.memory_space<vmem>>, vector<64x1024xf32>,
    %get3A_326 = arith.constant 0 : index
    %get3A_327 = arith.constant 576 : index
    %get3A_328 = arith.constant 0 : index
    %get3A_329 = vector.load %arg1[%get3A_326, %get3A_327, %get3A_328] : memref<1x1024x3xf32, #tpu.memory_space<vmem>>, vector<1x64x1xf32>
    %get3A_330 = vector.shape_cast %get3A_329 : vector<1x64x1xf32> to vector<64x1xf32>
    %get3A_331 = arith.constant 0 : index
    %get3A_332 = arith.constant 576 : index
    %get3A_333 = arith.constant 1 : index
    %get3A_334 = vector.load %arg1[%get3A_331, %get3A_332, %get3A_333] : memref<1x1024x3xf32, #tpu.memory_space<vmem>>, vector<1x64x1xf32>
    %get3A_335 = vector.shape_cast %get3A_334 : vector<1x64x1xf32> to vector<64x1xf32>
    %get3A_336 = arith.constant 0 : index
    %get3A_337 = arith.constant 576 : index
    %get3A_338 = arith.constant 2 : index
    %get3A_339 = vector.load %arg1[%get3A_336, %get3A_337, %get3A_338] : memref<1x1024x3xf32, #tpu.memory_space<vmem>>, vector<1x64x1xf32>
    %get3A_340 = vector.shape_cast %get3A_339 : vector<1x64x1xf32> to vector<64x1xf32>
    %sub3A_341 = vector.broadcast %get3A_330 : vector<64x1xf32> to vector<64x1024xf32>
    %sub3A_342 = vector.broadcast %get3A_3 : vector<1x1024xf32> to vector<64x1024xf32>
    %sub3A_343 = arith.subf %sub3A_341, %sub3A_342 : vector<64x1024xf32>
    %sub3A_344 = vector.broadcast %get3A_335 : vector<64x1xf32> to vector<64x1024xf32>
    %sub3A_345 = vector.broadcast %get3A_8 : vector<1x1024xf32> to vector<64x1024xf32>
    %sub3A_346 = arith.subf %sub3A_344, %sub3A_345 : vector<64x1024xf32>
    %sub3A_347 = vector.broadcast %get3A_340 : vector<64x1xf32> to vector<64x1024xf32>
    %sub3A_348 = vector.broadcast %get3A_13 : vector<1x1024xf32> to vector<64x1024xf32>
    %sub3A_349 = arith.subf %sub3A_347, %sub3A_348 : vector<64x1024xf32>
    %mul3A_350 = arith.mulf %sub3A_343, %sub3A_343 : vector<64x1024xf32>
    %mul3A_351 = arith.mulf %sub3A_346, %sub3A_346 : vector<64x1024xf32>
    %add3A_352 = arith.addf %mul3A_350, %mul3A_351 : vector<64x1024xf32>
    %mul3A_353 = arith.mulf %sub3A_349, %sub3A_349 : vector<64x1024xf32>
    %add3A_354 = arith.addf %add3A_352, %mul3A_353 : vector<64x1024xf32>
    %neg3A_355 = arith.constant 0.000000e+00 : f32
    %neg3A_356 = vector.broadcast %neg3A_355 : f32 to vector<64x1024xf32>
    %neg3A_357 = arith.subf %neg3A_356, %add3A_354 : vector<64x1024xf32>
    %swap3A_358 = arith.constant 576 : index
    %swap3A_359 = arith.constant 0 : index
    %swap3A_360 = vector.load %arg4[%swap3A_358, %swap3A_359] : memref<1024x1024xf32, #tpu.memory_space<vmem>>, vector<64x1024xf32>
    tpu.vector_store %arg4[%swap3A_358, %swap3A_359], %neg3A_357 {strides = array<i32>} : memref<1024x1024xf32, #tpu.memory_space<vmem>>, vector<64x1024xf32>,
    %get3A_361 = arith.constant 0 : index
    %get3A_362 = arith.constant 640 : index
    %get3A_363 = arith.constant 0 : index
    %get3A_364 = vector.load %arg1[%get3A_361, %get3A_362, %get3A_363] : memref<1x1024x3xf32, #tpu.memory_space<vmem>>, vector<1x64x1xf32>
    %get3A_365 = vector.shape_cast %get3A_364 : vector<1x64x1xf32> to vector<64x1xf32>
    %get3A_366 = arith.constant 0 : index
    %get3A_367 = arith.constant 640 : index
    %get3A_368 = arith.constant 1 : index
    %get3A_369 = vector.load %arg1[%get3A_366, %get3A_367, %get3A_368] : memref<1x1024x3xf32, #tpu.memory_space<vmem>>, vector<1x64x1xf32>
    %get3A_370 = vector.shape_cast %get3A_369 : vector<1x64x1xf32> to vector<64x1xf32>
    %get3A_371 = arith.constant 0 : index
    %get3A_372 = arith.constant 640 : index
    %get3A_373 = arith.constant 2 : index
    %get3A_374 = vector.load %arg1[%get3A_371, %get3A_372, %get3A_373] : memref<1x1024x3xf32, #tpu.memory_space<vmem>>, vector<1x64x1xf32>
    %get3A_375 = vector.shape_cast %get3A_374 : vector<1x64x1xf32> to vector<64x1xf32>
    %sub3A_376 = vector.broadcast %get3A_365 : vector<64x1xf32> to vector<64x1024xf32>
    %sub3A_377 = vector.broadcast %get3A_3 : vector<1x1024xf32> to vector<64x1024xf32>
    %sub3A_378 = arith.subf %sub3A_376, %sub3A_377 : vector<64x1024xf32>
    %sub3A_379 = vector.broadcast %get3A_370 : vector<64x1xf32> to vector<64x1024xf32>
    %sub3A_380 = vector.broadcast %get3A_8 : vector<1x1024xf32> to vector<64x1024xf32>
    %sub3A_381 = arith.subf %sub3A_379, %sub3A_380 : vector<64x1024xf32>
    %sub3A_382 = vector.broadcast %get3A_375 : vector<64x1xf32> to vector<64x1024xf32>
    %sub3A_383 = vector.broadcast %get3A_13 : vector<1x1024xf32> to vector<64x1024xf32>
    %sub3A_384 = arith.subf %sub3A_382, %sub3A_383 : vector<64x1024xf32>
    %mul3A_385 = arith.mulf %sub3A_378, %sub3A_378 : vector<64x1024xf32>
    %mul3A_386 = arith.mulf %sub3A_381, %sub3A_381 : vector<64x1024xf32>
    %add3A_387 = arith.addf %mul3A_385, %mul3A_386 : vector<64x1024xf32>
    %mul3A_388 = arith.mulf %sub3A_384, %sub3A_384 : vector<64x1024xf32>
    %add3A_389 = arith.addf %add3A_387, %mul3A_388 : vector<64x1024xf32>
    %neg3A_390 = arith.constant 0.000000e+00 : f32
    %neg3A_391 = vector.broadcast %neg3A_390 : f32 to vector<64x1024xf32>
    %neg3A_392 = arith.subf %neg3A_391, %add3A_389 : vector<64x1024xf32>
    %swap3A_393 = arith.constant 640 : index
    %swap3A_394 = arith.constant 0 : index
    %swap3A_395 = vector.load %arg4[%swap3A_393, %swap3A_394] : memref<1024x1024xf32, #tpu.memory_space<vmem>>, vector<64x1024xf32>
    tpu.vector_store %arg4[%swap3A_393, %swap3A_394], %neg3A_392 {strides = array<i32>} : memref<1024x1024xf32, #tpu.memory_space<vmem>>, vector<64x1024xf32>,
    %get3A_396 = arith.constant 0 : index
    %get3A_397 = arith.constant 704 : index
    %get3A_398 = arith.constant 0 : index
    %get3A_399 = vector.load %arg1[%get3A_396, %get3A_397, %get3A_398] : memref<1x1024x3xf32, #tpu.memory_space<vmem>>, vector<1x64x1xf32>
    %get3A_400 = vector.shape_cast %get3A_399 : vector<1x64x1xf32> to vector<64x1xf32>
    %get3A_401 = arith.constant 0 : index
    %get3A_402 = arith.constant 704 : index
    %get3A_403 = arith.constant 1 : index
    %get3A_404 = vector.load %arg1[%get3A_401, %get3A_402, %get3A_403] : memref<1x1024x3xf32, #tpu.memory_space<vmem>>, vector<1x64x1xf32>
    %get3A_405 = vector.shape_cast %get3A_404 : vector<1x64x1xf32> to vector<64x1xf32>
    %get3A_406 = arith.constant 0 : index
    %get3A_407 = arith.constant 704 : index
    %get3A_408 = arith.constant 2 : index
    %get3A_409 = vector.load %arg1[%get3A_406, %get3A_407, %get3A_408] : memref<1x1024x3xf32, #tpu.memory_space<vmem>>, vector<1x64x1xf32>
    %get3A_410 = vector.shape_cast %get3A_409 : vector<1x64x1xf32> to vector<64x1xf32>
    %sub3A_411 = vector.broadcast %get3A_400 : vector<64x1xf32> to vector<64x1024xf32>
    %sub3A_412 = vector.broadcast %get3A_3 : vector<1x1024xf32> to vector<64x1024xf32>
    %sub3A_413 = arith.subf %sub3A_411, %sub3A_412 : vector<64x1024xf32>
    %sub3A_414 = vector.broadcast %get3A_405 : vector<64x1xf32> to vector<64x1024xf32>
    %sub3A_415 = vector.broadcast %get3A_8 : vector<1x1024xf32> to vector<64x1024xf32>
    %sub3A_416 = arith.subf %sub3A_414, %sub3A_415 : vector<64x1024xf32>
    %sub3A_417 = vector.broadcast %get3A_410 : vector<64x1xf32> to vector<64x1024xf32>
    %sub3A_418 = vector.broadcast %get3A_13 : vector<1x1024xf32> to vector<64x1024xf32>
    %sub3A_419 = arith.subf %sub3A_417, %sub3A_418 : vector<64x1024xf32>
    %mul3A_420 = arith.mulf %sub3A_413, %sub3A_413 : vector<64x1024xf32>
    %mul3A_421 = arith.mulf %sub3A_416, %sub3A_416 : vector<64x1024xf32>
    %add3A_422 = arith.addf %mul3A_420, %mul3A_421 : vector<64x1024xf32>
    %mul3A_423 = arith.mulf %sub3A_419, %sub3A_419 : vector<64x1024xf32>
    %add3A_424 = arith.addf %add3A_422, %mul3A_423 : vector<64x1024xf32>
    %neg3A_425 = arith.constant 0.000000e+00 : f32
    %neg3A_426 = vector.broadcast %neg3A_425 : f32 to vector<64x1024xf32>
    %neg3A_427 = arith.subf %neg3A_426, %add3A_424 : vector<64x1024xf32>
    %swap3A_428 = arith.constant 704 : index
    %swap3A_429 = arith.constant 0 : index
    %swap3A_430 = vector.load %arg4[%swap3A_428, %swap3A_429] : memref<1024x1024xf32, #tpu.memory_space<vmem>>, vector<64x1024xf32>
    tpu.vector_store %arg4[%swap3A_428, %swap3A_429], %neg3A_427 {strides = array<i32>} : memref<1024x1024xf32, #tpu.memory_space<vmem>>, vector<64x1024xf32>,
    %get3A_431 = arith.constant 0 : index
    %get3A_432 = arith.constant 768 : index
    %get3A_433 = arith.constant 0 : index
    %get3A_434 = vector.load %arg1[%get3A_431, %get3A_432, %get3A_433] : memref<1x1024x3xf32, #tpu.memory_space<vmem>>, vector<1x64x1xf32>
    %get3A_435 = vector.shape_cast %get3A_434 : vector<1x64x1xf32> to vector<64x1xf32>
    %get3A_436 = arith.constant 0 : index
    %get3A_437 = arith.constant 768 : index
    %get3A_438 = arith.constant 1 : index
    %get3A_439 = vector.load %arg1[%get3A_436, %get3A_437, %get3A_438] : memref<1x1024x3xf32, #tpu.memory_space<vmem>>, vector<1x64x1xf32>
    %get3A_440 = vector.shape_cast %get3A_439 : vector<1x64x1xf32> to vector<64x1xf32>
    %get3A_441 = arith.constant 0 : index
    %get3A_442 = arith.constant 768 : index
    %get3A_443 = arith.constant 2 : index
    %get3A_444 = vector.load %arg1[%get3A_441, %get3A_442, %get3A_443] : memref<1x1024x3xf32, #tpu.memory_space<vmem>>, vector<1x64x1xf32>
    %get3A_445 = vector.shape_cast %get3A_444 : vector<1x64x1xf32> to vector<64x1xf32>
    %sub3A_446 = vector.broadcast %get3A_435 : vector<64x1xf32> to vector<64x1024xf32>
    %sub3A_447 = vector.broadcast %get3A_3 : vector<1x1024xf32> to vector<64x1024xf32>
    %sub3A_448 = arith.subf %sub3A_446, %sub3A_447 : vector<64x1024xf32>
    %sub3A_449 = vector.broadcast %get3A_440 : vector<64x1xf32> to vector<64x1024xf32>
    %sub3A_450 = vector.broadcast %get3A_8 : vector<1x1024xf32> to vector<64x1024xf32>
    %sub3A_451 = arith.subf %sub3A_449, %sub3A_450 : vector<64x1024xf32>
    %sub3A_452 = vector.broadcast %get3A_445 : vector<64x1xf32> to vector<64x1024xf32>
    %sub3A_453 = vector.broadcast %get3A_13 : vector<1x1024xf32> to vector<64x1024xf32>
    %sub3A_454 = arith.subf %sub3A_452, %sub3A_453 : vector<64x1024xf32>
    %mul3A_455 = arith.mulf %sub3A_448, %sub3A_448 : vector<64x1024xf32>
    %mul3A_456 = arith.mulf %sub3A_451, %sub3A_451 : vector<64x1024xf32>
    %add3A_457 = arith.addf %mul3A_455, %mul3A_456 : vector<64x1024xf32>
    %mul3A_458 = arith.mulf %sub3A_454, %sub3A_454 : vector<64x1024xf32>
    %add3A_459 = arith.addf %add3A_457, %mul3A_458 : vector<64x1024xf32>
    %neg3A_460 = arith.constant 0.000000e+00 : f32
    %neg3A_461 = vector.broadcast %neg3A_460 : f32 to vector<64x1024xf32>
    %neg3A_462 = arith.subf %neg3A_461, %add3A_459 : vector<64x1024xf32>
    %swap3A_463 = arith.constant 768 : index
    %swap3A_464 = arith.constant 0 : index
    %swap3A_465 = vector.load %arg4[%swap3A_463, %swap3A_464] : memref<1024x1024xf32, #tpu.memory_space<vmem>>, vector<64x1024xf32>
    tpu.vector_store %arg4[%swap3A_463, %swap3A_464], %neg3A_462 {strides = array<i32>} : memref<1024x1024xf32, #tpu.memory_space<vmem>>, vector<64x1024xf32>,
    %get3A_466 = arith.constant 0 : index
    %get3A_467 = arith.constant 832 : index
    %get3A_468 = arith.constant 0 : index
    %get3A_469 = vector.load %arg1[%get3A_466, %get3A_467, %get3A_468] : memref<1x1024x3xf32, #tpu.memory_space<vmem>>, vector<1x64x1xf32>
    %get3A_470 = vector.shape_cast %get3A_469 : vector<1x64x1xf32> to vector<64x1xf32>
    %get3A_471 = arith.constant 0 : index
    %get3A_472 = arith.constant 832 : index
    %get3A_473 = arith.constant 1 : index
    %get3A_474 = vector.load %arg1[%get3A_471, %get3A_472, %get3A_473] : memref<1x1024x3xf32, #tpu.memory_space<vmem>>, vector<1x64x1xf32>
    %get3A_475 = vector.shape_cast %get3A_474 : vector<1x64x1xf32> to vector<64x1xf32>
    %get3A_476 = arith.constant 0 : index
    %get3A_477 = arith.constant 832 : index
    %get3A_478 = arith.constant 2 : index
    %get3A_479 = vector.load %arg1[%get3A_476, %get3A_477, %get3A_478] : memref<1x1024x3xf32, #tpu.memory_space<vmem>>, vector<1x64x1xf32>
    %get3A_480 = vector.shape_cast %get3A_479 : vector<1x64x1xf32> to vector<64x1xf32>
    %sub3A_481 = vector.broadcast %get3A_470 : vector<64x1xf32> to vector<64x1024xf32>
    %sub3A_482 = vector.broadcast %get3A_3 : vector<1x1024xf32> to vector<64x1024xf32>
    %sub3A_483 = arith.subf %sub3A_481, %sub3A_482 : vector<64x1024xf32>
    %sub3A_484 = vector.broadcast %get3A_475 : vector<64x1xf32> to vector<64x1024xf32>
    %sub3A_485 = vector.broadcast %get3A_8 : vector<1x1024xf32> to vector<64x1024xf32>
    %sub3A_486 = arith.subf %sub3A_484, %sub3A_485 : vector<64x1024xf32>
    %sub3A_487 = vector.broadcast %get3A_480 : vector<64x1xf32> to vector<64x1024xf32>
    %sub3A_488 = vector.broadcast %get3A_13 : vector<1x1024xf32> to vector<64x1024xf32>
    %sub3A_489 = arith.subf %sub3A_487, %sub3A_488 : vector<64x1024xf32>
    %mul3A_490 = arith.mulf %sub3A_483, %sub3A_483 : vector<64x1024xf32>
    %mul3A_491 = arith.mulf %sub3A_486, %sub3A_486 : vector<64x1024xf32>
    %add3A_492 = arith.addf %mul3A_490, %mul3A_491 : vector<64x1024xf32>
    %mul3A_493 = arith.mulf %sub3A_489, %sub3A_489 : vector<64x1024xf32>
    %add3A_494 = arith.addf %add3A_492, %mul3A_493 : vector<64x1024xf32>
    %neg3A_495 = arith.constant 0.000000e+00 : f32
    %neg3A_496 = vector.broadcast %neg3A_495 : f32 to vector<64x1024xf32>
    %neg3A_497 = arith.subf %neg3A_496, %add3A_494 : vector<64x1024xf32>
    %swap3A_498 = arith.constant 832 : index
    %swap3A_499 = arith.constant 0 : index
    %swap3A_500 = vector.load %arg4[%swap3A_498, %swap3A_499] : memref<1024x1024xf32, #tpu.memory_space<vmem>>, vector<64x1024xf32>
    tpu.vector_store %arg4[%swap3A_498, %swap3A_499], %neg3A_497 {strides = array<i32>} : memref<1024x1024xf32, #tpu.memory_space<vmem>>, vector<64x1024xf32>,
    %get3A_501 = arith.constant 0 : index
    %get3A_502 = arith.constant 896 : index
    %get3A_503 = arith.constant 0 : index
    %get3A_504 = vector.load %arg1[%get3A_501, %get3A_502, %get3A_503] : memref<1x1024x3xf32, #tpu.memory_space<vmem>>, vector<1x64x1xf32>
    %get3A_505 = vector.shape_cast %get3A_504 : vector<1x64x1xf32> to vector<64x1xf32>
    %get3A_506 = arith.constant 0 : index
    %get3A_507 = arith.constant 896 : index
    %get3A_508 = arith.constant 1 : index
    %get3A_509 = vector.load %arg1[%get3A_506, %get3A_507, %get3A_508] : memref<1x1024x3xf32, #tpu.memory_space<vmem>>, vector<1x64x1xf32>
    %get3A_510 = vector.shape_cast %get3A_509 : vector<1x64x1xf32> to vector<64x1xf32>
    %get3A_511 = arith.constant 0 : index
    %get3A_512 = arith.constant 896 : index
    %get3A_513 = arith.constant 2 : index
    %get3A_514 = vector.load %arg1[%get3A_511, %get3A_512, %get3A_513] : memref<1x1024x3xf32, #tpu.memory_space<vmem>>, vector<1x64x1xf32>
    %get3A_515 = vector.shape_cast %get3A_514 : vector<1x64x1xf32> to vector<64x1xf32>
    %sub3A_516 = vector.broadcast %get3A_505 : vector<64x1xf32> to vector<64x1024xf32>
    %sub3A_517 = vector.broadcast %get3A_3 : vector<1x1024xf32> to vector<64x1024xf32>
    %sub3A_518 = arith.subf %sub3A_516, %sub3A_517 : vector<64x1024xf32>
    %sub3A_519 = vector.broadcast %get3A_510 : vector<64x1xf32> to vector<64x1024xf32>
    %sub3A_520 = vector.broadcast %get3A_8 : vector<1x1024xf32> to vector<64x1024xf32>
    %sub3A_521 = arith.subf %sub3A_519, %sub3A_520 : vector<64x1024xf32>
    %sub3A_522 = vector.broadcast %get3A_515 : vector<64x1xf32> to vector<64x1024xf32>
    %sub3A_523 = vector.broadcast %get3A_13 : vector<1x1024xf32> to vector<64x1024xf32>
    %sub3A_524 = arith.subf %sub3A_522, %sub3A_523 : vector<64x1024xf32>
    %mul3A_525 = arith.mulf %sub3A_518, %sub3A_518 : vector<64x1024xf32>
    %mul3A_526 = arith.mulf %sub3A_521, %sub3A_521 : vector<64x1024xf32>
    %add3A_527 = arith.addf %mul3A_525, %mul3A_526 : vector<64x1024xf32>
    %mul3A_528 = arith.mulf %sub3A_524, %sub3A_524 : vector<64x1024xf32>
    %add3A_529 = arith.addf %add3A_527, %mul3A_528 : vector<64x1024xf32>
    %neg3A_530 = arith.constant 0.000000e+00 : f32
    %neg3A_531 = vector.broadcast %neg3A_530 : f32 to vector<64x1024xf32>
    %neg3A_532 = arith.subf %neg3A_531, %add3A_529 : vector<64x1024xf32>
    %swap3A_533 = arith.constant 896 : index
    %swap3A_534 = arith.constant 0 : index
    %swap3A_535 = vector.load %arg4[%swap3A_533, %swap3A_534] : memref<1024x1024xf32, #tpu.memory_space<vmem>>, vector<64x1024xf32>
    tpu.vector_store %arg4[%swap3A_533, %swap3A_534], %neg3A_532 {strides = array<i32>} : memref<1024x1024xf32, #tpu.memory_space<vmem>>, vector<64x1024xf32>,
    %get3A_536 = arith.constant 0 : index
    %get3A_537 = arith.constant 960 : index
    %get3A_538 = arith.constant 0 : index
    %get3A_539 = vector.load %arg1[%get3A_536, %get3A_537, %get3A_538] : memref<1x1024x3xf32, #tpu.memory_space<vmem>>, vector<1x64x1xf32>
    %get3A_540 = vector.shape_cast %get3A_539 : vector<1x64x1xf32> to vector<64x1xf32>
    %get3A_541 = arith.constant 0 : index
    %get3A_542 = arith.constant 960 : index
    %get3A_543 = arith.constant 1 : index
    %get3A_544 = vector.load %arg1[%get3A_541, %get3A_542, %get3A_543] : memref<1x1024x3xf32, #tpu.memory_space<vmem>>, vector<1x64x1xf32>
    %get3A_545 = vector.shape_cast %get3A_544 : vector<1x64x1xf32> to vector<64x1xf32>
    %get3A_546 = arith.constant 0 : index
    %get3A_547 = arith.constant 960 : index
    %get3A_548 = arith.constant 2 : index
    %get3A_549 = vector.load %arg1[%get3A_546, %get3A_547, %get3A_548] : memref<1x1024x3xf32, #tpu.memory_space<vmem>>, vector<1x64x1xf32>
    %get3A_550 = vector.shape_cast %get3A_549 : vector<1x64x1xf32> to vector<64x1xf32>
    %sub3A_551 = vector.broadcast %get3A_540 : vector<64x1xf32> to vector<64x1024xf32>
    %sub3A_552 = vector.broadcast %get3A_3 : vector<1x1024xf32> to vector<64x1024xf32>
    %sub3A_553 = arith.subf %sub3A_551, %sub3A_552 : vector<64x1024xf32>
    %sub3A_554 = vector.broadcast %get3A_545 : vector<64x1xf32> to vector<64x1024xf32>
    %sub3A_555 = vector.broadcast %get3A_8 : vector<1x1024xf32> to vector<64x1024xf32>
    %sub3A_556 = arith.subf %sub3A_554, %sub3A_555 : vector<64x1024xf32>
    %sub3A_557 = vector.broadcast %get3A_550 : vector<64x1xf32> to vector<64x1024xf32>
    %sub3A_558 = vector.broadcast %get3A_13 : vector<1x1024xf32> to vector<64x1024xf32>
    %sub3A_559 = arith.subf %sub3A_557, %sub3A_558 : vector<64x1024xf32>
    %mul3A_560 = arith.mulf %sub3A_553, %sub3A_553 : vector<64x1024xf32>
    %mul3A_561 = arith.mulf %sub3A_556, %sub3A_556 : vector<64x1024xf32>
    %add3A_562 = arith.addf %mul3A_560, %mul3A_561 : vector<64x1024xf32>
    %mul3A_563 = arith.mulf %sub3A_559, %sub3A_559 : vector<64x1024xf32>
    %add3A_564 = arith.addf %add3A_562, %mul3A_563 : vector<64x1024xf32>
    %neg3A_565 = arith.constant 0.000000e+00 : f32
    %neg3A_566 = vector.broadcast %neg3A_565 : f32 to vector<64x1024xf32>
    %neg3A_567 = arith.subf %neg3A_566, %add3A_564 : vector<64x1024xf32>
    %swap3A_568 = arith.constant 960 : index
    %swap3A_569 = arith.constant 0 : index
    %swap3A_570 = vector.load %arg4[%swap3A_568, %swap3A_569] : memref<1024x1024xf32, #tpu.memory_space<vmem>>, vector<64x1024xf32>
    tpu.vector_store %arg4[%swap3A_568, %swap3A_569], %neg3A_567 {strides = array<i32>} : memref<1024x1024xf32, #tpu.memory_space<vmem>>, vector<64x1024xf32>,
    %broadcast_in_dim3A = arith.constant 0.000000e+00 : f32
    %broadcast_in_dim3A_571 = vector.broadcast %broadcast_in_dim3A : f32 to vector<1x1024xf32>
    %swap3A_572 = arith.constant 0 : index
    %swap3A_573 = arith.constant 0 : index
    %swap3A_574 = vector.load %arg7[%swap3A_572, %swap3A_573] : memref<1x1024xf32, #tpu.memory_space<vmem>>, vector<1x1024xf32>
    tpu.vector_store %arg7[%swap3A_572, %swap3A_573], %broadcast_in_dim3A_571 {strides = array<i32>} : memref<1x1024xf32, #tpu.memory_space<vmem>>, vector<1x1024xf32>,
    %broadcast_in_dim3A_575 = arith.constant -1.000000e+00 : f32
    %broadcast_in_dim3A_576 = vector.broadcast %broadcast_in_dim3A_575 : f32 to vector<1x1024xf32>
    %swap3A_577 = arith.constant 0 : index
    %swap3A_578 = arith.constant 0 : index
    %swap3A_579 = vector.load %arg8[%swap3A_577, %swap3A_578] : memref<1x1024xf32, #tpu.memory_space<vmem>>, vector<1x1024xf32>
    tpu.vector_store %arg8[%swap3A_577, %swap3A_578], %broadcast_in_dim3A_576 {strides = array<i32>} : memref<1x1024xf32, #tpu.memory_space<vmem>>, vector<1x1024xf32>,
    %scan3A = arith.constant 0 : i32
    %scan3A_580 = arith.constant 50 : i32
    %scan3A_581 = arith.addi %scan3A, %scan3A_580 : i32
    %scan3A_582 = arith.constant 1 : i32
    scf.for %scan3A_2026 = %scan3A to %scan3A_581 step %scan3A_582  : i32 {
      %get3A_2027 = arith.constant 0 : index
      %get3A_2028 = arith.constant 0 : index
      %get3A_2029 = vector.load %arg7[%get3A_2027, %get3A_2028] : memref<1x1024xf32, #tpu.memory_space<vmem>>, vector<1x1024xf32>
      %get3A_2030 = arith.constant 0 : index
      %get3A_2031 = arith.constant 0 : index
      %get3A_2032 = vector.load %arg8[%get3A_2030, %get3A_2031] : memref<1x1024xf32, #tpu.memory_space<vmem>>, vector<1x1024xf32>
      %add3A_2033 = arith.constant 0.000000e+00 : f32
      %add3A_2034 = vector.broadcast %add3A_2033 : f32 to vector<64x1xf32>
      %add3A_2035 = arith.addf %convert_element_type3A_15, %add3A_2034 : vector<64x1xf32>
      %eq3A_2036 = vector.broadcast %get3A_2032 : vector<1x1024xf32> to vector<64x1024xf32>
      %eq3A_2037 = vector.broadcast %add3A_2035 : vector<64x1xf32> to vector<64x1024xf32>
      %eq3A_2038 = arith.cmpf oeq, %eq3A_2036, %eq3A_2037 : vector<64x1024xf32>
      %reduce_or3A = arith.constant 1.000000e+00 : f32
      %reduce_or3A_2039 = arith.constant 0.000000e+00 : f32
      %reduce_or3A_2040 = vector.broadcast %reduce_or3A : f32 to vector<64x1024xf32>
      %reduce_or3A_2041 = vector.broadcast %reduce_or3A_2039 : f32 to vector<64x1024xf32>
      %reduce_or3A_2042 = arith.select %eq3A_2038, %reduce_or3A_2040, %reduce_or3A_2041 : vector<64x1024xi1>, vector<64x1024xf32>
      %reduce_or3A_2043 = arith.constant dense<0xFF800000> : vector<64xf32>
      %reduce_or3A_2044 = vector.multi_reduction <maximumf>, %reduce_or3A_2042, %reduce_or3A_2043 [1] : vector<64x1024xf32> to vector<64xf32>
      %reduce_or3A_2045 = arith.constant 0.000000e+00 : f32
      %reduce_or3A_2046 = vector.broadcast %reduce_or3A_2045 : f32 to vector<64xf32>
      %reduce_or3A_2047 = arith.cmpf ogt, %reduce_or3A_2044, %reduce_or3A_2046 : vector<64xf32>
      %broadcast_in_dim3A_2048 = vector.shape_cast %reduce_or3A_2047 : vector<64xi1> to vector<64x1xi1>
      %not3A = arith.constant dense<true> : vector<64x1xi1>
      %not3A_2049 = arith.xori %broadcast_in_dim3A_2048, %not3A : vector<64x1xi1>
      %get3A_2050 = arith.constant 0 : index
      %get3A_2051 = arith.constant 0 : index
      %get3A_2052 = vector.load %arg4[%get3A_2050, %get3A_2051] : memref<1024x1024xf32, #tpu.memory_space<vmem>>, vector<64x1024xf32>
      %sub3A_2053 = vector.broadcast %get3A_2029 : vector<1x1024xf32> to vector<64x1024xf32>
      %sub3A_2054 = arith.subf %get3A_2052, %sub3A_2053 : vector<64x1024xf32>
      %reduce_max3A_2055 = arith.constant dense<0xFF800000> : vector<64xf32>
      %reduce_max3A_2056 = vector.multi_reduction <maximumf>, %sub3A_2054, %reduce_max3A_2055 [1] : vector<64x1024xf32> to vector<64xf32>
      %broadcast_in_dim3A_2057 = vector.shape_cast %reduce_max3A_2056 : vector<64xf32> to vector<64x1xf32>
      %eq3A_2058 = vector.broadcast %broadcast_in_dim3A_2057 : vector<64x1xf32> to vector<64x1024xf32>
      %eq3A_2059 = arith.cmpf oeq, %sub3A_2054, %eq3A_2058 : vector<64x1024xf32>
      %jit3A_2060 = arith.constant 1.024000e+03 : f32
      %broadcast_in_dim3A_2061 = vector.broadcast %jit3A_2060 : f32 to vector<64x1024xf32>
      %select_n3A_2062 = arith.select %eq3A_2059, %convert_element_type3A, %broadcast_in_dim3A_2061 : vector<64x1024xi1>, vector<64x1024xf32>
      %reduce_min3A_2063 = arith.constant dense<0x7F800000> : vector<64xf32>
      %reduce_min3A_2064 = vector.multi_reduction <minimumf>, %select_n3A_2062, %reduce_min3A_2063 [1] : vector<64x1024xf32> to vector<64xf32>
      %broadcast_in_dim3A_2065 = vector.shape_cast %reduce_min3A_2064 : vector<64xf32> to vector<64x1xf32>
      %eq3A_2066 = vector.broadcast %broadcast_in_dim3A_2065 : vector<64x1xf32> to vector<64x1024xf32>
      %eq3A_2067 = arith.cmpf oeq, %convert_element_type3A, %eq3A_2066 : vector<64x1024xf32>
      %jit3A_2068 = arith.constant -1.000000e+10 : f32
      %broadcast_in_dim3A_2069 = vector.broadcast %jit3A_2068 : f32 to vector<64x1024xf32>
      %select_n3A_2070 = arith.select %eq3A_2067, %broadcast_in_dim3A_2069, %sub3A_2054 : vector<64x1024xi1>, vector<64x1024xf32>
      %reduce_max3A_2071 = arith.constant dense<0xFF800000> : vector<64xf32>
      %reduce_max3A_2072 = vector.multi_reduction <maximumf>, %select_n3A_2070, %reduce_max3A_2071 [1] : vector<64x1024xf32> to vector<64xf32>
      %broadcast_in_dim3A_2073 = vector.shape_cast %reduce_max3A_2072 : vector<64xf32> to vector<64x1xf32>
      %sub3A_2074 = arith.subf %broadcast_in_dim3A_2057, %broadcast_in_dim3A_2073 : vector<64x1xf32>
      %add3A_2075 = arith.constant 5.000000e-03 : f32
      %add3A_2076 = vector.broadcast %add3A_2075 : f32 to vector<64x1xf32>
      %add3A_2077 = arith.addf %sub3A_2074, %add3A_2076 : vector<64x1xf32>
      %jit3A_2078 = arith.constant -1.000000e+10 : f32
      %broadcast_in_dim3A_2079 = vector.broadcast %jit3A_2078 : f32 to vector<64x1xf32>
      %select_n3A_2080 = arith.select %not3A_2049, %add3A_2077, %broadcast_in_dim3A_2079 : vector<64x1xi1>, vector<64x1xf32>
      %jit3A_2081 = arith.constant -1.000000e+10 : f32
      %broadcast_in_dim3A_2082 = vector.shape_cast %select_n3A_2080 : vector<64x1xf32> to vector<64x1xf32>
      %broadcast_in_dim3A_2083 = vector.broadcast %broadcast_in_dim3A_2082 : vector<64x1xf32> to vector<64x1024xf32>
      %broadcast_in_dim3A_2084 = vector.broadcast %jit3A_2081 : f32 to vector<64x1024xf32>
      %select_n3A_2085 = arith.select %eq3A_2067, %broadcast_in_dim3A_2083, %broadcast_in_dim3A_2084 : vector<64x1024xi1>, vector<64x1024xf32>
      %reduce_max3A_2086 = arith.constant dense<0xFF800000> : vector<1024xf32>
      %reduce_max3A_2087 = vector.multi_reduction <maximumf>, %select_n3A_2085, %reduce_max3A_2086 [0] : vector<64x1024xf32> to vector<1024xf32>
      %broadcast_in_dim3A_2088 = vector.shape_cast %reduce_max3A_2087 : vector<1024xf32> to vector<1x1024xf32>
      %eq3A_2089 = vector.broadcast %broadcast_in_dim3A_2088 : vector<1x1024xf32> to vector<64x1024xf32>
      %eq3A_2090 = arith.cmpf oeq, %select_n3A_2085, %eq3A_2089 : vector<64x1024xf32>
      %gt3A = arith.constant -5.000000e+09 : f32
      %gt3A_2091 = vector.broadcast %gt3A : f32 to vector<1x1024xf32>
      %gt3A_2092 = arith.cmpf ogt, %broadcast_in_dim3A_2088, %gt3A_2091 : vector<1x1024xf32>
      %and3A = vector.broadcast %gt3A_2092 : vector<1x1024xi1> to vector<64x1024xi1>
      %and3A_2093 = arith.andi %eq3A_2090, %and3A : vector<64x1024xi1>
      %jit3A_2094 = arith.constant 1.024000e+03 : f32
      %broadcast_in_dim3A_2095 = vector.shape_cast %add3A_2035 : vector<64x1xf32> to vector<64x1xf32>
      %broadcast_in_dim3A_2096 = vector.broadcast %broadcast_in_dim3A_2095 : vector<64x1xf32> to vector<64x1024xf32>
      %broadcast_in_dim3A_2097 = vector.broadcast %jit3A_2094 : f32 to vector<64x1024xf32>
      %select_n3A_2098 = arith.select %and3A_2093, %broadcast_in_dim3A_2096, %broadcast_in_dim3A_2097 : vector<64x1024xi1>, vector<64x1024xf32>
      %reduce_min3A_2099 = arith.constant dense<0x7F800000> : vector<1024xf32>
      %reduce_min3A_2100 = vector.multi_reduction <minimumf>, %select_n3A_2098, %reduce_min3A_2099 [0] : vector<64x1024xf32> to vector<1024xf32>
      %broadcast_in_dim3A_2101 = vector.shape_cast %reduce_min3A_2100 : vector<1024xf32> to vector<1x1024xf32>
      %swap3A_2102 = arith.constant 0 : index
      %swap3A_2103 = arith.constant 0 : index
      %swap3A_2104 = vector.load %arg5[%swap3A_2102, %swap3A_2103] : memref<16x1024xf32, #tpu.memory_space<vmem>>, vector<1x1024xf32>
      tpu.vector_store %arg5[%swap3A_2102, %swap3A_2103], %broadcast_in_dim3A_2088 {strides = array<i32>} : memref<16x1024xf32, #tpu.memory_space<vmem>>, vector<1x1024xf32>,
      %swap3A_2105 = arith.constant 0 : index
      %swap3A_2106 = arith.constant 0 : index
      %swap3A_2107 = vector.load %arg6[%swap3A_2105, %swap3A_2106] : memref<16x1024xf32, #tpu.memory_space<vmem>>, vector<1x1024xf32>
      tpu.vector_store %arg6[%swap3A_2105, %swap3A_2106], %broadcast_in_dim3A_2101 {strides = array<i32>} : memref<16x1024xf32, #tpu.memory_space<vmem>>, vector<1x1024xf32>,
      %add3A_2108 = arith.constant 6.400000e+01 : f32
      %add3A_2109 = vector.broadcast %add3A_2108 : f32 to vector<64x1xf32>
      %add3A_2110 = arith.addf %convert_element_type3A_15, %add3A_2109 : vector<64x1xf32>
      %eq3A_2111 = vector.broadcast %get3A_2032 : vector<1x1024xf32> to vector<64x1024xf32>
      %eq3A_2112 = vector.broadcast %add3A_2110 : vector<64x1xf32> to vector<64x1024xf32>
      %eq3A_2113 = arith.cmpf oeq, %eq3A_2111, %eq3A_2112 : vector<64x1024xf32>
      %reduce_or3A_2114 = arith.constant 1.000000e+00 : f32
      %reduce_or3A_2115 = arith.constant 0.000000e+00 : f32
      %reduce_or3A_2116 = vector.broadcast %reduce_or3A_2114 : f32 to vector<64x1024xf32>
      %reduce_or3A_2117 = vector.broadcast %reduce_or3A_2115 : f32 to vector<64x1024xf32>
      %reduce_or3A_2118 = arith.select %eq3A_2113, %reduce_or3A_2116, %reduce_or3A_2117 : vector<64x1024xi1>, vector<64x1024xf32>
      %reduce_or3A_2119 = arith.constant dense<0xFF800000> : vector<64xf32>
      %reduce_or3A_2120 = vector.multi_reduction <maximumf>, %reduce_or3A_2118, %reduce_or3A_2119 [1] : vector<64x1024xf32> to vector<64xf32>
      %reduce_or3A_2121 = arith.constant 0.000000e+00 : f32
      %reduce_or3A_2122 = vector.broadcast %reduce_or3A_2121 : f32 to vector<64xf32>
      %reduce_or3A_2123 = arith.cmpf ogt, %reduce_or3A_2120, %reduce_or3A_2122 : vector<64xf32>
      %broadcast_in_dim3A_2124 = vector.shape_cast %reduce_or3A_2123 : vector<64xi1> to vector<64x1xi1>
      %not3A_2125 = arith.constant dense<true> : vector<64x1xi1>
      %not3A_2126 = arith.xori %broadcast_in_dim3A_2124, %not3A_2125 : vector<64x1xi1>
      %get3A_2127 = arith.constant 64 : index
      %get3A_2128 = arith.constant 0 : index
      %get3A_2129 = vector.load %arg4[%get3A_2127, %get3A_2128] : memref<1024x1024xf32, #tpu.memory_space<vmem>>, vector<64x1024xf32>
      %sub3A_2130 = vector.broadcast %get3A_2029 : vector<1x1024xf32> to vector<64x1024xf32>
      %sub3A_2131 = arith.subf %get3A_2129, %sub3A_2130 : vector<64x1024xf32>
      %reduce_max3A_2132 = arith.constant dense<0xFF800000> : vector<64xf32>
      %reduce_max3A_2133 = vector.multi_reduction <maximumf>, %sub3A_2131, %reduce_max3A_2132 [1] : vector<64x1024xf32> to vector<64xf32>
      %broadcast_in_dim3A_2134 = vector.shape_cast %reduce_max3A_2133 : vector<64xf32> to vector<64x1xf32>
      %eq3A_2135 = vector.broadcast %broadcast_in_dim3A_2134 : vector<64x1xf32> to vector<64x1024xf32>
      %eq3A_2136 = arith.cmpf oeq, %sub3A_2131, %eq3A_2135 : vector<64x1024xf32>
      %jit3A_2137 = arith.constant 1.024000e+03 : f32
      %broadcast_in_dim3A_2138 = vector.broadcast %jit3A_2137 : f32 to vector<64x1024xf32>
      %select_n3A_2139 = arith.select %eq3A_2136, %convert_element_type3A, %broadcast_in_dim3A_2138 : vector<64x1024xi1>, vector<64x1024xf32>
      %reduce_min3A_2140 = arith.constant dense<0x7F800000> : vector<64xf32>
      %reduce_min3A_2141 = vector.multi_reduction <minimumf>, %select_n3A_2139, %reduce_min3A_2140 [1] : vector<64x1024xf32> to vector<64xf32>
      %broadcast_in_dim3A_2142 = vector.shape_cast %reduce_min3A_2141 : vector<64xf32> to vector<64x1xf32>
      %eq3A_2143 = vector.broadcast %broadcast_in_dim3A_2142 : vector<64x1xf32> to vector<64x1024xf32>
      %eq3A_2144 = arith.cmpf oeq, %convert_element_type3A, %eq3A_2143 : vector<64x1024xf32>
      %jit3A_2145 = arith.constant -1.000000e+10 : f32
      %broadcast_in_dim3A_2146 = vector.broadcast %jit3A_2145 : f32 to vector<64x1024xf32>
      %select_n3A_2147 = arith.select %eq3A_2144, %broadcast_in_dim3A_2146, %sub3A_2131 : vector<64x1024xi1>, vector<64x1024xf32>
      %reduce_max3A_2148 = arith.constant dense<0xFF800000> : vector<64xf32>
      %reduce_max3A_2149 = vector.multi_reduction <maximumf>, %select_n3A_2147, %reduce_max3A_2148 [1] : vector<64x1024xf32> to vector<64xf32>
      %broadcast_in_dim3A_2150 = vector.shape_cast %reduce_max3A_2149 : vector<64xf32> to vector<64x1xf32>
      %sub3A_2151 = arith.subf %broadcast_in_dim3A_2134, %broadcast_in_dim3A_2150 : vector<64x1xf32>
      %add3A_2152 = arith.constant 5.000000e-03 : f32
      %add3A_2153 = vector.broadcast %add3A_2152 : f32 to vector<64x1xf32>
      %add3A_2154 = arith.addf %sub3A_2151, %add3A_2153 : vector<64x1xf32>
      %jit3A_2155 = arith.constant -1.000000e+10 : f32
      %broadcast_in_dim3A_2156 = vector.broadcast %jit3A_2155 : f32 to vector<64x1xf32>
      %select_n3A_2157 = arith.select %not3A_2126, %add3A_2154, %broadcast_in_dim3A_2156 : vector<64x1xi1>, vector<64x1xf32>
      %jit3A_2158 = arith.constant -1.000000e+10 : f32
      %broadcast_in_dim3A_2159 = vector.shape_cast %select_n3A_2157 : vector<64x1xf32> to vector<64x1xf32>
      %broadcast_in_dim3A_2160 = vector.broadcast %broadcast_in_dim3A_2159 : vector<64x1xf32> to vector<64x1024xf32>
      %broadcast_in_dim3A_2161 = vector.broadcast %jit3A_2158 : f32 to vector<64x1024xf32>
      %select_n3A_2162 = arith.select %eq3A_2144, %broadcast_in_dim3A_2160, %broadcast_in_dim3A_2161 : vector<64x1024xi1>, vector<64x1024xf32>
      %reduce_max3A_2163 = arith.constant dense<0xFF800000> : vector<1024xf32>
      %reduce_max3A_2164 = vector.multi_reduction <maximumf>, %select_n3A_2162, %reduce_max3A_2163 [0] : vector<64x1024xf32> to vector<1024xf32>
      %broadcast_in_dim3A_2165 = vector.shape_cast %reduce_max3A_2164 : vector<1024xf32> to vector<1x1024xf32>
      %eq3A_2166 = vector.broadcast %broadcast_in_dim3A_2165 : vector<1x1024xf32> to vector<64x1024xf32>
      %eq3A_2167 = arith.cmpf oeq, %select_n3A_2162, %eq3A_2166 : vector<64x1024xf32>
      %gt3A_2168 = arith.constant -5.000000e+09 : f32
      %gt3A_2169 = vector.broadcast %gt3A_2168 : f32 to vector<1x1024xf32>
      %gt3A_2170 = arith.cmpf ogt, %broadcast_in_dim3A_2165, %gt3A_2169 : vector<1x1024xf32>
      %and3A_2171 = vector.broadcast %gt3A_2170 : vector<1x1024xi1> to vector<64x1024xi1>
      %and3A_2172 = arith.andi %eq3A_2167, %and3A_2171 : vector<64x1024xi1>
      %jit3A_2173 = arith.constant 1.024000e+03 : f32
      %broadcast_in_dim3A_2174 = vector.shape_cast %add3A_2110 : vector<64x1xf32> to vector<64x1xf32>
      %broadcast_in_dim3A_2175 = vector.broadcast %broadcast_in_dim3A_2174 : vector<64x1xf32> to vector<64x1024xf32>
      %broadcast_in_dim3A_2176 = vector.broadcast %jit3A_2173 : f32 to vector<64x1024xf32>
      %select_n3A_2177 = arith.select %and3A_2172, %broadcast_in_dim3A_2175, %broadcast_in_dim3A_2176 : vector<64x1024xi1>, vector<64x1024xf32>
      %reduce_min3A_2178 = arith.constant dense<0x7F800000> : vector<1024xf32>
      %reduce_min3A_2179 = vector.multi_reduction <minimumf>, %select_n3A_2177, %reduce_min3A_2178 [0] : vector<64x1024xf32> to vector<1024xf32>
      %broadcast_in_dim3A_2180 = vector.shape_cast %reduce_min3A_2179 : vector<1024xf32> to vector<1x1024xf32>
      %swap3A_2181 = arith.constant 1 : index
      %swap3A_2182 = arith.constant 0 : index
      %swap3A_2183 = vector.load %arg5[%swap3A_2181, %swap3A_2182] : memref<16x1024xf32, #tpu.memory_space<vmem>>, vector<1x1024xf32>
      tpu.vector_store %arg5[%swap3A_2181, %swap3A_2182], %broadcast_in_dim3A_2165 {strides = array<i32>} : memref<16x1024xf32, #tpu.memory_space<vmem>>, vector<1x1024xf32>,
      %swap3A_2184 = arith.constant 1 : index
      %swap3A_2185 = arith.constant 0 : index
      %swap3A_2186 = vector.load %arg6[%swap3A_2184, %swap3A_2185] : memref<16x1024xf32, #tpu.memory_space<vmem>>, vector<1x1024xf32>
      tpu.vector_store %arg6[%swap3A_2184, %swap3A_2185], %broadcast_in_dim3A_2180 {strides = array<i32>} : memref<16x1024xf32, #tpu.memory_space<vmem>>, vector<1x1024xf32>,
      %add3A_2187 = arith.constant 1.280000e+02 : f32
      %add3A_2188 = vector.broadcast %add3A_2187 : f32 to vector<64x1xf32>
      %add3A_2189 = arith.addf %convert_element_type3A_15, %add3A_2188 : vector<64x1xf32>
      %eq3A_2190 = vector.broadcast %get3A_2032 : vector<1x1024xf32> to vector<64x1024xf32>
      %eq3A_2191 = vector.broadcast %add3A_2189 : vector<64x1xf32> to vector<64x1024xf32>
      %eq3A_2192 = arith.cmpf oeq, %eq3A_2190, %eq3A_2191 : vector<64x1024xf32>
      %reduce_or3A_2193 = arith.constant 1.000000e+00 : f32
      %reduce_or3A_2194 = arith.constant 0.000000e+00 : f32
      %reduce_or3A_2195 = vector.broadcast %reduce_or3A_2193 : f32 to vector<64x1024xf32>
      %reduce_or3A_2196 = vector.broadcast %reduce_or3A_2194 : f32 to vector<64x1024xf32>
      %reduce_or3A_2197 = arith.select %eq3A_2192, %reduce_or3A_2195, %reduce_or3A_2196 : vector<64x1024xi1>, vector<64x1024xf32>
      %reduce_or3A_2198 = arith.constant dense<0xFF800000> : vector<64xf32>
      %reduce_or3A_2199 = vector.multi_reduction <maximumf>, %reduce_or3A_2197, %reduce_or3A_2198 [1] : vector<64x1024xf32> to vector<64xf32>
      %reduce_or3A_2200 = arith.constant 0.000000e+00 : f32
      %reduce_or3A_2201 = vector.broadcast %reduce_or3A_2200 : f32 to vector<64xf32>
      %reduce_or3A_2202 = arith.cmpf ogt, %reduce_or3A_2199, %reduce_or3A_2201 : vector<64xf32>
      %broadcast_in_dim3A_2203 = vector.shape_cast %reduce_or3A_2202 : vector<64xi1> to vector<64x1xi1>
      %not3A_2204 = arith.constant dense<true> : vector<64x1xi1>
      %not3A_2205 = arith.xori %broadcast_in_dim3A_2203, %not3A_2204 : vector<64x1xi1>
      %get3A_2206 = arith.constant 128 : index
      %get3A_2207 = arith.constant 0 : index
      %get3A_2208 = vector.load %arg4[%get3A_2206, %get3A_2207] : memref<1024x1024xf32, #tpu.memory_space<vmem>>, vector<64x1024xf32>
      %sub3A_2209 = vector.broadcast %get3A_2029 : vector<1x1024xf32> to vector<64x1024xf32>
      %sub3A_2210 = arith.subf %get3A_2208, %sub3A_2209 : vector<64x1024xf32>
      %reduce_max3A_2211 = arith.constant dense<0xFF800000> : vector<64xf32>
      %reduce_max3A_2212 = vector.multi_reduction <maximumf>, %sub3A_2210, %reduce_max3A_2211 [1] : vector<64x1024xf32> to vector<64xf32>
      %broadcast_in_dim3A_2213 = vector.shape_cast %reduce_max3A_2212 : vector<64xf32> to vector<64x1xf32>
      %eq3A_2214 = vector.broadcast %broadcast_in_dim3A_2213 : vector<64x1xf32> to vector<64x1024xf32>
      %eq3A_2215 = arith.cmpf oeq, %sub3A_2210, %eq3A_2214 : vector<64x1024xf32>
      %jit3A_2216 = arith.constant 1.024000e+03 : f32
      %broadcast_in_dim3A_2217 = vector.broadcast %jit3A_2216 : f32 to vector<64x1024xf32>
      %select_n3A_2218 = arith.select %eq3A_2215, %convert_element_type3A, %broadcast_in_dim3A_2217 : vector<64x1024xi1>, vector<64x1024xf32>
      %reduce_min3A_2219 = arith.constant dense<0x7F800000> : vector<64xf32>
      %reduce_min3A_2220 = vector.multi_reduction <minimumf>, %select_n3A_2218, %reduce_min3A_2219 [1] : vector<64x1024xf32> to vector<64xf32>
      %broadcast_in_dim3A_2221 = vector.shape_cast %reduce_min3A_2220 : vector<64xf32> to vector<64x1xf32>
      %eq3A_2222 = vector.broadcast %broadcast_in_dim3A_2221 : vector<64x1xf32> to vector<64x1024xf32>
      %eq3A_2223 = arith.cmpf oeq, %convert_element_type3A, %eq3A_2222 : vector<64x1024xf32>
      %jit3A_2224 = arith.constant -1.000000e+10 : f32
      %broadcast_in_dim3A_2225 = vector.broadcast %jit3A_2224 : f32 to vector<64x1024xf32>
      %select_n3A_2226 = arith.select %eq3A_2223, %broadcast_in_dim3A_2225, %sub3A_2210 : vector<64x1024xi1>, vector<64x1024xf32>
      %reduce_max3A_2227 = arith.constant dense<0xFF800000> : vector<64xf32>
      %reduce_max3A_2228 = vector.multi_reduction <maximumf>, %select_n3A_2226, %reduce_max3A_2227 [1] : vector<64x1024xf32> to vector<64xf32>
      %broadcast_in_dim3A_2229 = vector.shape_cast %reduce_max3A_2228 : vector<64xf32> to vector<64x1xf32>
      %sub3A_2230 = arith.subf %broadcast_in_dim3A_2213, %broadcast_in_dim3A_2229 : vector<64x1xf32>
      %add3A_2231 = arith.constant 5.000000e-03 : f32
      %add3A_2232 = vector.broadcast %add3A_2231 : f32 to vector<64x1xf32>
      %add3A_2233 = arith.addf %sub3A_2230, %add3A_2232 : vector<64x1xf32>
      %jit3A_2234 = arith.constant -1.000000e+10 : f32
      %broadcast_in_dim3A_2235 = vector.broadcast %jit3A_2234 : f32 to vector<64x1xf32>
      %select_n3A_2236 = arith.select %not3A_2205, %add3A_2233, %broadcast_in_dim3A_2235 : vector<64x1xi1>, vector<64x1xf32>
      %jit3A_2237 = arith.constant -1.000000e+10 : f32
      %broadcast_in_dim3A_2238 = vector.shape_cast %select_n3A_2236 : vector<64x1xf32> to vector<64x1xf32>
      %broadcast_in_dim3A_2239 = vector.broadcast %broadcast_in_dim3A_2238 : vector<64x1xf32> to vector<64x1024xf32>
      %broadcast_in_dim3A_2240 = vector.broadcast %jit3A_2237 : f32 to vector<64x1024xf32>
      %select_n3A_2241 = arith.select %eq3A_2223, %broadcast_in_dim3A_2239, %broadcast_in_dim3A_2240 : vector<64x1024xi1>, vector<64x1024xf32>
      %reduce_max3A_2242 = arith.constant dense<0xFF800000> : vector<1024xf32>
      %reduce_max3A_2243 = vector.multi_reduction <maximumf>, %select_n3A_2241, %reduce_max3A_2242 [0] : vector<64x1024xf32> to vector<1024xf32>
      %broadcast_in_dim3A_2244 = vector.shape_cast %reduce_max3A_2243 : vector<1024xf32> to vector<1x1024xf32>
      %eq3A_2245 = vector.broadcast %broadcast_in_dim3A_2244 : vector<1x1024xf32> to vector<64x1024xf32>
      %eq3A_2246 = arith.cmpf oeq, %select_n3A_2241, %eq3A_2245 : vector<64x1024xf32>
      %gt3A_2247 = arith.constant -5.000000e+09 : f32
      %gt3A_2248 = vector.broadcast %gt3A_2247 : f32 to vector<1x1024xf32>
      %gt3A_2249 = arith.cmpf ogt, %broadcast_in_dim3A_2244, %gt3A_2248 : vector<1x1024xf32>
      %and3A_2250 = vector.broadcast %gt3A_2249 : vector<1x1024xi1> to vector<64x1024xi1>
      %and3A_2251 = arith.andi %eq3A_2246, %and3A_2250 : vector<64x1024xi1>
      %jit3A_2252 = arith.constant 1.024000e+03 : f32
      %broadcast_in_dim3A_2253 = vector.shape_cast %add3A_2189 : vector<64x1xf32> to vector<64x1xf32>
      %broadcast_in_dim3A_2254 = vector.broadcast %broadcast_in_dim3A_2253 : vector<64x1xf32> to vector<64x1024xf32>
      %broadcast_in_dim3A_2255 = vector.broadcast %jit3A_2252 : f32 to vector<64x1024xf32>
      %select_n3A_2256 = arith.select %and3A_2251, %broadcast_in_dim3A_2254, %broadcast_in_dim3A_2255 : vector<64x1024xi1>, vector<64x1024xf32>
      %reduce_min3A_2257 = arith.constant dense<0x7F800000> : vector<1024xf32>
      %reduce_min3A_2258 = vector.multi_reduction <minimumf>, %select_n3A_2256, %reduce_min3A_2257 [0] : vector<64x1024xf32> to vector<1024xf32>
      %broadcast_in_dim3A_2259 = vector.shape_cast %reduce_min3A_2258 : vector<1024xf32> to vector<1x1024xf32>
      %swap3A_2260 = arith.constant 2 : index
      %swap3A_2261 = arith.constant 0 : index
      %swap3A_2262 = vector.load %arg5[%swap3A_2260, %swap3A_2261] : memref<16x1024xf32, #tpu.memory_space<vmem>>, vector<1x1024xf32>
      tpu.vector_store %arg5[%swap3A_2260, %swap3A_2261], %broadcast_in_dim3A_2244 {strides = array<i32>} : memref<16x1024xf32, #tpu.memory_space<vmem>>, vector<1x1024xf32>,
      %swap3A_2263 = arith.constant 2 : index
      %swap3A_2264 = arith.constant 0 : index
      %swap3A_2265 = vector.load %arg6[%swap3A_2263, %swap3A_2264] : memref<16x1024xf32, #tpu.memory_space<vmem>>, vector<1x1024xf32>
      tpu.vector_store %arg6[%swap3A_2263, %swap3A_2264], %broadcast_in_dim3A_2259 {strides = array<i32>} : memref<16x1024xf32, #tpu.memory_space<vmem>>, vector<1x1024xf32>,
      %add3A_2266 = arith.constant 1.920000e+02 : f32
      %add3A_2267 = vector.broadcast %add3A_2266 : f32 to vector<64x1xf32>
      %add3A_2268 = arith.addf %convert_element_type3A_15, %add3A_2267 : vector<64x1xf32>
      %eq3A_2269 = vector.broadcast %get3A_2032 : vector<1x1024xf32> to vector<64x1024xf32>
      %eq3A_2270 = vector.broadcast %add3A_2268 : vector<64x1xf32> to vector<64x1024xf32>
      %eq3A_2271 = arith.cmpf oeq, %eq3A_2269, %eq3A_2270 : vector<64x1024xf32>
      %reduce_or3A_2272 = arith.constant 1.000000e+00 : f32
      %reduce_or3A_2273 = arith.constant 0.000000e+00 : f32
      %reduce_or3A_2274 = vector.broadcast %reduce_or3A_2272 : f32 to vector<64x1024xf32>
      %reduce_or3A_2275 = vector.broadcast %reduce_or3A_2273 : f32 to vector<64x1024xf32>
      %reduce_or3A_2276 = arith.select %eq3A_2271, %reduce_or3A_2274, %reduce_or3A_2275 : vector<64x1024xi1>, vector<64x1024xf32>
      %reduce_or3A_2277 = arith.constant dense<0xFF800000> : vector<64xf32>
      %reduce_or3A_2278 = vector.multi_reduction <maximumf>, %reduce_or3A_2276, %reduce_or3A_2277 [1] : vector<64x1024xf32> to vector<64xf32>
      %reduce_or3A_2279 = arith.constant 0.000000e+00 : f32
      %reduce_or3A_2280 = vector.broadcast %reduce_or3A_2279 : f32 to vector<64xf32>
      %reduce_or3A_2281 = arith.cmpf ogt, %reduce_or3A_2278, %reduce_or3A_2280 : vector<64xf32>
      %broadcast_in_dim3A_2282 = vector.shape_cast %reduce_or3A_2281 : vector<64xi1> to vector<64x1xi1>
      %not3A_2283 = arith.constant dense<true> : vector<64x1xi1>
      %not3A_2284 = arith.xori %broadcast_in_dim3A_2282, %not3A_2283 : vector<64x1xi1>
      %get3A_2285 = arith.constant 192 : index
      %get3A_2286 = arith.constant 0 : index
      %get3A_2287 = vector.load %arg4[%get3A_2285, %get3A_2286] : memref<1024x1024xf32, #tpu.memory_space<vmem>>, vector<64x1024xf32>
      %sub3A_2288 = vector.broadcast %get3A_2029 : vector<1x1024xf32> to vector<64x1024xf32>
      %sub3A_2289 = arith.subf %get3A_2287, %sub3A_2288 : vector<64x1024xf32>
      %reduce_max3A_2290 = arith.constant dense<0xFF800000> : vector<64xf32>
      %reduce_max3A_2291 = vector.multi_reduction <maximumf>, %sub3A_2289, %reduce_max3A_2290 [1] : vector<64x1024xf32> to vector<64xf32>
      %broadcast_in_dim3A_2292 = vector.shape_cast %reduce_max3A_2291 : vector<64xf32> to vector<64x1xf32>
      %eq3A_2293 = vector.broadcast %broadcast_in_dim3A_2292 : vector<64x1xf32> to vector<64x1024xf32>
      %eq3A_2294 = arith.cmpf oeq, %sub3A_2289, %eq3A_2293 : vector<64x1024xf32>
      %jit3A_2295 = arith.constant 1.024000e+03 : f32
      %broadcast_in_dim3A_2296 = vector.broadcast %jit3A_2295 : f32 to vector<64x1024xf32>
      %select_n3A_2297 = arith.select %eq3A_2294, %convert_element_type3A, %broadcast_in_dim3A_2296 : vector<64x1024xi1>, vector<64x1024xf32>
      %reduce_min3A_2298 = arith.constant dense<0x7F800000> : vector<64xf32>
      %reduce_min3A_2299 = vector.multi_reduction <minimumf>, %select_n3A_2297, %reduce_min3A_2298 [1] : vector<64x1024xf32> to vector<64xf32>
      %broadcast_in_dim3A_2300 = vector.shape_cast %reduce_min3A_2299 : vector<64xf32> to vector<64x1xf32>
      %eq3A_2301 = vector.broadcast %broadcast_in_dim3A_2300 : vector<64x1xf32> to vector<64x1024xf32>
      %eq3A_2302 = arith.cmpf oeq, %convert_element_type3A, %eq3A_2301 : vector<64x1024xf32>
      %jit3A_2303 = arith.constant -1.000000e+10 : f32
      %broadcast_in_dim3A_2304 = vector.broadcast %jit3A_2303 : f32 to vector<64x1024xf32>
      %select_n3A_2305 = arith.select %eq3A_2302, %broadcast_in_dim3A_2304, %sub3A_2289 : vector<64x1024xi1>, vector<64x1024xf32>
      %reduce_max3A_2306 = arith.constant dense<0xFF800000> : vector<64xf32>
      %reduce_max3A_2307 = vector.multi_reduction <maximumf>, %select_n3A_2305, %reduce_max3A_2306 [1] : vector<64x1024xf32> to vector<64xf32>
      %broadcast_in_dim3A_2308 = vector.shape_cast %reduce_max3A_2307 : vector<64xf32> to vector<64x1xf32>
      %sub3A_2309 = arith.subf %broadcast_in_dim3A_2292, %broadcast_in_dim3A_2308 : vector<64x1xf32>
      %add3A_2310 = arith.constant 5.000000e-03 : f32
      %add3A_2311 = vector.broadcast %add3A_2310 : f32 to vector<64x1xf32>
      %add3A_2312 = arith.addf %sub3A_2309, %add3A_2311 : vector<64x1xf32>
      %jit3A_2313 = arith.constant -1.000000e+10 : f32
      %broadcast_in_dim3A_2314 = vector.broadcast %jit3A_2313 : f32 to vector<64x1xf32>
      %select_n3A_2315 = arith.select %not3A_2284, %add3A_2312, %broadcast_in_dim3A_2314 : vector<64x1xi1>, vector<64x1xf32>
      %jit3A_2316 = arith.constant -1.000000e+10 : f32
      %broadcast_in_dim3A_2317 = vector.shape_cast %select_n3A_2315 : vector<64x1xf32> to vector<64x1xf32>
      %broadcast_in_dim3A_2318 = vector.broadcast %broadcast_in_dim3A_2317 : vector<64x1xf32> to vector<64x1024xf32>
      %broadcast_in_dim3A_2319 = vector.broadcast %jit3A_2316 : f32 to vector<64x1024xf32>
      %select_n3A_2320 = arith.select %eq3A_2302, %broadcast_in_dim3A_2318, %broadcast_in_dim3A_2319 : vector<64x1024xi1>, vector<64x1024xf32>
      %reduce_max3A_2321 = arith.constant dense<0xFF800000> : vector<1024xf32>
      %reduce_max3A_2322 = vector.multi_reduction <maximumf>, %select_n3A_2320, %reduce_max3A_2321 [0] : vector<64x1024xf32> to vector<1024xf32>
      %broadcast_in_dim3A_2323 = vector.shape_cast %reduce_max3A_2322 : vector<1024xf32> to vector<1x1024xf32>
      %eq3A_2324 = vector.broadcast %broadcast_in_dim3A_2323 : vector<1x1024xf32> to vector<64x1024xf32>
      %eq3A_2325 = arith.cmpf oeq, %select_n3A_2320, %eq3A_2324 : vector<64x1024xf32>
      %gt3A_2326 = arith.constant -5.000000e+09 : f32
      %gt3A_2327 = vector.broadcast %gt3A_2326 : f32 to vector<1x1024xf32>
      %gt3A_2328 = arith.cmpf ogt, %broadcast_in_dim3A_2323, %gt3A_2327 : vector<1x1024xf32>
      %and3A_2329 = vector.broadcast %gt3A_2328 : vector<1x1024xi1> to vector<64x1024xi1>
      %and3A_2330 = arith.andi %eq3A_2325, %and3A_2329 : vector<64x1024xi1>
      %jit3A_2331 = arith.constant 1.024000e+03 : f32
      %broadcast_in_dim3A_2332 = vector.shape_cast %add3A_2268 : vector<64x1xf32> to vector<64x1xf32>
      %broadcast_in_dim3A_2333 = vector.broadcast %broadcast_in_dim3A_2332 : vector<64x1xf32> to vector<64x1024xf32>
      %broadcast_in_dim3A_2334 = vector.broadcast %jit3A_2331 : f32 to vector<64x1024xf32>
      %select_n3A_2335 = arith.select %and3A_2330, %broadcast_in_dim3A_2333, %broadcast_in_dim3A_2334 : vector<64x1024xi1>, vector<64x1024xf32>
      %reduce_min3A_2336 = arith.constant dense<0x7F800000> : vector<1024xf32>
      %reduce_min3A_2337 = vector.multi_reduction <minimumf>, %select_n3A_2335, %reduce_min3A_2336 [0] : vector<64x1024xf32> to vector<1024xf32>
      %broadcast_in_dim3A_2338 = vector.shape_cast %reduce_min3A_2337 : vector<1024xf32> to vector<1x1024xf32>
      %swap3A_2339 = arith.constant 3 : index
      %swap3A_2340 = arith.constant 0 : index
      %swap3A_2341 = vector.load %arg5[%swap3A_2339, %swap3A_2340] : memref<16x1024xf32, #tpu.memory_space<vmem>>, vector<1x1024xf32>
      tpu.vector_store %arg5[%swap3A_2339, %swap3A_2340], %broadcast_in_dim3A_2323 {strides = array<i32>} : memref<16x1024xf32, #tpu.memory_space<vmem>>, vector<1x1024xf32>,
      %swap3A_2342 = arith.constant 3 : index
      %swap3A_2343 = arith.constant 0 : index
      %swap3A_2344 = vector.load %arg6[%swap3A_2342, %swap3A_2343] : memref<16x1024xf32, #tpu.memory_space<vmem>>, vector<1x1024xf32>
      tpu.vector_store %arg6[%swap3A_2342, %swap3A_2343], %broadcast_in_dim3A_2338 {strides = array<i32>} : memref<16x1024xf32, #tpu.memory_space<vmem>>, vector<1x1024xf32>,
      %add3A_2345 = arith.constant 2.560000e+02 : f32
      %add3A_2346 = vector.broadcast %add3A_2345 : f32 to vector<64x1xf32>
      %add3A_2347 = arith.addf %convert_element_type3A_15, %add3A_2346 : vector<64x1xf32>
      %eq3A_2348 = vector.broadcast %get3A_2032 : vector<1x1024xf32> to vector<64x1024xf32>
      %eq3A_2349 = vector.broadcast %add3A_2347 : vector<64x1xf32> to vector<64x1024xf32>
      %eq3A_2350 = arith.cmpf oeq, %eq3A_2348, %eq3A_2349 : vector<64x1024xf32>
      %reduce_or3A_2351 = arith.constant 1.000000e+00 : f32
      %reduce_or3A_2352 = arith.constant 0.000000e+00 : f32
      %reduce_or3A_2353 = vector.broadcast %reduce_or3A_2351 : f32 to vector<64x1024xf32>
      %reduce_or3A_2354 = vector.broadcast %reduce_or3A_2352 : f32 to vector<64x1024xf32>
      %reduce_or3A_2355 = arith.select %eq3A_2350, %reduce_or3A_2353, %reduce_or3A_2354 : vector<64x1024xi1>, vector<64x1024xf32>
      %reduce_or3A_2356 = arith.constant dense<0xFF800000> : vector<64xf32>
      %reduce_or3A_2357 = vector.multi_reduction <maximumf>, %reduce_or3A_2355, %reduce_or3A_2356 [1] : vector<64x1024xf32> to vector<64xf32>
      %reduce_or3A_2358 = arith.constant 0.000000e+00 : f32
      %reduce_or3A_2359 = vector.broadcast %reduce_or3A_2358 : f32 to vector<64xf32>
      %reduce_or3A_2360 = arith.cmpf ogt, %reduce_or3A_2357, %reduce_or3A_2359 : vector<64xf32>
      %broadcast_in_dim3A_2361 = vector.shape_cast %reduce_or3A_2360 : vector<64xi1> to vector<64x1xi1>
      %not3A_2362 = arith.constant dense<true> : vector<64x1xi1>
      %not3A_2363 = arith.xori %broadcast_in_dim3A_2361, %not3A_2362 : vector<64x1xi1>
      %get3A_2364 = arith.constant 256 : index
      %get3A_2365 = arith.constant 0 : index
      %get3A_2366 = vector.load %arg4[%get3A_2364, %get3A_2365] : memref<1024x1024xf32, #tpu.memory_space<vmem>>, vector<64x1024xf32>
      %sub3A_2367 = vector.broadcast %get3A_2029 : vector<1x1024xf32> to vector<64x1024xf32>
      %sub3A_2368 = arith.subf %get3A_2366, %sub3A_2367 : vector<64x1024xf32>
      %reduce_max3A_2369 = arith.constant dense<0xFF800000> : vector<64xf32>
      %reduce_max3A_2370 = vector.multi_reduction <maximumf>, %sub3A_2368, %reduce_max3A_2369 [1] : vector<64x1024xf32> to vector<64xf32>
      %broadcast_in_dim3A_2371 = vector.shape_cast %reduce_max3A_2370 : vector<64xf32> to vector<64x1xf32>
      %eq3A_2372 = vector.broadcast %broadcast_in_dim3A_2371 : vector<64x1xf32> to vector<64x1024xf32>
      %eq3A_2373 = arith.cmpf oeq, %sub3A_2368, %eq3A_2372 : vector<64x1024xf32>
      %jit3A_2374 = arith.constant 1.024000e+03 : f32
      %broadcast_in_dim3A_2375 = vector.broadcast %jit3A_2374 : f32 to vector<64x1024xf32>
      %select_n3A_2376 = arith.select %eq3A_2373, %convert_element_type3A, %broadcast_in_dim3A_2375 : vector<64x1024xi1>, vector<64x1024xf32>
      %reduce_min3A_2377 = arith.constant dense<0x7F800000> : vector<64xf32>
      %reduce_min3A_2378 = vector.multi_reduction <minimumf>, %select_n3A_2376, %reduce_min3A_2377 [1] : vector<64x1024xf32> to vector<64xf32>
      %broadcast_in_dim3A_2379 = vector.shape_cast %reduce_min3A_2378 : vector<64xf32> to vector<64x1xf32>
      %eq3A_2380 = vector.broadcast %broadcast_in_dim3A_2379 : vector<64x1xf32> to vector<64x1024xf32>
      %eq3A_2381 = arith.cmpf oeq, %convert_element_type3A, %eq3A_2380 : vector<64x1024xf32>
      %jit3A_2382 = arith.constant -1.000000e+10 : f32
      %broadcast_in_dim3A_2383 = vector.broadcast %jit3A_2382 : f32 to vector<64x1024xf32>
      %select_n3A_2384 = arith.select %eq3A_2381, %broadcast_in_dim3A_2383, %sub3A_2368 : vector<64x1024xi1>, vector<64x1024xf32>
      %reduce_max3A_2385 = arith.constant dense<0xFF800000> : vector<64xf32>
      %reduce_max3A_2386 = vector.multi_reduction <maximumf>, %select_n3A_2384, %reduce_max3A_2385 [1] : vector<64x1024xf32> to vector<64xf32>
      %broadcast_in_dim3A_2387 = vector.shape_cast %reduce_max3A_2386 : vector<64xf32> to vector<64x1xf32>
      %sub3A_2388 = arith.subf %broadcast_in_dim3A_2371, %broadcast_in_dim3A_2387 : vector<64x1xf32>
      %add3A_2389 = arith.constant 5.000000e-03 : f32
      %add3A_2390 = vector.broadcast %add3A_2389 : f32 to vector<64x1xf32>
      %add3A_2391 = arith.addf %sub3A_2388, %add3A_2390 : vector<64x1xf32>
      %jit3A_2392 = arith.constant -1.000000e+10 : f32
      %broadcast_in_dim3A_2393 = vector.broadcast %jit3A_2392 : f32 to vector<64x1xf32>
      %select_n3A_2394 = arith.select %not3A_2363, %add3A_2391, %broadcast_in_dim3A_2393 : vector<64x1xi1>, vector<64x1xf32>
      %jit3A_2395 = arith.constant -1.000000e+10 : f32
      %broadcast_in_dim3A_2396 = vector.shape_cast %select_n3A_2394 : vector<64x1xf32> to vector<64x1xf32>
      %broadcast_in_dim3A_2397 = vector.broadcast %broadcast_in_dim3A_2396 : vector<64x1xf32> to vector<64x1024xf32>
      %broadcast_in_dim3A_2398 = vector.broadcast %jit3A_2395 : f32 to vector<64x1024xf32>
      %select_n3A_2399 = arith.select %eq3A_2381, %broadcast_in_dim3A_2397, %broadcast_in_dim3A_2398 : vector<64x1024xi1>, vector<64x1024xf32>
      %reduce_max3A_2400 = arith.constant dense<0xFF800000> : vector<1024xf32>
      %reduce_max3A_2401 = vector.multi_reduction <maximumf>, %select_n3A_2399, %reduce_max3A_2400 [0] : vector<64x1024xf32> to vector<1024xf32>
      %broadcast_in_dim3A_2402 = vector.shape_cast %reduce_max3A_2401 : vector<1024xf32> to vector<1x1024xf32>
      %eq3A_2403 = vector.broadcast %broadcast_in_dim3A_2402 : vector<1x1024xf32> to vector<64x1024xf32>
      %eq3A_2404 = arith.cmpf oeq, %select_n3A_2399, %eq3A_2403 : vector<64x1024xf32>
      %gt3A_2405 = arith.constant -5.000000e+09 : f32
      %gt3A_2406 = vector.broadcast %gt3A_2405 : f32 to vector<1x1024xf32>
      %gt3A_2407 = arith.cmpf ogt, %broadcast_in_dim3A_2402, %gt3A_2406 : vector<1x1024xf32>
      %and3A_2408 = vector.broadcast %gt3A_2407 : vector<1x1024xi1> to vector<64x1024xi1>
      %and3A_2409 = arith.andi %eq3A_2404, %and3A_2408 : vector<64x1024xi1>
      %jit3A_2410 = arith.constant 1.024000e+03 : f32
      %broadcast_in_dim3A_2411 = vector.shape_cast %add3A_2347 : vector<64x1xf32> to vector<64x1xf32>
      %broadcast_in_dim3A_2412 = vector.broadcast %broadcast_in_dim3A_2411 : vector<64x1xf32> to vector<64x1024xf32>
      %broadcast_in_dim3A_2413 = vector.broadcast %jit3A_2410 : f32 to vector<64x1024xf32>
      %select_n3A_2414 = arith.select %and3A_2409, %broadcast_in_dim3A_2412, %broadcast_in_dim3A_2413 : vector<64x1024xi1>, vector<64x1024xf32>
      %reduce_min3A_2415 = arith.constant dense<0x7F800000> : vector<1024xf32>
      %reduce_min3A_2416 = vector.multi_reduction <minimumf>, %select_n3A_2414, %reduce_min3A_2415 [0] : vector<64x1024xf32> to vector<1024xf32>
      %broadcast_in_dim3A_2417 = vector.shape_cast %reduce_min3A_2416 : vector<1024xf32> to vector<1x1024xf32>
      %swap3A_2418 = arith.constant 4 : index
      %swap3A_2419 = arith.constant 0 : index
      %swap3A_2420 = vector.load %arg5[%swap3A_2418, %swap3A_2419] : memref<16x1024xf32, #tpu.memory_space<vmem>>, vector<1x1024xf32>
      tpu.vector_store %arg5[%swap3A_2418, %swap3A_2419], %broadcast_in_dim3A_2402 {strides = array<i32>} : memref<16x1024xf32, #tpu.memory_space<vmem>>, vector<1x1024xf32>,
      %swap3A_2421 = arith.constant 4 : index
      %swap3A_2422 = arith.constant 0 : index
      %swap3A_2423 = vector.load %arg6[%swap3A_2421, %swap3A_2422] : memref<16x1024xf32, #tpu.memory_space<vmem>>, vector<1x1024xf32>
      tpu.vector_store %arg6[%swap3A_2421, %swap3A_2422], %broadcast_in_dim3A_2417 {strides = array<i32>} : memref<16x1024xf32, #tpu.memory_space<vmem>>, vector<1x1024xf32>,
      %add3A_2424 = arith.constant 3.200000e+02 : f32
      %add3A_2425 = vector.broadcast %add3A_2424 : f32 to vector<64x1xf32>
      %add3A_2426 = arith.addf %convert_element_type3A_15, %add3A_2425 : vector<64x1xf32>
      %eq3A_2427 = vector.broadcast %get3A_2032 : vector<1x1024xf32> to vector<64x1024xf32>
      %eq3A_2428 = vector.broadcast %add3A_2426 : vector<64x1xf32> to vector<64x1024xf32>
      %eq3A_2429 = arith.cmpf oeq, %eq3A_2427, %eq3A_2428 : vector<64x1024xf32>
      %reduce_or3A_2430 = arith.constant 1.000000e+00 : f32
      %reduce_or3A_2431 = arith.constant 0.000000e+00 : f32
      %reduce_or3A_2432 = vector.broadcast %reduce_or3A_2430 : f32 to vector<64x1024xf32>
      %reduce_or3A_2433 = vector.broadcast %reduce_or3A_2431 : f32 to vector<64x1024xf32>
      %reduce_or3A_2434 = arith.select %eq3A_2429, %reduce_or3A_2432, %reduce_or3A_2433 : vector<64x1024xi1>, vector<64x1024xf32>
      %reduce_or3A_2435 = arith.constant dense<0xFF800000> : vector<64xf32>
      %reduce_or3A_2436 = vector.multi_reduction <maximumf>, %reduce_or3A_2434, %reduce_or3A_2435 [1] : vector<64x1024xf32> to vector<64xf32>
      %reduce_or3A_2437 = arith.constant 0.000000e+00 : f32
      %reduce_or3A_2438 = vector.broadcast %reduce_or3A_2437 : f32 to vector<64xf32>
      %reduce_or3A_2439 = arith.cmpf ogt, %reduce_or3A_2436, %reduce_or3A_2438 : vector<64xf32>
      %broadcast_in_dim3A_2440 = vector.shape_cast %reduce_or3A_2439 : vector<64xi1> to vector<64x1xi1>
      %not3A_2441 = arith.constant dense<true> : vector<64x1xi1>
      %not3A_2442 = arith.xori %broadcast_in_dim3A_2440, %not3A_2441 : vector<64x1xi1>
      %get3A_2443 = arith.constant 320 : index
      %get3A_2444 = arith.constant 0 : index
      %get3A_2445 = vector.load %arg4[%get3A_2443, %get3A_2444] : memref<1024x1024xf32, #tpu.memory_space<vmem>>, vector<64x1024xf32>
      %sub3A_2446 = vector.broadcast %get3A_2029 : vector<1x1024xf32> to vector<64x1024xf32>
      %sub3A_2447 = arith.subf %get3A_2445, %sub3A_2446 : vector<64x1024xf32>
      %reduce_max3A_2448 = arith.constant dense<0xFF800000> : vector<64xf32>
      %reduce_max3A_2449 = vector.multi_reduction <maximumf>, %sub3A_2447, %reduce_max3A_2448 [1] : vector<64x1024xf32> to vector<64xf32>
      %broadcast_in_dim3A_2450 = vector.shape_cast %reduce_max3A_2449 : vector<64xf32> to vector<64x1xf32>
      %eq3A_2451 = vector.broadcast %broadcast_in_dim3A_2450 : vector<64x1xf32> to vector<64x1024xf32>
      %eq3A_2452 = arith.cmpf oeq, %sub3A_2447, %eq3A_2451 : vector<64x1024xf32>
      %jit3A_2453 = arith.constant 1.024000e+03 : f32
      %broadcast_in_dim3A_2454 = vector.broadcast %jit3A_2453 : f32 to vector<64x1024xf32>
      %select_n3A_2455 = arith.select %eq3A_2452, %convert_element_type3A, %broadcast_in_dim3A_2454 : vector<64x1024xi1>, vector<64x1024xf32>
      %reduce_min3A_2456 = arith.constant dense<0x7F800000> : vector<64xf32>
      %reduce_min3A_2457 = vector.multi_reduction <minimumf>, %select_n3A_2455, %reduce_min3A_2456 [1] : vector<64x1024xf32> to vector<64xf32>
      %broadcast_in_dim3A_2458 = vector.shape_cast %reduce_min3A_2457 : vector<64xf32> to vector<64x1xf32>
      %eq3A_2459 = vector.broadcast %broadcast_in_dim3A_2458 : vector<64x1xf32> to vector<64x1024xf32>
      %eq3A_2460 = arith.cmpf oeq, %convert_element_type3A, %eq3A_2459 : vector<64x1024xf32>
      %jit3A_2461 = arith.constant -1.000000e+10 : f32
      %broadcast_in_dim3A_2462 = vector.broadcast %jit3A_2461 : f32 to vector<64x1024xf32>
      %select_n3A_2463 = arith.select %eq3A_2460, %broadcast_in_dim3A_2462, %sub3A_2447 : vector<64x1024xi1>, vector<64x1024xf32>
      %reduce_max3A_2464 = arith.constant dense<0xFF800000> : vector<64xf32>
      %reduce_max3A_2465 = vector.multi_reduction <maximumf>, %select_n3A_2463, %reduce_max3A_2464 [1] : vector<64x1024xf32> to vector<64xf32>
      %broadcast_in_dim3A_2466 = vector.shape_cast %reduce_max3A_2465 : vector<64xf32> to vector<64x1xf32>
      %sub3A_2467 = arith.subf %broadcast_in_dim3A_2450, %broadcast_in_dim3A_2466 : vector<64x1xf32>
      %add3A_2468 = arith.constant 5.000000e-03 : f32
      %add3A_2469 = vector.broadcast %add3A_2468 : f32 to vector<64x1xf32>
      %add3A_2470 = arith.addf %sub3A_2467, %add3A_2469 : vector<64x1xf32>
      %jit3A_2471 = arith.constant -1.000000e+10 : f32
      %broadcast_in_dim3A_2472 = vector.broadcast %jit3A_2471 : f32 to vector<64x1xf32>
      %select_n3A_2473 = arith.select %not3A_2442, %add3A_2470, %broadcast_in_dim3A_2472 : vector<64x1xi1>, vector<64x1xf32>
      %jit3A_2474 = arith.constant -1.000000e+10 : f32
      %broadcast_in_dim3A_2475 = vector.shape_cast %select_n3A_2473 : vector<64x1xf32> to vector<64x1xf32>
      %broadcast_in_dim3A_2476 = vector.broadcast %broadcast_in_dim3A_2475 : vector<64x1xf32> to vector<64x1024xf32>
      %broadcast_in_dim3A_2477 = vector.broadcast %jit3A_2474 : f32 to vector<64x1024xf32>
      %select_n3A_2478 = arith.select %eq3A_2460, %broadcast_in_dim3A_2476, %broadcast_in_dim3A_2477 : vector<64x1024xi1>, vector<64x1024xf32>
      %reduce_max3A_2479 = arith.constant dense<0xFF800000> : vector<1024xf32>
      %reduce_max3A_2480 = vector.multi_reduction <maximumf>, %select_n3A_2478, %reduce_max3A_2479 [0] : vector<64x1024xf32> to vector<1024xf32>
      %broadcast_in_dim3A_2481 = vector.shape_cast %reduce_max3A_2480 : vector<1024xf32> to vector<1x1024xf32>
      %eq3A_2482 = vector.broadcast %broadcast_in_dim3A_2481 : vector<1x1024xf32> to vector<64x1024xf32>
      %eq3A_2483 = arith.cmpf oeq, %select_n3A_2478, %eq3A_2482 : vector<64x1024xf32>
      %gt3A_2484 = arith.constant -5.000000e+09 : f32
      %gt3A_2485 = vector.broadcast %gt3A_2484 : f32 to vector<1x1024xf32>
      %gt3A_2486 = arith.cmpf ogt, %broadcast_in_dim3A_2481, %gt3A_2485 : vector<1x1024xf32>
      %and3A_2487 = vector.broadcast %gt3A_2486 : vector<1x1024xi1> to vector<64x1024xi1>
      %and3A_2488 = arith.andi %eq3A_2483, %and3A_2487 : vector<64x1024xi1>
      %jit3A_2489 = arith.constant 1.024000e+03 : f32
      %broadcast_in_dim3A_2490 = vector.shape_cast %add3A_2426 : vector<64x1xf32> to vector<64x1xf32>
      %broadcast_in_dim3A_2491 = vector.broadcast %broadcast_in_dim3A_2490 : vector<64x1xf32> to vector<64x1024xf32>
      %broadcast_in_dim3A_2492 = vector.broadcast %jit3A_2489 : f32 to vector<64x1024xf32>
      %select_n3A_2493 = arith.select %and3A_2488, %broadcast_in_dim3A_2491, %broadcast_in_dim3A_2492 : vector<64x1024xi1>, vector<64x1024xf32>
      %reduce_min3A_2494 = arith.constant dense<0x7F800000> : vector<1024xf32>
      %reduce_min3A_2495 = vector.multi_reduction <minimumf>, %select_n3A_2493, %reduce_min3A_2494 [0] : vector<64x1024xf32> to vector<1024xf32>
      %broadcast_in_dim3A_2496 = vector.shape_cast %reduce_min3A_2495 : vector<1024xf32> to vector<1x1024xf32>
      %swap3A_2497 = arith.constant 5 : index
      %swap3A_2498 = arith.constant 0 : index
      %swap3A_2499 = vector.load %arg5[%swap3A_2497, %swap3A_2498] : memref<16x1024xf32, #tpu.memory_space<vmem>>, vector<1x1024xf32>
      tpu.vector_store %arg5[%swap3A_2497, %swap3A_2498], %broadcast_in_dim3A_2481 {strides = array<i32>} : memref<16x1024xf32, #tpu.memory_space<vmem>>, vector<1x1024xf32>,
      %swap3A_2500 = arith.constant 5 : index
      %swap3A_2501 = arith.constant 0 : index
      %swap3A_2502 = vector.load %arg6[%swap3A_2500, %swap3A_2501] : memref<16x1024xf32, #tpu.memory_space<vmem>>, vector<1x1024xf32>
      tpu.vector_store %arg6[%swap3A_2500, %swap3A_2501], %broadcast_in_dim3A_2496 {strides = array<i32>} : memref<16x1024xf32, #tpu.memory_space<vmem>>, vector<1x1024xf32>,
      %add3A_2503 = arith.constant 3.840000e+02 : f32
      %add3A_2504 = vector.broadcast %add3A_2503 : f32 to vector<64x1xf32>
      %add3A_2505 = arith.addf %convert_element_type3A_15, %add3A_2504 : vector<64x1xf32>
      %eq3A_2506 = vector.broadcast %get3A_2032 : vector<1x1024xf32> to vector<64x1024xf32>
      %eq3A_2507 = vector.broadcast %add3A_2505 : vector<64x1xf32> to vector<64x1024xf32>
      %eq3A_2508 = arith.cmpf oeq, %eq3A_2506, %eq3A_2507 : vector<64x1024xf32>
      %reduce_or3A_2509 = arith.constant 1.000000e+00 : f32
      %reduce_or3A_2510 = arith.constant 0.000000e+00 : f32
      %reduce_or3A_2511 = vector.broadcast %reduce_or3A_2509 : f32 to vector<64x1024xf32>
      %reduce_or3A_2512 = vector.broadcast %reduce_or3A_2510 : f32 to vector<64x1024xf32>
      %reduce_or3A_2513 = arith.select %eq3A_2508, %reduce_or3A_2511, %reduce_or3A_2512 : vector<64x1024xi1>, vector<64x1024xf32>
      %reduce_or3A_2514 = arith.constant dense<0xFF800000> : vector<64xf32>
      %reduce_or3A_2515 = vector.multi_reduction <maximumf>, %reduce_or3A_2513, %reduce_or3A_2514 [1] : vector<64x1024xf32> to vector<64xf32>
      %reduce_or3A_2516 = arith.constant 0.000000e+00 : f32
      %reduce_or3A_2517 = vector.broadcast %reduce_or3A_2516 : f32 to vector<64xf32>
      %reduce_or3A_2518 = arith.cmpf ogt, %reduce_or3A_2515, %reduce_or3A_2517 : vector<64xf32>
      %broadcast_in_dim3A_2519 = vector.shape_cast %reduce_or3A_2518 : vector<64xi1> to vector<64x1xi1>
      %not3A_2520 = arith.constant dense<true> : vector<64x1xi1>
      %not3A_2521 = arith.xori %broadcast_in_dim3A_2519, %not3A_2520 : vector<64x1xi1>
      %get3A_2522 = arith.constant 384 : index
      %get3A_2523 = arith.constant 0 : index
      %get3A_2524 = vector.load %arg4[%get3A_2522, %get3A_2523] : memref<1024x1024xf32, #tpu.memory_space<vmem>>, vector<64x1024xf32>
      %sub3A_2525 = vector.broadcast %get3A_2029 : vector<1x1024xf32> to vector<64x1024xf32>
      %sub3A_2526 = arith.subf %get3A_2524, %sub3A_2525 : vector<64x1024xf32>
      %reduce_max3A_2527 = arith.constant dense<0xFF800000> : vector<64xf32>
      %reduce_max3A_2528 = vector.multi_reduction <maximumf>, %sub3A_2526, %reduce_max3A_2527 [1] : vector<64x1024xf32> to vector<64xf32>
      %broadcast_in_dim3A_2529 = vector.shape_cast %reduce_max3A_2528 : vector<64xf32> to vector<64x1xf32>
      %eq3A_2530 = vector.broadcast %broadcast_in_dim3A_2529 : vector<64x1xf32> to vector<64x1024xf32>
      %eq3A_2531 = arith.cmpf oeq, %sub3A_2526, %eq3A_2530 : vector<64x1024xf32>
      %jit3A_2532 = arith.constant 1.024000e+03 : f32
      %broadcast_in_dim3A_2533 = vector.broadcast %jit3A_2532 : f32 to vector<64x1024xf32>
      %select_n3A_2534 = arith.select %eq3A_2531, %convert_element_type3A, %broadcast_in_dim3A_2533 : vector<64x1024xi1>, vector<64x1024xf32>
      %reduce_min3A_2535 = arith.constant dense<0x7F800000> : vector<64xf32>
      %reduce_min3A_2536 = vector.multi_reduction <minimumf>, %select_n3A_2534, %reduce_min3A_2535 [1] : vector<64x1024xf32> to vector<64xf32>
      %broadcast_in_dim3A_2537 = vector.shape_cast %reduce_min3A_2536 : vector<64xf32> to vector<64x1xf32>
      %eq3A_2538 = vector.broadcast %broadcast_in_dim3A_2537 : vector<64x1xf32> to vector<64x1024xf32>
      %eq3A_2539 = arith.cmpf oeq, %convert_element_type3A, %eq3A_2538 : vector<64x1024xf32>
      %jit3A_2540 = arith.constant -1.000000e+10 : f32
      %broadcast_in_dim3A_2541 = vector.broadcast %jit3A_2540 : f32 to vector<64x1024xf32>
      %select_n3A_2542 = arith.select %eq3A_2539, %broadcast_in_dim3A_2541, %sub3A_2526 : vector<64x1024xi1>, vector<64x1024xf32>
      %reduce_max3A_2543 = arith.constant dense<0xFF800000> : vector<64xf32>
      %reduce_max3A_2544 = vector.multi_reduction <maximumf>, %select_n3A_2542, %reduce_max3A_2543 [1] : vector<64x1024xf32> to vector<64xf32>
      %broadcast_in_dim3A_2545 = vector.shape_cast %reduce_max3A_2544 : vector<64xf32> to vector<64x1xf32>
      %sub3A_2546 = arith.subf %broadcast_in_dim3A_2529, %broadcast_in_dim3A_2545 : vector<64x1xf32>
      %add3A_2547 = arith.constant 5.000000e-03 : f32
      %add3A_2548 = vector.broadcast %add3A_2547 : f32 to vector<64x1xf32>
      %add3A_2549 = arith.addf %sub3A_2546, %add3A_2548 : vector<64x1xf32>
      %jit3A_2550 = arith.constant -1.000000e+10 : f32
      %broadcast_in_dim3A_2551 = vector.broadcast %jit3A_2550 : f32 to vector<64x1xf32>
      %select_n3A_2552 = arith.select %not3A_2521, %add3A_2549, %broadcast_in_dim3A_2551 : vector<64x1xi1>, vector<64x1xf32>
      %jit3A_2553 = arith.constant -1.000000e+10 : f32
      %broadcast_in_dim3A_2554 = vector.shape_cast %select_n3A_2552 : vector<64x1xf32> to vector<64x1xf32>
      %broadcast_in_dim3A_2555 = vector.broadcast %broadcast_in_dim3A_2554 : vector<64x1xf32> to vector<64x1024xf32>
      %broadcast_in_dim3A_2556 = vector.broadcast %jit3A_2553 : f32 to vector<64x1024xf32>
      %select_n3A_2557 = arith.select %eq3A_2539, %broadcast_in_dim3A_2555, %broadcast_in_dim3A_2556 : vector<64x1024xi1>, vector<64x1024xf32>
      %reduce_max3A_2558 = arith.constant dense<0xFF800000> : vector<1024xf32>
      %reduce_max3A_2559 = vector.multi_reduction <maximumf>, %select_n3A_2557, %reduce_max3A_2558 [0] : vector<64x1024xf32> to vector<1024xf32>
      %broadcast_in_dim3A_2560 = vector.shape_cast %reduce_max3A_2559 : vector<1024xf32> to vector<1x1024xf32>
      %eq3A_2561 = vector.broadcast %broadcast_in_dim3A_2560 : vector<1x1024xf32> to vector<64x1024xf32>
      %eq3A_2562 = arith.cmpf oeq, %select_n3A_2557, %eq3A_2561 : vector<64x1024xf32>
      %gt3A_2563 = arith.constant -5.000000e+09 : f32
      %gt3A_2564 = vector.broadcast %gt3A_2563 : f32 to vector<1x1024xf32>
      %gt3A_2565 = arith.cmpf ogt, %broadcast_in_dim3A_2560, %gt3A_2564 : vector<1x1024xf32>
      %and3A_2566 = vector.broadcast %gt3A_2565 : vector<1x1024xi1> to vector<64x1024xi1>
      %and3A_2567 = arith.andi %eq3A_2562, %and3A_2566 : vector<64x1024xi1>
      %jit3A_2568 = arith.constant 1.024000e+03 : f32
      %broadcast_in_dim3A_2569 = vector.shape_cast %add3A_2505 : vector<64x1xf32> to vector<64x1xf32>
      %broadcast_in_dim3A_2570 = vector.broadcast %broadcast_in_dim3A_2569 : vector<64x1xf32> to vector<64x1024xf32>
      %broadcast_in_dim3A_2571 = vector.broadcast %jit3A_2568 : f32 to vector<64x1024xf32>
      %select_n3A_2572 = arith.select %and3A_2567, %broadcast_in_dim3A_2570, %broadcast_in_dim3A_2571 : vector<64x1024xi1>, vector<64x1024xf32>
      %reduce_min3A_2573 = arith.constant dense<0x7F800000> : vector<1024xf32>
      %reduce_min3A_2574 = vector.multi_reduction <minimumf>, %select_n3A_2572, %reduce_min3A_2573 [0] : vector<64x1024xf32> to vector<1024xf32>
      %broadcast_in_dim3A_2575 = vector.shape_cast %reduce_min3A_2574 : vector<1024xf32> to vector<1x1024xf32>
      %swap3A_2576 = arith.constant 6 : index
      %swap3A_2577 = arith.constant 0 : index
      %swap3A_2578 = vector.load %arg5[%swap3A_2576, %swap3A_2577] : memref<16x1024xf32, #tpu.memory_space<vmem>>, vector<1x1024xf32>
      tpu.vector_store %arg5[%swap3A_2576, %swap3A_2577], %broadcast_in_dim3A_2560 {strides = array<i32>} : memref<16x1024xf32, #tpu.memory_space<vmem>>, vector<1x1024xf32>,
      %swap3A_2579 = arith.constant 6 : index
      %swap3A_2580 = arith.constant 0 : index
      %swap3A_2581 = vector.load %arg6[%swap3A_2579, %swap3A_2580] : memref<16x1024xf32, #tpu.memory_space<vmem>>, vector<1x1024xf32>
      tpu.vector_store %arg6[%swap3A_2579, %swap3A_2580], %broadcast_in_dim3A_2575 {strides = array<i32>} : memref<16x1024xf32, #tpu.memory_space<vmem>>, vector<1x1024xf32>,
      %add3A_2582 = arith.constant 4.480000e+02 : f32
      %add3A_2583 = vector.broadcast %add3A_2582 : f32 to vector<64x1xf32>
      %add3A_2584 = arith.addf %convert_element_type3A_15, %add3A_2583 : vector<64x1xf32>
      %eq3A_2585 = vector.broadcast %get3A_2032 : vector<1x1024xf32> to vector<64x1024xf32>
      %eq3A_2586 = vector.broadcast %add3A_2584 : vector<64x1xf32> to vector<64x1024xf32>
      %eq3A_2587 = arith.cmpf oeq, %eq3A_2585, %eq3A_2586 : vector<64x1024xf32>
      %reduce_or3A_2588 = arith.constant 1.000000e+00 : f32
      %reduce_or3A_2589 = arith.constant 0.000000e+00 : f32
      %reduce_or3A_2590 = vector.broadcast %reduce_or3A_2588 : f32 to vector<64x1024xf32>
      %reduce_or3A_2591 = vector.broadcast %reduce_or3A_2589 : f32 to vector<64x1024xf32>
      %reduce_or3A_2592 = arith.select %eq3A_2587, %reduce_or3A_2590, %reduce_or3A_2591 : vector<64x1024xi1>, vector<64x1024xf32>
      %reduce_or3A_2593 = arith.constant dense<0xFF800000> : vector<64xf32>
      %reduce_or3A_2594 = vector.multi_reduction <maximumf>, %reduce_or3A_2592, %reduce_or3A_2593 [1] : vector<64x1024xf32> to vector<64xf32>
      %reduce_or3A_2595 = arith.constant 0.000000e+00 : f32
      %reduce_or3A_2596 = vector.broadcast %reduce_or3A_2595 : f32 to vector<64xf32>
      %reduce_or3A_2597 = arith.cmpf ogt, %reduce_or3A_2594, %reduce_or3A_2596 : vector<64xf32>
      %broadcast_in_dim3A_2598 = vector.shape_cast %reduce_or3A_2597 : vector<64xi1> to vector<64x1xi1>
      %not3A_2599 = arith.constant dense<true> : vector<64x1xi1>
      %not3A_2600 = arith.xori %broadcast_in_dim3A_2598, %not3A_2599 : vector<64x1xi1>
      %get3A_2601 = arith.constant 448 : index
      %get3A_2602 = arith.constant 0 : index
      %get3A_2603 = vector.load %arg4[%get3A_2601, %get3A_2602] : memref<1024x1024xf32, #tpu.memory_space<vmem>>, vector<64x1024xf32>
      %sub3A_2604 = vector.broadcast %get3A_2029 : vector<1x1024xf32> to vector<64x1024xf32>
      %sub3A_2605 = arith.subf %get3A_2603, %sub3A_2604 : vector<64x1024xf32>
      %reduce_max3A_2606 = arith.constant dense<0xFF800000> : vector<64xf32>
      %reduce_max3A_2607 = vector.multi_reduction <maximumf>, %sub3A_2605, %reduce_max3A_2606 [1] : vector<64x1024xf32> to vector<64xf32>
      %broadcast_in_dim3A_2608 = vector.shape_cast %reduce_max3A_2607 : vector<64xf32> to vector<64x1xf32>
      %eq3A_2609 = vector.broadcast %broadcast_in_dim3A_2608 : vector<64x1xf32> to vector<64x1024xf32>
      %eq3A_2610 = arith.cmpf oeq, %sub3A_2605, %eq3A_2609 : vector<64x1024xf32>
      %jit3A_2611 = arith.constant 1.024000e+03 : f32
      %broadcast_in_dim3A_2612 = vector.broadcast %jit3A_2611 : f32 to vector<64x1024xf32>
      %select_n3A_2613 = arith.select %eq3A_2610, %convert_element_type3A, %broadcast_in_dim3A_2612 : vector<64x1024xi1>, vector<64x1024xf32>
      %reduce_min3A_2614 = arith.constant dense<0x7F800000> : vector<64xf32>
      %reduce_min3A_2615 = vector.multi_reduction <minimumf>, %select_n3A_2613, %reduce_min3A_2614 [1] : vector<64x1024xf32> to vector<64xf32>
      %broadcast_in_dim3A_2616 = vector.shape_cast %reduce_min3A_2615 : vector<64xf32> to vector<64x1xf32>
      %eq3A_2617 = vector.broadcast %broadcast_in_dim3A_2616 : vector<64x1xf32> to vector<64x1024xf32>
      %eq3A_2618 = arith.cmpf oeq, %convert_element_type3A, %eq3A_2617 : vector<64x1024xf32>
      %jit3A_2619 = arith.constant -1.000000e+10 : f32
      %broadcast_in_dim3A_2620 = vector.broadcast %jit3A_2619 : f32 to vector<64x1024xf32>
      %select_n3A_2621 = arith.select %eq3A_2618, %broadcast_in_dim3A_2620, %sub3A_2605 : vector<64x1024xi1>, vector<64x1024xf32>
      %reduce_max3A_2622 = arith.constant dense<0xFF800000> : vector<64xf32>
      %reduce_max3A_2623 = vector.multi_reduction <maximumf>, %select_n3A_2621, %reduce_max3A_2622 [1] : vector<64x1024xf32> to vector<64xf32>
      %broadcast_in_dim3A_2624 = vector.shape_cast %reduce_max3A_2623 : vector<64xf32> to vector<64x1xf32>
      %sub3A_2625 = arith.subf %broadcast_in_dim3A_2608, %broadcast_in_dim3A_2624 : vector<64x1xf32>
      %add3A_2626 = arith.constant 5.000000e-03 : f32
      %add3A_2627 = vector.broadcast %add3A_2626 : f32 to vector<64x1xf32>
      %add3A_2628 = arith.addf %sub3A_2625, %add3A_2627 : vector<64x1xf32>
      %jit3A_2629 = arith.constant -1.000000e+10 : f32
      %broadcast_in_dim3A_2630 = vector.broadcast %jit3A_2629 : f32 to vector<64x1xf32>
      %select_n3A_2631 = arith.select %not3A_2600, %add3A_2628, %broadcast_in_dim3A_2630 : vector<64x1xi1>, vector<64x1xf32>
      %jit3A_2632 = arith.constant -1.000000e+10 : f32
      %broadcast_in_dim3A_2633 = vector.shape_cast %select_n3A_2631 : vector<64x1xf32> to vector<64x1xf32>
      %broadcast_in_dim3A_2634 = vector.broadcast %broadcast_in_dim3A_2633 : vector<64x1xf32> to vector<64x1024xf32>
      %broadcast_in_dim3A_2635 = vector.broadcast %jit3A_2632 : f32 to vector<64x1024xf32>
      %select_n3A_2636 = arith.select %eq3A_2618, %broadcast_in_dim3A_2634, %broadcast_in_dim3A_2635 : vector<64x1024xi1>, vector<64x1024xf32>
      %reduce_max3A_2637 = arith.constant dense<0xFF800000> : vector<1024xf32>
      %reduce_max3A_2638 = vector.multi_reduction <maximumf>, %select_n3A_2636, %reduce_max3A_2637 [0] : vector<64x1024xf32> to vector<1024xf32>
      %broadcast_in_dim3A_2639 = vector.shape_cast %reduce_max3A_2638 : vector<1024xf32> to vector<1x1024xf32>
      %eq3A_2640 = vector.broadcast %broadcast_in_dim3A_2639 : vector<1x1024xf32> to vector<64x1024xf32>
      %eq3A_2641 = arith.cmpf oeq, %select_n3A_2636, %eq3A_2640 : vector<64x1024xf32>
      %gt3A_2642 = arith.constant -5.000000e+09 : f32
      %gt3A_2643 = vector.broadcast %gt3A_2642 : f32 to vector<1x1024xf32>
      %gt3A_2644 = arith.cmpf ogt, %broadcast_in_dim3A_2639, %gt3A_2643 : vector<1x1024xf32>
      %and3A_2645 = vector.broadcast %gt3A_2644 : vector<1x1024xi1> to vector<64x1024xi1>
      %and3A_2646 = arith.andi %eq3A_2641, %and3A_2645 : vector<64x1024xi1>
      %jit3A_2647 = arith.constant 1.024000e+03 : f32
      %broadcast_in_dim3A_2648 = vector.shape_cast %add3A_2584 : vector<64x1xf32> to vector<64x1xf32>
      %broadcast_in_dim3A_2649 = vector.broadcast %broadcast_in_dim3A_2648 : vector<64x1xf32> to vector<64x1024xf32>
      %broadcast_in_dim3A_2650 = vector.broadcast %jit3A_2647 : f32 to vector<64x1024xf32>
      %select_n3A_2651 = arith.select %and3A_2646, %broadcast_in_dim3A_2649, %broadcast_in_dim3A_2650 : vector<64x1024xi1>, vector<64x1024xf32>
      %reduce_min3A_2652 = arith.constant dense<0x7F800000> : vector<1024xf32>
      %reduce_min3A_2653 = vector.multi_reduction <minimumf>, %select_n3A_2651, %reduce_min3A_2652 [0] : vector<64x1024xf32> to vector<1024xf32>
      %broadcast_in_dim3A_2654 = vector.shape_cast %reduce_min3A_2653 : vector<1024xf32> to vector<1x1024xf32>
      %swap3A_2655 = arith.constant 7 : index
      %swap3A_2656 = arith.constant 0 : index
      %swap3A_2657 = vector.load %arg5[%swap3A_2655, %swap3A_2656] : memref<16x1024xf32, #tpu.memory_space<vmem>>, vector<1x1024xf32>
      tpu.vector_store %arg5[%swap3A_2655, %swap3A_2656], %broadcast_in_dim3A_2639 {strides = array<i32>} : memref<16x1024xf32, #tpu.memory_space<vmem>>, vector<1x1024xf32>,
      %swap3A_2658 = arith.constant 7 : index
      %swap3A_2659 = arith.constant 0 : index
      %swap3A_2660 = vector.load %arg6[%swap3A_2658, %swap3A_2659] : memref<16x1024xf32, #tpu.memory_space<vmem>>, vector<1x1024xf32>
      tpu.vector_store %arg6[%swap3A_2658, %swap3A_2659], %broadcast_in_dim3A_2654 {strides = array<i32>} : memref<16x1024xf32, #tpu.memory_space<vmem>>, vector<1x1024xf32>,
      %add3A_2661 = arith.constant 5.120000e+02 : f32
      %add3A_2662 = vector.broadcast %add3A_2661 : f32 to vector<64x1xf32>
      %add3A_2663 = arith.addf %convert_element_type3A_15, %add3A_2662 : vector<64x1xf32>
      %eq3A_2664 = vector.broadcast %get3A_2032 : vector<1x1024xf32> to vector<64x1024xf32>
      %eq3A_2665 = vector.broadcast %add3A_2663 : vector<64x1xf32> to vector<64x1024xf32>
      %eq3A_2666 = arith.cmpf oeq, %eq3A_2664, %eq3A_2665 : vector<64x1024xf32>
      %reduce_or3A_2667 = arith.constant 1.000000e+00 : f32
      %reduce_or3A_2668 = arith.constant 0.000000e+00 : f32
      %reduce_or3A_2669 = vector.broadcast %reduce_or3A_2667 : f32 to vector<64x1024xf32>
      %reduce_or3A_2670 = vector.broadcast %reduce_or3A_2668 : f32 to vector<64x1024xf32>
      %reduce_or3A_2671 = arith.select %eq3A_2666, %reduce_or3A_2669, %reduce_or3A_2670 : vector<64x1024xi1>, vector<64x1024xf32>
      %reduce_or3A_2672 = arith.constant dense<0xFF800000> : vector<64xf32>
      %reduce_or3A_2673 = vector.multi_reduction <maximumf>, %reduce_or3A_2671, %reduce_or3A_2672 [1] : vector<64x1024xf32> to vector<64xf32>
      %reduce_or3A_2674 = arith.constant 0.000000e+00 : f32
      %reduce_or3A_2675 = vector.broadcast %reduce_or3A_2674 : f32 to vector<64xf32>
      %reduce_or3A_2676 = arith.cmpf ogt, %reduce_or3A_2673, %reduce_or3A_2675 : vector<64xf32>
      %broadcast_in_dim3A_2677 = vector.shape_cast %reduce_or3A_2676 : vector<64xi1> to vector<64x1xi1>
      %not3A_2678 = arith.constant dense<true> : vector<64x1xi1>
      %not3A_2679 = arith.xori %broadcast_in_dim3A_2677, %not3A_2678 : vector<64x1xi1>
      %get3A_2680 = arith.constant 512 : index
      %get3A_2681 = arith.constant 0 : index
      %get3A_2682 = vector.load %arg4[%get3A_2680, %get3A_2681] : memref<1024x1024xf32, #tpu.memory_space<vmem>>, vector<64x1024xf32>
      %sub3A_2683 = vector.broadcast %get3A_2029 : vector<1x1024xf32> to vector<64x1024xf32>
      %sub3A_2684 = arith.subf %get3A_2682, %sub3A_2683 : vector<64x1024xf32>
      %reduce_max3A_2685 = arith.constant dense<0xFF800000> : vector<64xf32>
      %reduce_max3A_2686 = vector.multi_reduction <maximumf>, %sub3A_2684, %reduce_max3A_2685 [1] : vector<64x1024xf32> to vector<64xf32>
      %broadcast_in_dim3A_2687 = vector.shape_cast %reduce_max3A_2686 : vector<64xf32> to vector<64x1xf32>
      %eq3A_2688 = vector.broadcast %broadcast_in_dim3A_2687 : vector<64x1xf32> to vector<64x1024xf32>
      %eq3A_2689 = arith.cmpf oeq, %sub3A_2684, %eq3A_2688 : vector<64x1024xf32>
      %jit3A_2690 = arith.constant 1.024000e+03 : f32
      %broadcast_in_dim3A_2691 = vector.broadcast %jit3A_2690 : f32 to vector<64x1024xf32>
      %select_n3A_2692 = arith.select %eq3A_2689, %convert_element_type3A, %broadcast_in_dim3A_2691 : vector<64x1024xi1>, vector<64x1024xf32>
      %reduce_min3A_2693 = arith.constant dense<0x7F800000> : vector<64xf32>
      %reduce_min3A_2694 = vector.multi_reduction <minimumf>, %select_n3A_2692, %reduce_min3A_2693 [1] : vector<64x1024xf32> to vector<64xf32>
      %broadcast_in_dim3A_2695 = vector.shape_cast %reduce_min3A_2694 : vector<64xf32> to vector<64x1xf32>
      %eq3A_2696 = vector.broadcast %broadcast_in_dim3A_2695 : vector<64x1xf32> to vector<64x1024xf32>
      %eq3A_2697 = arith.cmpf oeq, %convert_element_type3A, %eq3A_2696 : vector<64x1024xf32>
      %jit3A_2698 = arith.constant -1.000000e+10 : f32
      %broadcast_in_dim3A_2699 = vector.broadcast %jit3A_2698 : f32 to vector<64x1024xf32>
      %select_n3A_2700 = arith.select %eq3A_2697, %broadcast_in_dim3A_2699, %sub3A_2684 : vector<64x1024xi1>, vector<64x1024xf32>
      %reduce_max3A_2701 = arith.constant dense<0xFF800000> : vector<64xf32>
      %reduce_max3A_2702 = vector.multi_reduction <maximumf>, %select_n3A_2700, %reduce_max3A_2701 [1] : vector<64x1024xf32> to vector<64xf32>
      %broadcast_in_dim3A_2703 = vector.shape_cast %reduce_max3A_2702 : vector<64xf32> to vector<64x1xf32>
      %sub3A_2704 = arith.subf %broadcast_in_dim3A_2687, %broadcast_in_dim3A_2703 : vector<64x1xf32>
      %add3A_2705 = arith.constant 5.000000e-03 : f32
      %add3A_2706 = vector.broadcast %add3A_2705 : f32 to vector<64x1xf32>
      %add3A_2707 = arith.addf %sub3A_2704, %add3A_2706 : vector<64x1xf32>
      %jit3A_2708 = arith.constant -1.000000e+10 : f32
      %broadcast_in_dim3A_2709 = vector.broadcast %jit3A_2708 : f32 to vector<64x1xf32>
      %select_n3A_2710 = arith.select %not3A_2679, %add3A_2707, %broadcast_in_dim3A_2709 : vector<64x1xi1>, vector<64x1xf32>
      %jit3A_2711 = arith.constant -1.000000e+10 : f32
      %broadcast_in_dim3A_2712 = vector.shape_cast %select_n3A_2710 : vector<64x1xf32> to vector<64x1xf32>
      %broadcast_in_dim3A_2713 = vector.broadcast %broadcast_in_dim3A_2712 : vector<64x1xf32> to vector<64x1024xf32>
      %broadcast_in_dim3A_2714 = vector.broadcast %jit3A_2711 : f32 to vector<64x1024xf32>
      %select_n3A_2715 = arith.select %eq3A_2697, %broadcast_in_dim3A_2713, %broadcast_in_dim3A_2714 : vector<64x1024xi1>, vector<64x1024xf32>
      %reduce_max3A_2716 = arith.constant dense<0xFF800000> : vector<1024xf32>
      %reduce_max3A_2717 = vector.multi_reduction <maximumf>, %select_n3A_2715, %reduce_max3A_2716 [0] : vector<64x1024xf32> to vector<1024xf32>
      %broadcast_in_dim3A_2718 = vector.shape_cast %reduce_max3A_2717 : vector<1024xf32> to vector<1x1024xf32>
      %eq3A_2719 = vector.broadcast %broadcast_in_dim3A_2718 : vector<1x1024xf32> to vector<64x1024xf32>
      %eq3A_2720 = arith.cmpf oeq, %select_n3A_2715, %eq3A_2719 : vector<64x1024xf32>
      %gt3A_2721 = arith.constant -5.000000e+09 : f32
      %gt3A_2722 = vector.broadcast %gt3A_2721 : f32 to vector<1x1024xf32>
      %gt3A_2723 = arith.cmpf ogt, %broadcast_in_dim3A_2718, %gt3A_2722 : vector<1x1024xf32>
      %and3A_2724 = vector.broadcast %gt3A_2723 : vector<1x1024xi1> to vector<64x1024xi1>
      %and3A_2725 = arith.andi %eq3A_2720, %and3A_2724 : vector<64x1024xi1>
      %jit3A_2726 = arith.constant 1.024000e+03 : f32
      %broadcast_in_dim3A_2727 = vector.shape_cast %add3A_2663 : vector<64x1xf32> to vector<64x1xf32>
      %broadcast_in_dim3A_2728 = vector.broadcast %broadcast_in_dim3A_2727 : vector<64x1xf32> to vector<64x1024xf32>
      %broadcast_in_dim3A_2729 = vector.broadcast %jit3A_2726 : f32 to vector<64x1024xf32>
      %select_n3A_2730 = arith.select %and3A_2725, %broadcast_in_dim3A_2728, %broadcast_in_dim3A_2729 : vector<64x1024xi1>, vector<64x1024xf32>
      %reduce_min3A_2731 = arith.constant dense<0x7F800000> : vector<1024xf32>
      %reduce_min3A_2732 = vector.multi_reduction <minimumf>, %select_n3A_2730, %reduce_min3A_2731 [0] : vector<64x1024xf32> to vector<1024xf32>
      %broadcast_in_dim3A_2733 = vector.shape_cast %reduce_min3A_2732 : vector<1024xf32> to vector<1x1024xf32>
      %swap3A_2734 = arith.constant 8 : index
      %swap3A_2735 = arith.constant 0 : index
      %swap3A_2736 = vector.load %arg5[%swap3A_2734, %swap3A_2735] : memref<16x1024xf32, #tpu.memory_space<vmem>>, vector<1x1024xf32>
      tpu.vector_store %arg5[%swap3A_2734, %swap3A_2735], %broadcast_in_dim3A_2718 {strides = array<i32>} : memref<16x1024xf32, #tpu.memory_space<vmem>>, vector<1x1024xf32>,
      %swap3A_2737 = arith.constant 8 : index
      %swap3A_2738 = arith.constant 0 : index
      %swap3A_2739 = vector.load %arg6[%swap3A_2737, %swap3A_2738] : memref<16x1024xf32, #tpu.memory_space<vmem>>, vector<1x1024xf32>
      tpu.vector_store %arg6[%swap3A_2737, %swap3A_2738], %broadcast_in_dim3A_2733 {strides = array<i32>} : memref<16x1024xf32, #tpu.memory_space<vmem>>, vector<1x1024xf32>,
      %add3A_2740 = arith.constant 5.760000e+02 : f32
      %add3A_2741 = vector.broadcast %add3A_2740 : f32 to vector<64x1xf32>
      %add3A_2742 = arith.addf %convert_element_type3A_15, %add3A_2741 : vector<64x1xf32>
      %eq3A_2743 = vector.broadcast %get3A_2032 : vector<1x1024xf32> to vector<64x1024xf32>
      %eq3A_2744 = vector.broadcast %add3A_2742 : vector<64x1xf32> to vector<64x1024xf32>
      %eq3A_2745 = arith.cmpf oeq, %eq3A_2743, %eq3A_2744 : vector<64x1024xf32>
      %reduce_or3A_2746 = arith.constant 1.000000e+00 : f32
      %reduce_or3A_2747 = arith.constant 0.000000e+00 : f32
      %reduce_or3A_2748 = vector.broadcast %reduce_or3A_2746 : f32 to vector<64x1024xf32>
      %reduce_or3A_2749 = vector.broadcast %reduce_or3A_2747 : f32 to vector<64x1024xf32>
      %reduce_or3A_2750 = arith.select %eq3A_2745, %reduce_or3A_2748, %reduce_or3A_2749 : vector<64x1024xi1>, vector<64x1024xf32>
      %reduce_or3A_2751 = arith.constant dense<0xFF800000> : vector<64xf32>
      %reduce_or3A_2752 = vector.multi_reduction <maximumf>, %reduce_or3A_2750, %reduce_or3A_2751 [1] : vector<64x1024xf32> to vector<64xf32>
      %reduce_or3A_2753 = arith.constant 0.000000e+00 : f32
      %reduce_or3A_2754 = vector.broadcast %reduce_or3A_2753 : f32 to vector<64xf32>
      %reduce_or3A_2755 = arith.cmpf ogt, %reduce_or3A_2752, %reduce_or3A_2754 : vector<64xf32>
      %broadcast_in_dim3A_2756 = vector.shape_cast %reduce_or3A_2755 : vector<64xi1> to vector<64x1xi1>
      %not3A_2757 = arith.constant dense<true> : vector<64x1xi1>
      %not3A_2758 = arith.xori %broadcast_in_dim3A_2756, %not3A_2757 : vector<64x1xi1>
      %get3A_2759 = arith.constant 576 : index
      %get3A_2760 = arith.constant 0 : index
      %get3A_2761 = vector.load %arg4[%get3A_2759, %get3A_2760] : memref<1024x1024xf32, #tpu.memory_space<vmem>>, vector<64x1024xf32>
      %sub3A_2762 = vector.broadcast %get3A_2029 : vector<1x1024xf32> to vector<64x1024xf32>
      %sub3A_2763 = arith.subf %get3A_2761, %sub3A_2762 : vector<64x1024xf32>
      %reduce_max3A_2764 = arith.constant dense<0xFF800000> : vector<64xf32>
      %reduce_max3A_2765 = vector.multi_reduction <maximumf>, %sub3A_2763, %reduce_max3A_2764 [1] : vector<64x1024xf32> to vector<64xf32>
      %broadcast_in_dim3A_2766 = vector.shape_cast %reduce_max3A_2765 : vector<64xf32> to vector<64x1xf32>
      %eq3A_2767 = vector.broadcast %broadcast_in_dim3A_2766 : vector<64x1xf32> to vector<64x1024xf32>
      %eq3A_2768 = arith.cmpf oeq, %sub3A_2763, %eq3A_2767 : vector<64x1024xf32>
      %jit3A_2769 = arith.constant 1.024000e+03 : f32
      %broadcast_in_dim3A_2770 = vector.broadcast %jit3A_2769 : f32 to vector<64x1024xf32>
      %select_n3A_2771 = arith.select %eq3A_2768, %convert_element_type3A, %broadcast_in_dim3A_2770 : vector<64x1024xi1>, vector<64x1024xf32>
      %reduce_min3A_2772 = arith.constant dense<0x7F800000> : vector<64xf32>
      %reduce_min3A_2773 = vector.multi_reduction <minimumf>, %select_n3A_2771, %reduce_min3A_2772 [1] : vector<64x1024xf32> to vector<64xf32>
      %broadcast_in_dim3A_2774 = vector.shape_cast %reduce_min3A_2773 : vector<64xf32> to vector<64x1xf32>
      %eq3A_2775 = vector.broadcast %broadcast_in_dim3A_2774 : vector<64x1xf32> to vector<64x1024xf32>
      %eq3A_2776 = arith.cmpf oeq, %convert_element_type3A, %eq3A_2775 : vector<64x1024xf32>
      %jit3A_2777 = arith.constant -1.000000e+10 : f32
      %broadcast_in_dim3A_2778 = vector.broadcast %jit3A_2777 : f32 to vector<64x1024xf32>
      %select_n3A_2779 = arith.select %eq3A_2776, %broadcast_in_dim3A_2778, %sub3A_2763 : vector<64x1024xi1>, vector<64x1024xf32>
      %reduce_max3A_2780 = arith.constant dense<0xFF800000> : vector<64xf32>
      %reduce_max3A_2781 = vector.multi_reduction <maximumf>, %select_n3A_2779, %reduce_max3A_2780 [1] : vector<64x1024xf32> to vector<64xf32>
      %broadcast_in_dim3A_2782 = vector.shape_cast %reduce_max3A_2781 : vector<64xf32> to vector<64x1xf32>
      %sub3A_2783 = arith.subf %broadcast_in_dim3A_2766, %broadcast_in_dim3A_2782 : vector<64x1xf32>
      %add3A_2784 = arith.constant 5.000000e-03 : f32
      %add3A_2785 = vector.broadcast %add3A_2784 : f32 to vector<64x1xf32>
      %add3A_2786 = arith.addf %sub3A_2783, %add3A_2785 : vector<64x1xf32>
      %jit3A_2787 = arith.constant -1.000000e+10 : f32
      %broadcast_in_dim3A_2788 = vector.broadcast %jit3A_2787 : f32 to vector<64x1xf32>
      %select_n3A_2789 = arith.select %not3A_2758, %add3A_2786, %broadcast_in_dim3A_2788 : vector<64x1xi1>, vector<64x1xf32>
      %jit3A_2790 = arith.constant -1.000000e+10 : f32
      %broadcast_in_dim3A_2791 = vector.shape_cast %select_n3A_2789 : vector<64x1xf32> to vector<64x1xf32>
      %broadcast_in_dim3A_2792 = vector.broadcast %broadcast_in_dim3A_2791 : vector<64x1xf32> to vector<64x1024xf32>
      %broadcast_in_dim3A_2793 = vector.broadcast %jit3A_2790 : f32 to vector<64x1024xf32>
      %select_n3A_2794 = arith.select %eq3A_2776, %broadcast_in_dim3A_2792, %broadcast_in_dim3A_2793 : vector<64x1024xi1>, vector<64x1024xf32>
      %reduce_max3A_2795 = arith.constant dense<0xFF800000> : vector<1024xf32>
      %reduce_max3A_2796 = vector.multi_reduction <maximumf>, %select_n3A_2794, %reduce_max3A_2795 [0] : vector<64x1024xf32> to vector<1024xf32>
      %broadcast_in_dim3A_2797 = vector.shape_cast %reduce_max3A_2796 : vector<1024xf32> to vector<1x1024xf32>
      %eq3A_2798 = vector.broadcast %broadcast_in_dim3A_2797 : vector<1x1024xf32> to vector<64x1024xf32>
      %eq3A_2799 = arith.cmpf oeq, %select_n3A_2794, %eq3A_2798 : vector<64x1024xf32>
      %gt3A_2800 = arith.constant -5.000000e+09 : f32
      %gt3A_2801 = vector.broadcast %gt3A_2800 : f32 to vector<1x1024xf32>
      %gt3A_2802 = arith.cmpf ogt, %broadcast_in_dim3A_2797, %gt3A_2801 : vector<1x1024xf32>
      %and3A_2803 = vector.broadcast %gt3A_2802 : vector<1x1024xi1> to vector<64x1024xi1>
      %and3A_2804 = arith.andi %eq3A_2799, %and3A_2803 : vector<64x1024xi1>
      %jit3A_2805 = arith.constant 1.024000e+03 : f32
      %broadcast_in_dim3A_2806 = vector.shape_cast %add3A_2742 : vector<64x1xf32> to vector<64x1xf32>
      %broadcast_in_dim3A_2807 = vector.broadcast %broadcast_in_dim3A_2806 : vector<64x1xf32> to vector<64x1024xf32>
      %broadcast_in_dim3A_2808 = vector.broadcast %jit3A_2805 : f32 to vector<64x1024xf32>
      %select_n3A_2809 = arith.select %and3A_2804, %broadcast_in_dim3A_2807, %broadcast_in_dim3A_2808 : vector<64x1024xi1>, vector<64x1024xf32>
      %reduce_min3A_2810 = arith.constant dense<0x7F800000> : vector<1024xf32>
      %reduce_min3A_2811 = vector.multi_reduction <minimumf>, %select_n3A_2809, %reduce_min3A_2810 [0] : vector<64x1024xf32> to vector<1024xf32>
      %broadcast_in_dim3A_2812 = vector.shape_cast %reduce_min3A_2811 : vector<1024xf32> to vector<1x1024xf32>
      %swap3A_2813 = arith.constant 9 : index
      %swap3A_2814 = arith.constant 0 : index
      %swap3A_2815 = vector.load %arg5[%swap3A_2813, %swap3A_2814] : memref<16x1024xf32, #tpu.memory_space<vmem>>, vector<1x1024xf32>
      tpu.vector_store %arg5[%swap3A_2813, %swap3A_2814], %broadcast_in_dim3A_2797 {strides = array<i32>} : memref<16x1024xf32, #tpu.memory_space<vmem>>, vector<1x1024xf32>,
      %swap3A_2816 = arith.constant 9 : index
      %swap3A_2817 = arith.constant 0 : index
      %swap3A_2818 = vector.load %arg6[%swap3A_2816, %swap3A_2817] : memref<16x1024xf32, #tpu.memory_space<vmem>>, vector<1x1024xf32>
      tpu.vector_store %arg6[%swap3A_2816, %swap3A_2817], %broadcast_in_dim3A_2812 {strides = array<i32>} : memref<16x1024xf32, #tpu.memory_space<vmem>>, vector<1x1024xf32>,
      %add3A_2819 = arith.constant 6.400000e+02 : f32
      %add3A_2820 = vector.broadcast %add3A_2819 : f32 to vector<64x1xf32>
      %add3A_2821 = arith.addf %convert_element_type3A_15, %add3A_2820 : vector<64x1xf32>
      %eq3A_2822 = vector.broadcast %get3A_2032 : vector<1x1024xf32> to vector<64x1024xf32>
      %eq3A_2823 = vector.broadcast %add3A_2821 : vector<64x1xf32> to vector<64x1024xf32>
      %eq3A_2824 = arith.cmpf oeq, %eq3A_2822, %eq3A_2823 : vector<64x1024xf32>
      %reduce_or3A_2825 = arith.constant 1.000000e+00 : f32
      %reduce_or3A_2826 = arith.constant 0.000000e+00 : f32
      %reduce_or3A_2827 = vector.broadcast %reduce_or3A_2825 : f32 to vector<64x1024xf32>
      %reduce_or3A_2828 = vector.broadcast %reduce_or3A_2826 : f32 to vector<64x1024xf32>
      %reduce_or3A_2829 = arith.select %eq3A_2824, %reduce_or3A_2827, %reduce_or3A_2828 : vector<64x1024xi1>, vector<64x1024xf32>
      %reduce_or3A_2830 = arith.constant dense<0xFF800000> : vector<64xf32>
      %reduce_or3A_2831 = vector.multi_reduction <maximumf>, %reduce_or3A_2829, %reduce_or3A_2830 [1] : vector<64x1024xf32> to vector<64xf32>
      %reduce_or3A_2832 = arith.constant 0.000000e+00 : f32
      %reduce_or3A_2833 = vector.broadcast %reduce_or3A_2832 : f32 to vector<64xf32>
      %reduce_or3A_2834 = arith.cmpf ogt, %reduce_or3A_2831, %reduce_or3A_2833 : vector<64xf32>
      %broadcast_in_dim3A_2835 = vector.shape_cast %reduce_or3A_2834 : vector<64xi1> to vector<64x1xi1>
      %not3A_2836 = arith.constant dense<true> : vector<64x1xi1>
      %not3A_2837 = arith.xori %broadcast_in_dim3A_2835, %not3A_2836 : vector<64x1xi1>
      %get3A_2838 = arith.constant 640 : index
      %get3A_2839 = arith.constant 0 : index
      %get3A_2840 = vector.load %arg4[%get3A_2838, %get3A_2839] : memref<1024x1024xf32, #tpu.memory_space<vmem>>, vector<64x1024xf32>
      %sub3A_2841 = vector.broadcast %get3A_2029 : vector<1x1024xf32> to vector<64x1024xf32>
      %sub3A_2842 = arith.subf %get3A_2840, %sub3A_2841 : vector<64x1024xf32>
      %reduce_max3A_2843 = arith.constant dense<0xFF800000> : vector<64xf32>
      %reduce_max3A_2844 = vector.multi_reduction <maximumf>, %sub3A_2842, %reduce_max3A_2843 [1] : vector<64x1024xf32> to vector<64xf32>
      %broadcast_in_dim3A_2845 = vector.shape_cast %reduce_max3A_2844 : vector<64xf32> to vector<64x1xf32>
      %eq3A_2846 = vector.broadcast %broadcast_in_dim3A_2845 : vector<64x1xf32> to vector<64x1024xf32>
      %eq3A_2847 = arith.cmpf oeq, %sub3A_2842, %eq3A_2846 : vector<64x1024xf32>
      %jit3A_2848 = arith.constant 1.024000e+03 : f32
      %broadcast_in_dim3A_2849 = vector.broadcast %jit3A_2848 : f32 to vector<64x1024xf32>
      %select_n3A_2850 = arith.select %eq3A_2847, %convert_element_type3A, %broadcast_in_dim3A_2849 : vector<64x1024xi1>, vector<64x1024xf32>
      %reduce_min3A_2851 = arith.constant dense<0x7F800000> : vector<64xf32>
      %reduce_min3A_2852 = vector.multi_reduction <minimumf>, %select_n3A_2850, %reduce_min3A_2851 [1] : vector<64x1024xf32> to vector<64xf32>
      %broadcast_in_dim3A_2853 = vector.shape_cast %reduce_min3A_2852 : vector<64xf32> to vector<64x1xf32>
      %eq3A_2854 = vector.broadcast %broadcast_in_dim3A_2853 : vector<64x1xf32> to vector<64x1024xf32>
      %eq3A_2855 = arith.cmpf oeq, %convert_element_type3A, %eq3A_2854 : vector<64x1024xf32>
      %jit3A_2856 = arith.constant -1.000000e+10 : f32
      %broadcast_in_dim3A_2857 = vector.broadcast %jit3A_2856 : f32 to vector<64x1024xf32>
      %select_n3A_2858 = arith.select %eq3A_2855, %broadcast_in_dim3A_2857, %sub3A_2842 : vector<64x1024xi1>, vector<64x1024xf32>
      %reduce_max3A_2859 = arith.constant dense<0xFF800000> : vector<64xf32>
      %reduce_max3A_2860 = vector.multi_reduction <maximumf>, %select_n3A_2858, %reduce_max3A_2859 [1] : vector<64x1024xf32> to vector<64xf32>
      %broadcast_in_dim3A_2861 = vector.shape_cast %reduce_max3A_2860 : vector<64xf32> to vector<64x1xf32>
      %sub3A_2862 = arith.subf %broadcast_in_dim3A_2845, %broadcast_in_dim3A_2861 : vector<64x1xf32>
      %add3A_2863 = arith.constant 5.000000e-03 : f32
      %add3A_2864 = vector.broadcast %add3A_2863 : f32 to vector<64x1xf32>
      %add3A_2865 = arith.addf %sub3A_2862, %add3A_2864 : vector<64x1xf32>
      %jit3A_2866 = arith.constant -1.000000e+10 : f32
      %broadcast_in_dim3A_2867 = vector.broadcast %jit3A_2866 : f32 to vector<64x1xf32>
      %select_n3A_2868 = arith.select %not3A_2837, %add3A_2865, %broadcast_in_dim3A_2867 : vector<64x1xi1>, vector<64x1xf32>
      %jit3A_2869 = arith.constant -1.000000e+10 : f32
      %broadcast_in_dim3A_2870 = vector.shape_cast %select_n3A_2868 : vector<64x1xf32> to vector<64x1xf32>
      %broadcast_in_dim3A_2871 = vector.broadcast %broadcast_in_dim3A_2870 : vector<64x1xf32> to vector<64x1024xf32>
      %broadcast_in_dim3A_2872 = vector.broadcast %jit3A_2869 : f32 to vector<64x1024xf32>
      %select_n3A_2873 = arith.select %eq3A_2855, %broadcast_in_dim3A_2871, %broadcast_in_dim3A_2872 : vector<64x1024xi1>, vector<64x1024xf32>
      %reduce_max3A_2874 = arith.constant dense<0xFF800000> : vector<1024xf32>
      %reduce_max3A_2875 = vector.multi_reduction <maximumf>, %select_n3A_2873, %reduce_max3A_2874 [0] : vector<64x1024xf32> to vector<1024xf32>
      %broadcast_in_dim3A_2876 = vector.shape_cast %reduce_max3A_2875 : vector<1024xf32> to vector<1x1024xf32>
      %eq3A_2877 = vector.broadcast %broadcast_in_dim3A_2876 : vector<1x1024xf32> to vector<64x1024xf32>
      %eq3A_2878 = arith.cmpf oeq, %select_n3A_2873, %eq3A_2877 : vector<64x1024xf32>
      %gt3A_2879 = arith.constant -5.000000e+09 : f32
      %gt3A_2880 = vector.broadcast %gt3A_2879 : f32 to vector<1x1024xf32>
      %gt3A_2881 = arith.cmpf ogt, %broadcast_in_dim3A_2876, %gt3A_2880 : vector<1x1024xf32>
      %and3A_2882 = vector.broadcast %gt3A_2881 : vector<1x1024xi1> to vector<64x1024xi1>
      %and3A_2883 = arith.andi %eq3A_2878, %and3A_2882 : vector<64x1024xi1>
      %jit3A_2884 = arith.constant 1.024000e+03 : f32
      %broadcast_in_dim3A_2885 = vector.shape_cast %add3A_2821 : vector<64x1xf32> to vector<64x1xf32>
      %broadcast_in_dim3A_2886 = vector.broadcast %broadcast_in_dim3A_2885 : vector<64x1xf32> to vector<64x1024xf32>
      %broadcast_in_dim3A_2887 = vector.broadcast %jit3A_2884 : f32 to vector<64x1024xf32>
      %select_n3A_2888 = arith.select %and3A_2883, %broadcast_in_dim3A_2886, %broadcast_in_dim3A_2887 : vector<64x1024xi1>, vector<64x1024xf32>
      %reduce_min3A_2889 = arith.constant dense<0x7F800000> : vector<1024xf32>
      %reduce_min3A_2890 = vector.multi_reduction <minimumf>, %select_n3A_2888, %reduce_min3A_2889 [0] : vector<64x1024xf32> to vector<1024xf32>
      %broadcast_in_dim3A_2891 = vector.shape_cast %reduce_min3A_2890 : vector<1024xf32> to vector<1x1024xf32>
      %swap3A_2892 = arith.constant 10 : index
      %swap3A_2893 = arith.constant 0 : index
      %swap3A_2894 = vector.load %arg5[%swap3A_2892, %swap3A_2893] : memref<16x1024xf32, #tpu.memory_space<vmem>>, vector<1x1024xf32>
      tpu.vector_store %arg5[%swap3A_2892, %swap3A_2893], %broadcast_in_dim3A_2876 {strides = array<i32>} : memref<16x1024xf32, #tpu.memory_space<vmem>>, vector<1x1024xf32>,
      %swap3A_2895 = arith.constant 10 : index
      %swap3A_2896 = arith.constant 0 : index
      %swap3A_2897 = vector.load %arg6[%swap3A_2895, %swap3A_2896] : memref<16x1024xf32, #tpu.memory_space<vmem>>, vector<1x1024xf32>
      tpu.vector_store %arg6[%swap3A_2895, %swap3A_2896], %broadcast_in_dim3A_2891 {strides = array<i32>} : memref<16x1024xf32, #tpu.memory_space<vmem>>, vector<1x1024xf32>,
      %add3A_2898 = arith.constant 7.040000e+02 : f32
      %add3A_2899 = vector.broadcast %add3A_2898 : f32 to vector<64x1xf32>
      %add3A_2900 = arith.addf %convert_element_type3A_15, %add3A_2899 : vector<64x1xf32>
      %eq3A_2901 = vector.broadcast %get3A_2032 : vector<1x1024xf32> to vector<64x1024xf32>
      %eq3A_2902 = vector.broadcast %add3A_2900 : vector<64x1xf32> to vector<64x1024xf32>
      %eq3A_2903 = arith.cmpf oeq, %eq3A_2901, %eq3A_2902 : vector<64x1024xf32>
      %reduce_or3A_2904 = arith.constant 1.000000e+00 : f32
      %reduce_or3A_2905 = arith.constant 0.000000e+00 : f32
      %reduce_or3A_2906 = vector.broadcast %reduce_or3A_2904 : f32 to vector<64x1024xf32>
      %reduce_or3A_2907 = vector.broadcast %reduce_or3A_2905 : f32 to vector<64x1024xf32>
      %reduce_or3A_2908 = arith.select %eq3A_2903, %reduce_or3A_2906, %reduce_or3A_2907 : vector<64x1024xi1>, vector<64x1024xf32>
      %reduce_or3A_2909 = arith.constant dense<0xFF800000> : vector<64xf32>
      %reduce_or3A_2910 = vector.multi_reduction <maximumf>, %reduce_or3A_2908, %reduce_or3A_2909 [1] : vector<64x1024xf32> to vector<64xf32>
      %reduce_or3A_2911 = arith.constant 0.000000e+00 : f32
      %reduce_or3A_2912 = vector.broadcast %reduce_or3A_2911 : f32 to vector<64xf32>
      %reduce_or3A_2913 = arith.cmpf ogt, %reduce_or3A_2910, %reduce_or3A_2912 : vector<64xf32>
      %broadcast_in_dim3A_2914 = vector.shape_cast %reduce_or3A_2913 : vector<64xi1> to vector<64x1xi1>
      %not3A_2915 = arith.constant dense<true> : vector<64x1xi1>
      %not3A_2916 = arith.xori %broadcast_in_dim3A_2914, %not3A_2915 : vector<64x1xi1>
      %get3A_2917 = arith.constant 704 : index
      %get3A_2918 = arith.constant 0 : index
      %get3A_2919 = vector.load %arg4[%get3A_2917, %get3A_2918] : memref<1024x1024xf32, #tpu.memory_space<vmem>>, vector<64x1024xf32>
      %sub3A_2920 = vector.broadcast %get3A_2029 : vector<1x1024xf32> to vector<64x1024xf32>
      %sub3A_2921 = arith.subf %get3A_2919, %sub3A_2920 : vector<64x1024xf32>
      %reduce_max3A_2922 = arith.constant dense<0xFF800000> : vector<64xf32>
      %reduce_max3A_2923 = vector.multi_reduction <maximumf>, %sub3A_2921, %reduce_max3A_2922 [1] : vector<64x1024xf32> to vector<64xf32>
      %broadcast_in_dim3A_2924 = vector.shape_cast %reduce_max3A_2923 : vector<64xf32> to vector<64x1xf32>
      %eq3A_2925 = vector.broadcast %broadcast_in_dim3A_2924 : vector<64x1xf32> to vector<64x1024xf32>
      %eq3A_2926 = arith.cmpf oeq, %sub3A_2921, %eq3A_2925 : vector<64x1024xf32>
      %jit3A_2927 = arith.constant 1.024000e+03 : f32
      %broadcast_in_dim3A_2928 = vector.broadcast %jit3A_2927 : f32 to vector<64x1024xf32>
      %select_n3A_2929 = arith.select %eq3A_2926, %convert_element_type3A, %broadcast_in_dim3A_2928 : vector<64x1024xi1>, vector<64x1024xf32>
      %reduce_min3A_2930 = arith.constant dense<0x7F800000> : vector<64xf32>
      %reduce_min3A_2931 = vector.multi_reduction <minimumf>, %select_n3A_2929, %reduce_min3A_2930 [1] : vector<64x1024xf32> to vector<64xf32>
      %broadcast_in_dim3A_2932 = vector.shape_cast %reduce_min3A_2931 : vector<64xf32> to vector<64x1xf32>
      %eq3A_2933 = vector.broadcast %broadcast_in_dim3A_2932 : vector<64x1xf32> to vector<64x1024xf32>
      %eq3A_2934 = arith.cmpf oeq, %convert_element_type3A, %eq3A_2933 : vector<64x1024xf32>
      %jit3A_2935 = arith.constant -1.000000e+10 : f32
      %broadcast_in_dim3A_2936 = vector.broadcast %jit3A_2935 : f32 to vector<64x1024xf32>
      %select_n3A_2937 = arith.select %eq3A_2934, %broadcast_in_dim3A_2936, %sub3A_2921 : vector<64x1024xi1>, vector<64x1024xf32>
      %reduce_max3A_2938 = arith.constant dense<0xFF800000> : vector<64xf32>
      %reduce_max3A_2939 = vector.multi_reduction <maximumf>, %select_n3A_2937, %reduce_max3A_2938 [1] : vector<64x1024xf32> to vector<64xf32>
      %broadcast_in_dim3A_2940 = vector.shape_cast %reduce_max3A_2939 : vector<64xf32> to vector<64x1xf32>
      %sub3A_2941 = arith.subf %broadcast_in_dim3A_2924, %broadcast_in_dim3A_2940 : vector<64x1xf32>
      %add3A_2942 = arith.constant 5.000000e-03 : f32
      %add3A_2943 = vector.broadcast %add3A_2942 : f32 to vector<64x1xf32>
      %add3A_2944 = arith.addf %sub3A_2941, %add3A_2943 : vector<64x1xf32>
      %jit3A_2945 = arith.constant -1.000000e+10 : f32
      %broadcast_in_dim3A_2946 = vector.broadcast %jit3A_2945 : f32 to vector<64x1xf32>
      %select_n3A_2947 = arith.select %not3A_2916, %add3A_2944, %broadcast_in_dim3A_2946 : vector<64x1xi1>, vector<64x1xf32>
      %jit3A_2948 = arith.constant -1.000000e+10 : f32
      %broadcast_in_dim3A_2949 = vector.shape_cast %select_n3A_2947 : vector<64x1xf32> to vector<64x1xf32>
      %broadcast_in_dim3A_2950 = vector.broadcast %broadcast_in_dim3A_2949 : vector<64x1xf32> to vector<64x1024xf32>
      %broadcast_in_dim3A_2951 = vector.broadcast %jit3A_2948 : f32 to vector<64x1024xf32>
      %select_n3A_2952 = arith.select %eq3A_2934, %broadcast_in_dim3A_2950, %broadcast_in_dim3A_2951 : vector<64x1024xi1>, vector<64x1024xf32>
      %reduce_max3A_2953 = arith.constant dense<0xFF800000> : vector<1024xf32>
      %reduce_max3A_2954 = vector.multi_reduction <maximumf>, %select_n3A_2952, %reduce_max3A_2953 [0] : vector<64x1024xf32> to vector<1024xf32>
      %broadcast_in_dim3A_2955 = vector.shape_cast %reduce_max3A_2954 : vector<1024xf32> to vector<1x1024xf32>
      %eq3A_2956 = vector.broadcast %broadcast_in_dim3A_2955 : vector<1x1024xf32> to vector<64x1024xf32>
      %eq3A_2957 = arith.cmpf oeq, %select_n3A_2952, %eq3A_2956 : vector<64x1024xf32>
      %gt3A_2958 = arith.constant -5.000000e+09 : f32
      %gt3A_2959 = vector.broadcast %gt3A_2958 : f32 to vector<1x1024xf32>
      %gt3A_2960 = arith.cmpf ogt, %broadcast_in_dim3A_2955, %gt3A_2959 : vector<1x1024xf32>
      %and3A_2961 = vector.broadcast %gt3A_2960 : vector<1x1024xi1> to vector<64x1024xi1>
      %and3A_2962 = arith.andi %eq3A_2957, %and3A_2961 : vector<64x1024xi1>
      %jit3A_2963 = arith.constant 1.024000e+03 : f32
      %broadcast_in_dim3A_2964 = vector.shape_cast %add3A_2900 : vector<64x1xf32> to vector<64x1xf32>
      %broadcast_in_dim3A_2965 = vector.broadcast %broadcast_in_dim3A_2964 : vector<64x1xf32> to vector<64x1024xf32>
      %broadcast_in_dim3A_2966 = vector.broadcast %jit3A_2963 : f32 to vector<64x1024xf32>
      %select_n3A_2967 = arith.select %and3A_2962, %broadcast_in_dim3A_2965, %broadcast_in_dim3A_2966 : vector<64x1024xi1>, vector<64x1024xf32>
      %reduce_min3A_2968 = arith.constant dense<0x7F800000> : vector<1024xf32>
      %reduce_min3A_2969 = vector.multi_reduction <minimumf>, %select_n3A_2967, %reduce_min3A_2968 [0] : vector<64x1024xf32> to vector<1024xf32>
      %broadcast_in_dim3A_2970 = vector.shape_cast %reduce_min3A_2969 : vector<1024xf32> to vector<1x1024xf32>
      %swap3A_2971 = arith.constant 11 : index
      %swap3A_2972 = arith.constant 0 : index
      %swap3A_2973 = vector.load %arg5[%swap3A_2971, %swap3A_2972] : memref<16x1024xf32, #tpu.memory_space<vmem>>, vector<1x1024xf32>
      tpu.vector_store %arg5[%swap3A_2971, %swap3A_2972], %broadcast_in_dim3A_2955 {strides = array<i32>} : memref<16x1024xf32, #tpu.memory_space<vmem>>, vector<1x1024xf32>,
      %swap3A_2974 = arith.constant 11 : index
      %swap3A_2975 = arith.constant 0 : index
      %swap3A_2976 = vector.load %arg6[%swap3A_2974, %swap3A_2975] : memref<16x1024xf32, #tpu.memory_space<vmem>>, vector<1x1024xf32>
      tpu.vector_store %arg6[%swap3A_2974, %swap3A_2975], %broadcast_in_dim3A_2970 {strides = array<i32>} : memref<16x1024xf32, #tpu.memory_space<vmem>>, vector<1x1024xf32>,
      %add3A_2977 = arith.constant 7.680000e+02 : f32
      %add3A_2978 = vector.broadcast %add3A_2977 : f32 to vector<64x1xf32>
      %add3A_2979 = arith.addf %convert_element_type3A_15, %add3A_2978 : vector<64x1xf32>
      %eq3A_2980 = vector.broadcast %get3A_2032 : vector<1x1024xf32> to vector<64x1024xf32>
      %eq3A_2981 = vector.broadcast %add3A_2979 : vector<64x1xf32> to vector<64x1024xf32>
      %eq3A_2982 = arith.cmpf oeq, %eq3A_2980, %eq3A_2981 : vector<64x1024xf32>
      %reduce_or3A_2983 = arith.constant 1.000000e+00 : f32
      %reduce_or3A_2984 = arith.constant 0.000000e+00 : f32
      %reduce_or3A_2985 = vector.broadcast %reduce_or3A_2983 : f32 to vector<64x1024xf32>
      %reduce_or3A_2986 = vector.broadcast %reduce_or3A_2984 : f32 to vector<64x1024xf32>
      %reduce_or3A_2987 = arith.select %eq3A_2982, %reduce_or3A_2985, %reduce_or3A_2986 : vector<64x1024xi1>, vector<64x1024xf32>
      %reduce_or3A_2988 = arith.constant dense<0xFF800000> : vector<64xf32>
      %reduce_or3A_2989 = vector.multi_reduction <maximumf>, %reduce_or3A_2987, %reduce_or3A_2988 [1] : vector<64x1024xf32> to vector<64xf32>
      %reduce_or3A_2990 = arith.constant 0.000000e+00 : f32
      %reduce_or3A_2991 = vector.broadcast %reduce_or3A_2990 : f32 to vector<64xf32>
      %reduce_or3A_2992 = arith.cmpf ogt, %reduce_or3A_2989, %reduce_or3A_2991 : vector<64xf32>
      %broadcast_in_dim3A_2993 = vector.shape_cast %reduce_or3A_2992 : vector<64xi1> to vector<64x1xi1>
      %not3A_2994 = arith.constant dense<true> : vector<64x1xi1>
      %not3A_2995 = arith.xori %broadcast_in_dim3A_2993, %not3A_2994 : vector<64x1xi1>
      %get3A_2996 = arith.constant 768 : index
      %get3A_2997 = arith.constant 0 : index
      %get3A_2998 = vector.load %arg4[%get3A_2996, %get3A_2997] : memref<1024x1024xf32, #tpu.memory_space<vmem>>, vector<64x1024xf32>
      %sub3A_2999 = vector.broadcast %get3A_2029 : vector<1x1024xf32> to vector<64x1024xf32>
      %sub3A_3000 = arith.subf %get3A_2998, %sub3A_2999 : vector<64x1024xf32>
      %reduce_max3A_3001 = arith.constant dense<0xFF800000> : vector<64xf32>
      %reduce_max3A_3002 = vector.multi_reduction <maximumf>, %sub3A_3000, %reduce_max3A_3001 [1] : vector<64x1024xf32> to vector<64xf32>
      %broadcast_in_dim3A_3003 = vector.shape_cast %reduce_max3A_3002 : vector<64xf32> to vector<64x1xf32>
      %eq3A_3004 = vector.broadcast %broadcast_in_dim3A_3003 : vector<64x1xf32> to vector<64x1024xf32>
      %eq3A_3005 = arith.cmpf oeq, %sub3A_3000, %eq3A_3004 : vector<64x1024xf32>
      %jit3A_3006 = arith.constant 1.024000e+03 : f32
      %broadcast_in_dim3A_3007 = vector.broadcast %jit3A_3006 : f32 to vector<64x1024xf32>
      %select_n3A_3008 = arith.select %eq3A_3005, %convert_element_type3A, %broadcast_in_dim3A_3007 : vector<64x1024xi1>, vector<64x1024xf32>
      %reduce_min3A_3009 = arith.constant dense<0x7F800000> : vector<64xf32>
      %reduce_min3A_3010 = vector.multi_reduction <minimumf>, %select_n3A_3008, %reduce_min3A_3009 [1] : vector<64x1024xf32> to vector<64xf32>
      %broadcast_in_dim3A_3011 = vector.shape_cast %reduce_min3A_3010 : vector<64xf32> to vector<64x1xf32>
      %eq3A_3012 = vector.broadcast %broadcast_in_dim3A_3011 : vector<64x1xf32> to vector<64x1024xf32>
      %eq3A_3013 = arith.cmpf oeq, %convert_element_type3A, %eq3A_3012 : vector<64x1024xf32>
      %jit3A_3014 = arith.constant -1.000000e+10 : f32
      %broadcast_in_dim3A_3015 = vector.broadcast %jit3A_3014 : f32 to vector<64x1024xf32>
      %select_n3A_3016 = arith.select %eq3A_3013, %broadcast_in_dim3A_3015, %sub3A_3000 : vector<64x1024xi1>, vector<64x1024xf32>
      %reduce_max3A_3017 = arith.constant dense<0xFF800000> : vector<64xf32>
      %reduce_max3A_3018 = vector.multi_reduction <maximumf>, %select_n3A_3016, %reduce_max3A_3017 [1] : vector<64x1024xf32> to vector<64xf32>
      %broadcast_in_dim3A_3019 = vector.shape_cast %reduce_max3A_3018 : vector<64xf32> to vector<64x1xf32>
      %sub3A_3020 = arith.subf %broadcast_in_dim3A_3003, %broadcast_in_dim3A_3019 : vector<64x1xf32>
      %add3A_3021 = arith.constant 5.000000e-03 : f32
      %add3A_3022 = vector.broadcast %add3A_3021 : f32 to vector<64x1xf32>
      %add3A_3023 = arith.addf %sub3A_3020, %add3A_3022 : vector<64x1xf32>
      %jit3A_3024 = arith.constant -1.000000e+10 : f32
      %broadcast_in_dim3A_3025 = vector.broadcast %jit3A_3024 : f32 to vector<64x1xf32>
      %select_n3A_3026 = arith.select %not3A_2995, %add3A_3023, %broadcast_in_dim3A_3025 : vector<64x1xi1>, vector<64x1xf32>
      %jit3A_3027 = arith.constant -1.000000e+10 : f32
      %broadcast_in_dim3A_3028 = vector.shape_cast %select_n3A_3026 : vector<64x1xf32> to vector<64x1xf32>
      %broadcast_in_dim3A_3029 = vector.broadcast %broadcast_in_dim3A_3028 : vector<64x1xf32> to vector<64x1024xf32>
      %broadcast_in_dim3A_3030 = vector.broadcast %jit3A_3027 : f32 to vector<64x1024xf32>
      %select_n3A_3031 = arith.select %eq3A_3013, %broadcast_in_dim3A_3029, %broadcast_in_dim3A_3030 : vector<64x1024xi1>, vector<64x1024xf32>
      %reduce_max3A_3032 = arith.constant dense<0xFF800000> : vector<1024xf32>
      %reduce_max3A_3033 = vector.multi_reduction <maximumf>, %select_n3A_3031, %reduce_max3A_3032 [0] : vector<64x1024xf32> to vector<1024xf32>
      %broadcast_in_dim3A_3034 = vector.shape_cast %reduce_max3A_3033 : vector<1024xf32> to vector<1x1024xf32>
      %eq3A_3035 = vector.broadcast %broadcast_in_dim3A_3034 : vector<1x1024xf32> to vector<64x1024xf32>
      %eq3A_3036 = arith.cmpf oeq, %select_n3A_3031, %eq3A_3035 : vector<64x1024xf32>
      %gt3A_3037 = arith.constant -5.000000e+09 : f32
      %gt3A_3038 = vector.broadcast %gt3A_3037 : f32 to vector<1x1024xf32>
      %gt3A_3039 = arith.cmpf ogt, %broadcast_in_dim3A_3034, %gt3A_3038 : vector<1x1024xf32>
      %and3A_3040 = vector.broadcast %gt3A_3039 : vector<1x1024xi1> to vector<64x1024xi1>
      %and3A_3041 = arith.andi %eq3A_3036, %and3A_3040 : vector<64x1024xi1>
      %jit3A_3042 = arith.constant 1.024000e+03 : f32
      %broadcast_in_dim3A_3043 = vector.shape_cast %add3A_2979 : vector<64x1xf32> to vector<64x1xf32>
      %broadcast_in_dim3A_3044 = vector.broadcast %broadcast_in_dim3A_3043 : vector<64x1xf32> to vector<64x1024xf32>
      %broadcast_in_dim3A_3045 = vector.broadcast %jit3A_3042 : f32 to vector<64x1024xf32>
      %select_n3A_3046 = arith.select %and3A_3041, %broadcast_in_dim3A_3044, %broadcast_in_dim3A_3045 : vector<64x1024xi1>, vector<64x1024xf32>
      %reduce_min3A_3047 = arith.constant dense<0x7F800000> : vector<1024xf32>
      %reduce_min3A_3048 = vector.multi_reduction <minimumf>, %select_n3A_3046, %reduce_min3A_3047 [0] : vector<64x1024xf32> to vector<1024xf32>
      %broadcast_in_dim3A_3049 = vector.shape_cast %reduce_min3A_3048 : vector<1024xf32> to vector<1x1024xf32>
      %swap3A_3050 = arith.constant 12 : index
      %swap3A_3051 = arith.constant 0 : index
      %swap3A_3052 = vector.load %arg5[%swap3A_3050, %swap3A_3051] : memref<16x1024xf32, #tpu.memory_space<vmem>>, vector<1x1024xf32>
      tpu.vector_store %arg5[%swap3A_3050, %swap3A_3051], %broadcast_in_dim3A_3034 {strides = array<i32>} : memref<16x1024xf32, #tpu.memory_space<vmem>>, vector<1x1024xf32>,
      %swap3A_3053 = arith.constant 12 : index
      %swap3A_3054 = arith.constant 0 : index
      %swap3A_3055 = vector.load %arg6[%swap3A_3053, %swap3A_3054] : memref<16x1024xf32, #tpu.memory_space<vmem>>, vector<1x1024xf32>
      tpu.vector_store %arg6[%swap3A_3053, %swap3A_3054], %broadcast_in_dim3A_3049 {strides = array<i32>} : memref<16x1024xf32, #tpu.memory_space<vmem>>, vector<1x1024xf32>,
      %add3A_3056 = arith.constant 8.320000e+02 : f32
      %add3A_3057 = vector.broadcast %add3A_3056 : f32 to vector<64x1xf32>
      %add3A_3058 = arith.addf %convert_element_type3A_15, %add3A_3057 : vector<64x1xf32>
      %eq3A_3059 = vector.broadcast %get3A_2032 : vector<1x1024xf32> to vector<64x1024xf32>
      %eq3A_3060 = vector.broadcast %add3A_3058 : vector<64x1xf32> to vector<64x1024xf32>
      %eq3A_3061 = arith.cmpf oeq, %eq3A_3059, %eq3A_3060 : vector<64x1024xf32>
      %reduce_or3A_3062 = arith.constant 1.000000e+00 : f32
      %reduce_or3A_3063 = arith.constant 0.000000e+00 : f32
      %reduce_or3A_3064 = vector.broadcast %reduce_or3A_3062 : f32 to vector<64x1024xf32>
      %reduce_or3A_3065 = vector.broadcast %reduce_or3A_3063 : f32 to vector<64x1024xf32>
      %reduce_or3A_3066 = arith.select %eq3A_3061, %reduce_or3A_3064, %reduce_or3A_3065 : vector<64x1024xi1>, vector<64x1024xf32>
      %reduce_or3A_3067 = arith.constant dense<0xFF800000> : vector<64xf32>
      %reduce_or3A_3068 = vector.multi_reduction <maximumf>, %reduce_or3A_3066, %reduce_or3A_3067 [1] : vector<64x1024xf32> to vector<64xf32>
      %reduce_or3A_3069 = arith.constant 0.000000e+00 : f32
      %reduce_or3A_3070 = vector.broadcast %reduce_or3A_3069 : f32 to vector<64xf32>
      %reduce_or3A_3071 = arith.cmpf ogt, %reduce_or3A_3068, %reduce_or3A_3070 : vector<64xf32>
      %broadcast_in_dim3A_3072 = vector.shape_cast %reduce_or3A_3071 : vector<64xi1> to vector<64x1xi1>
      %not3A_3073 = arith.constant dense<true> : vector<64x1xi1>
      %not3A_3074 = arith.xori %broadcast_in_dim3A_3072, %not3A_3073 : vector<64x1xi1>
      %get3A_3075 = arith.constant 832 : index
      %get3A_3076 = arith.constant 0 : index
      %get3A_3077 = vector.load %arg4[%get3A_3075, %get3A_3076] : memref<1024x1024xf32, #tpu.memory_space<vmem>>, vector<64x1024xf32>
      %sub3A_3078 = vector.broadcast %get3A_2029 : vector<1x1024xf32> to vector<64x1024xf32>
      %sub3A_3079 = arith.subf %get3A_3077, %sub3A_3078 : vector<64x1024xf32>
      %reduce_max3A_3080 = arith.constant dense<0xFF800000> : vector<64xf32>
      %reduce_max3A_3081 = vector.multi_reduction <maximumf>, %sub3A_3079, %reduce_max3A_3080 [1] : vector<64x1024xf32> to vector<64xf32>
      %broadcast_in_dim3A_3082 = vector.shape_cast %reduce_max3A_3081 : vector<64xf32> to vector<64x1xf32>
      %eq3A_3083 = vector.broadcast %broadcast_in_dim3A_3082 : vector<64x1xf32> to vector<64x1024xf32>
      %eq3A_3084 = arith.cmpf oeq, %sub3A_3079, %eq3A_3083 : vector<64x1024xf32>
      %jit3A_3085 = arith.constant 1.024000e+03 : f32
      %broadcast_in_dim3A_3086 = vector.broadcast %jit3A_3085 : f32 to vector<64x1024xf32>
      %select_n3A_3087 = arith.select %eq3A_3084, %convert_element_type3A, %broadcast_in_dim3A_3086 : vector<64x1024xi1>, vector<64x1024xf32>
      %reduce_min3A_3088 = arith.constant dense<0x7F800000> : vector<64xf32>
      %reduce_min3A_3089 = vector.multi_reduction <minimumf>, %select_n3A_3087, %reduce_min3A_3088 [1] : vector<64x1024xf32> to vector<64xf32>
      %broadcast_in_dim3A_3090 = vector.shape_cast %reduce_min3A_3089 : vector<64xf32> to vector<64x1xf32>
      %eq3A_3091 = vector.broadcast %broadcast_in_dim3A_3090 : vector<64x1xf32> to vector<64x1024xf32>
      %eq3A_3092 = arith.cmpf oeq, %convert_element_type3A, %eq3A_3091 : vector<64x1024xf32>
      %jit3A_3093 = arith.constant -1.000000e+10 : f32
      %broadcast_in_dim3A_3094 = vector.broadcast %jit3A_3093 : f32 to vector<64x1024xf32>
      %select_n3A_3095 = arith.select %eq3A_3092, %broadcast_in_dim3A_3094, %sub3A_3079 : vector<64x1024xi1>, vector<64x1024xf32>
      %reduce_max3A_3096 = arith.constant dense<0xFF800000> : vector<64xf32>
      %reduce_max3A_3097 = vector.multi_reduction <maximumf>, %select_n3A_3095, %reduce_max3A_3096 [1] : vector<64x1024xf32> to vector<64xf32>
      %broadcast_in_dim3A_3098 = vector.shape_cast %reduce_max3A_3097 : vector<64xf32> to vector<64x1xf32>
      %sub3A_3099 = arith.subf %broadcast_in_dim3A_3082, %broadcast_in_dim3A_3098 : vector<64x1xf32>
      %add3A_3100 = arith.constant 5.000000e-03 : f32
      %add3A_3101 = vector.broadcast %add3A_3100 : f32 to vector<64x1xf32>
      %add3A_3102 = arith.addf %sub3A_3099, %add3A_3101 : vector<64x1xf32>
      %jit3A_3103 = arith.constant -1.000000e+10 : f32
      %broadcast_in_dim3A_3104 = vector.broadcast %jit3A_3103 : f32 to vector<64x1xf32>
      %select_n3A_3105 = arith.select %not3A_3074, %add3A_3102, %broadcast_in_dim3A_3104 : vector<64x1xi1>, vector<64x1xf32>
      %jit3A_3106 = arith.constant -1.000000e+10 : f32
      %broadcast_in_dim3A_3107 = vector.shape_cast %select_n3A_3105 : vector<64x1xf32> to vector<64x1xf32>
      %broadcast_in_dim3A_3108 = vector.broadcast %broadcast_in_dim3A_3107 : vector<64x1xf32> to vector<64x1024xf32>
      %broadcast_in_dim3A_3109 = vector.broadcast %jit3A_3106 : f32 to vector<64x1024xf32>
      %select_n3A_3110 = arith.select %eq3A_3092, %broadcast_in_dim3A_3108, %broadcast_in_dim3A_3109 : vector<64x1024xi1>, vector<64x1024xf32>
      %reduce_max3A_3111 = arith.constant dense<0xFF800000> : vector<1024xf32>
      %reduce_max3A_3112 = vector.multi_reduction <maximumf>, %select_n3A_3110, %reduce_max3A_3111 [0] : vector<64x1024xf32> to vector<1024xf32>
      %broadcast_in_dim3A_3113 = vector.shape_cast %reduce_max3A_3112 : vector<1024xf32> to vector<1x1024xf32>
      %eq3A_3114 = vector.broadcast %broadcast_in_dim3A_3113 : vector<1x1024xf32> to vector<64x1024xf32>
      %eq3A_3115 = arith.cmpf oeq, %select_n3A_3110, %eq3A_3114 : vector<64x1024xf32>
      %gt3A_3116 = arith.constant -5.000000e+09 : f32
      %gt3A_3117 = vector.broadcast %gt3A_3116 : f32 to vector<1x1024xf32>
      %gt3A_3118 = arith.cmpf ogt, %broadcast_in_dim3A_3113, %gt3A_3117 : vector<1x1024xf32>
      %and3A_3119 = vector.broadcast %gt3A_3118 : vector<1x1024xi1> to vector<64x1024xi1>
      %and3A_3120 = arith.andi %eq3A_3115, %and3A_3119 : vector<64x1024xi1>
      %jit3A_3121 = arith.constant 1.024000e+03 : f32
      %broadcast_in_dim3A_3122 = vector.shape_cast %add3A_3058 : vector<64x1xf32> to vector<64x1xf32>
      %broadcast_in_dim3A_3123 = vector.broadcast %broadcast_in_dim3A_3122 : vector<64x1xf32> to vector<64x1024xf32>
      %broadcast_in_dim3A_3124 = vector.broadcast %jit3A_3121 : f32 to vector<64x1024xf32>
      %select_n3A_3125 = arith.select %and3A_3120, %broadcast_in_dim3A_3123, %broadcast_in_dim3A_3124 : vector<64x1024xi1>, vector<64x1024xf32>
      %reduce_min3A_3126 = arith.constant dense<0x7F800000> : vector<1024xf32>
      %reduce_min3A_3127 = vector.multi_reduction <minimumf>, %select_n3A_3125, %reduce_min3A_3126 [0] : vector<64x1024xf32> to vector<1024xf32>
      %broadcast_in_dim3A_3128 = vector.shape_cast %reduce_min3A_3127 : vector<1024xf32> to vector<1x1024xf32>
      %swap3A_3129 = arith.constant 13 : index
      %swap3A_3130 = arith.constant 0 : index
      %swap3A_3131 = vector.load %arg5[%swap3A_3129, %swap3A_3130] : memref<16x1024xf32, #tpu.memory_space<vmem>>, vector<1x1024xf32>
      tpu.vector_store %arg5[%swap3A_3129, %swap3A_3130], %broadcast_in_dim3A_3113 {strides = array<i32>} : memref<16x1024xf32, #tpu.memory_space<vmem>>, vector<1x1024xf32>,
      %swap3A_3132 = arith.constant 13 : index
      %swap3A_3133 = arith.constant 0 : index
      %swap3A_3134 = vector.load %arg6[%swap3A_3132, %swap3A_3133] : memref<16x1024xf32, #tpu.memory_space<vmem>>, vector<1x1024xf32>
      tpu.vector_store %arg6[%swap3A_3132, %swap3A_3133], %broadcast_in_dim3A_3128 {strides = array<i32>} : memref<16x1024xf32, #tpu.memory_space<vmem>>, vector<1x1024xf32>,
      %add3A_3135 = arith.constant 8.960000e+02 : f32
      %add3A_3136 = vector.broadcast %add3A_3135 : f32 to vector<64x1xf32>
      %add3A_3137 = arith.addf %convert_element_type3A_15, %add3A_3136 : vector<64x1xf32>
      %eq3A_3138 = vector.broadcast %get3A_2032 : vector<1x1024xf32> to vector<64x1024xf32>
      %eq3A_3139 = vector.broadcast %add3A_3137 : vector<64x1xf32> to vector<64x1024xf32>
      %eq3A_3140 = arith.cmpf oeq, %eq3A_3138, %eq3A_3139 : vector<64x1024xf32>
      %reduce_or3A_3141 = arith.constant 1.000000e+00 : f32
      %reduce_or3A_3142 = arith.constant 0.000000e+00 : f32
      %reduce_or3A_3143 = vector.broadcast %reduce_or3A_3141 : f32 to vector<64x1024xf32>
      %reduce_or3A_3144 = vector.broadcast %reduce_or3A_3142 : f32 to vector<64x1024xf32>
      %reduce_or3A_3145 = arith.select %eq3A_3140, %reduce_or3A_3143, %reduce_or3A_3144 : vector<64x1024xi1>, vector<64x1024xf32>
      %reduce_or3A_3146 = arith.constant dense<0xFF800000> : vector<64xf32>
      %reduce_or3A_3147 = vector.multi_reduction <maximumf>, %reduce_or3A_3145, %reduce_or3A_3146 [1] : vector<64x1024xf32> to vector<64xf32>
      %reduce_or3A_3148 = arith.constant 0.000000e+00 : f32
      %reduce_or3A_3149 = vector.broadcast %reduce_or3A_3148 : f32 to vector<64xf32>
      %reduce_or3A_3150 = arith.cmpf ogt, %reduce_or3A_3147, %reduce_or3A_3149 : vector<64xf32>
      %broadcast_in_dim3A_3151 = vector.shape_cast %reduce_or3A_3150 : vector<64xi1> to vector<64x1xi1>
      %not3A_3152 = arith.constant dense<true> : vector<64x1xi1>
      %not3A_3153 = arith.xori %broadcast_in_dim3A_3151, %not3A_3152 : vector<64x1xi1>
      %get3A_3154 = arith.constant 896 : index
      %get3A_3155 = arith.constant 0 : index
      %get3A_3156 = vector.load %arg4[%get3A_3154, %get3A_3155] : memref<1024x1024xf32, #tpu.memory_space<vmem>>, vector<64x1024xf32>
      %sub3A_3157 = vector.broadcast %get3A_2029 : vector<1x1024xf32> to vector<64x1024xf32>
      %sub3A_3158 = arith.subf %get3A_3156, %sub3A_3157 : vector<64x1024xf32>
      %reduce_max3A_3159 = arith.constant dense<0xFF800000> : vector<64xf32>
      %reduce_max3A_3160 = vector.multi_reduction <maximumf>, %sub3A_3158, %reduce_max3A_3159 [1] : vector<64x1024xf32> to vector<64xf32>
      %broadcast_in_dim3A_3161 = vector.shape_cast %reduce_max3A_3160 : vector<64xf32> to vector<64x1xf32>
      %eq3A_3162 = vector.broadcast %broadcast_in_dim3A_3161 : vector<64x1xf32> to vector<64x1024xf32>
      %eq3A_3163 = arith.cmpf oeq, %sub3A_3158, %eq3A_3162 : vector<64x1024xf32>
      %jit3A_3164 = arith.constant 1.024000e+03 : f32
      %broadcast_in_dim3A_3165 = vector.broadcast %jit3A_3164 : f32 to vector<64x1024xf32>
      %select_n3A_3166 = arith.select %eq3A_3163, %convert_element_type3A, %broadcast_in_dim3A_3165 : vector<64x1024xi1>, vector<64x1024xf32>
      %reduce_min3A_3167 = arith.constant dense<0x7F800000> : vector<64xf32>
      %reduce_min3A_3168 = vector.multi_reduction <minimumf>, %select_n3A_3166, %reduce_min3A_3167 [1] : vector<64x1024xf32> to vector<64xf32>
      %broadcast_in_dim3A_3169 = vector.shape_cast %reduce_min3A_3168 : vector<64xf32> to vector<64x1xf32>
      %eq3A_3170 = vector.broadcast %broadcast_in_dim3A_3169 : vector<64x1xf32> to vector<64x1024xf32>
      %eq3A_3171 = arith.cmpf oeq, %convert_element_type3A, %eq3A_3170 : vector<64x1024xf32>
      %jit3A_3172 = arith.constant -1.000000e+10 : f32
      %broadcast_in_dim3A_3173 = vector.broadcast %jit3A_3172 : f32 to vector<64x1024xf32>
      %select_n3A_3174 = arith.select %eq3A_3171, %broadcast_in_dim3A_3173, %sub3A_3158 : vector<64x1024xi1>, vector<64x1024xf32>
      %reduce_max3A_3175 = arith.constant dense<0xFF800000> : vector<64xf32>
      %reduce_max3A_3176 = vector.multi_reduction <maximumf>, %select_n3A_3174, %reduce_max3A_3175 [1] : vector<64x1024xf32> to vector<64xf32>
      %broadcast_in_dim3A_3177 = vector.shape_cast %reduce_max3A_3176 : vector<64xf32> to vector<64x1xf32>
      %sub3A_3178 = arith.subf %broadcast_in_dim3A_3161, %broadcast_in_dim3A_3177 : vector<64x1xf32>
      %add3A_3179 = arith.constant 5.000000e-03 : f32
      %add3A_3180 = vector.broadcast %add3A_3179 : f32 to vector<64x1xf32>
      %add3A_3181 = arith.addf %sub3A_3178, %add3A_3180 : vector<64x1xf32>
      %jit3A_3182 = arith.constant -1.000000e+10 : f32
      %broadcast_in_dim3A_3183 = vector.broadcast %jit3A_3182 : f32 to vector<64x1xf32>
      %select_n3A_3184 = arith.select %not3A_3153, %add3A_3181, %broadcast_in_dim3A_3183 : vector<64x1xi1>, vector<64x1xf32>
      %jit3A_3185 = arith.constant -1.000000e+10 : f32
      %broadcast_in_dim3A_3186 = vector.shape_cast %select_n3A_3184 : vector<64x1xf32> to vector<64x1xf32>
      %broadcast_in_dim3A_3187 = vector.broadcast %broadcast_in_dim3A_3186 : vector<64x1xf32> to vector<64x1024xf32>
      %broadcast_in_dim3A_3188 = vector.broadcast %jit3A_3185 : f32 to vector<64x1024xf32>
      %select_n3A_3189 = arith.select %eq3A_3171, %broadcast_in_dim3A_3187, %broadcast_in_dim3A_3188 : vector<64x1024xi1>, vector<64x1024xf32>
      %reduce_max3A_3190 = arith.constant dense<0xFF800000> : vector<1024xf32>
      %reduce_max3A_3191 = vector.multi_reduction <maximumf>, %select_n3A_3189, %reduce_max3A_3190 [0] : vector<64x1024xf32> to vector<1024xf32>
      %broadcast_in_dim3A_3192 = vector.shape_cast %reduce_max3A_3191 : vector<1024xf32> to vector<1x1024xf32>
      %eq3A_3193 = vector.broadcast %broadcast_in_dim3A_3192 : vector<1x1024xf32> to vector<64x1024xf32>
      %eq3A_3194 = arith.cmpf oeq, %select_n3A_3189, %eq3A_3193 : vector<64x1024xf32>
      %gt3A_3195 = arith.constant -5.000000e+09 : f32
      %gt3A_3196 = vector.broadcast %gt3A_3195 : f32 to vector<1x1024xf32>
      %gt3A_3197 = arith.cmpf ogt, %broadcast_in_dim3A_3192, %gt3A_3196 : vector<1x1024xf32>
      %and3A_3198 = vector.broadcast %gt3A_3197 : vector<1x1024xi1> to vector<64x1024xi1>
      %and3A_3199 = arith.andi %eq3A_3194, %and3A_3198 : vector<64x1024xi1>
      %jit3A_3200 = arith.constant 1.024000e+03 : f32
      %broadcast_in_dim3A_3201 = vector.shape_cast %add3A_3137 : vector<64x1xf32> to vector<64x1xf32>
      %broadcast_in_dim3A_3202 = vector.broadcast %broadcast_in_dim3A_3201 : vector<64x1xf32> to vector<64x1024xf32>
      %broadcast_in_dim3A_3203 = vector.broadcast %jit3A_3200 : f32 to vector<64x1024xf32>
      %select_n3A_3204 = arith.select %and3A_3199, %broadcast_in_dim3A_3202, %broadcast_in_dim3A_3203 : vector<64x1024xi1>, vector<64x1024xf32>
      %reduce_min3A_3205 = arith.constant dense<0x7F800000> : vector<1024xf32>
      %reduce_min3A_3206 = vector.multi_reduction <minimumf>, %select_n3A_3204, %reduce_min3A_3205 [0] : vector<64x1024xf32> to vector<1024xf32>
      %broadcast_in_dim3A_3207 = vector.shape_cast %reduce_min3A_3206 : vector<1024xf32> to vector<1x1024xf32>
      %swap3A_3208 = arith.constant 14 : index
      %swap3A_3209 = arith.constant 0 : index
      %swap3A_3210 = vector.load %arg5[%swap3A_3208, %swap3A_3209] : memref<16x1024xf32, #tpu.memory_space<vmem>>, vector<1x1024xf32>
      tpu.vector_store %arg5[%swap3A_3208, %swap3A_3209], %broadcast_in_dim3A_3192 {strides = array<i32>} : memref<16x1024xf32, #tpu.memory_space<vmem>>, vector<1x1024xf32>,
      %swap3A_3211 = arith.constant 14 : index
      %swap3A_3212 = arith.constant 0 : index
      %swap3A_3213 = vector.load %arg6[%swap3A_3211, %swap3A_3212] : memref<16x1024xf32, #tpu.memory_space<vmem>>, vector<1x1024xf32>
      tpu.vector_store %arg6[%swap3A_3211, %swap3A_3212], %broadcast_in_dim3A_3207 {strides = array<i32>} : memref<16x1024xf32, #tpu.memory_space<vmem>>, vector<1x1024xf32>,
      %add3A_3214 = arith.constant 9.600000e+02 : f32
      %add3A_3215 = vector.broadcast %add3A_3214 : f32 to vector<64x1xf32>
      %add3A_3216 = arith.addf %convert_element_type3A_15, %add3A_3215 : vector<64x1xf32>
      %eq3A_3217 = vector.broadcast %get3A_2032 : vector<1x1024xf32> to vector<64x1024xf32>
      %eq3A_3218 = vector.broadcast %add3A_3216 : vector<64x1xf32> to vector<64x1024xf32>
      %eq3A_3219 = arith.cmpf oeq, %eq3A_3217, %eq3A_3218 : vector<64x1024xf32>
      %reduce_or3A_3220 = arith.constant 1.000000e+00 : f32
      %reduce_or3A_3221 = arith.constant 0.000000e+00 : f32
      %reduce_or3A_3222 = vector.broadcast %reduce_or3A_3220 : f32 to vector<64x1024xf32>
      %reduce_or3A_3223 = vector.broadcast %reduce_or3A_3221 : f32 to vector<64x1024xf32>
      %reduce_or3A_3224 = arith.select %eq3A_3219, %reduce_or3A_3222, %reduce_or3A_3223 : vector<64x1024xi1>, vector<64x1024xf32>
      %reduce_or3A_3225 = arith.constant dense<0xFF800000> : vector<64xf32>
      %reduce_or3A_3226 = vector.multi_reduction <maximumf>, %reduce_or3A_3224, %reduce_or3A_3225 [1] : vector<64x1024xf32> to vector<64xf32>
      %reduce_or3A_3227 = arith.constant 0.000000e+00 : f32
      %reduce_or3A_3228 = vector.broadcast %reduce_or3A_3227 : f32 to vector<64xf32>
      %reduce_or3A_3229 = arith.cmpf ogt, %reduce_or3A_3226, %reduce_or3A_3228 : vector<64xf32>
      %broadcast_in_dim3A_3230 = vector.shape_cast %reduce_or3A_3229 : vector<64xi1> to vector<64x1xi1>
      %not3A_3231 = arith.constant dense<true> : vector<64x1xi1>
      %not3A_3232 = arith.xori %broadcast_in_dim3A_3230, %not3A_3231 : vector<64x1xi1>
      %get3A_3233 = arith.constant 960 : index
      %get3A_3234 = arith.constant 0 : index
      %get3A_3235 = vector.load %arg4[%get3A_3233, %get3A_3234] : memref<1024x1024xf32, #tpu.memory_space<vmem>>, vector<64x1024xf32>
      %sub3A_3236 = vector.broadcast %get3A_2029 : vector<1x1024xf32> to vector<64x1024xf32>
      %sub3A_3237 = arith.subf %get3A_3235, %sub3A_3236 : vector<64x1024xf32>
      %reduce_max3A_3238 = arith.constant dense<0xFF800000> : vector<64xf32>
      %reduce_max3A_3239 = vector.multi_reduction <maximumf>, %sub3A_3237, %reduce_max3A_3238 [1] : vector<64x1024xf32> to vector<64xf32>
      %broadcast_in_dim3A_3240 = vector.shape_cast %reduce_max3A_3239 : vector<64xf32> to vector<64x1xf32>
      %eq3A_3241 = vector.broadcast %broadcast_in_dim3A_3240 : vector<64x1xf32> to vector<64x1024xf32>
      %eq3A_3242 = arith.cmpf oeq, %sub3A_3237, %eq3A_3241 : vector<64x1024xf32>
      %jit3A_3243 = arith.constant 1.024000e+03 : f32
      %broadcast_in_dim3A_3244 = vector.broadcast %jit3A_3243 : f32 to vector<64x1024xf32>
      %select_n3A_3245 = arith.select %eq3A_3242, %convert_element_type3A, %broadcast_in_dim3A_3244 : vector<64x1024xi1>, vector<64x1024xf32>
      %reduce_min3A_3246 = arith.constant dense<0x7F800000> : vector<64xf32>
      %reduce_min3A_3247 = vector.multi_reduction <minimumf>, %select_n3A_3245, %reduce_min3A_3246 [1] : vector<64x1024xf32> to vector<64xf32>
      %broadcast_in_dim3A_3248 = vector.shape_cast %reduce_min3A_3247 : vector<64xf32> to vector<64x1xf32>
      %eq3A_3249 = vector.broadcast %broadcast_in_dim3A_3248 : vector<64x1xf32> to vector<64x1024xf32>
      %eq3A_3250 = arith.cmpf oeq, %convert_element_type3A, %eq3A_3249 : vector<64x1024xf32>
      %jit3A_3251 = arith.constant -1.000000e+10 : f32
      %broadcast_in_dim3A_3252 = vector.broadcast %jit3A_3251 : f32 to vector<64x1024xf32>
      %select_n3A_3253 = arith.select %eq3A_3250, %broadcast_in_dim3A_3252, %sub3A_3237 : vector<64x1024xi1>, vector<64x1024xf32>
      %reduce_max3A_3254 = arith.constant dense<0xFF800000> : vector<64xf32>
      %reduce_max3A_3255 = vector.multi_reduction <maximumf>, %select_n3A_3253, %reduce_max3A_3254 [1] : vector<64x1024xf32> to vector<64xf32>
      %broadcast_in_dim3A_3256 = vector.shape_cast %reduce_max3A_3255 : vector<64xf32> to vector<64x1xf32>
      %sub3A_3257 = arith.subf %broadcast_in_dim3A_3240, %broadcast_in_dim3A_3256 : vector<64x1xf32>
      %add3A_3258 = arith.constant 5.000000e-03 : f32
      %add3A_3259 = vector.broadcast %add3A_3258 : f32 to vector<64x1xf32>
      %add3A_3260 = arith.addf %sub3A_3257, %add3A_3259 : vector<64x1xf32>
      %jit3A_3261 = arith.constant -1.000000e+10 : f32
      %broadcast_in_dim3A_3262 = vector.broadcast %jit3A_3261 : f32 to vector<64x1xf32>
      %select_n3A_3263 = arith.select %not3A_3232, %add3A_3260, %broadcast_in_dim3A_3262 : vector<64x1xi1>, vector<64x1xf32>
      %jit3A_3264 = arith.constant -1.000000e+10 : f32
      %broadcast_in_dim3A_3265 = vector.shape_cast %select_n3A_3263 : vector<64x1xf32> to vector<64x1xf32>
      %broadcast_in_dim3A_3266 = vector.broadcast %broadcast_in_dim3A_3265 : vector<64x1xf32> to vector<64x1024xf32>
      %broadcast_in_dim3A_3267 = vector.broadcast %jit3A_3264 : f32 to vector<64x1024xf32>
      %select_n3A_3268 = arith.select %eq3A_3250, %broadcast_in_dim3A_3266, %broadcast_in_dim3A_3267 : vector<64x1024xi1>, vector<64x1024xf32>
      %reduce_max3A_3269 = arith.constant dense<0xFF800000> : vector<1024xf32>
      %reduce_max3A_3270 = vector.multi_reduction <maximumf>, %select_n3A_3268, %reduce_max3A_3269 [0] : vector<64x1024xf32> to vector<1024xf32>
      %broadcast_in_dim3A_3271 = vector.shape_cast %reduce_max3A_3270 : vector<1024xf32> to vector<1x1024xf32>
      %eq3A_3272 = vector.broadcast %broadcast_in_dim3A_3271 : vector<1x1024xf32> to vector<64x1024xf32>
      %eq3A_3273 = arith.cmpf oeq, %select_n3A_3268, %eq3A_3272 : vector<64x1024xf32>
      %gt3A_3274 = arith.constant -5.000000e+09 : f32
      %gt3A_3275 = vector.broadcast %gt3A_3274 : f32 to vector<1x1024xf32>
      %gt3A_3276 = arith.cmpf ogt, %broadcast_in_dim3A_3271, %gt3A_3275 : vector<1x1024xf32>
      %and3A_3277 = vector.broadcast %gt3A_3276 : vector<1x1024xi1> to vector<64x1024xi1>
      %and3A_3278 = arith.andi %eq3A_3273, %and3A_3277 : vector<64x1024xi1>
      %jit3A_3279 = arith.constant 1.024000e+03 : f32
      %broadcast_in_dim3A_3280 = vector.shape_cast %add3A_3216 : vector<64x1xf32> to vector<64x1xf32>
      %broadcast_in_dim3A_3281 = vector.broadcast %broadcast_in_dim3A_3280 : vector<64x1xf32> to vector<64x1024xf32>
      %broadcast_in_dim3A_3282 = vector.broadcast %jit3A_3279 : f32 to vector<64x1024xf32>
      %select_n3A_3283 = arith.select %and3A_3278, %broadcast_in_dim3A_3281, %broadcast_in_dim3A_3282 : vector<64x1024xi1>, vector<64x1024xf32>
      %reduce_min3A_3284 = arith.constant dense<0x7F800000> : vector<1024xf32>
      %reduce_min3A_3285 = vector.multi_reduction <minimumf>, %select_n3A_3283, %reduce_min3A_3284 [0] : vector<64x1024xf32> to vector<1024xf32>
      %broadcast_in_dim3A_3286 = vector.shape_cast %reduce_min3A_3285 : vector<1024xf32> to vector<1x1024xf32>
      %swap3A_3287 = arith.constant 15 : index
      %swap3A_3288 = arith.constant 0 : index
      %swap3A_3289 = vector.load %arg5[%swap3A_3287, %swap3A_3288] : memref<16x1024xf32, #tpu.memory_space<vmem>>, vector<1x1024xf32>
      tpu.vector_store %arg5[%swap3A_3287, %swap3A_3288], %broadcast_in_dim3A_3271 {strides = array<i32>} : memref<16x1024xf32, #tpu.memory_space<vmem>>, vector<1x1024xf32>,
      %swap3A_3290 = arith.constant 15 : index
      %swap3A_3291 = arith.constant 0 : index
      %swap3A_3292 = vector.load %arg6[%swap3A_3290, %swap3A_3291] : memref<16x1024xf32, #tpu.memory_space<vmem>>, vector<1x1024xf32>
      tpu.vector_store %arg6[%swap3A_3290, %swap3A_3291], %broadcast_in_dim3A_3286 {strides = array<i32>} : memref<16x1024xf32, #tpu.memory_space<vmem>>, vector<1x1024xf32>,
      %get3A_3293 = arith.constant 0 : index
      %get3A_3294 = arith.constant 0 : index
      %get3A_3295 = vector.load %arg5[%get3A_3293, %get3A_3294] : memref<16x1024xf32, #tpu.memory_space<vmem>>, vector<16x1024xf32>
      %reduce_max3A_3296 = arith.constant dense<0xFF800000> : vector<1024xf32>
      %reduce_max3A_3297 = vector.multi_reduction <maximumf>, %get3A_3295, %reduce_max3A_3296 [0] : vector<16x1024xf32> to vector<1024xf32>
      %broadcast_in_dim3A_3298 = vector.shape_cast %reduce_max3A_3297 : vector<1024xf32> to vector<1x1024xf32>
      %eq3A_3299 = vector.broadcast %broadcast_in_dim3A_3298 : vector<1x1024xf32> to vector<16x1024xf32>
      %eq3A_3300 = arith.cmpf oeq, %get3A_3295, %eq3A_3299 : vector<16x1024xf32>
      %get3A_3301 = arith.constant 0 : index
      %get3A_3302 = arith.constant 0 : index
      %get3A_3303 = vector.load %arg6[%get3A_3301, %get3A_3302] : memref<16x1024xf32, #tpu.memory_space<vmem>>, vector<16x1024xf32>
      %jit3A_3304 = arith.constant 1.024000e+03 : f32
      %broadcast_in_dim3A_3305 = vector.broadcast %jit3A_3304 : f32 to vector<16x1024xf32>
      %select_n3A_3306 = arith.select %eq3A_3300, %get3A_3303, %broadcast_in_dim3A_3305 : vector<16x1024xi1>, vector<16x1024xf32>
      %reduce_min3A_3307 = arith.constant dense<0x7F800000> : vector<1024xf32>
      %reduce_min3A_3308 = vector.multi_reduction <minimumf>, %select_n3A_3306, %reduce_min3A_3307 [0] : vector<16x1024xf32> to vector<1024xf32>
      %broadcast_in_dim3A_3309 = vector.shape_cast %reduce_min3A_3308 : vector<1024xf32> to vector<1x1024xf32>
      %lt3A = arith.constant 1.024000e+03 : f32
      %lt3A_3310 = vector.broadcast %lt3A : f32 to vector<1x1024xf32>
      %lt3A_3311 = arith.cmpf olt, %broadcast_in_dim3A_3309, %lt3A_3310 : vector<1x1024xf32>
      %min3A = arith.constant 1.023000e+03 : f32
      %min3A_3312 = vector.broadcast %min3A : f32 to vector<1x1024xf32>
      %min3A_3313 = arith.minimumf %broadcast_in_dim3A_3309, %min3A_3312 : vector<1x1024xf32>
      %add3A_3314 = arith.addf %get3A_2029, %broadcast_in_dim3A_3298 : vector<1x1024xf32>
      %select_n3A_3315 = arith.select %lt3A_3311, %add3A_3314, %get3A_2029 : vector<1x1024xi1>, vector<1x1024xf32>
      %swap3A_3316 = arith.constant 0 : index
      %swap3A_3317 = arith.constant 0 : index
      %swap3A_3318 = vector.load %arg7[%swap3A_3316, %swap3A_3317] : memref<1x1024xf32, #tpu.memory_space<vmem>>, vector<1x1024xf32>
      tpu.vector_store %arg7[%swap3A_3316, %swap3A_3317], %select_n3A_3315 {strides = array<i32>} : memref<1x1024xf32, #tpu.memory_space<vmem>>, vector<1x1024xf32>,
      %select_n3A_3319 = arith.select %lt3A_3311, %min3A_3313, %get3A_2032 : vector<1x1024xi1>, vector<1x1024xf32>
      %swap3A_3320 = arith.constant 0 : index
      %swap3A_3321 = arith.constant 0 : index
      %swap3A_3322 = vector.load %arg8[%swap3A_3320, %swap3A_3321] : memref<1x1024xf32, #tpu.memory_space<vmem>>, vector<1x1024xf32>
      tpu.vector_store %arg8[%swap3A_3320, %swap3A_3321], %select_n3A_3319 {strides = array<i32>} : memref<1x1024xf32, #tpu.memory_space<vmem>>, vector<1x1024xf32>,
    }
    %get3A_583 = arith.constant 0 : index
    %get3A_584 = arith.constant 0 : index
    %get3A_585 = vector.load %arg8[%get3A_583, %get3A_584] : memref<1x1024xf32, #tpu.memory_space<vmem>>, vector<1x1024xf32>
    %broadcast_in_dim3A_586 = arith.constant 0.000000e+00 : f32
    %broadcast_in_dim3A_587 = vector.broadcast %broadcast_in_dim3A_586 : f32 to vector<1x1xf32>
    %add3A_588 = arith.constant 0.000000e+00 : f32
    %add3A_589 = vector.broadcast %add3A_588 : f32 to vector<64x1xf32>
    %add3A_590 = arith.addf %convert_element_type3A_15, %add3A_589 : vector<64x1xf32>
    %eq3A = vector.broadcast %get3A_585 : vector<1x1024xf32> to vector<64x1024xf32>
    %eq3A_591 = vector.broadcast %add3A_590 : vector<64x1xf32> to vector<64x1024xf32>
    %eq3A_592 = arith.cmpf oeq, %eq3A, %eq3A_591 : vector<64x1024xf32>
    %jit3A = arith.constant 1.024000e+03 : f32
    %broadcast_in_dim3A_593 = vector.broadcast %jit3A : f32 to vector<64x1024xf32>
    %select_n3A = arith.select %eq3A_592, %convert_element_type3A, %broadcast_in_dim3A_593 : vector<64x1024xi1>, vector<64x1024xf32>
    %reduce_min3A = arith.constant dense<0x7F800000> : vector<64xf32>
    %reduce_min3A_594 = vector.multi_reduction <minimumf>, %select_n3A, %reduce_min3A [1] : vector<64x1024xf32> to vector<64xf32>
    %broadcast_in_dim3A_595 = vector.shape_cast %reduce_min3A_594 : vector<64xf32> to vector<64x1xf32>
    %get3A_596 = arith.constant 0 : index
    %get3A_597 = arith.constant 0 : index
    %get3A_598 = vector.load %arg4[%get3A_596, %get3A_597] : memref<1024x1024xf32, #tpu.memory_space<vmem>>, vector<64x1024xf32>
    %reduce_max3A = arith.constant dense<0xFF800000> : vector<64xf32>
    %reduce_max3A_599 = vector.multi_reduction <maximumf>, %get3A_598, %reduce_max3A [1] : vector<64x1024xf32> to vector<64xf32>
    %broadcast_in_dim3A_600 = vector.shape_cast %reduce_max3A_599 : vector<64xf32> to vector<64x1xf32>
    %eq3A_601 = vector.broadcast %broadcast_in_dim3A_600 : vector<64x1xf32> to vector<64x1024xf32>
    %eq3A_602 = arith.cmpf oeq, %get3A_598, %eq3A_601 : vector<64x1024xf32>
    %jit3A_603 = arith.constant 1.024000e+03 : f32
    %broadcast_in_dim3A_604 = vector.broadcast %jit3A_603 : f32 to vector<64x1024xf32>
    %select_n3A_605 = arith.select %eq3A_602, %convert_element_type3A, %broadcast_in_dim3A_604 : vector<64x1024xi1>, vector<64x1024xf32>
    %reduce_min3A_606 = arith.constant dense<0x7F800000> : vector<64xf32>
    %reduce_min3A_607 = vector.multi_reduction <minimumf>, %select_n3A_605, %reduce_min3A_606 [1] : vector<64x1024xf32> to vector<64xf32>
    %broadcast_in_dim3A_608 = vector.shape_cast %reduce_min3A_607 : vector<64xf32> to vector<64x1xf32>
    %eq3A_609 = arith.constant 1.024000e+03 : f32
    %eq3A_610 = vector.broadcast %eq3A_609 : f32 to vector<64x1xf32>
    %eq3A_611 = arith.cmpf oeq, %broadcast_in_dim3A_595, %eq3A_610 : vector<64x1xf32>
    %select_n3A_612 = arith.select %eq3A_611, %broadcast_in_dim3A_608, %broadcast_in_dim3A_595 : vector<64x1xi1>, vector<64x1xf32>
    %eq3A_613 = vector.broadcast %select_n3A_612 : vector<64x1xf32> to vector<64x1024xf32>
    %eq3A_614 = arith.cmpf oeq, %convert_element_type3A, %eq3A_613 : vector<64x1024xf32>
    %jit3A_615 = arith.constant 0.000000e+00 : f32
    %broadcast_in_dim3A_616 = vector.shape_cast %get3A_3 : vector<1x1024xf32> to vector<1x1024xf32>
    %broadcast_in_dim3A_617 = vector.broadcast %broadcast_in_dim3A_616 : vector<1x1024xf32> to vector<64x1024xf32>
    %broadcast_in_dim3A_618 = vector.broadcast %jit3A_615 : f32 to vector<64x1024xf32>
    %select_n3A_619 = arith.select %eq3A_614, %broadcast_in_dim3A_617, %broadcast_in_dim3A_618 : vector<64x1024xi1>, vector<64x1024xf32>
    %reduce_sum3A = arith.constant dense<0.000000e+00> : vector<64xf32>
    %reduce_sum3A_620 = vector.multi_reduction <add>, %select_n3A_619, %reduce_sum3A [1] : vector<64x1024xf32> to vector<64xf32>
    %broadcast_in_dim3A_621 = vector.shape_cast %reduce_sum3A_620 : vector<64xf32> to vector<64x1xf32>
    %jit3A_622 = arith.constant 0.000000e+00 : f32
    %broadcast_in_dim3A_623 = vector.shape_cast %get3A_8 : vector<1x1024xf32> to vector<1x1024xf32>
    %broadcast_in_dim3A_624 = vector.broadcast %broadcast_in_dim3A_623 : vector<1x1024xf32> to vector<64x1024xf32>
    %broadcast_in_dim3A_625 = vector.broadcast %jit3A_622 : f32 to vector<64x1024xf32>
    %select_n3A_626 = arith.select %eq3A_614, %broadcast_in_dim3A_624, %broadcast_in_dim3A_625 : vector<64x1024xi1>, vector<64x1024xf32>
    %reduce_sum3A_627 = arith.constant dense<0.000000e+00> : vector<64xf32>
    %reduce_sum3A_628 = vector.multi_reduction <add>, %select_n3A_626, %reduce_sum3A_627 [1] : vector<64x1024xf32> to vector<64xf32>
    %broadcast_in_dim3A_629 = vector.shape_cast %reduce_sum3A_628 : vector<64xf32> to vector<64x1xf32>
    %jit3A_630 = arith.constant 0.000000e+00 : f32
    %broadcast_in_dim3A_631 = vector.shape_cast %get3A_13 : vector<1x1024xf32> to vector<1x1024xf32>
    %broadcast_in_dim3A_632 = vector.broadcast %broadcast_in_dim3A_631 : vector<1x1024xf32> to vector<64x1024xf32>
    %broadcast_in_dim3A_633 = vector.broadcast %jit3A_630 : f32 to vector<64x1024xf32>
    %select_n3A_634 = arith.select %eq3A_614, %broadcast_in_dim3A_632, %broadcast_in_dim3A_633 : vector<64x1024xi1>, vector<64x1024xf32>
    %reduce_sum3A_635 = arith.constant dense<0.000000e+00> : vector<64xf32>
    %reduce_sum3A_636 = vector.multi_reduction <add>, %select_n3A_634, %reduce_sum3A_635 [1] : vector<64x1024xf32> to vector<64xf32>
    %broadcast_in_dim3A_637 = vector.shape_cast %reduce_sum3A_636 : vector<64xf32> to vector<64x1xf32>
    %get3A_638 = arith.constant 0 : index
    %get3A_639 = arith.constant 0 : index
    %get3A_640 = arith.constant 0 : index
    %get3A_641 = vector.load %arg1[%get3A_638, %get3A_639, %get3A_640] : memref<1x1024x3xf32, #tpu.memory_space<vmem>>, vector<1x64x1xf32>
    %get3A_642 = vector.shape_cast %get3A_641 : vector<1x64x1xf32> to vector<64x1xf32>
    %get3A_643 = arith.constant 0 : index
    %get3A_644 = arith.constant 0 : index
    %get3A_645 = arith.constant 1 : index
    %get3A_646 = vector.load %arg1[%get3A_643, %get3A_644, %get3A_645] : memref<1x1024x3xf32, #tpu.memory_space<vmem>>, vector<1x64x1xf32>
    %get3A_647 = vector.shape_cast %get3A_646 : vector<1x64x1xf32> to vector<64x1xf32>
    %get3A_648 = arith.constant 0 : index
    %get3A_649 = arith.constant 0 : index
    %get3A_650 = arith.constant 2 : index
    %get3A_651 = vector.load %arg1[%get3A_648, %get3A_649, %get3A_650] : memref<1x1024x3xf32, #tpu.memory_space<vmem>>, vector<1x64x1xf32>
    %get3A_652 = vector.shape_cast %get3A_651 : vector<1x64x1xf32> to vector<64x1xf32>
    %sub3A_653 = arith.subf %get3A_642, %broadcast_in_dim3A_621 : vector<64x1xf32>
    %sub3A_654 = arith.subf %get3A_647, %broadcast_in_dim3A_629 : vector<64x1xf32>
    %sub3A_655 = arith.subf %get3A_652, %broadcast_in_dim3A_637 : vector<64x1xf32>
    %mul3A_656 = arith.mulf %sub3A_653, %sub3A_653 : vector<64x1xf32>
    %mul3A_657 = arith.mulf %sub3A_654, %sub3A_654 : vector<64x1xf32>
    %add3A_658 = arith.addf %mul3A_656, %mul3A_657 : vector<64x1xf32>
    %mul3A_659 = arith.mulf %sub3A_655, %sub3A_655 : vector<64x1xf32>
    %add3A_660 = arith.addf %add3A_658, %mul3A_659 : vector<64x1xf32>
    %max3A = arith.constant 9.99999996E-13 : f32
    %max3A_661 = vector.broadcast %max3A : f32 to vector<64x1xf32>
    %max3A_662 = arith.maximumf %add3A_660, %max3A_661 : vector<64x1xf32>
    %sqrt3A = math.sqrt %max3A_662 : vector<64x1xf32>
    %reduce_sum3A_663 = vector.shape_cast %sqrt3A : vector<64x1xf32> to vector<1x64x1xf32>
    %reduce_sum3A_664 = arith.constant dense<0.000000e+00> : vector<1xf32>
    %reduce_sum3A_665 = vector.multi_reduction <add>, %reduce_sum3A_663, %reduce_sum3A_664 [1, 2] : vector<1x64x1xf32> to vector<1xf32>
    %reduce_sum3A_666 = vector.shape_cast %reduce_sum3A_665 : vector<1xf32> to vector<1x1x1xf32>
    %reduce_sum3A_667 = vector.extract %reduce_sum3A_666[0, 0, 0] : f32 from vector<1x1x1xf32>
    %add3A_668 = vector.broadcast %reduce_sum3A_667 : f32 to vector<1x1xf32>
    %add3A_669 = arith.addf %broadcast_in_dim3A_587, %add3A_668 : vector<1x1xf32>
    %add3A_670 = arith.constant 6.400000e+01 : f32
    %add3A_671 = vector.broadcast %add3A_670 : f32 to vector<64x1xf32>
    %add3A_672 = arith.addf %convert_element_type3A_15, %add3A_671 : vector<64x1xf32>
    %eq3A_673 = vector.broadcast %get3A_585 : vector<1x1024xf32> to vector<64x1024xf32>
    %eq3A_674 = vector.broadcast %add3A_672 : vector<64x1xf32> to vector<64x1024xf32>
    %eq3A_675 = arith.cmpf oeq, %eq3A_673, %eq3A_674 : vector<64x1024xf32>
    %jit3A_676 = arith.constant 1.024000e+03 : f32
    %broadcast_in_dim3A_677 = vector.broadcast %jit3A_676 : f32 to vector<64x1024xf32>
    %select_n3A_678 = arith.select %eq3A_675, %convert_element_type3A, %broadcast_in_dim3A_677 : vector<64x1024xi1>, vector<64x1024xf32>
    %reduce_min3A_679 = arith.constant dense<0x7F800000> : vector<64xf32>
    %reduce_min3A_680 = vector.multi_reduction <minimumf>, %select_n3A_678, %reduce_min3A_679 [1] : vector<64x1024xf32> to vector<64xf32>
    %broadcast_in_dim3A_681 = vector.shape_cast %reduce_min3A_680 : vector<64xf32> to vector<64x1xf32>
    %get3A_682 = arith.constant 64 : index
    %get3A_683 = arith.constant 0 : index
    %get3A_684 = vector.load %arg4[%get3A_682, %get3A_683] : memref<1024x1024xf32, #tpu.memory_space<vmem>>, vector<64x1024xf32>
    %reduce_max3A_685 = arith.constant dense<0xFF800000> : vector<64xf32>
    %reduce_max3A_686 = vector.multi_reduction <maximumf>, %get3A_684, %reduce_max3A_685 [1] : vector<64x1024xf32> to vector<64xf32>
    %broadcast_in_dim3A_687 = vector.shape_cast %reduce_max3A_686 : vector<64xf32> to vector<64x1xf32>
    %eq3A_688 = vector.broadcast %broadcast_in_dim3A_687 : vector<64x1xf32> to vector<64x1024xf32>
    %eq3A_689 = arith.cmpf oeq, %get3A_684, %eq3A_688 : vector<64x1024xf32>
    %jit3A_690 = arith.constant 1.024000e+03 : f32
    %broadcast_in_dim3A_691 = vector.broadcast %jit3A_690 : f32 to vector<64x1024xf32>
    %select_n3A_692 = arith.select %eq3A_689, %convert_element_type3A, %broadcast_in_dim3A_691 : vector<64x1024xi1>, vector<64x1024xf32>
    %reduce_min3A_693 = arith.constant dense<0x7F800000> : vector<64xf32>
    %reduce_min3A_694 = vector.multi_reduction <minimumf>, %select_n3A_692, %reduce_min3A_693 [1] : vector<64x1024xf32> to vector<64xf32>
    %broadcast_in_dim3A_695 = vector.shape_cast %reduce_min3A_694 : vector<64xf32> to vector<64x1xf32>
    %eq3A_696 = arith.constant 1.024000e+03 : f32
    %eq3A_697 = vector.broadcast %eq3A_696 : f32 to vector<64x1xf32>
    %eq3A_698 = arith.cmpf oeq, %broadcast_in_dim3A_681, %eq3A_697 : vector<64x1xf32>
    %select_n3A_699 = arith.select %eq3A_698, %broadcast_in_dim3A_695, %broadcast_in_dim3A_681 : vector<64x1xi1>, vector<64x1xf32>
    %eq3A_700 = vector.broadcast %select_n3A_699 : vector<64x1xf32> to vector<64x1024xf32>
    %eq3A_701 = arith.cmpf oeq, %convert_element_type3A, %eq3A_700 : vector<64x1024xf32>
    %jit3A_702 = arith.constant 0.000000e+00 : f32
    %broadcast_in_dim3A_703 = vector.shape_cast %get3A_3 : vector<1x1024xf32> to vector<1x1024xf32>
    %broadcast_in_dim3A_704 = vector.broadcast %broadcast_in_dim3A_703 : vector<1x1024xf32> to vector<64x1024xf32>
    %broadcast_in_dim3A_705 = vector.broadcast %jit3A_702 : f32 to vector<64x1024xf32>
    %select_n3A_706 = arith.select %eq3A_701, %broadcast_in_dim3A_704, %broadcast_in_dim3A_705 : vector<64x1024xi1>, vector<64x1024xf32>
    %reduce_sum3A_707 = arith.constant dense<0.000000e+00> : vector<64xf32>
    %reduce_sum3A_708 = vector.multi_reduction <add>, %select_n3A_706, %reduce_sum3A_707 [1] : vector<64x1024xf32> to vector<64xf32>
    %broadcast_in_dim3A_709 = vector.shape_cast %reduce_sum3A_708 : vector<64xf32> to vector<64x1xf32>
    %jit3A_710 = arith.constant 0.000000e+00 : f32
    %broadcast_in_dim3A_711 = vector.shape_cast %get3A_8 : vector<1x1024xf32> to vector<1x1024xf32>
    %broadcast_in_dim3A_712 = vector.broadcast %broadcast_in_dim3A_711 : vector<1x1024xf32> to vector<64x1024xf32>
    %broadcast_in_dim3A_713 = vector.broadcast %jit3A_710 : f32 to vector<64x1024xf32>
    %select_n3A_714 = arith.select %eq3A_701, %broadcast_in_dim3A_712, %broadcast_in_dim3A_713 : vector<64x1024xi1>, vector<64x1024xf32>
    %reduce_sum3A_715 = arith.constant dense<0.000000e+00> : vector<64xf32>
    %reduce_sum3A_716 = vector.multi_reduction <add>, %select_n3A_714, %reduce_sum3A_715 [1] : vector<64x1024xf32> to vector<64xf32>
    %broadcast_in_dim3A_717 = vector.shape_cast %reduce_sum3A_716 : vector<64xf32> to vector<64x1xf32>
    %jit3A_718 = arith.constant 0.000000e+00 : f32
    %broadcast_in_dim3A_719 = vector.shape_cast %get3A_13 : vector<1x1024xf32> to vector<1x1024xf32>
    %broadcast_in_dim3A_720 = vector.broadcast %broadcast_in_dim3A_719 : vector<1x1024xf32> to vector<64x1024xf32>
    %broadcast_in_dim3A_721 = vector.broadcast %jit3A_718 : f32 to vector<64x1024xf32>
    %select_n3A_722 = arith.select %eq3A_701, %broadcast_in_dim3A_720, %broadcast_in_dim3A_721 : vector<64x1024xi1>, vector<64x1024xf32>
    %reduce_sum3A_723 = arith.constant dense<0.000000e+00> : vector<64xf32>
    %reduce_sum3A_724 = vector.multi_reduction <add>, %select_n3A_722, %reduce_sum3A_723 [1] : vector<64x1024xf32> to vector<64xf32>
    %broadcast_in_dim3A_725 = vector.shape_cast %reduce_sum3A_724 : vector<64xf32> to vector<64x1xf32>
    %get3A_726 = arith.constant 0 : index
    %get3A_727 = arith.constant 64 : index
    %get3A_728 = arith.constant 0 : index
    %get3A_729 = vector.load %arg1[%get3A_726, %get3A_727, %get3A_728] : memref<1x1024x3xf32, #tpu.memory_space<vmem>>, vector<1x64x1xf32>
    %get3A_730 = vector.shape_cast %get3A_729 : vector<1x64x1xf32> to vector<64x1xf32>
    %get3A_731 = arith.constant 0 : index
    %get3A_732 = arith.constant 64 : index
    %get3A_733 = arith.constant 1 : index
    %get3A_734 = vector.load %arg1[%get3A_731, %get3A_732, %get3A_733] : memref<1x1024x3xf32, #tpu.memory_space<vmem>>, vector<1x64x1xf32>
    %get3A_735 = vector.shape_cast %get3A_734 : vector<1x64x1xf32> to vector<64x1xf32>
    %get3A_736 = arith.constant 0 : index
    %get3A_737 = arith.constant 64 : index
    %get3A_738 = arith.constant 2 : index
    %get3A_739 = vector.load %arg1[%get3A_736, %get3A_737, %get3A_738] : memref<1x1024x3xf32, #tpu.memory_space<vmem>>, vector<1x64x1xf32>
    %get3A_740 = vector.shape_cast %get3A_739 : vector<1x64x1xf32> to vector<64x1xf32>
    %sub3A_741 = arith.subf %get3A_730, %broadcast_in_dim3A_709 : vector<64x1xf32>
    %sub3A_742 = arith.subf %get3A_735, %broadcast_in_dim3A_717 : vector<64x1xf32>
    %sub3A_743 = arith.subf %get3A_740, %broadcast_in_dim3A_725 : vector<64x1xf32>
    %mul3A_744 = arith.mulf %sub3A_741, %sub3A_741 : vector<64x1xf32>
    %mul3A_745 = arith.mulf %sub3A_742, %sub3A_742 : vector<64x1xf32>
    %add3A_746 = arith.addf %mul3A_744, %mul3A_745 : vector<64x1xf32>
    %mul3A_747 = arith.mulf %sub3A_743, %sub3A_743 : vector<64x1xf32>
    %add3A_748 = arith.addf %add3A_746, %mul3A_747 : vector<64x1xf32>
    %max3A_749 = arith.constant 9.99999996E-13 : f32
    %max3A_750 = vector.broadcast %max3A_749 : f32 to vector<64x1xf32>
    %max3A_751 = arith.maximumf %add3A_748, %max3A_750 : vector<64x1xf32>
    %sqrt3A_752 = math.sqrt %max3A_751 : vector<64x1xf32>
    %reduce_sum3A_753 = vector.shape_cast %sqrt3A_752 : vector<64x1xf32> to vector<1x64x1xf32>
    %reduce_sum3A_754 = arith.constant dense<0.000000e+00> : vector<1xf32>
    %reduce_sum3A_755 = vector.multi_reduction <add>, %reduce_sum3A_753, %reduce_sum3A_754 [1, 2] : vector<1x64x1xf32> to vector<1xf32>
    %reduce_sum3A_756 = vector.shape_cast %reduce_sum3A_755 : vector<1xf32> to vector<1x1x1xf32>
    %reduce_sum3A_757 = vector.extract %reduce_sum3A_756[0, 0, 0] : f32 from vector<1x1x1xf32>
    %add3A_758 = vector.broadcast %reduce_sum3A_757 : f32 to vector<1x1xf32>
    %add3A_759 = arith.addf %add3A_669, %add3A_758 : vector<1x1xf32>
    %add3A_760 = arith.constant 1.280000e+02 : f32
    %add3A_761 = vector.broadcast %add3A_760 : f32 to vector<64x1xf32>
    %add3A_762 = arith.addf %convert_element_type3A_15, %add3A_761 : vector<64x1xf32>
    %eq3A_763 = vector.broadcast %get3A_585 : vector<1x1024xf32> to vector<64x1024xf32>
    %eq3A_764 = vector.broadcast %add3A_762 : vector<64x1xf32> to vector<64x1024xf32>
    %eq3A_765 = arith.cmpf oeq, %eq3A_763, %eq3A_764 : vector<64x1024xf32>
    %jit3A_766 = arith.constant 1.024000e+03 : f32
    %broadcast_in_dim3A_767 = vector.broadcast %jit3A_766 : f32 to vector<64x1024xf32>
    %select_n3A_768 = arith.select %eq3A_765, %convert_element_type3A, %broadcast_in_dim3A_767 : vector<64x1024xi1>, vector<64x1024xf32>
    %reduce_min3A_769 = arith.constant dense<0x7F800000> : vector<64xf32>
    %reduce_min3A_770 = vector.multi_reduction <minimumf>, %select_n3A_768, %reduce_min3A_769 [1] : vector<64x1024xf32> to vector<64xf32>
    %broadcast_in_dim3A_771 = vector.shape_cast %reduce_min3A_770 : vector<64xf32> to vector<64x1xf32>
    %get3A_772 = arith.constant 128 : index
    %get3A_773 = arith.constant 0 : index
    %get3A_774 = vector.load %arg4[%get3A_772, %get3A_773] : memref<1024x1024xf32, #tpu.memory_space<vmem>>, vector<64x1024xf32>
    %reduce_max3A_775 = arith.constant dense<0xFF800000> : vector<64xf32>
    %reduce_max3A_776 = vector.multi_reduction <maximumf>, %get3A_774, %reduce_max3A_775 [1] : vector<64x1024xf32> to vector<64xf32>
    %broadcast_in_dim3A_777 = vector.shape_cast %reduce_max3A_776 : vector<64xf32> to vector<64x1xf32>
    %eq3A_778 = vector.broadcast %broadcast_in_dim3A_777 : vector<64x1xf32> to vector<64x1024xf32>
    %eq3A_779 = arith.cmpf oeq, %get3A_774, %eq3A_778 : vector<64x1024xf32>
    %jit3A_780 = arith.constant 1.024000e+03 : f32
    %broadcast_in_dim3A_781 = vector.broadcast %jit3A_780 : f32 to vector<64x1024xf32>
    %select_n3A_782 = arith.select %eq3A_779, %convert_element_type3A, %broadcast_in_dim3A_781 : vector<64x1024xi1>, vector<64x1024xf32>
    %reduce_min3A_783 = arith.constant dense<0x7F800000> : vector<64xf32>
    %reduce_min3A_784 = vector.multi_reduction <minimumf>, %select_n3A_782, %reduce_min3A_783 [1] : vector<64x1024xf32> to vector<64xf32>
    %broadcast_in_dim3A_785 = vector.shape_cast %reduce_min3A_784 : vector<64xf32> to vector<64x1xf32>
    %eq3A_786 = arith.constant 1.024000e+03 : f32
    %eq3A_787 = vector.broadcast %eq3A_786 : f32 to vector<64x1xf32>
    %eq3A_788 = arith.cmpf oeq, %broadcast_in_dim3A_771, %eq3A_787 : vector<64x1xf32>
    %select_n3A_789 = arith.select %eq3A_788, %broadcast_in_dim3A_785, %broadcast_in_dim3A_771 : vector<64x1xi1>, vector<64x1xf32>
    %eq3A_790 = vector.broadcast %select_n3A_789 : vector<64x1xf32> to vector<64x1024xf32>
    %eq3A_791 = arith.cmpf oeq, %convert_element_type3A, %eq3A_790 : vector<64x1024xf32>
    %jit3A_792 = arith.constant 0.000000e+00 : f32
    %broadcast_in_dim3A_793 = vector.shape_cast %get3A_3 : vector<1x1024xf32> to vector<1x1024xf32>
    %broadcast_in_dim3A_794 = vector.broadcast %broadcast_in_dim3A_793 : vector<1x1024xf32> to vector<64x1024xf32>
    %broadcast_in_dim3A_795 = vector.broadcast %jit3A_792 : f32 to vector<64x1024xf32>
    %select_n3A_796 = arith.select %eq3A_791, %broadcast_in_dim3A_794, %broadcast_in_dim3A_795 : vector<64x1024xi1>, vector<64x1024xf32>
    %reduce_sum3A_797 = arith.constant dense<0.000000e+00> : vector<64xf32>
    %reduce_sum3A_798 = vector.multi_reduction <add>, %select_n3A_796, %reduce_sum3A_797 [1] : vector<64x1024xf32> to vector<64xf32>
    %broadcast_in_dim3A_799 = vector.shape_cast %reduce_sum3A_798 : vector<64xf32> to vector<64x1xf32>
    %jit3A_800 = arith.constant 0.000000e+00 : f32
    %broadcast_in_dim3A_801 = vector.shape_cast %get3A_8 : vector<1x1024xf32> to vector<1x1024xf32>
    %broadcast_in_dim3A_802 = vector.broadcast %broadcast_in_dim3A_801 : vector<1x1024xf32> to vector<64x1024xf32>
    %broadcast_in_dim3A_803 = vector.broadcast %jit3A_800 : f32 to vector<64x1024xf32>
    %select_n3A_804 = arith.select %eq3A_791, %broadcast_in_dim3A_802, %broadcast_in_dim3A_803 : vector<64x1024xi1>, vector<64x1024xf32>
    %reduce_sum3A_805 = arith.constant dense<0.000000e+00> : vector<64xf32>
    %reduce_sum3A_806 = vector.multi_reduction <add>, %select_n3A_804, %reduce_sum3A_805 [1] : vector<64x1024xf32> to vector<64xf32>
    %broadcast_in_dim3A_807 = vector.shape_cast %reduce_sum3A_806 : vector<64xf32> to vector<64x1xf32>
    %jit3A_808 = arith.constant 0.000000e+00 : f32
    %broadcast_in_dim3A_809 = vector.shape_cast %get3A_13 : vector<1x1024xf32> to vector<1x1024xf32>
    %broadcast_in_dim3A_810 = vector.broadcast %broadcast_in_dim3A_809 : vector<1x1024xf32> to vector<64x1024xf32>
    %broadcast_in_dim3A_811 = vector.broadcast %jit3A_808 : f32 to vector<64x1024xf32>
    %select_n3A_812 = arith.select %eq3A_791, %broadcast_in_dim3A_810, %broadcast_in_dim3A_811 : vector<64x1024xi1>, vector<64x1024xf32>
    %reduce_sum3A_813 = arith.constant dense<0.000000e+00> : vector<64xf32>
    %reduce_sum3A_814 = vector.multi_reduction <add>, %select_n3A_812, %reduce_sum3A_813 [1] : vector<64x1024xf32> to vector<64xf32>
    %broadcast_in_dim3A_815 = vector.shape_cast %reduce_sum3A_814 : vector<64xf32> to vector<64x1xf32>
    %get3A_816 = arith.constant 0 : index
    %get3A_817 = arith.constant 128 : index
    %get3A_818 = arith.constant 0 : index
    %get3A_819 = vector.load %arg1[%get3A_816, %get3A_817, %get3A_818] : memref<1x1024x3xf32, #tpu.memory_space<vmem>>, vector<1x64x1xf32>
    %get3A_820 = vector.shape_cast %get3A_819 : vector<1x64x1xf32> to vector<64x1xf32>
    %get3A_821 = arith.constant 0 : index
    %get3A_822 = arith.constant 128 : index
    %get3A_823 = arith.constant 1 : index
    %get3A_824 = vector.load %arg1[%get3A_821, %get3A_822, %get3A_823] : memref<1x1024x3xf32, #tpu.memory_space<vmem>>, vector<1x64x1xf32>
    %get3A_825 = vector.shape_cast %get3A_824 : vector<1x64x1xf32> to vector<64x1xf32>
    %get3A_826 = arith.constant 0 : index
    %get3A_827 = arith.constant 128 : index
    %get3A_828 = arith.constant 2 : index
    %get3A_829 = vector.load %arg1[%get3A_826, %get3A_827, %get3A_828] : memref<1x1024x3xf32, #tpu.memory_space<vmem>>, vector<1x64x1xf32>
    %get3A_830 = vector.shape_cast %get3A_829 : vector<1x64x1xf32> to vector<64x1xf32>
    %sub3A_831 = arith.subf %get3A_820, %broadcast_in_dim3A_799 : vector<64x1xf32>
    %sub3A_832 = arith.subf %get3A_825, %broadcast_in_dim3A_807 : vector<64x1xf32>
    %sub3A_833 = arith.subf %get3A_830, %broadcast_in_dim3A_815 : vector<64x1xf32>
    %mul3A_834 = arith.mulf %sub3A_831, %sub3A_831 : vector<64x1xf32>
    %mul3A_835 = arith.mulf %sub3A_832, %sub3A_832 : vector<64x1xf32>
    %add3A_836 = arith.addf %mul3A_834, %mul3A_835 : vector<64x1xf32>
    %mul3A_837 = arith.mulf %sub3A_833, %sub3A_833 : vector<64x1xf32>
    %add3A_838 = arith.addf %add3A_836, %mul3A_837 : vector<64x1xf32>
    %max3A_839 = arith.constant 9.99999996E-13 : f32
    %max3A_840 = vector.broadcast %max3A_839 : f32 to vector<64x1xf32>
    %max3A_841 = arith.maximumf %add3A_838, %max3A_840 : vector<64x1xf32>
    %sqrt3A_842 = math.sqrt %max3A_841 : vector<64x1xf32>
    %reduce_sum3A_843 = vector.shape_cast %sqrt3A_842 : vector<64x1xf32> to vector<1x64x1xf32>
    %reduce_sum3A_844 = arith.constant dense<0.000000e+00> : vector<1xf32>
    %reduce_sum3A_845 = vector.multi_reduction <add>, %reduce_sum3A_843, %reduce_sum3A_844 [1, 2] : vector<1x64x1xf32> to vector<1xf32>
    %reduce_sum3A_846 = vector.shape_cast %reduce_sum3A_845 : vector<1xf32> to vector<1x1x1xf32>
    %reduce_sum3A_847 = vector.extract %reduce_sum3A_846[0, 0, 0] : f32 from vector<1x1x1xf32>
    %add3A_848 = vector.broadcast %reduce_sum3A_847 : f32 to vector<1x1xf32>
    %add3A_849 = arith.addf %add3A_759, %add3A_848 : vector<1x1xf32>
    %add3A_850 = arith.constant 1.920000e+02 : f32
    %add3A_851 = vector.broadcast %add3A_850 : f32 to vector<64x1xf32>
    %add3A_852 = arith.addf %convert_element_type3A_15, %add3A_851 : vector<64x1xf32>
    %eq3A_853 = vector.broadcast %get3A_585 : vector<1x1024xf32> to vector<64x1024xf32>
    %eq3A_854 = vector.broadcast %add3A_852 : vector<64x1xf32> to vector<64x1024xf32>
    %eq3A_855 = arith.cmpf oeq, %eq3A_853, %eq3A_854 : vector<64x1024xf32>
    %jit3A_856 = arith.constant 1.024000e+03 : f32
    %broadcast_in_dim3A_857 = vector.broadcast %jit3A_856 : f32 to vector<64x1024xf32>
    %select_n3A_858 = arith.select %eq3A_855, %convert_element_type3A, %broadcast_in_dim3A_857 : vector<64x1024xi1>, vector<64x1024xf32>
    %reduce_min3A_859 = arith.constant dense<0x7F800000> : vector<64xf32>
    %reduce_min3A_860 = vector.multi_reduction <minimumf>, %select_n3A_858, %reduce_min3A_859 [1] : vector<64x1024xf32> to vector<64xf32>
    %broadcast_in_dim3A_861 = vector.shape_cast %reduce_min3A_860 : vector<64xf32> to vector<64x1xf32>
    %get3A_862 = arith.constant 192 : index
    %get3A_863 = arith.constant 0 : index
    %get3A_864 = vector.load %arg4[%get3A_862, %get3A_863] : memref<1024x1024xf32, #tpu.memory_space<vmem>>, vector<64x1024xf32>
    %reduce_max3A_865 = arith.constant dense<0xFF800000> : vector<64xf32>
    %reduce_max3A_866 = vector.multi_reduction <maximumf>, %get3A_864, %reduce_max3A_865 [1] : vector<64x1024xf32> to vector<64xf32>
    %broadcast_in_dim3A_867 = vector.shape_cast %reduce_max3A_866 : vector<64xf32> to vector<64x1xf32>
    %eq3A_868 = vector.broadcast %broadcast_in_dim3A_867 : vector<64x1xf32> to vector<64x1024xf32>
    %eq3A_869 = arith.cmpf oeq, %get3A_864, %eq3A_868 : vector<64x1024xf32>
    %jit3A_870 = arith.constant 1.024000e+03 : f32
    %broadcast_in_dim3A_871 = vector.broadcast %jit3A_870 : f32 to vector<64x1024xf32>
    %select_n3A_872 = arith.select %eq3A_869, %convert_element_type3A, %broadcast_in_dim3A_871 : vector<64x1024xi1>, vector<64x1024xf32>
    %reduce_min3A_873 = arith.constant dense<0x7F800000> : vector<64xf32>
    %reduce_min3A_874 = vector.multi_reduction <minimumf>, %select_n3A_872, %reduce_min3A_873 [1] : vector<64x1024xf32> to vector<64xf32>
    %broadcast_in_dim3A_875 = vector.shape_cast %reduce_min3A_874 : vector<64xf32> to vector<64x1xf32>
    %eq3A_876 = arith.constant 1.024000e+03 : f32
    %eq3A_877 = vector.broadcast %eq3A_876 : f32 to vector<64x1xf32>
    %eq3A_878 = arith.cmpf oeq, %broadcast_in_dim3A_861, %eq3A_877 : vector<64x1xf32>
    %select_n3A_879 = arith.select %eq3A_878, %broadcast_in_dim3A_875, %broadcast_in_dim3A_861 : vector<64x1xi1>, vector<64x1xf32>
    %eq3A_880 = vector.broadcast %select_n3A_879 : vector<64x1xf32> to vector<64x1024xf32>
    %eq3A_881 = arith.cmpf oeq, %convert_element_type3A, %eq3A_880 : vector<64x1024xf32>
    %jit3A_882 = arith.constant 0.000000e+00 : f32
    %broadcast_in_dim3A_883 = vector.shape_cast %get3A_3 : vector<1x1024xf32> to vector<1x1024xf32>
    %broadcast_in_dim3A_884 = vector.broadcast %broadcast_in_dim3A_883 : vector<1x1024xf32> to vector<64x1024xf32>
    %broadcast_in_dim3A_885 = vector.broadcast %jit3A_882 : f32 to vector<64x1024xf32>
    %select_n3A_886 = arith.select %eq3A_881, %broadcast_in_dim3A_884, %broadcast_in_dim3A_885 : vector<64x1024xi1>, vector<64x1024xf32>
    %reduce_sum3A_887 = arith.constant dense<0.000000e+00> : vector<64xf32>
    %reduce_sum3A_888 = vector.multi_reduction <add>, %select_n3A_886, %reduce_sum3A_887 [1] : vector<64x1024xf32> to vector<64xf32>
    %broadcast_in_dim3A_889 = vector.shape_cast %reduce_sum3A_888 : vector<64xf32> to vector<64x1xf32>
    %jit3A_890 = arith.constant 0.000000e+00 : f32
    %broadcast_in_dim3A_891 = vector.shape_cast %get3A_8 : vector<1x1024xf32> to vector<1x1024xf32>
    %broadcast_in_dim3A_892 = vector.broadcast %broadcast_in_dim3A_891 : vector<1x1024xf32> to vector<64x1024xf32>
    %broadcast_in_dim3A_893 = vector.broadcast %jit3A_890 : f32 to vector<64x1024xf32>
    %select_n3A_894 = arith.select %eq3A_881, %broadcast_in_dim3A_892, %broadcast_in_dim3A_893 : vector<64x1024xi1>, vector<64x1024xf32>
    %reduce_sum3A_895 = arith.constant dense<0.000000e+00> : vector<64xf32>
    %reduce_sum3A_896 = vector.multi_reduction <add>, %select_n3A_894, %reduce_sum3A_895 [1] : vector<64x1024xf32> to vector<64xf32>
    %broadcast_in_dim3A_897 = vector.shape_cast %reduce_sum3A_896 : vector<64xf32> to vector<64x1xf32>
    %jit3A_898 = arith.constant 0.000000e+00 : f32
    %broadcast_in_dim3A_899 = vector.shape_cast %get3A_13 : vector<1x1024xf32> to vector<1x1024xf32>
    %broadcast_in_dim3A_900 = vector.broadcast %broadcast_in_dim3A_899 : vector<1x1024xf32> to vector<64x1024xf32>
    %broadcast_in_dim3A_901 = vector.broadcast %jit3A_898 : f32 to vector<64x1024xf32>
    %select_n3A_902 = arith.select %eq3A_881, %broadcast_in_dim3A_900, %broadcast_in_dim3A_901 : vector<64x1024xi1>, vector<64x1024xf32>
    %reduce_sum3A_903 = arith.constant dense<0.000000e+00> : vector<64xf32>
    %reduce_sum3A_904 = vector.multi_reduction <add>, %select_n3A_902, %reduce_sum3A_903 [1] : vector<64x1024xf32> to vector<64xf32>
    %broadcast_in_dim3A_905 = vector.shape_cast %reduce_sum3A_904 : vector<64xf32> to vector<64x1xf32>
    %get3A_906 = arith.constant 0 : index
    %get3A_907 = arith.constant 192 : index
    %get3A_908 = arith.constant 0 : index
    %get3A_909 = vector.load %arg1[%get3A_906, %get3A_907, %get3A_908] : memref<1x1024x3xf32, #tpu.memory_space<vmem>>, vector<1x64x1xf32>
    %get3A_910 = vector.shape_cast %get3A_909 : vector<1x64x1xf32> to vector<64x1xf32>
    %get3A_911 = arith.constant 0 : index
    %get3A_912 = arith.constant 192 : index
    %get3A_913 = arith.constant 1 : index
    %get3A_914 = vector.load %arg1[%get3A_911, %get3A_912, %get3A_913] : memref<1x1024x3xf32, #tpu.memory_space<vmem>>, vector<1x64x1xf32>
    %get3A_915 = vector.shape_cast %get3A_914 : vector<1x64x1xf32> to vector<64x1xf32>
    %get3A_916 = arith.constant 0 : index
    %get3A_917 = arith.constant 192 : index
    %get3A_918 = arith.constant 2 : index
    %get3A_919 = vector.load %arg1[%get3A_916, %get3A_917, %get3A_918] : memref<1x1024x3xf32, #tpu.memory_space<vmem>>, vector<1x64x1xf32>
    %get3A_920 = vector.shape_cast %get3A_919 : vector<1x64x1xf32> to vector<64x1xf32>
    %sub3A_921 = arith.subf %get3A_910, %broadcast_in_dim3A_889 : vector<64x1xf32>
    %sub3A_922 = arith.subf %get3A_915, %broadcast_in_dim3A_897 : vector<64x1xf32>
    %sub3A_923 = arith.subf %get3A_920, %broadcast_in_dim3A_905 : vector<64x1xf32>
    %mul3A_924 = arith.mulf %sub3A_921, %sub3A_921 : vector<64x1xf32>
    %mul3A_925 = arith.mulf %sub3A_922, %sub3A_922 : vector<64x1xf32>
    %add3A_926 = arith.addf %mul3A_924, %mul3A_925 : vector<64x1xf32>
    %mul3A_927 = arith.mulf %sub3A_923, %sub3A_923 : vector<64x1xf32>
    %add3A_928 = arith.addf %add3A_926, %mul3A_927 : vector<64x1xf32>
    %max3A_929 = arith.constant 9.99999996E-13 : f32
    %max3A_930 = vector.broadcast %max3A_929 : f32 to vector<64x1xf32>
    %max3A_931 = arith.maximumf %add3A_928, %max3A_930 : vector<64x1xf32>
    %sqrt3A_932 = math.sqrt %max3A_931 : vector<64x1xf32>
    %reduce_sum3A_933 = vector.shape_cast %sqrt3A_932 : vector<64x1xf32> to vector<1x64x1xf32>
    %reduce_sum3A_934 = arith.constant dense<0.000000e+00> : vector<1xf32>
    %reduce_sum3A_935 = vector.multi_reduction <add>, %reduce_sum3A_933, %reduce_sum3A_934 [1, 2] : vector<1x64x1xf32> to vector<1xf32>
    %reduce_sum3A_936 = vector.shape_cast %reduce_sum3A_935 : vector<1xf32> to vector<1x1x1xf32>
    %reduce_sum3A_937 = vector.extract %reduce_sum3A_936[0, 0, 0] : f32 from vector<1x1x1xf32>
    %add3A_938 = vector.broadcast %reduce_sum3A_937 : f32 to vector<1x1xf32>
    %add3A_939 = arith.addf %add3A_849, %add3A_938 : vector<1x1xf32>
    %add3A_940 = arith.constant 2.560000e+02 : f32
    %add3A_941 = vector.broadcast %add3A_940 : f32 to vector<64x1xf32>
    %add3A_942 = arith.addf %convert_element_type3A_15, %add3A_941 : vector<64x1xf32>
    %eq3A_943 = vector.broadcast %get3A_585 : vector<1x1024xf32> to vector<64x1024xf32>
    %eq3A_944 = vector.broadcast %add3A_942 : vector<64x1xf32> to vector<64x1024xf32>
    %eq3A_945 = arith.cmpf oeq, %eq3A_943, %eq3A_944 : vector<64x1024xf32>
    %jit3A_946 = arith.constant 1.024000e+03 : f32
    %broadcast_in_dim3A_947 = vector.broadcast %jit3A_946 : f32 to vector<64x1024xf32>
    %select_n3A_948 = arith.select %eq3A_945, %convert_element_type3A, %broadcast_in_dim3A_947 : vector<64x1024xi1>, vector<64x1024xf32>
    %reduce_min3A_949 = arith.constant dense<0x7F800000> : vector<64xf32>
    %reduce_min3A_950 = vector.multi_reduction <minimumf>, %select_n3A_948, %reduce_min3A_949 [1] : vector<64x1024xf32> to vector<64xf32>
    %broadcast_in_dim3A_951 = vector.shape_cast %reduce_min3A_950 : vector<64xf32> to vector<64x1xf32>
    %get3A_952 = arith.constant 256 : index
    %get3A_953 = arith.constant 0 : index
    %get3A_954 = vector.load %arg4[%get3A_952, %get3A_953] : memref<1024x1024xf32, #tpu.memory_space<vmem>>, vector<64x1024xf32>
    %reduce_max3A_955 = arith.constant dense<0xFF800000> : vector<64xf32>
    %reduce_max3A_956 = vector.multi_reduction <maximumf>, %get3A_954, %reduce_max3A_955 [1] : vector<64x1024xf32> to vector<64xf32>
    %broadcast_in_dim3A_957 = vector.shape_cast %reduce_max3A_956 : vector<64xf32> to vector<64x1xf32>
    %eq3A_958 = vector.broadcast %broadcast_in_dim3A_957 : vector<64x1xf32> to vector<64x1024xf32>
    %eq3A_959 = arith.cmpf oeq, %get3A_954, %eq3A_958 : vector<64x1024xf32>
    %jit3A_960 = arith.constant 1.024000e+03 : f32
    %broadcast_in_dim3A_961 = vector.broadcast %jit3A_960 : f32 to vector<64x1024xf32>
    %select_n3A_962 = arith.select %eq3A_959, %convert_element_type3A, %broadcast_in_dim3A_961 : vector<64x1024xi1>, vector<64x1024xf32>
    %reduce_min3A_963 = arith.constant dense<0x7F800000> : vector<64xf32>
    %reduce_min3A_964 = vector.multi_reduction <minimumf>, %select_n3A_962, %reduce_min3A_963 [1] : vector<64x1024xf32> to vector<64xf32>
    %broadcast_in_dim3A_965 = vector.shape_cast %reduce_min3A_964 : vector<64xf32> to vector<64x1xf32>
    %eq3A_966 = arith.constant 1.024000e+03 : f32
    %eq3A_967 = vector.broadcast %eq3A_966 : f32 to vector<64x1xf32>
    %eq3A_968 = arith.cmpf oeq, %broadcast_in_dim3A_951, %eq3A_967 : vector<64x1xf32>
    %select_n3A_969 = arith.select %eq3A_968, %broadcast_in_dim3A_965, %broadcast_in_dim3A_951 : vector<64x1xi1>, vector<64x1xf32>
    %eq3A_970 = vector.broadcast %select_n3A_969 : vector<64x1xf32> to vector<64x1024xf32>
    %eq3A_971 = arith.cmpf oeq, %convert_element_type3A, %eq3A_970 : vector<64x1024xf32>
    %jit3A_972 = arith.constant 0.000000e+00 : f32
    %broadcast_in_dim3A_973 = vector.shape_cast %get3A_3 : vector<1x1024xf32> to vector<1x1024xf32>
    %broadcast_in_dim3A_974 = vector.broadcast %broadcast_in_dim3A_973 : vector<1x1024xf32> to vector<64x1024xf32>
    %broadcast_in_dim3A_975 = vector.broadcast %jit3A_972 : f32 to vector<64x1024xf32>
    %select_n3A_976 = arith.select %eq3A_971, %broadcast_in_dim3A_974, %broadcast_in_dim3A_975 : vector<64x1024xi1>, vector<64x1024xf32>
    %reduce_sum3A_977 = arith.constant dense<0.000000e+00> : vector<64xf32>
    %reduce_sum3A_978 = vector.multi_reduction <add>, %select_n3A_976, %reduce_sum3A_977 [1] : vector<64x1024xf32> to vector<64xf32>
    %broadcast_in_dim3A_979 = vector.shape_cast %reduce_sum3A_978 : vector<64xf32> to vector<64x1xf32>
    %jit3A_980 = arith.constant 0.000000e+00 : f32
    %broadcast_in_dim3A_981 = vector.shape_cast %get3A_8 : vector<1x1024xf32> to vector<1x1024xf32>
    %broadcast_in_dim3A_982 = vector.broadcast %broadcast_in_dim3A_981 : vector<1x1024xf32> to vector<64x1024xf32>
    %broadcast_in_dim3A_983 = vector.broadcast %jit3A_980 : f32 to vector<64x1024xf32>
    %select_n3A_984 = arith.select %eq3A_971, %broadcast_in_dim3A_982, %broadcast_in_dim3A_983 : vector<64x1024xi1>, vector<64x1024xf32>
    %reduce_sum3A_985 = arith.constant dense<0.000000e+00> : vector<64xf32>
    %reduce_sum3A_986 = vector.multi_reduction <add>, %select_n3A_984, %reduce_sum3A_985 [1] : vector<64x1024xf32> to vector<64xf32>
    %broadcast_in_dim3A_987 = vector.shape_cast %reduce_sum3A_986 : vector<64xf32> to vector<64x1xf32>
    %jit3A_988 = arith.constant 0.000000e+00 : f32
    %broadcast_in_dim3A_989 = vector.shape_cast %get3A_13 : vector<1x1024xf32> to vector<1x1024xf32>
    %broadcast_in_dim3A_990 = vector.broadcast %broadcast_in_dim3A_989 : vector<1x1024xf32> to vector<64x1024xf32>
    %broadcast_in_dim3A_991 = vector.broadcast %jit3A_988 : f32 to vector<64x1024xf32>
    %select_n3A_992 = arith.select %eq3A_971, %broadcast_in_dim3A_990, %broadcast_in_dim3A_991 : vector<64x1024xi1>, vector<64x1024xf32>
    %reduce_sum3A_993 = arith.constant dense<0.000000e+00> : vector<64xf32>
    %reduce_sum3A_994 = vector.multi_reduction <add>, %select_n3A_992, %reduce_sum3A_993 [1] : vector<64x1024xf32> to vector<64xf32>
    %broadcast_in_dim3A_995 = vector.shape_cast %reduce_sum3A_994 : vector<64xf32> to vector<64x1xf32>
    %get3A_996 = arith.constant 0 : index
    %get3A_997 = arith.constant 256 : index
    %get3A_998 = arith.constant 0 : index
    %get3A_999 = vector.load %arg1[%get3A_996, %get3A_997, %get3A_998] : memref<1x1024x3xf32, #tpu.memory_space<vmem>>, vector<1x64x1xf32>
    %get3A_1000 = vector.shape_cast %get3A_999 : vector<1x64x1xf32> to vector<64x1xf32>
    %get3A_1001 = arith.constant 0 : index
    %get3A_1002 = arith.constant 256 : index
    %get3A_1003 = arith.constant 1 : index
    %get3A_1004 = vector.load %arg1[%get3A_1001, %get3A_1002, %get3A_1003] : memref<1x1024x3xf32, #tpu.memory_space<vmem>>, vector<1x64x1xf32>
    %get3A_1005 = vector.shape_cast %get3A_1004 : vector<1x64x1xf32> to vector<64x1xf32>
    %get3A_1006 = arith.constant 0 : index
    %get3A_1007 = arith.constant 256 : index
    %get3A_1008 = arith.constant 2 : index
    %get3A_1009 = vector.load %arg1[%get3A_1006, %get3A_1007, %get3A_1008] : memref<1x1024x3xf32, #tpu.memory_space<vmem>>, vector<1x64x1xf32>
    %get3A_1010 = vector.shape_cast %get3A_1009 : vector<1x64x1xf32> to vector<64x1xf32>
    %sub3A_1011 = arith.subf %get3A_1000, %broadcast_in_dim3A_979 : vector<64x1xf32>
    %sub3A_1012 = arith.subf %get3A_1005, %broadcast_in_dim3A_987 : vector<64x1xf32>
    %sub3A_1013 = arith.subf %get3A_1010, %broadcast_in_dim3A_995 : vector<64x1xf32>
    %mul3A_1014 = arith.mulf %sub3A_1011, %sub3A_1011 : vector<64x1xf32>
    %mul3A_1015 = arith.mulf %sub3A_1012, %sub3A_1012 : vector<64x1xf32>
    %add3A_1016 = arith.addf %mul3A_1014, %mul3A_1015 : vector<64x1xf32>
    %mul3A_1017 = arith.mulf %sub3A_1013, %sub3A_1013 : vector<64x1xf32>
    %add3A_1018 = arith.addf %add3A_1016, %mul3A_1017 : vector<64x1xf32>
    %max3A_1019 = arith.constant 9.99999996E-13 : f32
    %max3A_1020 = vector.broadcast %max3A_1019 : f32 to vector<64x1xf32>
    %max3A_1021 = arith.maximumf %add3A_1018, %max3A_1020 : vector<64x1xf32>
    %sqrt3A_1022 = math.sqrt %max3A_1021 : vector<64x1xf32>
    %reduce_sum3A_1023 = vector.shape_cast %sqrt3A_1022 : vector<64x1xf32> to vector<1x64x1xf32>
    %reduce_sum3A_1024 = arith.constant dense<0.000000e+00> : vector<1xf32>
    %reduce_sum3A_1025 = vector.multi_reduction <add>, %reduce_sum3A_1023, %reduce_sum3A_1024 [1, 2] : vector<1x64x1xf32> to vector<1xf32>
    %reduce_sum3A_1026 = vector.shape_cast %reduce_sum3A_1025 : vector<1xf32> to vector<1x1x1xf32>
    %reduce_sum3A_1027 = vector.extract %reduce_sum3A_1026[0, 0, 0] : f32 from vector<1x1x1xf32>
    %add3A_1028 = vector.broadcast %reduce_sum3A_1027 : f32 to vector<1x1xf32>
    %add3A_1029 = arith.addf %add3A_939, %add3A_1028 : vector<1x1xf32>
    %add3A_1030 = arith.constant 3.200000e+02 : f32
    %add3A_1031 = vector.broadcast %add3A_1030 : f32 to vector<64x1xf32>
    %add3A_1032 = arith.addf %convert_element_type3A_15, %add3A_1031 : vector<64x1xf32>
    %eq3A_1033 = vector.broadcast %get3A_585 : vector<1x1024xf32> to vector<64x1024xf32>
    %eq3A_1034 = vector.broadcast %add3A_1032 : vector<64x1xf32> to vector<64x1024xf32>
    %eq3A_1035 = arith.cmpf oeq, %eq3A_1033, %eq3A_1034 : vector<64x1024xf32>
    %jit3A_1036 = arith.constant 1.024000e+03 : f32
    %broadcast_in_dim3A_1037 = vector.broadcast %jit3A_1036 : f32 to vector<64x1024xf32>
    %select_n3A_1038 = arith.select %eq3A_1035, %convert_element_type3A, %broadcast_in_dim3A_1037 : vector<64x1024xi1>, vector<64x1024xf32>
    %reduce_min3A_1039 = arith.constant dense<0x7F800000> : vector<64xf32>
    %reduce_min3A_1040 = vector.multi_reduction <minimumf>, %select_n3A_1038, %reduce_min3A_1039 [1] : vector<64x1024xf32> to vector<64xf32>
    %broadcast_in_dim3A_1041 = vector.shape_cast %reduce_min3A_1040 : vector<64xf32> to vector<64x1xf32>
    %get3A_1042 = arith.constant 320 : index
    %get3A_1043 = arith.constant 0 : index
    %get3A_1044 = vector.load %arg4[%get3A_1042, %get3A_1043] : memref<1024x1024xf32, #tpu.memory_space<vmem>>, vector<64x1024xf32>
    %reduce_max3A_1045 = arith.constant dense<0xFF800000> : vector<64xf32>
    %reduce_max3A_1046 = vector.multi_reduction <maximumf>, %get3A_1044, %reduce_max3A_1045 [1] : vector<64x1024xf32> to vector<64xf32>
    %broadcast_in_dim3A_1047 = vector.shape_cast %reduce_max3A_1046 : vector<64xf32> to vector<64x1xf32>
    %eq3A_1048 = vector.broadcast %broadcast_in_dim3A_1047 : vector<64x1xf32> to vector<64x1024xf32>
    %eq3A_1049 = arith.cmpf oeq, %get3A_1044, %eq3A_1048 : vector<64x1024xf32>
    %jit3A_1050 = arith.constant 1.024000e+03 : f32
    %broadcast_in_dim3A_1051 = vector.broadcast %jit3A_1050 : f32 to vector<64x1024xf32>
    %select_n3A_1052 = arith.select %eq3A_1049, %convert_element_type3A, %broadcast_in_dim3A_1051 : vector<64x1024xi1>, vector<64x1024xf32>
    %reduce_min3A_1053 = arith.constant dense<0x7F800000> : vector<64xf32>
    %reduce_min3A_1054 = vector.multi_reduction <minimumf>, %select_n3A_1052, %reduce_min3A_1053 [1] : vector<64x1024xf32> to vector<64xf32>
    %broadcast_in_dim3A_1055 = vector.shape_cast %reduce_min3A_1054 : vector<64xf32> to vector<64x1xf32>
    %eq3A_1056 = arith.constant 1.024000e+03 : f32
    %eq3A_1057 = vector.broadcast %eq3A_1056 : f32 to vector<64x1xf32>
    %eq3A_1058 = arith.cmpf oeq, %broadcast_in_dim3A_1041, %eq3A_1057 : vector<64x1xf32>
    %select_n3A_1059 = arith.select %eq3A_1058, %broadcast_in_dim3A_1055, %broadcast_in_dim3A_1041 : vector<64x1xi1>, vector<64x1xf32>
    %eq3A_1060 = vector.broadcast %select_n3A_1059 : vector<64x1xf32> to vector<64x1024xf32>
    %eq3A_1061 = arith.cmpf oeq, %convert_element_type3A, %eq3A_1060 : vector<64x1024xf32>
    %jit3A_1062 = arith.constant 0.000000e+00 : f32
    %broadcast_in_dim3A_1063 = vector.shape_cast %get3A_3 : vector<1x1024xf32> to vector<1x1024xf32>
    %broadcast_in_dim3A_1064 = vector.broadcast %broadcast_in_dim3A_1063 : vector<1x1024xf32> to vector<64x1024xf32>
    %broadcast_in_dim3A_1065 = vector.broadcast %jit3A_1062 : f32 to vector<64x1024xf32>
    %select_n3A_1066 = arith.select %eq3A_1061, %broadcast_in_dim3A_1064, %broadcast_in_dim3A_1065 : vector<64x1024xi1>, vector<64x1024xf32>
    %reduce_sum3A_1067 = arith.constant dense<0.000000e+00> : vector<64xf32>
    %reduce_sum3A_1068 = vector.multi_reduction <add>, %select_n3A_1066, %reduce_sum3A_1067 [1] : vector<64x1024xf32> to vector<64xf32>
    %broadcast_in_dim3A_1069 = vector.shape_cast %reduce_sum3A_1068 : vector<64xf32> to vector<64x1xf32>
    %jit3A_1070 = arith.constant 0.000000e+00 : f32
    %broadcast_in_dim3A_1071 = vector.shape_cast %get3A_8 : vector<1x1024xf32> to vector<1x1024xf32>
    %broadcast_in_dim3A_1072 = vector.broadcast %broadcast_in_dim3A_1071 : vector<1x1024xf32> to vector<64x1024xf32>
    %broadcast_in_dim3A_1073 = vector.broadcast %jit3A_1070 : f32 to vector<64x1024xf32>
    %select_n3A_1074 = arith.select %eq3A_1061, %broadcast_in_dim3A_1072, %broadcast_in_dim3A_1073 : vector<64x1024xi1>, vector<64x1024xf32>
    %reduce_sum3A_1075 = arith.constant dense<0.000000e+00> : vector<64xf32>
    %reduce_sum3A_1076 = vector.multi_reduction <add>, %select_n3A_1074, %reduce_sum3A_1075 [1] : vector<64x1024xf32> to vector<64xf32>
    %broadcast_in_dim3A_1077 = vector.shape_cast %reduce_sum3A_1076 : vector<64xf32> to vector<64x1xf32>
    %jit3A_1078 = arith.constant 0.000000e+00 : f32
    %broadcast_in_dim3A_1079 = vector.shape_cast %get3A_13 : vector<1x1024xf32> to vector<1x1024xf32>
    %broadcast_in_dim3A_1080 = vector.broadcast %broadcast_in_dim3A_1079 : vector<1x1024xf32> to vector<64x1024xf32>
    %broadcast_in_dim3A_1081 = vector.broadcast %jit3A_1078 : f32 to vector<64x1024xf32>
    %select_n3A_1082 = arith.select %eq3A_1061, %broadcast_in_dim3A_1080, %broadcast_in_dim3A_1081 : vector<64x1024xi1>, vector<64x1024xf32>
    %reduce_sum3A_1083 = arith.constant dense<0.000000e+00> : vector<64xf32>
    %reduce_sum3A_1084 = vector.multi_reduction <add>, %select_n3A_1082, %reduce_sum3A_1083 [1] : vector<64x1024xf32> to vector<64xf32>
    %broadcast_in_dim3A_1085 = vector.shape_cast %reduce_sum3A_1084 : vector<64xf32> to vector<64x1xf32>
    %get3A_1086 = arith.constant 0 : index
    %get3A_1087 = arith.constant 320 : index
    %get3A_1088 = arith.constant 0 : index
    %get3A_1089 = vector.load %arg1[%get3A_1086, %get3A_1087, %get3A_1088] : memref<1x1024x3xf32, #tpu.memory_space<vmem>>, vector<1x64x1xf32>
    %get3A_1090 = vector.shape_cast %get3A_1089 : vector<1x64x1xf32> to vector<64x1xf32>
    %get3A_1091 = arith.constant 0 : index
    %get3A_1092 = arith.constant 320 : index
    %get3A_1093 = arith.constant 1 : index
    %get3A_1094 = vector.load %arg1[%get3A_1091, %get3A_1092, %get3A_1093] : memref<1x1024x3xf32, #tpu.memory_space<vmem>>, vector<1x64x1xf32>
    %get3A_1095 = vector.shape_cast %get3A_1094 : vector<1x64x1xf32> to vector<64x1xf32>
    %get3A_1096 = arith.constant 0 : index
    %get3A_1097 = arith.constant 320 : index
    %get3A_1098 = arith.constant 2 : index
    %get3A_1099 = vector.load %arg1[%get3A_1096, %get3A_1097, %get3A_1098] : memref<1x1024x3xf32, #tpu.memory_space<vmem>>, vector<1x64x1xf32>
    %get3A_1100 = vector.shape_cast %get3A_1099 : vector<1x64x1xf32> to vector<64x1xf32>
    %sub3A_1101 = arith.subf %get3A_1090, %broadcast_in_dim3A_1069 : vector<64x1xf32>
    %sub3A_1102 = arith.subf %get3A_1095, %broadcast_in_dim3A_1077 : vector<64x1xf32>
    %sub3A_1103 = arith.subf %get3A_1100, %broadcast_in_dim3A_1085 : vector<64x1xf32>
    %mul3A_1104 = arith.mulf %sub3A_1101, %sub3A_1101 : vector<64x1xf32>
    %mul3A_1105 = arith.mulf %sub3A_1102, %sub3A_1102 : vector<64x1xf32>
    %add3A_1106 = arith.addf %mul3A_1104, %mul3A_1105 : vector<64x1xf32>
    %mul3A_1107 = arith.mulf %sub3A_1103, %sub3A_1103 : vector<64x1xf32>
    %add3A_1108 = arith.addf %add3A_1106, %mul3A_1107 : vector<64x1xf32>
    %max3A_1109 = arith.constant 9.99999996E-13 : f32
    %max3A_1110 = vector.broadcast %max3A_1109 : f32 to vector<64x1xf32>
    %max3A_1111 = arith.maximumf %add3A_1108, %max3A_1110 : vector<64x1xf32>
    %sqrt3A_1112 = math.sqrt %max3A_1111 : vector<64x1xf32>
    %reduce_sum3A_1113 = vector.shape_cast %sqrt3A_1112 : vector<64x1xf32> to vector<1x64x1xf32>
    %reduce_sum3A_1114 = arith.constant dense<0.000000e+00> : vector<1xf32>
    %reduce_sum3A_1115 = vector.multi_reduction <add>, %reduce_sum3A_1113, %reduce_sum3A_1114 [1, 2] : vector<1x64x1xf32> to vector<1xf32>
    %reduce_sum3A_1116 = vector.shape_cast %reduce_sum3A_1115 : vector<1xf32> to vector<1x1x1xf32>
    %reduce_sum3A_1117 = vector.extract %reduce_sum3A_1116[0, 0, 0] : f32 from vector<1x1x1xf32>
    %add3A_1118 = vector.broadcast %reduce_sum3A_1117 : f32 to vector<1x1xf32>
    %add3A_1119 = arith.addf %add3A_1029, %add3A_1118 : vector<1x1xf32>
    %add3A_1120 = arith.constant 3.840000e+02 : f32
    %add3A_1121 = vector.broadcast %add3A_1120 : f32 to vector<64x1xf32>
    %add3A_1122 = arith.addf %convert_element_type3A_15, %add3A_1121 : vector<64x1xf32>
    %eq3A_1123 = vector.broadcast %get3A_585 : vector<1x1024xf32> to vector<64x1024xf32>
    %eq3A_1124 = vector.broadcast %add3A_1122 : vector<64x1xf32> to vector<64x1024xf32>
    %eq3A_1125 = arith.cmpf oeq, %eq3A_1123, %eq3A_1124 : vector<64x1024xf32>
    %jit3A_1126 = arith.constant 1.024000e+03 : f32
    %broadcast_in_dim3A_1127 = vector.broadcast %jit3A_1126 : f32 to vector<64x1024xf32>
    %select_n3A_1128 = arith.select %eq3A_1125, %convert_element_type3A, %broadcast_in_dim3A_1127 : vector<64x1024xi1>, vector<64x1024xf32>
    %reduce_min3A_1129 = arith.constant dense<0x7F800000> : vector<64xf32>
    %reduce_min3A_1130 = vector.multi_reduction <minimumf>, %select_n3A_1128, %reduce_min3A_1129 [1] : vector<64x1024xf32> to vector<64xf32>
    %broadcast_in_dim3A_1131 = vector.shape_cast %reduce_min3A_1130 : vector<64xf32> to vector<64x1xf32>
    %get3A_1132 = arith.constant 384 : index
    %get3A_1133 = arith.constant 0 : index
    %get3A_1134 = vector.load %arg4[%get3A_1132, %get3A_1133] : memref<1024x1024xf32, #tpu.memory_space<vmem>>, vector<64x1024xf32>
    %reduce_max3A_1135 = arith.constant dense<0xFF800000> : vector<64xf32>
    %reduce_max3A_1136 = vector.multi_reduction <maximumf>, %get3A_1134, %reduce_max3A_1135 [1] : vector<64x1024xf32> to vector<64xf32>
    %broadcast_in_dim3A_1137 = vector.shape_cast %reduce_max3A_1136 : vector<64xf32> to vector<64x1xf32>
    %eq3A_1138 = vector.broadcast %broadcast_in_dim3A_1137 : vector<64x1xf32> to vector<64x1024xf32>
    %eq3A_1139 = arith.cmpf oeq, %get3A_1134, %eq3A_1138 : vector<64x1024xf32>
    %jit3A_1140 = arith.constant 1.024000e+03 : f32
    %broadcast_in_dim3A_1141 = vector.broadcast %jit3A_1140 : f32 to vector<64x1024xf32>
    %select_n3A_1142 = arith.select %eq3A_1139, %convert_element_type3A, %broadcast_in_dim3A_1141 : vector<64x1024xi1>, vector<64x1024xf32>
    %reduce_min3A_1143 = arith.constant dense<0x7F800000> : vector<64xf32>
    %reduce_min3A_1144 = vector.multi_reduction <minimumf>, %select_n3A_1142, %reduce_min3A_1143 [1] : vector<64x1024xf32> to vector<64xf32>
    %broadcast_in_dim3A_1145 = vector.shape_cast %reduce_min3A_1144 : vector<64xf32> to vector<64x1xf32>
    %eq3A_1146 = arith.constant 1.024000e+03 : f32
    %eq3A_1147 = vector.broadcast %eq3A_1146 : f32 to vector<64x1xf32>
    %eq3A_1148 = arith.cmpf oeq, %broadcast_in_dim3A_1131, %eq3A_1147 : vector<64x1xf32>
    %select_n3A_1149 = arith.select %eq3A_1148, %broadcast_in_dim3A_1145, %broadcast_in_dim3A_1131 : vector<64x1xi1>, vector<64x1xf32>
    %eq3A_1150 = vector.broadcast %select_n3A_1149 : vector<64x1xf32> to vector<64x1024xf32>
    %eq3A_1151 = arith.cmpf oeq, %convert_element_type3A, %eq3A_1150 : vector<64x1024xf32>
    %jit3A_1152 = arith.constant 0.000000e+00 : f32
    %broadcast_in_dim3A_1153 = vector.shape_cast %get3A_3 : vector<1x1024xf32> to vector<1x1024xf32>
    %broadcast_in_dim3A_1154 = vector.broadcast %broadcast_in_dim3A_1153 : vector<1x1024xf32> to vector<64x1024xf32>
    %broadcast_in_dim3A_1155 = vector.broadcast %jit3A_1152 : f32 to vector<64x1024xf32>
    %select_n3A_1156 = arith.select %eq3A_1151, %broadcast_in_dim3A_1154, %broadcast_in_dim3A_1155 : vector<64x1024xi1>, vector<64x1024xf32>
    %reduce_sum3A_1157 = arith.constant dense<0.000000e+00> : vector<64xf32>
    %reduce_sum3A_1158 = vector.multi_reduction <add>, %select_n3A_1156, %reduce_sum3A_1157 [1] : vector<64x1024xf32> to vector<64xf32>
    %broadcast_in_dim3A_1159 = vector.shape_cast %reduce_sum3A_1158 : vector<64xf32> to vector<64x1xf32>
    %jit3A_1160 = arith.constant 0.000000e+00 : f32
    %broadcast_in_dim3A_1161 = vector.shape_cast %get3A_8 : vector<1x1024xf32> to vector<1x1024xf32>
    %broadcast_in_dim3A_1162 = vector.broadcast %broadcast_in_dim3A_1161 : vector<1x1024xf32> to vector<64x1024xf32>
    %broadcast_in_dim3A_1163 = vector.broadcast %jit3A_1160 : f32 to vector<64x1024xf32>
    %select_n3A_1164 = arith.select %eq3A_1151, %broadcast_in_dim3A_1162, %broadcast_in_dim3A_1163 : vector<64x1024xi1>, vector<64x1024xf32>
    %reduce_sum3A_1165 = arith.constant dense<0.000000e+00> : vector<64xf32>
    %reduce_sum3A_1166 = vector.multi_reduction <add>, %select_n3A_1164, %reduce_sum3A_1165 [1] : vector<64x1024xf32> to vector<64xf32>
    %broadcast_in_dim3A_1167 = vector.shape_cast %reduce_sum3A_1166 : vector<64xf32> to vector<64x1xf32>
    %jit3A_1168 = arith.constant 0.000000e+00 : f32
    %broadcast_in_dim3A_1169 = vector.shape_cast %get3A_13 : vector<1x1024xf32> to vector<1x1024xf32>
    %broadcast_in_dim3A_1170 = vector.broadcast %broadcast_in_dim3A_1169 : vector<1x1024xf32> to vector<64x1024xf32>
    %broadcast_in_dim3A_1171 = vector.broadcast %jit3A_1168 : f32 to vector<64x1024xf32>
    %select_n3A_1172 = arith.select %eq3A_1151, %broadcast_in_dim3A_1170, %broadcast_in_dim3A_1171 : vector<64x1024xi1>, vector<64x1024xf32>
    %reduce_sum3A_1173 = arith.constant dense<0.000000e+00> : vector<64xf32>
    %reduce_sum3A_1174 = vector.multi_reduction <add>, %select_n3A_1172, %reduce_sum3A_1173 [1] : vector<64x1024xf32> to vector<64xf32>
    %broadcast_in_dim3A_1175 = vector.shape_cast %reduce_sum3A_1174 : vector<64xf32> to vector<64x1xf32>
    %get3A_1176 = arith.constant 0 : index
    %get3A_1177 = arith.constant 384 : index
    %get3A_1178 = arith.constant 0 : index
    %get3A_1179 = vector.load %arg1[%get3A_1176, %get3A_1177, %get3A_1178] : memref<1x1024x3xf32, #tpu.memory_space<vmem>>, vector<1x64x1xf32>
    %get3A_1180 = vector.shape_cast %get3A_1179 : vector<1x64x1xf32> to vector<64x1xf32>
    %get3A_1181 = arith.constant 0 : index
    %get3A_1182 = arith.constant 384 : index
    %get3A_1183 = arith.constant 1 : index
    %get3A_1184 = vector.load %arg1[%get3A_1181, %get3A_1182, %get3A_1183] : memref<1x1024x3xf32, #tpu.memory_space<vmem>>, vector<1x64x1xf32>
    %get3A_1185 = vector.shape_cast %get3A_1184 : vector<1x64x1xf32> to vector<64x1xf32>
    %get3A_1186 = arith.constant 0 : index
    %get3A_1187 = arith.constant 384 : index
    %get3A_1188 = arith.constant 2 : index
    %get3A_1189 = vector.load %arg1[%get3A_1186, %get3A_1187, %get3A_1188] : memref<1x1024x3xf32, #tpu.memory_space<vmem>>, vector<1x64x1xf32>
    %get3A_1190 = vector.shape_cast %get3A_1189 : vector<1x64x1xf32> to vector<64x1xf32>
    %sub3A_1191 = arith.subf %get3A_1180, %broadcast_in_dim3A_1159 : vector<64x1xf32>
    %sub3A_1192 = arith.subf %get3A_1185, %broadcast_in_dim3A_1167 : vector<64x1xf32>
    %sub3A_1193 = arith.subf %get3A_1190, %broadcast_in_dim3A_1175 : vector<64x1xf32>
    %mul3A_1194 = arith.mulf %sub3A_1191, %sub3A_1191 : vector<64x1xf32>
    %mul3A_1195 = arith.mulf %sub3A_1192, %sub3A_1192 : vector<64x1xf32>
    %add3A_1196 = arith.addf %mul3A_1194, %mul3A_1195 : vector<64x1xf32>
    %mul3A_1197 = arith.mulf %sub3A_1193, %sub3A_1193 : vector<64x1xf32>
    %add3A_1198 = arith.addf %add3A_1196, %mul3A_1197 : vector<64x1xf32>
    %max3A_1199 = arith.constant 9.99999996E-13 : f32
    %max3A_1200 = vector.broadcast %max3A_1199 : f32 to vector<64x1xf32>
    %max3A_1201 = arith.maximumf %add3A_1198, %max3A_1200 : vector<64x1xf32>
    %sqrt3A_1202 = math.sqrt %max3A_1201 : vector<64x1xf32>
    %reduce_sum3A_1203 = vector.shape_cast %sqrt3A_1202 : vector<64x1xf32> to vector<1x64x1xf32>
    %reduce_sum3A_1204 = arith.constant dense<0.000000e+00> : vector<1xf32>
    %reduce_sum3A_1205 = vector.multi_reduction <add>, %reduce_sum3A_1203, %reduce_sum3A_1204 [1, 2] : vector<1x64x1xf32> to vector<1xf32>
    %reduce_sum3A_1206 = vector.shape_cast %reduce_sum3A_1205 : vector<1xf32> to vector<1x1x1xf32>
    %reduce_sum3A_1207 = vector.extract %reduce_sum3A_1206[0, 0, 0] : f32 from vector<1x1x1xf32>
    %add3A_1208 = vector.broadcast %reduce_sum3A_1207 : f32 to vector<1x1xf32>
    %add3A_1209 = arith.addf %add3A_1119, %add3A_1208 : vector<1x1xf32>
    %add3A_1210 = arith.constant 4.480000e+02 : f32
    %add3A_1211 = vector.broadcast %add3A_1210 : f32 to vector<64x1xf32>
    %add3A_1212 = arith.addf %convert_element_type3A_15, %add3A_1211 : vector<64x1xf32>
    %eq3A_1213 = vector.broadcast %get3A_585 : vector<1x1024xf32> to vector<64x1024xf32>
    %eq3A_1214 = vector.broadcast %add3A_1212 : vector<64x1xf32> to vector<64x1024xf32>
    %eq3A_1215 = arith.cmpf oeq, %eq3A_1213, %eq3A_1214 : vector<64x1024xf32>
    %jit3A_1216 = arith.constant 1.024000e+03 : f32
    %broadcast_in_dim3A_1217 = vector.broadcast %jit3A_1216 : f32 to vector<64x1024xf32>
    %select_n3A_1218 = arith.select %eq3A_1215, %convert_element_type3A, %broadcast_in_dim3A_1217 : vector<64x1024xi1>, vector<64x1024xf32>
    %reduce_min3A_1219 = arith.constant dense<0x7F800000> : vector<64xf32>
    %reduce_min3A_1220 = vector.multi_reduction <minimumf>, %select_n3A_1218, %reduce_min3A_1219 [1] : vector<64x1024xf32> to vector<64xf32>
    %broadcast_in_dim3A_1221 = vector.shape_cast %reduce_min3A_1220 : vector<64xf32> to vector<64x1xf32>
    %get3A_1222 = arith.constant 448 : index
    %get3A_1223 = arith.constant 0 : index
    %get3A_1224 = vector.load %arg4[%get3A_1222, %get3A_1223] : memref<1024x1024xf32, #tpu.memory_space<vmem>>, vector<64x1024xf32>
    %reduce_max3A_1225 = arith.constant dense<0xFF800000> : vector<64xf32>
    %reduce_max3A_1226 = vector.multi_reduction <maximumf>, %get3A_1224, %reduce_max3A_1225 [1] : vector<64x1024xf32> to vector<64xf32>
    %broadcast_in_dim3A_1227 = vector.shape_cast %reduce_max3A_1226 : vector<64xf32> to vector<64x1xf32>
    %eq3A_1228 = vector.broadcast %broadcast_in_dim3A_1227 : vector<64x1xf32> to vector<64x1024xf32>
    %eq3A_1229 = arith.cmpf oeq, %get3A_1224, %eq3A_1228 : vector<64x1024xf32>
    %jit3A_1230 = arith.constant 1.024000e+03 : f32
    %broadcast_in_dim3A_1231 = vector.broadcast %jit3A_1230 : f32 to vector<64x1024xf32>
    %select_n3A_1232 = arith.select %eq3A_1229, %convert_element_type3A, %broadcast_in_dim3A_1231 : vector<64x1024xi1>, vector<64x1024xf32>
    %reduce_min3A_1233 = arith.constant dense<0x7F800000> : vector<64xf32>
    %reduce_min3A_1234 = vector.multi_reduction <minimumf>, %select_n3A_1232, %reduce_min3A_1233 [1] : vector<64x1024xf32> to vector<64xf32>
    %broadcast_in_dim3A_1235 = vector.shape_cast %reduce_min3A_1234 : vector<64xf32> to vector<64x1xf32>
    %eq3A_1236 = arith.constant 1.024000e+03 : f32
    %eq3A_1237 = vector.broadcast %eq3A_1236 : f32 to vector<64x1xf32>
    %eq3A_1238 = arith.cmpf oeq, %broadcast_in_dim3A_1221, %eq3A_1237 : vector<64x1xf32>
    %select_n3A_1239 = arith.select %eq3A_1238, %broadcast_in_dim3A_1235, %broadcast_in_dim3A_1221 : vector<64x1xi1>, vector<64x1xf32>
    %eq3A_1240 = vector.broadcast %select_n3A_1239 : vector<64x1xf32> to vector<64x1024xf32>
    %eq3A_1241 = arith.cmpf oeq, %convert_element_type3A, %eq3A_1240 : vector<64x1024xf32>
    %jit3A_1242 = arith.constant 0.000000e+00 : f32
    %broadcast_in_dim3A_1243 = vector.shape_cast %get3A_3 : vector<1x1024xf32> to vector<1x1024xf32>
    %broadcast_in_dim3A_1244 = vector.broadcast %broadcast_in_dim3A_1243 : vector<1x1024xf32> to vector<64x1024xf32>
    %broadcast_in_dim3A_1245 = vector.broadcast %jit3A_1242 : f32 to vector<64x1024xf32>
    %select_n3A_1246 = arith.select %eq3A_1241, %broadcast_in_dim3A_1244, %broadcast_in_dim3A_1245 : vector<64x1024xi1>, vector<64x1024xf32>
    %reduce_sum3A_1247 = arith.constant dense<0.000000e+00> : vector<64xf32>
    %reduce_sum3A_1248 = vector.multi_reduction <add>, %select_n3A_1246, %reduce_sum3A_1247 [1] : vector<64x1024xf32> to vector<64xf32>
    %broadcast_in_dim3A_1249 = vector.shape_cast %reduce_sum3A_1248 : vector<64xf32> to vector<64x1xf32>
    %jit3A_1250 = arith.constant 0.000000e+00 : f32
    %broadcast_in_dim3A_1251 = vector.shape_cast %get3A_8 : vector<1x1024xf32> to vector<1x1024xf32>
    %broadcast_in_dim3A_1252 = vector.broadcast %broadcast_in_dim3A_1251 : vector<1x1024xf32> to vector<64x1024xf32>
    %broadcast_in_dim3A_1253 = vector.broadcast %jit3A_1250 : f32 to vector<64x1024xf32>
    %select_n3A_1254 = arith.select %eq3A_1241, %broadcast_in_dim3A_1252, %broadcast_in_dim3A_1253 : vector<64x1024xi1>, vector<64x1024xf32>
    %reduce_sum3A_1255 = arith.constant dense<0.000000e+00> : vector<64xf32>
    %reduce_sum3A_1256 = vector.multi_reduction <add>, %select_n3A_1254, %reduce_sum3A_1255 [1] : vector<64x1024xf32> to vector<64xf32>
    %broadcast_in_dim3A_1257 = vector.shape_cast %reduce_sum3A_1256 : vector<64xf32> to vector<64x1xf32>
    %jit3A_1258 = arith.constant 0.000000e+00 : f32
    %broadcast_in_dim3A_1259 = vector.shape_cast %get3A_13 : vector<1x1024xf32> to vector<1x1024xf32>
    %broadcast_in_dim3A_1260 = vector.broadcast %broadcast_in_dim3A_1259 : vector<1x1024xf32> to vector<64x1024xf32>
    %broadcast_in_dim3A_1261 = vector.broadcast %jit3A_1258 : f32 to vector<64x1024xf32>
    %select_n3A_1262 = arith.select %eq3A_1241, %broadcast_in_dim3A_1260, %broadcast_in_dim3A_1261 : vector<64x1024xi1>, vector<64x1024xf32>
    %reduce_sum3A_1263 = arith.constant dense<0.000000e+00> : vector<64xf32>
    %reduce_sum3A_1264 = vector.multi_reduction <add>, %select_n3A_1262, %reduce_sum3A_1263 [1] : vector<64x1024xf32> to vector<64xf32>
    %broadcast_in_dim3A_1265 = vector.shape_cast %reduce_sum3A_1264 : vector<64xf32> to vector<64x1xf32>
    %get3A_1266 = arith.constant 0 : index
    %get3A_1267 = arith.constant 448 : index
    %get3A_1268 = arith.constant 0 : index
    %get3A_1269 = vector.load %arg1[%get3A_1266, %get3A_1267, %get3A_1268] : memref<1x1024x3xf32, #tpu.memory_space<vmem>>, vector<1x64x1xf32>
    %get3A_1270 = vector.shape_cast %get3A_1269 : vector<1x64x1xf32> to vector<64x1xf32>
    %get3A_1271 = arith.constant 0 : index
    %get3A_1272 = arith.constant 448 : index
    %get3A_1273 = arith.constant 1 : index
    %get3A_1274 = vector.load %arg1[%get3A_1271, %get3A_1272, %get3A_1273] : memref<1x1024x3xf32, #tpu.memory_space<vmem>>, vector<1x64x1xf32>
    %get3A_1275 = vector.shape_cast %get3A_1274 : vector<1x64x1xf32> to vector<64x1xf32>
    %get3A_1276 = arith.constant 0 : index
    %get3A_1277 = arith.constant 448 : index
    %get3A_1278 = arith.constant 2 : index
    %get3A_1279 = vector.load %arg1[%get3A_1276, %get3A_1277, %get3A_1278] : memref<1x1024x3xf32, #tpu.memory_space<vmem>>, vector<1x64x1xf32>
    %get3A_1280 = vector.shape_cast %get3A_1279 : vector<1x64x1xf32> to vector<64x1xf32>
    %sub3A_1281 = arith.subf %get3A_1270, %broadcast_in_dim3A_1249 : vector<64x1xf32>
    %sub3A_1282 = arith.subf %get3A_1275, %broadcast_in_dim3A_1257 : vector<64x1xf32>
    %sub3A_1283 = arith.subf %get3A_1280, %broadcast_in_dim3A_1265 : vector<64x1xf32>
    %mul3A_1284 = arith.mulf %sub3A_1281, %sub3A_1281 : vector<64x1xf32>
    %mul3A_1285 = arith.mulf %sub3A_1282, %sub3A_1282 : vector<64x1xf32>
    %add3A_1286 = arith.addf %mul3A_1284, %mul3A_1285 : vector<64x1xf32>
    %mul3A_1287 = arith.mulf %sub3A_1283, %sub3A_1283 : vector<64x1xf32>
    %add3A_1288 = arith.addf %add3A_1286, %mul3A_1287 : vector<64x1xf32>
    %max3A_1289 = arith.constant 9.99999996E-13 : f32
    %max3A_1290 = vector.broadcast %max3A_1289 : f32 to vector<64x1xf32>
    %max3A_1291 = arith.maximumf %add3A_1288, %max3A_1290 : vector<64x1xf32>
    %sqrt3A_1292 = math.sqrt %max3A_1291 : vector<64x1xf32>
    %reduce_sum3A_1293 = vector.shape_cast %sqrt3A_1292 : vector<64x1xf32> to vector<1x64x1xf32>
    %reduce_sum3A_1294 = arith.constant dense<0.000000e+00> : vector<1xf32>
    %reduce_sum3A_1295 = vector.multi_reduction <add>, %reduce_sum3A_1293, %reduce_sum3A_1294 [1, 2] : vector<1x64x1xf32> to vector<1xf32>
    %reduce_sum3A_1296 = vector.shape_cast %reduce_sum3A_1295 : vector<1xf32> to vector<1x1x1xf32>
    %reduce_sum3A_1297 = vector.extract %reduce_sum3A_1296[0, 0, 0] : f32 from vector<1x1x1xf32>
    %add3A_1298 = vector.broadcast %reduce_sum3A_1297 : f32 to vector<1x1xf32>
    %add3A_1299 = arith.addf %add3A_1209, %add3A_1298 : vector<1x1xf32>
    %add3A_1300 = arith.constant 5.120000e+02 : f32
    %add3A_1301 = vector.broadcast %add3A_1300 : f32 to vector<64x1xf32>
    %add3A_1302 = arith.addf %convert_element_type3A_15, %add3A_1301 : vector<64x1xf32>
    %eq3A_1303 = vector.broadcast %get3A_585 : vector<1x1024xf32> to vector<64x1024xf32>
    %eq3A_1304 = vector.broadcast %add3A_1302 : vector<64x1xf32> to vector<64x1024xf32>
    %eq3A_1305 = arith.cmpf oeq, %eq3A_1303, %eq3A_1304 : vector<64x1024xf32>
    %jit3A_1306 = arith.constant 1.024000e+03 : f32
    %broadcast_in_dim3A_1307 = vector.broadcast %jit3A_1306 : f32 to vector<64x1024xf32>
    %select_n3A_1308 = arith.select %eq3A_1305, %convert_element_type3A, %broadcast_in_dim3A_1307 : vector<64x1024xi1>, vector<64x1024xf32>
    %reduce_min3A_1309 = arith.constant dense<0x7F800000> : vector<64xf32>
    %reduce_min3A_1310 = vector.multi_reduction <minimumf>, %select_n3A_1308, %reduce_min3A_1309 [1] : vector<64x1024xf32> to vector<64xf32>
    %broadcast_in_dim3A_1311 = vector.shape_cast %reduce_min3A_1310 : vector<64xf32> to vector<64x1xf32>
    %get3A_1312 = arith.constant 512 : index
    %get3A_1313 = arith.constant 0 : index
    %get3A_1314 = vector.load %arg4[%get3A_1312, %get3A_1313] : memref<1024x1024xf32, #tpu.memory_space<vmem>>, vector<64x1024xf32>
    %reduce_max3A_1315 = arith.constant dense<0xFF800000> : vector<64xf32>
    %reduce_max3A_1316 = vector.multi_reduction <maximumf>, %get3A_1314, %reduce_max3A_1315 [1] : vector<64x1024xf32> to vector<64xf32>
    %broadcast_in_dim3A_1317 = vector.shape_cast %reduce_max3A_1316 : vector<64xf32> to vector<64x1xf32>
    %eq3A_1318 = vector.broadcast %broadcast_in_dim3A_1317 : vector<64x1xf32> to vector<64x1024xf32>
    %eq3A_1319 = arith.cmpf oeq, %get3A_1314, %eq3A_1318 : vector<64x1024xf32>
    %jit3A_1320 = arith.constant 1.024000e+03 : f32
    %broadcast_in_dim3A_1321 = vector.broadcast %jit3A_1320 : f32 to vector<64x1024xf32>
    %select_n3A_1322 = arith.select %eq3A_1319, %convert_element_type3A, %broadcast_in_dim3A_1321 : vector<64x1024xi1>, vector<64x1024xf32>
    %reduce_min3A_1323 = arith.constant dense<0x7F800000> : vector<64xf32>
    %reduce_min3A_1324 = vector.multi_reduction <minimumf>, %select_n3A_1322, %reduce_min3A_1323 [1] : vector<64x1024xf32> to vector<64xf32>
    %broadcast_in_dim3A_1325 = vector.shape_cast %reduce_min3A_1324 : vector<64xf32> to vector<64x1xf32>
    %eq3A_1326 = arith.constant 1.024000e+03 : f32
    %eq3A_1327 = vector.broadcast %eq3A_1326 : f32 to vector<64x1xf32>
    %eq3A_1328 = arith.cmpf oeq, %broadcast_in_dim3A_1311, %eq3A_1327 : vector<64x1xf32>
    %select_n3A_1329 = arith.select %eq3A_1328, %broadcast_in_dim3A_1325, %broadcast_in_dim3A_1311 : vector<64x1xi1>, vector<64x1xf32>
    %eq3A_1330 = vector.broadcast %select_n3A_1329 : vector<64x1xf32> to vector<64x1024xf32>
    %eq3A_1331 = arith.cmpf oeq, %convert_element_type3A, %eq3A_1330 : vector<64x1024xf32>
    %jit3A_1332 = arith.constant 0.000000e+00 : f32
    %broadcast_in_dim3A_1333 = vector.shape_cast %get3A_3 : vector<1x1024xf32> to vector<1x1024xf32>
    %broadcast_in_dim3A_1334 = vector.broadcast %broadcast_in_dim3A_1333 : vector<1x1024xf32> to vector<64x1024xf32>
    %broadcast_in_dim3A_1335 = vector.broadcast %jit3A_1332 : f32 to vector<64x1024xf32>
    %select_n3A_1336 = arith.select %eq3A_1331, %broadcast_in_dim3A_1334, %broadcast_in_dim3A_1335 : vector<64x1024xi1>, vector<64x1024xf32>
    %reduce_sum3A_1337 = arith.constant dense<0.000000e+00> : vector<64xf32>
    %reduce_sum3A_1338 = vector.multi_reduction <add>, %select_n3A_1336, %reduce_sum3A_1337 [1] : vector<64x1024xf32> to vector<64xf32>
    %broadcast_in_dim3A_1339 = vector.shape_cast %reduce_sum3A_1338 : vector<64xf32> to vector<64x1xf32>
    %jit3A_1340 = arith.constant 0.000000e+00 : f32
    %broadcast_in_dim3A_1341 = vector.shape_cast %get3A_8 : vector<1x1024xf32> to vector<1x1024xf32>
    %broadcast_in_dim3A_1342 = vector.broadcast %broadcast_in_dim3A_1341 : vector<1x1024xf32> to vector<64x1024xf32>
    %broadcast_in_dim3A_1343 = vector.broadcast %jit3A_1340 : f32 to vector<64x1024xf32>
    %select_n3A_1344 = arith.select %eq3A_1331, %broadcast_in_dim3A_1342, %broadcast_in_dim3A_1343 : vector<64x1024xi1>, vector<64x1024xf32>
    %reduce_sum3A_1345 = arith.constant dense<0.000000e+00> : vector<64xf32>
    %reduce_sum3A_1346 = vector.multi_reduction <add>, %select_n3A_1344, %reduce_sum3A_1345 [1] : vector<64x1024xf32> to vector<64xf32>
    %broadcast_in_dim3A_1347 = vector.shape_cast %reduce_sum3A_1346 : vector<64xf32> to vector<64x1xf32>
    %jit3A_1348 = arith.constant 0.000000e+00 : f32
    %broadcast_in_dim3A_1349 = vector.shape_cast %get3A_13 : vector<1x1024xf32> to vector<1x1024xf32>
    %broadcast_in_dim3A_1350 = vector.broadcast %broadcast_in_dim3A_1349 : vector<1x1024xf32> to vector<64x1024xf32>
    %broadcast_in_dim3A_1351 = vector.broadcast %jit3A_1348 : f32 to vector<64x1024xf32>
    %select_n3A_1352 = arith.select %eq3A_1331, %broadcast_in_dim3A_1350, %broadcast_in_dim3A_1351 : vector<64x1024xi1>, vector<64x1024xf32>
    %reduce_sum3A_1353 = arith.constant dense<0.000000e+00> : vector<64xf32>
    %reduce_sum3A_1354 = vector.multi_reduction <add>, %select_n3A_1352, %reduce_sum3A_1353 [1] : vector<64x1024xf32> to vector<64xf32>
    %broadcast_in_dim3A_1355 = vector.shape_cast %reduce_sum3A_1354 : vector<64xf32> to vector<64x1xf32>
    %get3A_1356 = arith.constant 0 : index
    %get3A_1357 = arith.constant 512 : index
    %get3A_1358 = arith.constant 0 : index
    %get3A_1359 = vector.load %arg1[%get3A_1356, %get3A_1357, %get3A_1358] : memref<1x1024x3xf32, #tpu.memory_space<vmem>>, vector<1x64x1xf32>
    %get3A_1360 = vector.shape_cast %get3A_1359 : vector<1x64x1xf32> to vector<64x1xf32>
    %get3A_1361 = arith.constant 0 : index
    %get3A_1362 = arith.constant 512 : index
    %get3A_1363 = arith.constant 1 : index
    %get3A_1364 = vector.load %arg1[%get3A_1361, %get3A_1362, %get3A_1363] : memref<1x1024x3xf32, #tpu.memory_space<vmem>>, vector<1x64x1xf32>
    %get3A_1365 = vector.shape_cast %get3A_1364 : vector<1x64x1xf32> to vector<64x1xf32>
    %get3A_1366 = arith.constant 0 : index
    %get3A_1367 = arith.constant 512 : index
    %get3A_1368 = arith.constant 2 : index
    %get3A_1369 = vector.load %arg1[%get3A_1366, %get3A_1367, %get3A_1368] : memref<1x1024x3xf32, #tpu.memory_space<vmem>>, vector<1x64x1xf32>
    %get3A_1370 = vector.shape_cast %get3A_1369 : vector<1x64x1xf32> to vector<64x1xf32>
    %sub3A_1371 = arith.subf %get3A_1360, %broadcast_in_dim3A_1339 : vector<64x1xf32>
    %sub3A_1372 = arith.subf %get3A_1365, %broadcast_in_dim3A_1347 : vector<64x1xf32>
    %sub3A_1373 = arith.subf %get3A_1370, %broadcast_in_dim3A_1355 : vector<64x1xf32>
    %mul3A_1374 = arith.mulf %sub3A_1371, %sub3A_1371 : vector<64x1xf32>
    %mul3A_1375 = arith.mulf %sub3A_1372, %sub3A_1372 : vector<64x1xf32>
    %add3A_1376 = arith.addf %mul3A_1374, %mul3A_1375 : vector<64x1xf32>
    %mul3A_1377 = arith.mulf %sub3A_1373, %sub3A_1373 : vector<64x1xf32>
    %add3A_1378 = arith.addf %add3A_1376, %mul3A_1377 : vector<64x1xf32>
    %max3A_1379 = arith.constant 9.99999996E-13 : f32
    %max3A_1380 = vector.broadcast %max3A_1379 : f32 to vector<64x1xf32>
    %max3A_1381 = arith.maximumf %add3A_1378, %max3A_1380 : vector<64x1xf32>
    %sqrt3A_1382 = math.sqrt %max3A_1381 : vector<64x1xf32>
    %reduce_sum3A_1383 = vector.shape_cast %sqrt3A_1382 : vector<64x1xf32> to vector<1x64x1xf32>
    %reduce_sum3A_1384 = arith.constant dense<0.000000e+00> : vector<1xf32>
    %reduce_sum3A_1385 = vector.multi_reduction <add>, %reduce_sum3A_1383, %reduce_sum3A_1384 [1, 2] : vector<1x64x1xf32> to vector<1xf32>
    %reduce_sum3A_1386 = vector.shape_cast %reduce_sum3A_1385 : vector<1xf32> to vector<1x1x1xf32>
    %reduce_sum3A_1387 = vector.extract %reduce_sum3A_1386[0, 0, 0] : f32 from vector<1x1x1xf32>
    %add3A_1388 = vector.broadcast %reduce_sum3A_1387 : f32 to vector<1x1xf32>
    %add3A_1389 = arith.addf %add3A_1299, %add3A_1388 : vector<1x1xf32>
    %add3A_1390 = arith.constant 5.760000e+02 : f32
    %add3A_1391 = vector.broadcast %add3A_1390 : f32 to vector<64x1xf32>
    %add3A_1392 = arith.addf %convert_element_type3A_15, %add3A_1391 : vector<64x1xf32>
    %eq3A_1393 = vector.broadcast %get3A_585 : vector<1x1024xf32> to vector<64x1024xf32>
    %eq3A_1394 = vector.broadcast %add3A_1392 : vector<64x1xf32> to vector<64x1024xf32>
    %eq3A_1395 = arith.cmpf oeq, %eq3A_1393, %eq3A_1394 : vector<64x1024xf32>
    %jit3A_1396 = arith.constant 1.024000e+03 : f32
    %broadcast_in_dim3A_1397 = vector.broadcast %jit3A_1396 : f32 to vector<64x1024xf32>
    %select_n3A_1398 = arith.select %eq3A_1395, %convert_element_type3A, %broadcast_in_dim3A_1397 : vector<64x1024xi1>, vector<64x1024xf32>
    %reduce_min3A_1399 = arith.constant dense<0x7F800000> : vector<64xf32>
    %reduce_min3A_1400 = vector.multi_reduction <minimumf>, %select_n3A_1398, %reduce_min3A_1399 [1] : vector<64x1024xf32> to vector<64xf32>
    %broadcast_in_dim3A_1401 = vector.shape_cast %reduce_min3A_1400 : vector<64xf32> to vector<64x1xf32>
    %get3A_1402 = arith.constant 576 : index
    %get3A_1403 = arith.constant 0 : index
    %get3A_1404 = vector.load %arg4[%get3A_1402, %get3A_1403] : memref<1024x1024xf32, #tpu.memory_space<vmem>>, vector<64x1024xf32>
    %reduce_max3A_1405 = arith.constant dense<0xFF800000> : vector<64xf32>
    %reduce_max3A_1406 = vector.multi_reduction <maximumf>, %get3A_1404, %reduce_max3A_1405 [1] : vector<64x1024xf32> to vector<64xf32>
    %broadcast_in_dim3A_1407 = vector.shape_cast %reduce_max3A_1406 : vector<64xf32> to vector<64x1xf32>
    %eq3A_1408 = vector.broadcast %broadcast_in_dim3A_1407 : vector<64x1xf32> to vector<64x1024xf32>
    %eq3A_1409 = arith.cmpf oeq, %get3A_1404, %eq3A_1408 : vector<64x1024xf32>
    %jit3A_1410 = arith.constant 1.024000e+03 : f32
    %broadcast_in_dim3A_1411 = vector.broadcast %jit3A_1410 : f32 to vector<64x1024xf32>
    %select_n3A_1412 = arith.select %eq3A_1409, %convert_element_type3A, %broadcast_in_dim3A_1411 : vector<64x1024xi1>, vector<64x1024xf32>
    %reduce_min3A_1413 = arith.constant dense<0x7F800000> : vector<64xf32>
    %reduce_min3A_1414 = vector.multi_reduction <minimumf>, %select_n3A_1412, %reduce_min3A_1413 [1] : vector<64x1024xf32> to vector<64xf32>
    %broadcast_in_dim3A_1415 = vector.shape_cast %reduce_min3A_1414 : vector<64xf32> to vector<64x1xf32>
    %eq3A_1416 = arith.constant 1.024000e+03 : f32
    %eq3A_1417 = vector.broadcast %eq3A_1416 : f32 to vector<64x1xf32>
    %eq3A_1418 = arith.cmpf oeq, %broadcast_in_dim3A_1401, %eq3A_1417 : vector<64x1xf32>
    %select_n3A_1419 = arith.select %eq3A_1418, %broadcast_in_dim3A_1415, %broadcast_in_dim3A_1401 : vector<64x1xi1>, vector<64x1xf32>
    %eq3A_1420 = vector.broadcast %select_n3A_1419 : vector<64x1xf32> to vector<64x1024xf32>
    %eq3A_1421 = arith.cmpf oeq, %convert_element_type3A, %eq3A_1420 : vector<64x1024xf32>
    %jit3A_1422 = arith.constant 0.000000e+00 : f32
    %broadcast_in_dim3A_1423 = vector.shape_cast %get3A_3 : vector<1x1024xf32> to vector<1x1024xf32>
    %broadcast_in_dim3A_1424 = vector.broadcast %broadcast_in_dim3A_1423 : vector<1x1024xf32> to vector<64x1024xf32>
    %broadcast_in_dim3A_1425 = vector.broadcast %jit3A_1422 : f32 to vector<64x1024xf32>
    %select_n3A_1426 = arith.select %eq3A_1421, %broadcast_in_dim3A_1424, %broadcast_in_dim3A_1425 : vector<64x1024xi1>, vector<64x1024xf32>
    %reduce_sum3A_1427 = arith.constant dense<0.000000e+00> : vector<64xf32>
    %reduce_sum3A_1428 = vector.multi_reduction <add>, %select_n3A_1426, %reduce_sum3A_1427 [1] : vector<64x1024xf32> to vector<64xf32>
    %broadcast_in_dim3A_1429 = vector.shape_cast %reduce_sum3A_1428 : vector<64xf32> to vector<64x1xf32>
    %jit3A_1430 = arith.constant 0.000000e+00 : f32
    %broadcast_in_dim3A_1431 = vector.shape_cast %get3A_8 : vector<1x1024xf32> to vector<1x1024xf32>
    %broadcast_in_dim3A_1432 = vector.broadcast %broadcast_in_dim3A_1431 : vector<1x1024xf32> to vector<64x1024xf32>
    %broadcast_in_dim3A_1433 = vector.broadcast %jit3A_1430 : f32 to vector<64x1024xf32>
    %select_n3A_1434 = arith.select %eq3A_1421, %broadcast_in_dim3A_1432, %broadcast_in_dim3A_1433 : vector<64x1024xi1>, vector<64x1024xf32>
    %reduce_sum3A_1435 = arith.constant dense<0.000000e+00> : vector<64xf32>
    %reduce_sum3A_1436 = vector.multi_reduction <add>, %select_n3A_1434, %reduce_sum3A_1435 [1] : vector<64x1024xf32> to vector<64xf32>
    %broadcast_in_dim3A_1437 = vector.shape_cast %reduce_sum3A_1436 : vector<64xf32> to vector<64x1xf32>
    %jit3A_1438 = arith.constant 0.000000e+00 : f32
    %broadcast_in_dim3A_1439 = vector.shape_cast %get3A_13 : vector<1x1024xf32> to vector<1x1024xf32>
    %broadcast_in_dim3A_1440 = vector.broadcast %broadcast_in_dim3A_1439 : vector<1x1024xf32> to vector<64x1024xf32>
    %broadcast_in_dim3A_1441 = vector.broadcast %jit3A_1438 : f32 to vector<64x1024xf32>
    %select_n3A_1442 = arith.select %eq3A_1421, %broadcast_in_dim3A_1440, %broadcast_in_dim3A_1441 : vector<64x1024xi1>, vector<64x1024xf32>
    %reduce_sum3A_1443 = arith.constant dense<0.000000e+00> : vector<64xf32>
    %reduce_sum3A_1444 = vector.multi_reduction <add>, %select_n3A_1442, %reduce_sum3A_1443 [1] : vector<64x1024xf32> to vector<64xf32>
    %broadcast_in_dim3A_1445 = vector.shape_cast %reduce_sum3A_1444 : vector<64xf32> to vector<64x1xf32>
    %get3A_1446 = arith.constant 0 : index
    %get3A_1447 = arith.constant 576 : index
    %get3A_1448 = arith.constant 0 : index
    %get3A_1449 = vector.load %arg1[%get3A_1446, %get3A_1447, %get3A_1448] : memref<1x1024x3xf32, #tpu.memory_space<vmem>>, vector<1x64x1xf32>
    %get3A_1450 = vector.shape_cast %get3A_1449 : vector<1x64x1xf32> to vector<64x1xf32>
    %get3A_1451 = arith.constant 0 : index
    %get3A_1452 = arith.constant 576 : index
    %get3A_1453 = arith.constant 1 : index
    %get3A_1454 = vector.load %arg1[%get3A_1451, %get3A_1452, %get3A_1453] : memref<1x1024x3xf32, #tpu.memory_space<vmem>>, vector<1x64x1xf32>
    %get3A_1455 = vector.shape_cast %get3A_1454 : vector<1x64x1xf32> to vector<64x1xf32>
    %get3A_1456 = arith.constant 0 : index
    %get3A_1457 = arith.constant 576 : index
    %get3A_1458 = arith.constant 2 : index
    %get3A_1459 = vector.load %arg1[%get3A_1456, %get3A_1457, %get3A_1458] : memref<1x1024x3xf32, #tpu.memory_space<vmem>>, vector<1x64x1xf32>
    %get3A_1460 = vector.shape_cast %get3A_1459 : vector<1x64x1xf32> to vector<64x1xf32>
    %sub3A_1461 = arith.subf %get3A_1450, %broadcast_in_dim3A_1429 : vector<64x1xf32>
    %sub3A_1462 = arith.subf %get3A_1455, %broadcast_in_dim3A_1437 : vector<64x1xf32>
    %sub3A_1463 = arith.subf %get3A_1460, %broadcast_in_dim3A_1445 : vector<64x1xf32>
    %mul3A_1464 = arith.mulf %sub3A_1461, %sub3A_1461 : vector<64x1xf32>
    %mul3A_1465 = arith.mulf %sub3A_1462, %sub3A_1462 : vector<64x1xf32>
    %add3A_1466 = arith.addf %mul3A_1464, %mul3A_1465 : vector<64x1xf32>
    %mul3A_1467 = arith.mulf %sub3A_1463, %sub3A_1463 : vector<64x1xf32>
    %add3A_1468 = arith.addf %add3A_1466, %mul3A_1467 : vector<64x1xf32>
    %max3A_1469 = arith.constant 9.99999996E-13 : f32
    %max3A_1470 = vector.broadcast %max3A_1469 : f32 to vector<64x1xf32>
    %max3A_1471 = arith.maximumf %add3A_1468, %max3A_1470 : vector<64x1xf32>
    %sqrt3A_1472 = math.sqrt %max3A_1471 : vector<64x1xf32>
    %reduce_sum3A_1473 = vector.shape_cast %sqrt3A_1472 : vector<64x1xf32> to vector<1x64x1xf32>
    %reduce_sum3A_1474 = arith.constant dense<0.000000e+00> : vector<1xf32>
    %reduce_sum3A_1475 = vector.multi_reduction <add>, %reduce_sum3A_1473, %reduce_sum3A_1474 [1, 2] : vector<1x64x1xf32> to vector<1xf32>
    %reduce_sum3A_1476 = vector.shape_cast %reduce_sum3A_1475 : vector<1xf32> to vector<1x1x1xf32>
    %reduce_sum3A_1477 = vector.extract %reduce_sum3A_1476[0, 0, 0] : f32 from vector<1x1x1xf32>
    %add3A_1478 = vector.broadcast %reduce_sum3A_1477 : f32 to vector<1x1xf32>
    %add3A_1479 = arith.addf %add3A_1389, %add3A_1478 : vector<1x1xf32>
    %add3A_1480 = arith.constant 6.400000e+02 : f32
    %add3A_1481 = vector.broadcast %add3A_1480 : f32 to vector<64x1xf32>
    %add3A_1482 = arith.addf %convert_element_type3A_15, %add3A_1481 : vector<64x1xf32>
    %eq3A_1483 = vector.broadcast %get3A_585 : vector<1x1024xf32> to vector<64x1024xf32>
    %eq3A_1484 = vector.broadcast %add3A_1482 : vector<64x1xf32> to vector<64x1024xf32>
    %eq3A_1485 = arith.cmpf oeq, %eq3A_1483, %eq3A_1484 : vector<64x1024xf32>
    %jit3A_1486 = arith.constant 1.024000e+03 : f32
    %broadcast_in_dim3A_1487 = vector.broadcast %jit3A_1486 : f32 to vector<64x1024xf32>
    %select_n3A_1488 = arith.select %eq3A_1485, %convert_element_type3A, %broadcast_in_dim3A_1487 : vector<64x1024xi1>, vector<64x1024xf32>
    %reduce_min3A_1489 = arith.constant dense<0x7F800000> : vector<64xf32>
    %reduce_min3A_1490 = vector.multi_reduction <minimumf>, %select_n3A_1488, %reduce_min3A_1489 [1] : vector<64x1024xf32> to vector<64xf32>
    %broadcast_in_dim3A_1491 = vector.shape_cast %reduce_min3A_1490 : vector<64xf32> to vector<64x1xf32>
    %get3A_1492 = arith.constant 640 : index
    %get3A_1493 = arith.constant 0 : index
    %get3A_1494 = vector.load %arg4[%get3A_1492, %get3A_1493] : memref<1024x1024xf32, #tpu.memory_space<vmem>>, vector<64x1024xf32>
    %reduce_max3A_1495 = arith.constant dense<0xFF800000> : vector<64xf32>
    %reduce_max3A_1496 = vector.multi_reduction <maximumf>, %get3A_1494, %reduce_max3A_1495 [1] : vector<64x1024xf32> to vector<64xf32>
    %broadcast_in_dim3A_1497 = vector.shape_cast %reduce_max3A_1496 : vector<64xf32> to vector<64x1xf32>
    %eq3A_1498 = vector.broadcast %broadcast_in_dim3A_1497 : vector<64x1xf32> to vector<64x1024xf32>
    %eq3A_1499 = arith.cmpf oeq, %get3A_1494, %eq3A_1498 : vector<64x1024xf32>
    %jit3A_1500 = arith.constant 1.024000e+03 : f32
    %broadcast_in_dim3A_1501 = vector.broadcast %jit3A_1500 : f32 to vector<64x1024xf32>
    %select_n3A_1502 = arith.select %eq3A_1499, %convert_element_type3A, %broadcast_in_dim3A_1501 : vector<64x1024xi1>, vector<64x1024xf32>
    %reduce_min3A_1503 = arith.constant dense<0x7F800000> : vector<64xf32>
    %reduce_min3A_1504 = vector.multi_reduction <minimumf>, %select_n3A_1502, %reduce_min3A_1503 [1] : vector<64x1024xf32> to vector<64xf32>
    %broadcast_in_dim3A_1505 = vector.shape_cast %reduce_min3A_1504 : vector<64xf32> to vector<64x1xf32>
    %eq3A_1506 = arith.constant 1.024000e+03 : f32
    %eq3A_1507 = vector.broadcast %eq3A_1506 : f32 to vector<64x1xf32>
    %eq3A_1508 = arith.cmpf oeq, %broadcast_in_dim3A_1491, %eq3A_1507 : vector<64x1xf32>
    %select_n3A_1509 = arith.select %eq3A_1508, %broadcast_in_dim3A_1505, %broadcast_in_dim3A_1491 : vector<64x1xi1>, vector<64x1xf32>
    %eq3A_1510 = vector.broadcast %select_n3A_1509 : vector<64x1xf32> to vector<64x1024xf32>
    %eq3A_1511 = arith.cmpf oeq, %convert_element_type3A, %eq3A_1510 : vector<64x1024xf32>
    %jit3A_1512 = arith.constant 0.000000e+00 : f32
    %broadcast_in_dim3A_1513 = vector.shape_cast %get3A_3 : vector<1x1024xf32> to vector<1x1024xf32>
    %broadcast_in_dim3A_1514 = vector.broadcast %broadcast_in_dim3A_1513 : vector<1x1024xf32> to vector<64x1024xf32>
    %broadcast_in_dim3A_1515 = vector.broadcast %jit3A_1512 : f32 to vector<64x1024xf32>
    %select_n3A_1516 = arith.select %eq3A_1511, %broadcast_in_dim3A_1514, %broadcast_in_dim3A_1515 : vector<64x1024xi1>, vector<64x1024xf32>
    %reduce_sum3A_1517 = arith.constant dense<0.000000e+00> : vector<64xf32>
    %reduce_sum3A_1518 = vector.multi_reduction <add>, %select_n3A_1516, %reduce_sum3A_1517 [1] : vector<64x1024xf32> to vector<64xf32>
    %broadcast_in_dim3A_1519 = vector.shape_cast %reduce_sum3A_1518 : vector<64xf32> to vector<64x1xf32>
    %jit3A_1520 = arith.constant 0.000000e+00 : f32
    %broadcast_in_dim3A_1521 = vector.shape_cast %get3A_8 : vector<1x1024xf32> to vector<1x1024xf32>
    %broadcast_in_dim3A_1522 = vector.broadcast %broadcast_in_dim3A_1521 : vector<1x1024xf32> to vector<64x1024xf32>
    %broadcast_in_dim3A_1523 = vector.broadcast %jit3A_1520 : f32 to vector<64x1024xf32>
    %select_n3A_1524 = arith.select %eq3A_1511, %broadcast_in_dim3A_1522, %broadcast_in_dim3A_1523 : vector<64x1024xi1>, vector<64x1024xf32>
    %reduce_sum3A_1525 = arith.constant dense<0.000000e+00> : vector<64xf32>
    %reduce_sum3A_1526 = vector.multi_reduction <add>, %select_n3A_1524, %reduce_sum3A_1525 [1] : vector<64x1024xf32> to vector<64xf32>
    %broadcast_in_dim3A_1527 = vector.shape_cast %reduce_sum3A_1526 : vector<64xf32> to vector<64x1xf32>
    %jit3A_1528 = arith.constant 0.000000e+00 : f32
    %broadcast_in_dim3A_1529 = vector.shape_cast %get3A_13 : vector<1x1024xf32> to vector<1x1024xf32>
    %broadcast_in_dim3A_1530 = vector.broadcast %broadcast_in_dim3A_1529 : vector<1x1024xf32> to vector<64x1024xf32>
    %broadcast_in_dim3A_1531 = vector.broadcast %jit3A_1528 : f32 to vector<64x1024xf32>
    %select_n3A_1532 = arith.select %eq3A_1511, %broadcast_in_dim3A_1530, %broadcast_in_dim3A_1531 : vector<64x1024xi1>, vector<64x1024xf32>
    %reduce_sum3A_1533 = arith.constant dense<0.000000e+00> : vector<64xf32>
    %reduce_sum3A_1534 = vector.multi_reduction <add>, %select_n3A_1532, %reduce_sum3A_1533 [1] : vector<64x1024xf32> to vector<64xf32>
    %broadcast_in_dim3A_1535 = vector.shape_cast %reduce_sum3A_1534 : vector<64xf32> to vector<64x1xf32>
    %get3A_1536 = arith.constant 0 : index
    %get3A_1537 = arith.constant 640 : index
    %get3A_1538 = arith.constant 0 : index
    %get3A_1539 = vector.load %arg1[%get3A_1536, %get3A_1537, %get3A_1538] : memref<1x1024x3xf32, #tpu.memory_space<vmem>>, vector<1x64x1xf32>
    %get3A_1540 = vector.shape_cast %get3A_1539 : vector<1x64x1xf32> to vector<64x1xf32>
    %get3A_1541 = arith.constant 0 : index
    %get3A_1542 = arith.constant 640 : index
    %get3A_1543 = arith.constant 1 : index
    %get3A_1544 = vector.load %arg1[%get3A_1541, %get3A_1542, %get3A_1543] : memref<1x1024x3xf32, #tpu.memory_space<vmem>>, vector<1x64x1xf32>
    %get3A_1545 = vector.shape_cast %get3A_1544 : vector<1x64x1xf32> to vector<64x1xf32>
    %get3A_1546 = arith.constant 0 : index
    %get3A_1547 = arith.constant 640 : index
    %get3A_1548 = arith.constant 2 : index
    %get3A_1549 = vector.load %arg1[%get3A_1546, %get3A_1547, %get3A_1548] : memref<1x1024x3xf32, #tpu.memory_space<vmem>>, vector<1x64x1xf32>
    %get3A_1550 = vector.shape_cast %get3A_1549 : vector<1x64x1xf32> to vector<64x1xf32>
    %sub3A_1551 = arith.subf %get3A_1540, %broadcast_in_dim3A_1519 : vector<64x1xf32>
    %sub3A_1552 = arith.subf %get3A_1545, %broadcast_in_dim3A_1527 : vector<64x1xf32>
    %sub3A_1553 = arith.subf %get3A_1550, %broadcast_in_dim3A_1535 : vector<64x1xf32>
    %mul3A_1554 = arith.mulf %sub3A_1551, %sub3A_1551 : vector<64x1xf32>
    %mul3A_1555 = arith.mulf %sub3A_1552, %sub3A_1552 : vector<64x1xf32>
    %add3A_1556 = arith.addf %mul3A_1554, %mul3A_1555 : vector<64x1xf32>
    %mul3A_1557 = arith.mulf %sub3A_1553, %sub3A_1553 : vector<64x1xf32>
    %add3A_1558 = arith.addf %add3A_1556, %mul3A_1557 : vector<64x1xf32>
    %max3A_1559 = arith.constant 9.99999996E-13 : f32
    %max3A_1560 = vector.broadcast %max3A_1559 : f32 to vector<64x1xf32>
    %max3A_1561 = arith.maximumf %add3A_1558, %max3A_1560 : vector<64x1xf32>
    %sqrt3A_1562 = math.sqrt %max3A_1561 : vector<64x1xf32>
    %reduce_sum3A_1563 = vector.shape_cast %sqrt3A_1562 : vector<64x1xf32> to vector<1x64x1xf32>
    %reduce_sum3A_1564 = arith.constant dense<0.000000e+00> : vector<1xf32>
    %reduce_sum3A_1565 = vector.multi_reduction <add>, %reduce_sum3A_1563, %reduce_sum3A_1564 [1, 2] : vector<1x64x1xf32> to vector<1xf32>
    %reduce_sum3A_1566 = vector.shape_cast %reduce_sum3A_1565 : vector<1xf32> to vector<1x1x1xf32>
    %reduce_sum3A_1567 = vector.extract %reduce_sum3A_1566[0, 0, 0] : f32 from vector<1x1x1xf32>
    %add3A_1568 = vector.broadcast %reduce_sum3A_1567 : f32 to vector<1x1xf32>
    %add3A_1569 = arith.addf %add3A_1479, %add3A_1568 : vector<1x1xf32>
    %add3A_1570 = arith.constant 7.040000e+02 : f32
    %add3A_1571 = vector.broadcast %add3A_1570 : f32 to vector<64x1xf32>
    %add3A_1572 = arith.addf %convert_element_type3A_15, %add3A_1571 : vector<64x1xf32>
    %eq3A_1573 = vector.broadcast %get3A_585 : vector<1x1024xf32> to vector<64x1024xf32>
    %eq3A_1574 = vector.broadcast %add3A_1572 : vector<64x1xf32> to vector<64x1024xf32>
    %eq3A_1575 = arith.cmpf oeq, %eq3A_1573, %eq3A_1574 : vector<64x1024xf32>
    %jit3A_1576 = arith.constant 1.024000e+03 : f32
    %broadcast_in_dim3A_1577 = vector.broadcast %jit3A_1576 : f32 to vector<64x1024xf32>
    %select_n3A_1578 = arith.select %eq3A_1575, %convert_element_type3A, %broadcast_in_dim3A_1577 : vector<64x1024xi1>, vector<64x1024xf32>
    %reduce_min3A_1579 = arith.constant dense<0x7F800000> : vector<64xf32>
    %reduce_min3A_1580 = vector.multi_reduction <minimumf>, %select_n3A_1578, %reduce_min3A_1579 [1] : vector<64x1024xf32> to vector<64xf32>
    %broadcast_in_dim3A_1581 = vector.shape_cast %reduce_min3A_1580 : vector<64xf32> to vector<64x1xf32>
    %get3A_1582 = arith.constant 704 : index
    %get3A_1583 = arith.constant 0 : index
    %get3A_1584 = vector.load %arg4[%get3A_1582, %get3A_1583] : memref<1024x1024xf32, #tpu.memory_space<vmem>>, vector<64x1024xf32>
    %reduce_max3A_1585 = arith.constant dense<0xFF800000> : vector<64xf32>
    %reduce_max3A_1586 = vector.multi_reduction <maximumf>, %get3A_1584, %reduce_max3A_1585 [1] : vector<64x1024xf32> to vector<64xf32>
    %broadcast_in_dim3A_1587 = vector.shape_cast %reduce_max3A_1586 : vector<64xf32> to vector<64x1xf32>
    %eq3A_1588 = vector.broadcast %broadcast_in_dim3A_1587 : vector<64x1xf32> to vector<64x1024xf32>
    %eq3A_1589 = arith.cmpf oeq, %get3A_1584, %eq3A_1588 : vector<64x1024xf32>
    %jit3A_1590 = arith.constant 1.024000e+03 : f32
    %broadcast_in_dim3A_1591 = vector.broadcast %jit3A_1590 : f32 to vector<64x1024xf32>
    %select_n3A_1592 = arith.select %eq3A_1589, %convert_element_type3A, %broadcast_in_dim3A_1591 : vector<64x1024xi1>, vector<64x1024xf32>
    %reduce_min3A_1593 = arith.constant dense<0x7F800000> : vector<64xf32>
    %reduce_min3A_1594 = vector.multi_reduction <minimumf>, %select_n3A_1592, %reduce_min3A_1593 [1] : vector<64x1024xf32> to vector<64xf32>
    %broadcast_in_dim3A_1595 = vector.shape_cast %reduce_min3A_1594 : vector<64xf32> to vector<64x1xf32>
    %eq3A_1596 = arith.constant 1.024000e+03 : f32
    %eq3A_1597 = vector.broadcast %eq3A_1596 : f32 to vector<64x1xf32>
    %eq3A_1598 = arith.cmpf oeq, %broadcast_in_dim3A_1581, %eq3A_1597 : vector<64x1xf32>
    %select_n3A_1599 = arith.select %eq3A_1598, %broadcast_in_dim3A_1595, %broadcast_in_dim3A_1581 : vector<64x1xi1>, vector<64x1xf32>
    %eq3A_1600 = vector.broadcast %select_n3A_1599 : vector<64x1xf32> to vector<64x1024xf32>
    %eq3A_1601 = arith.cmpf oeq, %convert_element_type3A, %eq3A_1600 : vector<64x1024xf32>
    %jit3A_1602 = arith.constant 0.000000e+00 : f32
    %broadcast_in_dim3A_1603 = vector.shape_cast %get3A_3 : vector<1x1024xf32> to vector<1x1024xf32>
    %broadcast_in_dim3A_1604 = vector.broadcast %broadcast_in_dim3A_1603 : vector<1x1024xf32> to vector<64x1024xf32>
    %broadcast_in_dim3A_1605 = vector.broadcast %jit3A_1602 : f32 to vector<64x1024xf32>
    %select_n3A_1606 = arith.select %eq3A_1601, %broadcast_in_dim3A_1604, %broadcast_in_dim3A_1605 : vector<64x1024xi1>, vector<64x1024xf32>
    %reduce_sum3A_1607 = arith.constant dense<0.000000e+00> : vector<64xf32>
    %reduce_sum3A_1608 = vector.multi_reduction <add>, %select_n3A_1606, %reduce_sum3A_1607 [1] : vector<64x1024xf32> to vector<64xf32>
    %broadcast_in_dim3A_1609 = vector.shape_cast %reduce_sum3A_1608 : vector<64xf32> to vector<64x1xf32>
    %jit3A_1610 = arith.constant 0.000000e+00 : f32
    %broadcast_in_dim3A_1611 = vector.shape_cast %get3A_8 : vector<1x1024xf32> to vector<1x1024xf32>
    %broadcast_in_dim3A_1612 = vector.broadcast %broadcast_in_dim3A_1611 : vector<1x1024xf32> to vector<64x1024xf32>
    %broadcast_in_dim3A_1613 = vector.broadcast %jit3A_1610 : f32 to vector<64x1024xf32>
    %select_n3A_1614 = arith.select %eq3A_1601, %broadcast_in_dim3A_1612, %broadcast_in_dim3A_1613 : vector<64x1024xi1>, vector<64x1024xf32>
    %reduce_sum3A_1615 = arith.constant dense<0.000000e+00> : vector<64xf32>
    %reduce_sum3A_1616 = vector.multi_reduction <add>, %select_n3A_1614, %reduce_sum3A_1615 [1] : vector<64x1024xf32> to vector<64xf32>
    %broadcast_in_dim3A_1617 = vector.shape_cast %reduce_sum3A_1616 : vector<64xf32> to vector<64x1xf32>
    %jit3A_1618 = arith.constant 0.000000e+00 : f32
    %broadcast_in_dim3A_1619 = vector.shape_cast %get3A_13 : vector<1x1024xf32> to vector<1x1024xf32>
    %broadcast_in_dim3A_1620 = vector.broadcast %broadcast_in_dim3A_1619 : vector<1x1024xf32> to vector<64x1024xf32>
    %broadcast_in_dim3A_1621 = vector.broadcast %jit3A_1618 : f32 to vector<64x1024xf32>
    %select_n3A_1622 = arith.select %eq3A_1601, %broadcast_in_dim3A_1620, %broadcast_in_dim3A_1621 : vector<64x1024xi1>, vector<64x1024xf32>
    %reduce_sum3A_1623 = arith.constant dense<0.000000e+00> : vector<64xf32>
    %reduce_sum3A_1624 = vector.multi_reduction <add>, %select_n3A_1622, %reduce_sum3A_1623 [1] : vector<64x1024xf32> to vector<64xf32>
    %broadcast_in_dim3A_1625 = vector.shape_cast %reduce_sum3A_1624 : vector<64xf32> to vector<64x1xf32>
    %get3A_1626 = arith.constant 0 : index
    %get3A_1627 = arith.constant 704 : index
    %get3A_1628 = arith.constant 0 : index
    %get3A_1629 = vector.load %arg1[%get3A_1626, %get3A_1627, %get3A_1628] : memref<1x1024x3xf32, #tpu.memory_space<vmem>>, vector<1x64x1xf32>
    %get3A_1630 = vector.shape_cast %get3A_1629 : vector<1x64x1xf32> to vector<64x1xf32>
    %get3A_1631 = arith.constant 0 : index
    %get3A_1632 = arith.constant 704 : index
    %get3A_1633 = arith.constant 1 : index
    %get3A_1634 = vector.load %arg1[%get3A_1631, %get3A_1632, %get3A_1633] : memref<1x1024x3xf32, #tpu.memory_space<vmem>>, vector<1x64x1xf32>
    %get3A_1635 = vector.shape_cast %get3A_1634 : vector<1x64x1xf32> to vector<64x1xf32>
    %get3A_1636 = arith.constant 0 : index
    %get3A_1637 = arith.constant 704 : index
    %get3A_1638 = arith.constant 2 : index
    %get3A_1639 = vector.load %arg1[%get3A_1636, %get3A_1637, %get3A_1638] : memref<1x1024x3xf32, #tpu.memory_space<vmem>>, vector<1x64x1xf32>
    %get3A_1640 = vector.shape_cast %get3A_1639 : vector<1x64x1xf32> to vector<64x1xf32>
    %sub3A_1641 = arith.subf %get3A_1630, %broadcast_in_dim3A_1609 : vector<64x1xf32>
    %sub3A_1642 = arith.subf %get3A_1635, %broadcast_in_dim3A_1617 : vector<64x1xf32>
    %sub3A_1643 = arith.subf %get3A_1640, %broadcast_in_dim3A_1625 : vector<64x1xf32>
    %mul3A_1644 = arith.mulf %sub3A_1641, %sub3A_1641 : vector<64x1xf32>
    %mul3A_1645 = arith.mulf %sub3A_1642, %sub3A_1642 : vector<64x1xf32>
    %add3A_1646 = arith.addf %mul3A_1644, %mul3A_1645 : vector<64x1xf32>
    %mul3A_1647 = arith.mulf %sub3A_1643, %sub3A_1643 : vector<64x1xf32>
    %add3A_1648 = arith.addf %add3A_1646, %mul3A_1647 : vector<64x1xf32>
    %max3A_1649 = arith.constant 9.99999996E-13 : f32
    %max3A_1650 = vector.broadcast %max3A_1649 : f32 to vector<64x1xf32>
    %max3A_1651 = arith.maximumf %add3A_1648, %max3A_1650 : vector<64x1xf32>
    %sqrt3A_1652 = math.sqrt %max3A_1651 : vector<64x1xf32>
    %reduce_sum3A_1653 = vector.shape_cast %sqrt3A_1652 : vector<64x1xf32> to vector<1x64x1xf32>
    %reduce_sum3A_1654 = arith.constant dense<0.000000e+00> : vector<1xf32>
    %reduce_sum3A_1655 = vector.multi_reduction <add>, %reduce_sum3A_1653, %reduce_sum3A_1654 [1, 2] : vector<1x64x1xf32> to vector<1xf32>
    %reduce_sum3A_1656 = vector.shape_cast %reduce_sum3A_1655 : vector<1xf32> to vector<1x1x1xf32>
    %reduce_sum3A_1657 = vector.extract %reduce_sum3A_1656[0, 0, 0] : f32 from vector<1x1x1xf32>
    %add3A_1658 = vector.broadcast %reduce_sum3A_1657 : f32 to vector<1x1xf32>
    %add3A_1659 = arith.addf %add3A_1569, %add3A_1658 : vector<1x1xf32>
    %add3A_1660 = arith.constant 7.680000e+02 : f32
    %add3A_1661 = vector.broadcast %add3A_1660 : f32 to vector<64x1xf32>
    %add3A_1662 = arith.addf %convert_element_type3A_15, %add3A_1661 : vector<64x1xf32>
    %eq3A_1663 = vector.broadcast %get3A_585 : vector<1x1024xf32> to vector<64x1024xf32>
    %eq3A_1664 = vector.broadcast %add3A_1662 : vector<64x1xf32> to vector<64x1024xf32>
    %eq3A_1665 = arith.cmpf oeq, %eq3A_1663, %eq3A_1664 : vector<64x1024xf32>
    %jit3A_1666 = arith.constant 1.024000e+03 : f32
    %broadcast_in_dim3A_1667 = vector.broadcast %jit3A_1666 : f32 to vector<64x1024xf32>
    %select_n3A_1668 = arith.select %eq3A_1665, %convert_element_type3A, %broadcast_in_dim3A_1667 : vector<64x1024xi1>, vector<64x1024xf32>
    %reduce_min3A_1669 = arith.constant dense<0x7F800000> : vector<64xf32>
    %reduce_min3A_1670 = vector.multi_reduction <minimumf>, %select_n3A_1668, %reduce_min3A_1669 [1] : vector<64x1024xf32> to vector<64xf32>
    %broadcast_in_dim3A_1671 = vector.shape_cast %reduce_min3A_1670 : vector<64xf32> to vector<64x1xf32>
    %get3A_1672 = arith.constant 768 : index
    %get3A_1673 = arith.constant 0 : index
    %get3A_1674 = vector.load %arg4[%get3A_1672, %get3A_1673] : memref<1024x1024xf32, #tpu.memory_space<vmem>>, vector<64x1024xf32>
    %reduce_max3A_1675 = arith.constant dense<0xFF800000> : vector<64xf32>
    %reduce_max3A_1676 = vector.multi_reduction <maximumf>, %get3A_1674, %reduce_max3A_1675 [1] : vector<64x1024xf32> to vector<64xf32>
    %broadcast_in_dim3A_1677 = vector.shape_cast %reduce_max3A_1676 : vector<64xf32> to vector<64x1xf32>
    %eq3A_1678 = vector.broadcast %broadcast_in_dim3A_1677 : vector<64x1xf32> to vector<64x1024xf32>
    %eq3A_1679 = arith.cmpf oeq, %get3A_1674, %eq3A_1678 : vector<64x1024xf32>
    %jit3A_1680 = arith.constant 1.024000e+03 : f32
    %broadcast_in_dim3A_1681 = vector.broadcast %jit3A_1680 : f32 to vector<64x1024xf32>
    %select_n3A_1682 = arith.select %eq3A_1679, %convert_element_type3A, %broadcast_in_dim3A_1681 : vector<64x1024xi1>, vector<64x1024xf32>
    %reduce_min3A_1683 = arith.constant dense<0x7F800000> : vector<64xf32>
    %reduce_min3A_1684 = vector.multi_reduction <minimumf>, %select_n3A_1682, %reduce_min3A_1683 [1] : vector<64x1024xf32> to vector<64xf32>
    %broadcast_in_dim3A_1685 = vector.shape_cast %reduce_min3A_1684 : vector<64xf32> to vector<64x1xf32>
    %eq3A_1686 = arith.constant 1.024000e+03 : f32
    %eq3A_1687 = vector.broadcast %eq3A_1686 : f32 to vector<64x1xf32>
    %eq3A_1688 = arith.cmpf oeq, %broadcast_in_dim3A_1671, %eq3A_1687 : vector<64x1xf32>
    %select_n3A_1689 = arith.select %eq3A_1688, %broadcast_in_dim3A_1685, %broadcast_in_dim3A_1671 : vector<64x1xi1>, vector<64x1xf32>
    %eq3A_1690 = vector.broadcast %select_n3A_1689 : vector<64x1xf32> to vector<64x1024xf32>
    %eq3A_1691 = arith.cmpf oeq, %convert_element_type3A, %eq3A_1690 : vector<64x1024xf32>
    %jit3A_1692 = arith.constant 0.000000e+00 : f32
    %broadcast_in_dim3A_1693 = vector.shape_cast %get3A_3 : vector<1x1024xf32> to vector<1x1024xf32>
    %broadcast_in_dim3A_1694 = vector.broadcast %broadcast_in_dim3A_1693 : vector<1x1024xf32> to vector<64x1024xf32>
    %broadcast_in_dim3A_1695 = vector.broadcast %jit3A_1692 : f32 to vector<64x1024xf32>
    %select_n3A_1696 = arith.select %eq3A_1691, %broadcast_in_dim3A_1694, %broadcast_in_dim3A_1695 : vector<64x1024xi1>, vector<64x1024xf32>
    %reduce_sum3A_1697 = arith.constant dense<0.000000e+00> : vector<64xf32>
    %reduce_sum3A_1698 = vector.multi_reduction <add>, %select_n3A_1696, %reduce_sum3A_1697 [1] : vector<64x1024xf32> to vector<64xf32>
    %broadcast_in_dim3A_1699 = vector.shape_cast %reduce_sum3A_1698 : vector<64xf32> to vector<64x1xf32>
    %jit3A_1700 = arith.constant 0.000000e+00 : f32
    %broadcast_in_dim3A_1701 = vector.shape_cast %get3A_8 : vector<1x1024xf32> to vector<1x1024xf32>
    %broadcast_in_dim3A_1702 = vector.broadcast %broadcast_in_dim3A_1701 : vector<1x1024xf32> to vector<64x1024xf32>
    %broadcast_in_dim3A_1703 = vector.broadcast %jit3A_1700 : f32 to vector<64x1024xf32>
    %select_n3A_1704 = arith.select %eq3A_1691, %broadcast_in_dim3A_1702, %broadcast_in_dim3A_1703 : vector<64x1024xi1>, vector<64x1024xf32>
    %reduce_sum3A_1705 = arith.constant dense<0.000000e+00> : vector<64xf32>
    %reduce_sum3A_1706 = vector.multi_reduction <add>, %select_n3A_1704, %reduce_sum3A_1705 [1] : vector<64x1024xf32> to vector<64xf32>
    %broadcast_in_dim3A_1707 = vector.shape_cast %reduce_sum3A_1706 : vector<64xf32> to vector<64x1xf32>
    %jit3A_1708 = arith.constant 0.000000e+00 : f32
    %broadcast_in_dim3A_1709 = vector.shape_cast %get3A_13 : vector<1x1024xf32> to vector<1x1024xf32>
    %broadcast_in_dim3A_1710 = vector.broadcast %broadcast_in_dim3A_1709 : vector<1x1024xf32> to vector<64x1024xf32>
    %broadcast_in_dim3A_1711 = vector.broadcast %jit3A_1708 : f32 to vector<64x1024xf32>
    %select_n3A_1712 = arith.select %eq3A_1691, %broadcast_in_dim3A_1710, %broadcast_in_dim3A_1711 : vector<64x1024xi1>, vector<64x1024xf32>
    %reduce_sum3A_1713 = arith.constant dense<0.000000e+00> : vector<64xf32>
    %reduce_sum3A_1714 = vector.multi_reduction <add>, %select_n3A_1712, %reduce_sum3A_1713 [1] : vector<64x1024xf32> to vector<64xf32>
    %broadcast_in_dim3A_1715 = vector.shape_cast %reduce_sum3A_1714 : vector<64xf32> to vector<64x1xf32>
    %get3A_1716 = arith.constant 0 : index
    %get3A_1717 = arith.constant 768 : index
    %get3A_1718 = arith.constant 0 : index
    %get3A_1719 = vector.load %arg1[%get3A_1716, %get3A_1717, %get3A_1718] : memref<1x1024x3xf32, #tpu.memory_space<vmem>>, vector<1x64x1xf32>
    %get3A_1720 = vector.shape_cast %get3A_1719 : vector<1x64x1xf32> to vector<64x1xf32>
    %get3A_1721 = arith.constant 0 : index
    %get3A_1722 = arith.constant 768 : index
    %get3A_1723 = arith.constant 1 : index
    %get3A_1724 = vector.load %arg1[%get3A_1721, %get3A_1722, %get3A_1723] : memref<1x1024x3xf32, #tpu.memory_space<vmem>>, vector<1x64x1xf32>
    %get3A_1725 = vector.shape_cast %get3A_1724 : vector<1x64x1xf32> to vector<64x1xf32>
    %get3A_1726 = arith.constant 0 : index
    %get3A_1727 = arith.constant 768 : index
    %get3A_1728 = arith.constant 2 : index
    %get3A_1729 = vector.load %arg1[%get3A_1726, %get3A_1727, %get3A_1728] : memref<1x1024x3xf32, #tpu.memory_space<vmem>>, vector<1x64x1xf32>
    %get3A_1730 = vector.shape_cast %get3A_1729 : vector<1x64x1xf32> to vector<64x1xf32>
    %sub3A_1731 = arith.subf %get3A_1720, %broadcast_in_dim3A_1699 : vector<64x1xf32>
    %sub3A_1732 = arith.subf %get3A_1725, %broadcast_in_dim3A_1707 : vector<64x1xf32>
    %sub3A_1733 = arith.subf %get3A_1730, %broadcast_in_dim3A_1715 : vector<64x1xf32>
    %mul3A_1734 = arith.mulf %sub3A_1731, %sub3A_1731 : vector<64x1xf32>
    %mul3A_1735 = arith.mulf %sub3A_1732, %sub3A_1732 : vector<64x1xf32>
    %add3A_1736 = arith.addf %mul3A_1734, %mul3A_1735 : vector<64x1xf32>
    %mul3A_1737 = arith.mulf %sub3A_1733, %sub3A_1733 : vector<64x1xf32>
    %add3A_1738 = arith.addf %add3A_1736, %mul3A_1737 : vector<64x1xf32>
    %max3A_1739 = arith.constant 9.99999996E-13 : f32
    %max3A_1740 = vector.broadcast %max3A_1739 : f32 to vector<64x1xf32>
    %max3A_1741 = arith.maximumf %add3A_1738, %max3A_1740 : vector<64x1xf32>
    %sqrt3A_1742 = math.sqrt %max3A_1741 : vector<64x1xf32>
    %reduce_sum3A_1743 = vector.shape_cast %sqrt3A_1742 : vector<64x1xf32> to vector<1x64x1xf32>
    %reduce_sum3A_1744 = arith.constant dense<0.000000e+00> : vector<1xf32>
    %reduce_sum3A_1745 = vector.multi_reduction <add>, %reduce_sum3A_1743, %reduce_sum3A_1744 [1, 2] : vector<1x64x1xf32> to vector<1xf32>
    %reduce_sum3A_1746 = vector.shape_cast %reduce_sum3A_1745 : vector<1xf32> to vector<1x1x1xf32>
    %reduce_sum3A_1747 = vector.extract %reduce_sum3A_1746[0, 0, 0] : f32 from vector<1x1x1xf32>
    %add3A_1748 = vector.broadcast %reduce_sum3A_1747 : f32 to vector<1x1xf32>
    %add3A_1749 = arith.addf %add3A_1659, %add3A_1748 : vector<1x1xf32>
    %add3A_1750 = arith.constant 8.320000e+02 : f32
    %add3A_1751 = vector.broadcast %add3A_1750 : f32 to vector<64x1xf32>
    %add3A_1752 = arith.addf %convert_element_type3A_15, %add3A_1751 : vector<64x1xf32>
    %eq3A_1753 = vector.broadcast %get3A_585 : vector<1x1024xf32> to vector<64x1024xf32>
    %eq3A_1754 = vector.broadcast %add3A_1752 : vector<64x1xf32> to vector<64x1024xf32>
    %eq3A_1755 = arith.cmpf oeq, %eq3A_1753, %eq3A_1754 : vector<64x1024xf32>
    %jit3A_1756 = arith.constant 1.024000e+03 : f32
    %broadcast_in_dim3A_1757 = vector.broadcast %jit3A_1756 : f32 to vector<64x1024xf32>
    %select_n3A_1758 = arith.select %eq3A_1755, %convert_element_type3A, %broadcast_in_dim3A_1757 : vector<64x1024xi1>, vector<64x1024xf32>
    %reduce_min3A_1759 = arith.constant dense<0x7F800000> : vector<64xf32>
    %reduce_min3A_1760 = vector.multi_reduction <minimumf>, %select_n3A_1758, %reduce_min3A_1759 [1] : vector<64x1024xf32> to vector<64xf32>
    %broadcast_in_dim3A_1761 = vector.shape_cast %reduce_min3A_1760 : vector<64xf32> to vector<64x1xf32>
    %get3A_1762 = arith.constant 832 : index
    %get3A_1763 = arith.constant 0 : index
    %get3A_1764 = vector.load %arg4[%get3A_1762, %get3A_1763] : memref<1024x1024xf32, #tpu.memory_space<vmem>>, vector<64x1024xf32>
    %reduce_max3A_1765 = arith.constant dense<0xFF800000> : vector<64xf32>
    %reduce_max3A_1766 = vector.multi_reduction <maximumf>, %get3A_1764, %reduce_max3A_1765 [1] : vector<64x1024xf32> to vector<64xf32>
    %broadcast_in_dim3A_1767 = vector.shape_cast %reduce_max3A_1766 : vector<64xf32> to vector<64x1xf32>
    %eq3A_1768 = vector.broadcast %broadcast_in_dim3A_1767 : vector<64x1xf32> to vector<64x1024xf32>
    %eq3A_1769 = arith.cmpf oeq, %get3A_1764, %eq3A_1768 : vector<64x1024xf32>
    %jit3A_1770 = arith.constant 1.024000e+03 : f32
    %broadcast_in_dim3A_1771 = vector.broadcast %jit3A_1770 : f32 to vector<64x1024xf32>
    %select_n3A_1772 = arith.select %eq3A_1769, %convert_element_type3A, %broadcast_in_dim3A_1771 : vector<64x1024xi1>, vector<64x1024xf32>
    %reduce_min3A_1773 = arith.constant dense<0x7F800000> : vector<64xf32>
    %reduce_min3A_1774 = vector.multi_reduction <minimumf>, %select_n3A_1772, %reduce_min3A_1773 [1] : vector<64x1024xf32> to vector<64xf32>
    %broadcast_in_dim3A_1775 = vector.shape_cast %reduce_min3A_1774 : vector<64xf32> to vector<64x1xf32>
    %eq3A_1776 = arith.constant 1.024000e+03 : f32
    %eq3A_1777 = vector.broadcast %eq3A_1776 : f32 to vector<64x1xf32>
    %eq3A_1778 = arith.cmpf oeq, %broadcast_in_dim3A_1761, %eq3A_1777 : vector<64x1xf32>
    %select_n3A_1779 = arith.select %eq3A_1778, %broadcast_in_dim3A_1775, %broadcast_in_dim3A_1761 : vector<64x1xi1>, vector<64x1xf32>
    %eq3A_1780 = vector.broadcast %select_n3A_1779 : vector<64x1xf32> to vector<64x1024xf32>
    %eq3A_1781 = arith.cmpf oeq, %convert_element_type3A, %eq3A_1780 : vector<64x1024xf32>
    %jit3A_1782 = arith.constant 0.000000e+00 : f32
    %broadcast_in_dim3A_1783 = vector.shape_cast %get3A_3 : vector<1x1024xf32> to vector<1x1024xf32>
    %broadcast_in_dim3A_1784 = vector.broadcast %broadcast_in_dim3A_1783 : vector<1x1024xf32> to vector<64x1024xf32>
    %broadcast_in_dim3A_1785 = vector.broadcast %jit3A_1782 : f32 to vector<64x1024xf32>
    %select_n3A_1786 = arith.select %eq3A_1781, %broadcast_in_dim3A_1784, %broadcast_in_dim3A_1785 : vector<64x1024xi1>, vector<64x1024xf32>
    %reduce_sum3A_1787 = arith.constant dense<0.000000e+00> : vector<64xf32>
    %reduce_sum3A_1788 = vector.multi_reduction <add>, %select_n3A_1786, %reduce_sum3A_1787 [1] : vector<64x1024xf32> to vector<64xf32>
    %broadcast_in_dim3A_1789 = vector.shape_cast %reduce_sum3A_1788 : vector<64xf32> to vector<64x1xf32>
    %jit3A_1790 = arith.constant 0.000000e+00 : f32
    %broadcast_in_dim3A_1791 = vector.shape_cast %get3A_8 : vector<1x1024xf32> to vector<1x1024xf32>
    %broadcast_in_dim3A_1792 = vector.broadcast %broadcast_in_dim3A_1791 : vector<1x1024xf32> to vector<64x1024xf32>
    %broadcast_in_dim3A_1793 = vector.broadcast %jit3A_1790 : f32 to vector<64x1024xf32>
    %select_n3A_1794 = arith.select %eq3A_1781, %broadcast_in_dim3A_1792, %broadcast_in_dim3A_1793 : vector<64x1024xi1>, vector<64x1024xf32>
    %reduce_sum3A_1795 = arith.constant dense<0.000000e+00> : vector<64xf32>
    %reduce_sum3A_1796 = vector.multi_reduction <add>, %select_n3A_1794, %reduce_sum3A_1795 [1] : vector<64x1024xf32> to vector<64xf32>
    %broadcast_in_dim3A_1797 = vector.shape_cast %reduce_sum3A_1796 : vector<64xf32> to vector<64x1xf32>
    %jit3A_1798 = arith.constant 0.000000e+00 : f32
    %broadcast_in_dim3A_1799 = vector.shape_cast %get3A_13 : vector<1x1024xf32> to vector<1x1024xf32>
    %broadcast_in_dim3A_1800 = vector.broadcast %broadcast_in_dim3A_1799 : vector<1x1024xf32> to vector<64x1024xf32>
    %broadcast_in_dim3A_1801 = vector.broadcast %jit3A_1798 : f32 to vector<64x1024xf32>
    %select_n3A_1802 = arith.select %eq3A_1781, %broadcast_in_dim3A_1800, %broadcast_in_dim3A_1801 : vector<64x1024xi1>, vector<64x1024xf32>
    %reduce_sum3A_1803 = arith.constant dense<0.000000e+00> : vector<64xf32>
    %reduce_sum3A_1804 = vector.multi_reduction <add>, %select_n3A_1802, %reduce_sum3A_1803 [1] : vector<64x1024xf32> to vector<64xf32>
    %broadcast_in_dim3A_1805 = vector.shape_cast %reduce_sum3A_1804 : vector<64xf32> to vector<64x1xf32>
    %get3A_1806 = arith.constant 0 : index
    %get3A_1807 = arith.constant 832 : index
    %get3A_1808 = arith.constant 0 : index
    %get3A_1809 = vector.load %arg1[%get3A_1806, %get3A_1807, %get3A_1808] : memref<1x1024x3xf32, #tpu.memory_space<vmem>>, vector<1x64x1xf32>
    %get3A_1810 = vector.shape_cast %get3A_1809 : vector<1x64x1xf32> to vector<64x1xf32>
    %get3A_1811 = arith.constant 0 : index
    %get3A_1812 = arith.constant 832 : index
    %get3A_1813 = arith.constant 1 : index
    %get3A_1814 = vector.load %arg1[%get3A_1811, %get3A_1812, %get3A_1813] : memref<1x1024x3xf32, #tpu.memory_space<vmem>>, vector<1x64x1xf32>
    %get3A_1815 = vector.shape_cast %get3A_1814 : vector<1x64x1xf32> to vector<64x1xf32>
    %get3A_1816 = arith.constant 0 : index
    %get3A_1817 = arith.constant 832 : index
    %get3A_1818 = arith.constant 2 : index
    %get3A_1819 = vector.load %arg1[%get3A_1816, %get3A_1817, %get3A_1818] : memref<1x1024x3xf32, #tpu.memory_space<vmem>>, vector<1x64x1xf32>
    %get3A_1820 = vector.shape_cast %get3A_1819 : vector<1x64x1xf32> to vector<64x1xf32>
    %sub3A_1821 = arith.subf %get3A_1810, %broadcast_in_dim3A_1789 : vector<64x1xf32>
    %sub3A_1822 = arith.subf %get3A_1815, %broadcast_in_dim3A_1797 : vector<64x1xf32>
    %sub3A_1823 = arith.subf %get3A_1820, %broadcast_in_dim3A_1805 : vector<64x1xf32>
    %mul3A_1824 = arith.mulf %sub3A_1821, %sub3A_1821 : vector<64x1xf32>
    %mul3A_1825 = arith.mulf %sub3A_1822, %sub3A_1822 : vector<64x1xf32>
    %add3A_1826 = arith.addf %mul3A_1824, %mul3A_1825 : vector<64x1xf32>
    %mul3A_1827 = arith.mulf %sub3A_1823, %sub3A_1823 : vector<64x1xf32>
    %add3A_1828 = arith.addf %add3A_1826, %mul3A_1827 : vector<64x1xf32>
    %max3A_1829 = arith.constant 9.99999996E-13 : f32
    %max3A_1830 = vector.broadcast %max3A_1829 : f32 to vector<64x1xf32>
    %max3A_1831 = arith.maximumf %add3A_1828, %max3A_1830 : vector<64x1xf32>
    %sqrt3A_1832 = math.sqrt %max3A_1831 : vector<64x1xf32>
    %reduce_sum3A_1833 = vector.shape_cast %sqrt3A_1832 : vector<64x1xf32> to vector<1x64x1xf32>
    %reduce_sum3A_1834 = arith.constant dense<0.000000e+00> : vector<1xf32>
    %reduce_sum3A_1835 = vector.multi_reduction <add>, %reduce_sum3A_1833, %reduce_sum3A_1834 [1, 2] : vector<1x64x1xf32> to vector<1xf32>
    %reduce_sum3A_1836 = vector.shape_cast %reduce_sum3A_1835 : vector<1xf32> to vector<1x1x1xf32>
    %reduce_sum3A_1837 = vector.extract %reduce_sum3A_1836[0, 0, 0] : f32 from vector<1x1x1xf32>
    %add3A_1838 = vector.broadcast %reduce_sum3A_1837 : f32 to vector<1x1xf32>
    %add3A_1839 = arith.addf %add3A_1749, %add3A_1838 : vector<1x1xf32>
    %add3A_1840 = arith.constant 8.960000e+02 : f32
    %add3A_1841 = vector.broadcast %add3A_1840 : f32 to vector<64x1xf32>
    %add3A_1842 = arith.addf %convert_element_type3A_15, %add3A_1841 : vector<64x1xf32>
    %eq3A_1843 = vector.broadcast %get3A_585 : vector<1x1024xf32> to vector<64x1024xf32>
    %eq3A_1844 = vector.broadcast %add3A_1842 : vector<64x1xf32> to vector<64x1024xf32>
    %eq3A_1845 = arith.cmpf oeq, %eq3A_1843, %eq3A_1844 : vector<64x1024xf32>
    %jit3A_1846 = arith.constant 1.024000e+03 : f32
    %broadcast_in_dim3A_1847 = vector.broadcast %jit3A_1846 : f32 to vector<64x1024xf32>
    %select_n3A_1848 = arith.select %eq3A_1845, %convert_element_type3A, %broadcast_in_dim3A_1847 : vector<64x1024xi1>, vector<64x1024xf32>
    %reduce_min3A_1849 = arith.constant dense<0x7F800000> : vector<64xf32>
    %reduce_min3A_1850 = vector.multi_reduction <minimumf>, %select_n3A_1848, %reduce_min3A_1849 [1] : vector<64x1024xf32> to vector<64xf32>
    %broadcast_in_dim3A_1851 = vector.shape_cast %reduce_min3A_1850 : vector<64xf32> to vector<64x1xf32>
    %get3A_1852 = arith.constant 896 : index
    %get3A_1853 = arith.constant 0 : index
    %get3A_1854 = vector.load %arg4[%get3A_1852, %get3A_1853] : memref<1024x1024xf32, #tpu.memory_space<vmem>>, vector<64x1024xf32>
    %reduce_max3A_1855 = arith.constant dense<0xFF800000> : vector<64xf32>
    %reduce_max3A_1856 = vector.multi_reduction <maximumf>, %get3A_1854, %reduce_max3A_1855 [1] : vector<64x1024xf32> to vector<64xf32>
    %broadcast_in_dim3A_1857 = vector.shape_cast %reduce_max3A_1856 : vector<64xf32> to vector<64x1xf32>
    %eq3A_1858 = vector.broadcast %broadcast_in_dim3A_1857 : vector<64x1xf32> to vector<64x1024xf32>
    %eq3A_1859 = arith.cmpf oeq, %get3A_1854, %eq3A_1858 : vector<64x1024xf32>
    %jit3A_1860 = arith.constant 1.024000e+03 : f32
    %broadcast_in_dim3A_1861 = vector.broadcast %jit3A_1860 : f32 to vector<64x1024xf32>
    %select_n3A_1862 = arith.select %eq3A_1859, %convert_element_type3A, %broadcast_in_dim3A_1861 : vector<64x1024xi1>, vector<64x1024xf32>
    %reduce_min3A_1863 = arith.constant dense<0x7F800000> : vector<64xf32>
    %reduce_min3A_1864 = vector.multi_reduction <minimumf>, %select_n3A_1862, %reduce_min3A_1863 [1] : vector<64x1024xf32> to vector<64xf32>
    %broadcast_in_dim3A_1865 = vector.shape_cast %reduce_min3A_1864 : vector<64xf32> to vector<64x1xf32>
    %eq3A_1866 = arith.constant 1.024000e+03 : f32
    %eq3A_1867 = vector.broadcast %eq3A_1866 : f32 to vector<64x1xf32>
    %eq3A_1868 = arith.cmpf oeq, %broadcast_in_dim3A_1851, %eq3A_1867 : vector<64x1xf32>
    %select_n3A_1869 = arith.select %eq3A_1868, %broadcast_in_dim3A_1865, %broadcast_in_dim3A_1851 : vector<64x1xi1>, vector<64x1xf32>
    %eq3A_1870 = vector.broadcast %select_n3A_1869 : vector<64x1xf32> to vector<64x1024xf32>
    %eq3A_1871 = arith.cmpf oeq, %convert_element_type3A, %eq3A_1870 : vector<64x1024xf32>
    %jit3A_1872 = arith.constant 0.000000e+00 : f32
    %broadcast_in_dim3A_1873 = vector.shape_cast %get3A_3 : vector<1x1024xf32> to vector<1x1024xf32>
    %broadcast_in_dim3A_1874 = vector.broadcast %broadcast_in_dim3A_1873 : vector<1x1024xf32> to vector<64x1024xf32>
    %broadcast_in_dim3A_1875 = vector.broadcast %jit3A_1872 : f32 to vector<64x1024xf32>
    %select_n3A_1876 = arith.select %eq3A_1871, %broadcast_in_dim3A_1874, %broadcast_in_dim3A_1875 : vector<64x1024xi1>, vector<64x1024xf32>
    %reduce_sum3A_1877 = arith.constant dense<0.000000e+00> : vector<64xf32>
    %reduce_sum3A_1878 = vector.multi_reduction <add>, %select_n3A_1876, %reduce_sum3A_1877 [1] : vector<64x1024xf32> to vector<64xf32>
    %broadcast_in_dim3A_1879 = vector.shape_cast %reduce_sum3A_1878 : vector<64xf32> to vector<64x1xf32>
    %jit3A_1880 = arith.constant 0.000000e+00 : f32
    %broadcast_in_dim3A_1881 = vector.shape_cast %get3A_8 : vector<1x1024xf32> to vector<1x1024xf32>
    %broadcast_in_dim3A_1882 = vector.broadcast %broadcast_in_dim3A_1881 : vector<1x1024xf32> to vector<64x1024xf32>
    %broadcast_in_dim3A_1883 = vector.broadcast %jit3A_1880 : f32 to vector<64x1024xf32>
    %select_n3A_1884 = arith.select %eq3A_1871, %broadcast_in_dim3A_1882, %broadcast_in_dim3A_1883 : vector<64x1024xi1>, vector<64x1024xf32>
    %reduce_sum3A_1885 = arith.constant dense<0.000000e+00> : vector<64xf32>
    %reduce_sum3A_1886 = vector.multi_reduction <add>, %select_n3A_1884, %reduce_sum3A_1885 [1] : vector<64x1024xf32> to vector<64xf32>
    %broadcast_in_dim3A_1887 = vector.shape_cast %reduce_sum3A_1886 : vector<64xf32> to vector<64x1xf32>
    %jit3A_1888 = arith.constant 0.000000e+00 : f32
    %broadcast_in_dim3A_1889 = vector.shape_cast %get3A_13 : vector<1x1024xf32> to vector<1x1024xf32>
    %broadcast_in_dim3A_1890 = vector.broadcast %broadcast_in_dim3A_1889 : vector<1x1024xf32> to vector<64x1024xf32>
    %broadcast_in_dim3A_1891 = vector.broadcast %jit3A_1888 : f32 to vector<64x1024xf32>
    %select_n3A_1892 = arith.select %eq3A_1871, %broadcast_in_dim3A_1890, %broadcast_in_dim3A_1891 : vector<64x1024xi1>, vector<64x1024xf32>
    %reduce_sum3A_1893 = arith.constant dense<0.000000e+00> : vector<64xf32>
    %reduce_sum3A_1894 = vector.multi_reduction <add>, %select_n3A_1892, %reduce_sum3A_1893 [1] : vector<64x1024xf32> to vector<64xf32>
    %broadcast_in_dim3A_1895 = vector.shape_cast %reduce_sum3A_1894 : vector<64xf32> to vector<64x1xf32>
    %get3A_1896 = arith.constant 0 : index
    %get3A_1897 = arith.constant 896 : index
    %get3A_1898 = arith.constant 0 : index
    %get3A_1899 = vector.load %arg1[%get3A_1896, %get3A_1897, %get3A_1898] : memref<1x1024x3xf32, #tpu.memory_space<vmem>>, vector<1x64x1xf32>
    %get3A_1900 = vector.shape_cast %get3A_1899 : vector<1x64x1xf32> to vector<64x1xf32>
    %get3A_1901 = arith.constant 0 : index
    %get3A_1902 = arith.constant 896 : index
    %get3A_1903 = arith.constant 1 : index
    %get3A_1904 = vector.load %arg1[%get3A_1901, %get3A_1902, %get3A_1903] : memref<1x1024x3xf32, #tpu.memory_space<vmem>>, vector<1x64x1xf32>
    %get3A_1905 = vector.shape_cast %get3A_1904 : vector<1x64x1xf32> to vector<64x1xf32>
    %get3A_1906 = arith.constant 0 : index
    %get3A_1907 = arith.constant 896 : index
    %get3A_1908 = arith.constant 2 : index
    %get3A_1909 = vector.load %arg1[%get3A_1906, %get3A_1907, %get3A_1908] : memref<1x1024x3xf32, #tpu.memory_space<vmem>>, vector<1x64x1xf32>
    %get3A_1910 = vector.shape_cast %get3A_1909 : vector<1x64x1xf32> to vector<64x1xf32>
    %sub3A_1911 = arith.subf %get3A_1900, %broadcast_in_dim3A_1879 : vector<64x1xf32>
    %sub3A_1912 = arith.subf %get3A_1905, %broadcast_in_dim3A_1887 : vector<64x1xf32>
    %sub3A_1913 = arith.subf %get3A_1910, %broadcast_in_dim3A_1895 : vector<64x1xf32>
    %mul3A_1914 = arith.mulf %sub3A_1911, %sub3A_1911 : vector<64x1xf32>
    %mul3A_1915 = arith.mulf %sub3A_1912, %sub3A_1912 : vector<64x1xf32>
    %add3A_1916 = arith.addf %mul3A_1914, %mul3A_1915 : vector<64x1xf32>
    %mul3A_1917 = arith.mulf %sub3A_1913, %sub3A_1913 : vector<64x1xf32>
    %add3A_1918 = arith.addf %add3A_1916, %mul3A_1917 : vector<64x1xf32>
    %max3A_1919 = arith.constant 9.99999996E-13 : f32
    %max3A_1920 = vector.broadcast %max3A_1919 : f32 to vector<64x1xf32>
    %max3A_1921 = arith.maximumf %add3A_1918, %max3A_1920 : vector<64x1xf32>
    %sqrt3A_1922 = math.sqrt %max3A_1921 : vector<64x1xf32>
    %reduce_sum3A_1923 = vector.shape_cast %sqrt3A_1922 : vector<64x1xf32> to vector<1x64x1xf32>
    %reduce_sum3A_1924 = arith.constant dense<0.000000e+00> : vector<1xf32>
    %reduce_sum3A_1925 = vector.multi_reduction <add>, %reduce_sum3A_1923, %reduce_sum3A_1924 [1, 2] : vector<1x64x1xf32> to vector<1xf32>
    %reduce_sum3A_1926 = vector.shape_cast %reduce_sum3A_1925 : vector<1xf32> to vector<1x1x1xf32>
    %reduce_sum3A_1927 = vector.extract %reduce_sum3A_1926[0, 0, 0] : f32 from vector<1x1x1xf32>
    %add3A_1928 = vector.broadcast %reduce_sum3A_1927 : f32 to vector<1x1xf32>
    %add3A_1929 = arith.addf %add3A_1839, %add3A_1928 : vector<1x1xf32>
    %add3A_1930 = arith.constant 9.600000e+02 : f32
    %add3A_1931 = vector.broadcast %add3A_1930 : f32 to vector<64x1xf32>
    %add3A_1932 = arith.addf %convert_element_type3A_15, %add3A_1931 : vector<64x1xf32>
    %eq3A_1933 = vector.broadcast %get3A_585 : vector<1x1024xf32> to vector<64x1024xf32>
    %eq3A_1934 = vector.broadcast %add3A_1932 : vector<64x1xf32> to vector<64x1024xf32>
    %eq3A_1935 = arith.cmpf oeq, %eq3A_1933, %eq3A_1934 : vector<64x1024xf32>
    %jit3A_1936 = arith.constant 1.024000e+03 : f32
    %broadcast_in_dim3A_1937 = vector.broadcast %jit3A_1936 : f32 to vector<64x1024xf32>
    %select_n3A_1938 = arith.select %eq3A_1935, %convert_element_type3A, %broadcast_in_dim3A_1937 : vector<64x1024xi1>, vector<64x1024xf32>
    %reduce_min3A_1939 = arith.constant dense<0x7F800000> : vector<64xf32>
    %reduce_min3A_1940 = vector.multi_reduction <minimumf>, %select_n3A_1938, %reduce_min3A_1939 [1] : vector<64x1024xf32> to vector<64xf32>
    %broadcast_in_dim3A_1941 = vector.shape_cast %reduce_min3A_1940 : vector<64xf32> to vector<64x1xf32>
    %get3A_1942 = arith.constant 960 : index
    %get3A_1943 = arith.constant 0 : index
    %get3A_1944 = vector.load %arg4[%get3A_1942, %get3A_1943] : memref<1024x1024xf32, #tpu.memory_space<vmem>>, vector<64x1024xf32>
    %reduce_max3A_1945 = arith.constant dense<0xFF800000> : vector<64xf32>
    %reduce_max3A_1946 = vector.multi_reduction <maximumf>, %get3A_1944, %reduce_max3A_1945 [1] : vector<64x1024xf32> to vector<64xf32>
    %broadcast_in_dim3A_1947 = vector.shape_cast %reduce_max3A_1946 : vector<64xf32> to vector<64x1xf32>
    %eq3A_1948 = vector.broadcast %broadcast_in_dim3A_1947 : vector<64x1xf32> to vector<64x1024xf32>
    %eq3A_1949 = arith.cmpf oeq, %get3A_1944, %eq3A_1948 : vector<64x1024xf32>
    %jit3A_1950 = arith.constant 1.024000e+03 : f32
    %broadcast_in_dim3A_1951 = vector.broadcast %jit3A_1950 : f32 to vector<64x1024xf32>
    %select_n3A_1952 = arith.select %eq3A_1949, %convert_element_type3A, %broadcast_in_dim3A_1951 : vector<64x1024xi1>, vector<64x1024xf32>
    %reduce_min3A_1953 = arith.constant dense<0x7F800000> : vector<64xf32>
    %reduce_min3A_1954 = vector.multi_reduction <minimumf>, %select_n3A_1952, %reduce_min3A_1953 [1] : vector<64x1024xf32> to vector<64xf32>
    %broadcast_in_dim3A_1955 = vector.shape_cast %reduce_min3A_1954 : vector<64xf32> to vector<64x1xf32>
    %eq3A_1956 = arith.constant 1.024000e+03 : f32
    %eq3A_1957 = vector.broadcast %eq3A_1956 : f32 to vector<64x1xf32>
    %eq3A_1958 = arith.cmpf oeq, %broadcast_in_dim3A_1941, %eq3A_1957 : vector<64x1xf32>
    %select_n3A_1959 = arith.select %eq3A_1958, %broadcast_in_dim3A_1955, %broadcast_in_dim3A_1941 : vector<64x1xi1>, vector<64x1xf32>
    %eq3A_1960 = vector.broadcast %select_n3A_1959 : vector<64x1xf32> to vector<64x1024xf32>
    %eq3A_1961 = arith.cmpf oeq, %convert_element_type3A, %eq3A_1960 : vector<64x1024xf32>
    %jit3A_1962 = arith.constant 0.000000e+00 : f32
    %broadcast_in_dim3A_1963 = vector.shape_cast %get3A_3 : vector<1x1024xf32> to vector<1x1024xf32>
    %broadcast_in_dim3A_1964 = vector.broadcast %broadcast_in_dim3A_1963 : vector<1x1024xf32> to vector<64x1024xf32>
    %broadcast_in_dim3A_1965 = vector.broadcast %jit3A_1962 : f32 to vector<64x1024xf32>
    %select_n3A_1966 = arith.select %eq3A_1961, %broadcast_in_dim3A_1964, %broadcast_in_dim3A_1965 : vector<64x1024xi1>, vector<64x1024xf32>
    %reduce_sum3A_1967 = arith.constant dense<0.000000e+00> : vector<64xf32>
    %reduce_sum3A_1968 = vector.multi_reduction <add>, %select_n3A_1966, %reduce_sum3A_1967 [1] : vector<64x1024xf32> to vector<64xf32>
    %broadcast_in_dim3A_1969 = vector.shape_cast %reduce_sum3A_1968 : vector<64xf32> to vector<64x1xf32>
    %jit3A_1970 = arith.constant 0.000000e+00 : f32
    %broadcast_in_dim3A_1971 = vector.shape_cast %get3A_8 : vector<1x1024xf32> to vector<1x1024xf32>
    %broadcast_in_dim3A_1972 = vector.broadcast %broadcast_in_dim3A_1971 : vector<1x1024xf32> to vector<64x1024xf32>
    %broadcast_in_dim3A_1973 = vector.broadcast %jit3A_1970 : f32 to vector<64x1024xf32>
    %select_n3A_1974 = arith.select %eq3A_1961, %broadcast_in_dim3A_1972, %broadcast_in_dim3A_1973 : vector<64x1024xi1>, vector<64x1024xf32>
    %reduce_sum3A_1975 = arith.constant dense<0.000000e+00> : vector<64xf32>
    %reduce_sum3A_1976 = vector.multi_reduction <add>, %select_n3A_1974, %reduce_sum3A_1975 [1] : vector<64x1024xf32> to vector<64xf32>
    %broadcast_in_dim3A_1977 = vector.shape_cast %reduce_sum3A_1976 : vector<64xf32> to vector<64x1xf32>
    %jit3A_1978 = arith.constant 0.000000e+00 : f32
    %broadcast_in_dim3A_1979 = vector.shape_cast %get3A_13 : vector<1x1024xf32> to vector<1x1024xf32>
    %broadcast_in_dim3A_1980 = vector.broadcast %broadcast_in_dim3A_1979 : vector<1x1024xf32> to vector<64x1024xf32>
    %broadcast_in_dim3A_1981 = vector.broadcast %jit3A_1978 : f32 to vector<64x1024xf32>
    %select_n3A_1982 = arith.select %eq3A_1961, %broadcast_in_dim3A_1980, %broadcast_in_dim3A_1981 : vector<64x1024xi1>, vector<64x1024xf32>
    %reduce_sum3A_1983 = arith.constant dense<0.000000e+00> : vector<64xf32>
    %reduce_sum3A_1984 = vector.multi_reduction <add>, %select_n3A_1982, %reduce_sum3A_1983 [1] : vector<64x1024xf32> to vector<64xf32>
    %broadcast_in_dim3A_1985 = vector.shape_cast %reduce_sum3A_1984 : vector<64xf32> to vector<64x1xf32>
    %get3A_1986 = arith.constant 0 : index
    %get3A_1987 = arith.constant 960 : index
    %get3A_1988 = arith.constant 0 : index
    %get3A_1989 = vector.load %arg1[%get3A_1986, %get3A_1987, %get3A_1988] : memref<1x1024x3xf32, #tpu.memory_space<vmem>>, vector<1x64x1xf32>
    %get3A_1990 = vector.shape_cast %get3A_1989 : vector<1x64x1xf32> to vector<64x1xf32>
    %get3A_1991 = arith.constant 0 : index
    %get3A_1992 = arith.constant 960 : index
    %get3A_1993 = arith.constant 1 : index
    %get3A_1994 = vector.load %arg1[%get3A_1991, %get3A_1992, %get3A_1993] : memref<1x1024x3xf32, #tpu.memory_space<vmem>>, vector<1x64x1xf32>
    %get3A_1995 = vector.shape_cast %get3A_1994 : vector<1x64x1xf32> to vector<64x1xf32>
    %get3A_1996 = arith.constant 0 : index
    %get3A_1997 = arith.constant 960 : index
    %get3A_1998 = arith.constant 2 : index
    %get3A_1999 = vector.load %arg1[%get3A_1996, %get3A_1997, %get3A_1998] : memref<1x1024x3xf32, #tpu.memory_space<vmem>>, vector<1x64x1xf32>
    %get3A_2000 = vector.shape_cast %get3A_1999 : vector<1x64x1xf32> to vector<64x1xf32>
    %sub3A_2001 = arith.subf %get3A_1990, %broadcast_in_dim3A_1969 : vector<64x1xf32>
    %sub3A_2002 = arith.subf %get3A_1995, %broadcast_in_dim3A_1977 : vector<64x1xf32>
    %sub3A_2003 = arith.subf %get3A_2000, %broadcast_in_dim3A_1985 : vector<64x1xf32>
    %mul3A_2004 = arith.mulf %sub3A_2001, %sub3A_2001 : vector<64x1xf32>
    %mul3A_2005 = arith.mulf %sub3A_2002, %sub3A_2002 : vector<64x1xf32>
    %add3A_2006 = arith.addf %mul3A_2004, %mul3A_2005 : vector<64x1xf32>
    %mul3A_2007 = arith.mulf %sub3A_2003, %sub3A_2003 : vector<64x1xf32>
    %add3A_2008 = arith.addf %add3A_2006, %mul3A_2007 : vector<64x1xf32>
    %max3A_2009 = arith.constant 9.99999996E-13 : f32
    %max3A_2010 = vector.broadcast %max3A_2009 : f32 to vector<64x1xf32>
    %max3A_2011 = arith.maximumf %add3A_2008, %max3A_2010 : vector<64x1xf32>
    %sqrt3A_2012 = math.sqrt %max3A_2011 : vector<64x1xf32>
    %reduce_sum3A_2013 = vector.shape_cast %sqrt3A_2012 : vector<64x1xf32> to vector<1x64x1xf32>
    %reduce_sum3A_2014 = arith.constant dense<0.000000e+00> : vector<1xf32>
    %reduce_sum3A_2015 = vector.multi_reduction <add>, %reduce_sum3A_2013, %reduce_sum3A_2014 [1, 2] : vector<1x64x1xf32> to vector<1xf32>
    %reduce_sum3A_2016 = vector.shape_cast %reduce_sum3A_2015 : vector<1xf32> to vector<1x1x1xf32>
    %reduce_sum3A_2017 = vector.extract %reduce_sum3A_2016[0, 0, 0] : f32 from vector<1x1x1xf32>
    %add3A_2018 = vector.broadcast %reduce_sum3A_2017 : f32 to vector<1x1xf32>
    %add3A_2019 = arith.addf %add3A_1929, %add3A_2018 : vector<1x1xf32>
    %swap3A_2020 = arith.constant 0 : index
    %swap3A_2021 = arith.constant 0 : index
    %swap3A_2022 = arith.constant 0 : index
    %swap3A_2023 = vector.load %arg3[%swap3A_2020, %swap3A_2021, %swap3A_2022] : memref<1x1x1xf32, #tpu.memory_space<vmem>>, vector<1x1x1xf32>
    %swap3A_2024 = vector.shape_cast %swap3A_2023 : vector<1x1x1xf32> to vector<1x1xf32>
    %swap3A_2025 = vector.shape_cast %add3A_2019 : vector<1x1xf32> to vector<1x1x1xf32>
    tpu.vector_store %arg3[%swap3A_2020, %swap3A_2021, %swap3A_2022], %swap3A_2025 {strides = array<i32>} : memref<1x1x1xf32, #tpu.memory_space<vmem>>, vector<1x1x1xf32>,
    return
  }
  func.func @transform_0(%arg0: i32) -> (i32, i32, i32) {
    %c0_i32 = arith.constant 0 : i32
    %c0_i32_0 = arith.constant 0 : i32
    %c0_i32_1 = arith.constant 0 : i32
    return %arg0, %c0_i32, %c0_i32_0 : i32, i32, i32
  }
  func.func @transform_1(%arg0: i32) -> (i32, i32, i32) {
    %c0_i32 = arith.constant 0 : i32
    %c0_i32_0 = arith.constant 0 : i32
    %c0_i32_1 = arith.constant 0 : i32
    return %arg0, %c0_i32, %c0_i32_0 : i32, i32, i32
  }
  func.func @transform_2(%arg0: i32) -> (i32, i32, i32) {
    %c0_i32 = arith.constant 0 : i32
    %c0_i32_0 = arith.constant 0 : i32
    %c0_i32_1 = arith.constant 0 : i32
    return %arg0, %c0_i32, %c0_i32_0 : i32, i32, i32
  }
}

</mosaic_0001>

<sc_bundles>
// kernel: kernel.6.cloned.1.call-start
scs
__scs_entry_jumppad:
0x0: {  	(pc) =	sbr.rel $0x88, $3  }
0x1: {  	(tag) =	ssettag $0x0;
	lr =	simm.s32 $0x1  }
0x2: {  	[smem:$0x3F9D] =	sst lr;
	_ =	strace $0xD0000000  }
0x3: {  	_ = 	snop  }
0x4: {  	_ = 	snop  }
0x5: {  	_ = 	snop  }
0x6: {  	_ = 	snop  }
0x7: {  	_ = 	snop  }
__scs_overlays_trampoline_lowered:
0x8: {  	[smem:$0x3FAC] =	sst s0  }
0x9: {  	[smem:$0x3FAD] =	sst s1  }
0xa: {  	[smem:$0x3FAE] =	sst s2  }
0xb: {  	[smem:$0x3FAF] =	sst s3  }
0xc: {  	[smem:$0x3FB0] =	sst s4  }
0xd: {  	[smem:$0x3FB1] =	sst s5  }
0xe: {  	[smem:$0x3FB2] =	sst s6  }
0xf: {  	[smem:$0x3FB3] =	sst s7  }
0x10: {  	[smem:$0x3FB4] =	sst s8  }
0x11: {  	[smem:$0x3FB5] =	sst s9;
	s0 =	simm.s32 @!p0 $0x0  }
0x12: {  	s1 =	sld [smem:$0x3F9B];
	s0 =	simm.s32 @p0 $0x1  }
0x13: {  	[smem:$0x3FB6] =	sst s0;
	s0 =	simm.s32 @!p1 $0x0  }
0x14: {  	s2 =	sld [smem:$0x3F9A];
	s0 =	simm.s32 @p1 $0x1  }
0x15: {  	[smem:$0x3FB7] =	sst s0;
	s0 =	simm.s32 @!p2 $0x0  }
0x16: {  	s3 =	sld [smem:$0x3FDB];
	s0 =	simm.s32 @p2 $0x1  }
0x17: {  	s4 =	simm.s32 $0x1BF5;
	[smem:$0x3FB9] =	sst s0  }
0x18: {  	s0 =	sld [smem:$0x3F9C];
	_ =	swait.ge [sflag:s4], $0x0  }
0x19: {  	s7 =	sld [smem:$0x3F9D]  }
0x1a: {  	s8 =	sadd.s32 $0xFFFFE003, lr  }
0x1b: {  	s9 =	sadd.s32 $0xFFFFFEF7, lr;
	s5 =	simm.s32 $0xFFFFFFFF;
	p2 =	slt.u32 s8, $0xFFFFF086  }
0x1c: {  	p1 =	slt.u32 s9, $0xF7A;
	s5 =	simm.s32 @!p2 $0x0  }
0x1d: {  	s5 =	simm.s32 @p1 $0x1;
	p0 =	seq.s32 s7, s2  }
0x1e: {  	s7 =	smul.u32 @!p0 $0xF7A, s2;
	p2 =	seq.s32 @!p0 s5, $0x0  }
0x1f: {  	s9 =	smul.u32 $0xF7A, s1;
	s8 =	simm.s32 @!p0 $0x1BF5;
	p2 =	por !p2, p0  }
0x20: {  	[sflag:s8] =	ssyncset.s32 @!p0 $0xFFFFF086;
	s6 =	sadd.s32 @!p0 s3, s7;
	s7 =	simm.s32 @!p0 $0x108  }
0x21: {  	s3 =	sadd.s32 s3, s9;
	s6 =	sadd.s32 @!p0 $0x88, s6;
	s7 =	simm.s32 @p2 $0x1082  }
0x22: {  	[simem:s7], [sflag:s8] =	dma.local @!p0 [hbm:s6], $0xF7A  }
0x23: {  	s9 =	sor.u32 $0xD0000000, s2;
	s6 =	simm.s32 $0x108;
	_ =	swait.ge @!p0 [sflag:s8], $0x0  }
0x24: {  	s3 =	sadd.s32 $0x88, s3;
	s6 =	simm.s32 @!p1 $0x1082;
	[sflag:s4] =	ssyncset.s32 $0xFFFFF086  }
0x25: {  	[simem:s6], [sflag:s4] =	dma.local [hbm:s3], $0xF7A  }
0x26: {  	[smem:$0x3F9D] =	sst s1;
	(tag) =	ssettag s2;
	_ =	strace s9  }
0x27: {  	s1 =	sld [smem:$0x3FAD]  }
0x28: {  	s2 =	sld [smem:$0x3FAE]  }
0x29: {  	s4 =	sld [smem:$0x3FB0]  }
0x2a: {  	p0 =	seq.s32 s5, $0x0;
	s5 =	sld [smem:$0x3FB1]  }
0x2b: {  	s6 =	sld [smem:$0x3FB2]  }
0x2c: {  	s7 =	sld [smem:$0x3FB3]  }
0x2d: {  	s3 =	simm.s32 $0x108;
	s8 =	sld [smem:$0x3FB4]  }
0x2e: {  	s3 =	simm.s32 @!p0 $0x1082;
	s9 =	sld [smem:$0x3FB5]  }
0x2f: {  	lr =	sadd.s32 s0, s3;
	s0 =	sld [smem:$0x3FAC]  }
0x30: {  	s3 =	sld [smem:$0x3FAF]  }
0x31: {  	[smem:$0x3FB8] =	sst s10  }
0x32: {  	s10 =	sld [smem:$0x3FB6];
	_ =	sdelay $0x3  }
0x33: {  	p0 =	seq.s32 s10, $0x1;
	s10 =	sld [smem:$0x3FB8];
	_ =	sdelay $0x3  }
0x34: {  	[smem:$0x3FB8] =	sst s10  }
0x35: {  	s10 =	sld [smem:$0x3FB7];
	_ =	sdelay $0x3  }
0x36: {  	p1 =	seq.s32 s10, $0x1;
	s10 =	sld [smem:$0x3FB8];
	_ =	sdelay $0x3  }
0x37: {  	[smem:$0x3FB8] =	sst s10  }
0x38: {  	s10 =	sld [smem:$0x3FB9]  }
0x39: {  	_ = 	snop;
	(pc) =	sbr.ind lr, $3  }
0x3a: {  	_ = 	snop  }
0x3b: {  	_ = 	snop  }
0x3c: {  	p2 =	seq.s32 s10, $0x1;
	s10 =	sld [smem:$0x3FB8]  }
0x3d: {  	_ =	shalt  }
0x3e: {  	_ =	shalt  }
0x3f: {  	_ =	shalt  }
0x40: {  	_ =	shalt  }
0x41: {  	_ =	shalt  }
0x42: {  	_ =	shalt  }
0x43: {  	_ =	shalt  }
0x44: {  	_ =	shalt  }
0x45: {  	_ =	shalt  }
0x46: {  	_ =	shalt  }
0x47: {  	_ =	shalt  }
0x48: {  	_ =	shalt  }
0x49: {  	_ =	shalt  }
0x4a: {  	_ =	shalt  }
0x4b: {  	_ =	shalt  }
0x4c: {  	_ =	shalt  }
0x4d: {  	_ =	shalt  }
0x4e: {  	_ =	shalt  }
0x4f: {  	_ =	shalt  }
0x50: {  	_ =	shalt  }
0x51: {  	_ =	shalt  }
0x52: {  	_ =	shalt  }
0x53: {  	_ =	shalt  }
0x54: {  	_ =	shalt  }
0x55: {  	_ =	shalt  }
0x56: {  	_ =	shalt  }
0x57: {  	_ =	shalt  }
0x58: {  	_ =	shalt  }
0x59: {  	_ =	shalt  }
0x5a: {  	_ =	shalt  }
0x5b: {  	_ =	shalt  }
0x5c: {  	_ =	shalt  }
0x5d: {  	_ =	shalt  }
0x5e: {  	_ =	shalt  }
0x5f: {  	_ =	shalt  }
0x60: {  	_ =	shalt  }
0x61: {  	_ =	shalt  }
0x62: {  	_ =	shalt  }
0x63: {  	_ =	shalt  }
0x64: {  	_ =	shalt  }
0x65: {  	_ =	shalt  }
0x66: {  	_ =	shalt  }
0x67: {  	_ =	shalt  }
0x68: {  	_ =	shalt  }
0x69: {  	_ =	shalt  }
0x6a: {  	_ =	shalt  }
0x6b: {  	_ =	shalt  }
0x6c: {  	_ =	shalt  }
0x6d: {  	_ =	shalt  }
0x6e: {  	_ =	shalt  }
0x6f: {  	_ =	shalt  }
0x70: {  	_ =	shalt  }
0x71: {  	_ =	shalt  }
0x72: {  	_ =	shalt  }
0x73: {  	_ =	shalt  }
0x74: {  	_ =	shalt  }
0x75: {  	_ =	shalt  }
0x76: {  	_ =	shalt  }
0x77: {  	_ =	shalt  }
0x78: {  	_ =	shalt  }
0x79: {  	_ =	shalt  }
0x7a: {  	_ =	shalt  }
0x7b: {  	_ =	shalt  }
0x7c: {  	_ =	shalt  }
0x7d: {  	_ =	shalt  }
0x7e: {  	_ =	shalt  }
0x7f: {  	_ =	shalt  }
0x80: {  	_ =	shalt  }
0x81: {  	_ =	shalt  }
0x82: {  	_ =	shalt  }
0x83: {  	_ =	shalt  }
0x84: {  	_ =	shalt  }
0x85: {  	_ =	shalt  }
0x86: {  	_ =	shalt  }
0x87: {  	_ =	shalt  }
.Lfunc_end0:
.L_simem_size_0:
called_computation_lowered:
.L_overlay_start_0:
0x88: {  	s2 =	sld [smem:$0x3FD9]  }
0x89: {  	s3 =	sld [smem:$0x3FFE];
	_ =	sdelay $0x1  }
0x8a: {  	s1 =	srdreg.scid  }
0x8b: {  	s0 =	sand.u32 $0x1, s1  }
0x8c: {  	s16 =	sshll.u32 s0, $0xA;
	s2 =	sadd.s32 s3, s2  }
0x8d: {  	s2 =	sadd.s32 s2, s16  }
0x8e: {  	[smem:$0x3FC4] =	sst s2  }
0x8f: {  	_ = 	snop  }
0x90: {  	(tm) =	ssettm $0x1  }
0x91: {  	s17 =	sld [smem:$0x3FFB];
	_ =	sdelay $0x3  }
0x92: {  	_ =	strace s17  }
0x93: {  	s2 =	sld [smem:$0x3FFC];
	_ =	sdelay $0x3  }
0x94: {  	_ =	strace s2  }
0x95: {  	s2 =	sld [smem:$0x3FFD];
	_ =	sdelay $0x3  }
0x96: {  	_ =	strace s2  }
0x97: {  	_ =	strace $0x8FFFFFFF  }
0x98: {  	s18 =	sld [smem:$0x3FDB];
	_ =	sdelay $0x1  }
0x99: {  	s19 =	simm.s32 $_scs_section_size  }
0x9a: {  	s4 =	simm.s32 $_size__tile_overlayer_lowered;
	s5 =	simm.s32 $_tile_overlayer_lowered  }
0x9b: {  	s22 =	simm.s32 $0x1BFF;
	s21 =	sshll.u32 s5, $0x1;
	s2 =	sadd.s32 s19, s18  }
0x9c: {  	s6 =	simm.s32 $0x0;
	s20 =	sshll.u32 s4, $0x1;
	s4 =	sadd.s32 s21, s2  }
0x9d: {  	[timem:s6], [sflag:s22] =	dma.local [hbm:s4], s20  }
0x9e: {  	_ =	swait.ge [sflag:s22], s20  }
0x9f: {  	s3 =	ssub.s32 $0x0, s20;
	[sflag:s22] =	ssyncset.done $0x0  }
0xa0: {  	[sflag:s22] =	ssyncadd.s32 s3;
	_ =	sdelay $0x1  }
0xa1: {  	s23 =	simm.s32 $0x1B8B  }
0xa2: {  	_ =	swait.ge [sflag:s23], $0x1  }
0xa3: {  	[sflag:s23] =	ssyncset.done $0x0  }
0xa4: {  	s25 =	simm.s32 $0x1B8E;
	s24 =	sld [smem:$0x3FFE];
	[sflag:s23] =	ssyncadd.s32 $0xFFFFFFFF  }
0xa5: {  	s26 =	simm.s32 $execute0_lowered;
	[smem:$0x3FD2] =	sst s25  }
0xa6: {  	s4 =	sshll.u32 s26, $0x1;
	_ =	strace $0x80000046;
	[dreg:$0x1] =	wrdreg $0xFFFFFFFF  }
0xa7: {  	s28 =	simm.s32 $_size_execute0_lowered;
	s2 =	sadd.s32 s2, s4;
	[dreg:$0x0] =	wrdreg $0x0  }
0xa8: {  	s4 =	sshll.u32 s28, $0x1;
	[dreg:$0x2] =	wrdreg s2  }
0xa9: {  	[dreg:$0x3] =	wrdreg s4  }
0xaa: {  	[dreg:$0x4] =	wrdreg $0xC0  }
0xab: {  	_ =	task [dreg:s6], $0x5FFFF  }
0xac: {  	[dreg:$0x1] =	wrdreg $0xFFFFFFFF  }
0xad: {  	[dreg:$0x0] =	wrdreg $0x60  }
0xae: {  	[dreg:$0x2] =	wrdreg s24  }
0xaf: {  	[dreg:$0x3] =	wrdreg $0x9  }
0xb0: {  	_ =	task.clear_ibuf [dreg:s6], $0x4FFFF;
	_ =	strace $0x90000046  }
0xb1: {  	s29 =	simm.s32 $0x9;
	_ =	strace $0x80000048  }
0xb2: {  	_ =	swait.ge [sflag:s29], $0x1  }
0xb3: {  	[sflag:s29] =	ssyncadd.s32 $0xFFFFFFFF  }
0xb4: {  	_ =	strace $0x90000048  }
0xb5: {  	_ =	sfence  }
0xb6: {  	s30 =	sld [smem:$0x0];
	_ =	sdelay $0x2  }
0xb7: {  	s31 =	sshll.u32 s1, $0xD;
	s1 =	sshrl.u32 s1, $0x2  }
0xb8: {  	s3 =	sand.u32 $0x4000, s31;
	s1 =	sadd.s32 s1, s30  }
0xb9: {  	s0 =	sor.u32 s3, s0;
	s1 =	sshll.u32 s1, $0x11  }
0xba: {  	s0 =	sor.u32 s1, s0  }
0xbb: {  	s0 =	sadd.s32 $0x8F2B, s0  }
0xbc: {  	[sflag:s0] =	ssyncadd.remote.s32 $0x1  }
0xbd: {  	_ =	sfence.sel $0xFFFF  }
0xbe: {  	[dreg:$0x0] =	wrdreg $0xFFFFFFFF;
	(pc) =	sbr.abs _section_cstart, $3  }
0xbf: {  	[dreg:$0x1] =	wrdreg $0xFFFFFFFF  }
0xc0: {  	_ =	task.clear_ibuf [dreg:s6], $0x2FFFF;
	_ =	strace $0x9FFFFFFF  }
0xc1: {  	(tm) =	ssettm $0x7FFFFFFF  }
tec
execute0_lowered:
.L_overlay_start_1:
0x0: {  	(tag) =	ssettag $0x1  }
0x1: {  	s1 =	stileid.u32  }
0x2: {  	p0 =	sgt.u32 s1, $0x3  }
.Ltmp0:
0x3: {  	_ = 	snop;
	(pc) =	sbr.rel @p0 .LBB2_7-.Ltmp0, $4  }
0x4: {  	_ = 	snop  }
0x5: {  	s4 =	rddreg [dreg:$0x0];
	s2 =	simm.s32 $0x0  }
0x6: {  	[smem:$0x7FF] =	sst s2  }
0x7: {  	s0 =	rddreg [dreg:$0x1];
	_ =	strace $0x80000047  }
0x8: {  	s3 =	srdreg.scid  }
0x9: {  	s6 =	sadd.s32 $0x1000, s4;
	s5 =	sshll.u32 s1, $0x1;
	s31 =	sshll.u32 s1, $0x11  }
0xa: {  	s11 =	simm.s32 $0x0;
	s7 =	sand.u32 $0x1, s3;
	s3 =	sadd.s32 $0x81000, s4  }
0xb: {  	s6 =	sadd.s32 s31, s6;
	s5 =	sor.u32 s7, s5;
	s8 =	ssub.s32 $0x2, s7  }
0xc: {  	s7 =	sshll.u32 s7, $0x10;
	s9 =	smul.u32 $0x408, s5;
	s10 =	sshrl.u32 s8, $0x1  }
0xd: {  	s5 =	sshll.u32 s5, $0x9;
	s6 =	sadd.s32 s7, s6;
	s7 =	simm.s32 $0x2  }
0xe: {  	s8 =	ssub.s32 s8, s10;
	s4 =	sadd.s32 s4, s5;
	s10 =	simm.s32 $0x1  }
0xf: {  	s5 =	smax.u32 s8, $0x1;
	s8 =	simm.s32 $0x1000;
	v0 =	vmov s9;
	s9 =	simm.s32 $0x80  }
.LBB2_2:
0x10: {  	s12 =	simm.s32 $0x0  }
0x11: {  	[tilespmem:s12], [sflag:$0x2] =	stream.linear.gather [hbm4b:s4+s12], $0x1000, $0x38;
	[tilespmem:$0x5000] =	vst v63  }
0x12: {  	s13 =	sand.u32 $0x3E00, s12;
	_ =	swait.ge [sflag:s7], $0x1000  }
0x13: {  	s12 =	sand.u32 $0x70, s12;
	s13 =	sshrl.u32 s13, $0x2;
	[sflag:s7] =	ssyncset.done $0x0  }
0x14: {  	s12 =	sor.u32 s12, s13;
	[sflag:s7] =	ssyncadd.s32 $0xFFFFF000  }
0x15: {  	v1 =	vld [tilespmem:s12+$0x0];
	_ =	sdelay $0x2  }
0x16: {  	s14 =	simm.s32 $0x40  }
0x17: {  	s15 =	sand.u32 $0x3E00, s14;
	s14 =	simm.s32 $0x80;
	s13 =	simm.s32 $0x10  }
.LBB2_3:
0x18: {  	p0 =	sne.s32 s14, $0x3FC0;
	s16 =	sand.u32 $0x70, s13;
	s15 =	sshrl.u32 s15, $0x2;
	v1 =	vadd.s32 v0, v1  }
0x19: {  	[tilespmem:s12+$0x0] =	vst v1;
	s12 =	sor.u32 s16, s15  }
.Ltmp1:
0x1a: {  	v1 =	vld [tilespmem:s12+$0x0];
	(pc) =	sbr.rel @p0 .LBB2_3-.Ltmp1, $2  }
0x1b: {  	_ =	sdelay $0x2  }
0x1c: {  	s13 =	sadd.s32 $0x10, s13;
	s15 =	sand.u32 $0x3E00, s14;
	s14 =	sadd.s32 $0x40, s14  }
0x1d: {  	s13 =	sand.u32 $0x70, s13;
	s14 =	sshrl.u32 s15, $0x2;
	v1 =	vadd.s32 v0, v1  }
0x1e: {  	s13 =	sor.u32 s13, s14;
	[tilespmem:s12+$0x0] =	vst v1  }
0x1f: {  	v1 =	vld [tilespmem:s13+$0x0];
	_ =	sdelay $0x4  }
0x20: {  	v1 =	vadd.s32 v0, v1  }
0x21: {  	[tilespmem:s13+$0x0] =	vst v1  }
0x22: {  	[tilespmem:s8], [sflag:$0x2] =	stream.linear.gather [hbm4b:s6+s2], $0x4000, $0x38;
	[tilespmem:$0x5000] =	vst v63  }
0x23: {  	_ =	swait.ge [sflag:s7], $0x4000  }
0x24: {  	[sflag:s7] =	ssyncset.done $0x0  }
0x25: {  	s31 =	simm.s32 $0x0;
	[sflag:s7] =	ssyncadd.s32 $0xFFFFC000  }
0x26: {  	[hbm4b:s3+s9] =	stream.indirect.scatter [tilespmem:s8], [sflag:$0x1], $0x80, s31, s9, $0xb8;
	[tilespmem:$0x5000] =	vst v63  }
0x27: {  	_ =	swait.ge [sflag:s10], $0x4000  }
0x28: {  	s12 =	simm.s32 $0x200;
	s13 =	smov.u32 s6;
	[sflag:s10] =	ssyncset.done $0x0  }
.LBB2_5:
0x29: {  	p0 =	sne.s32 s12, $0x3E00;
	[sflag:s10] =	ssyncadd.s32 $0xFFFFC000;
	s13 =	sadd.s32 $0x800, s13  }
0x2a: {  	[tilespmem:s8], [sflag:$0x2] =	stream.linear.gather [hbm4b:s13+s2], $0x4000, $0x38;
	[tilespmem:$0x5000] =	vst v63  }
0x2b: {  	s14 =	smov.u32 s12;
	s12 =	sadd.s32 $0x200, s12;
	_ =	swait.ge [sflag:s7], $0x4000  }
.Ltmp2:
0x2c: {  	[sflag:s7] =	ssyncset.done $0x0;
	(pc) =	sbr.rel @p0 .LBB2_5-.Ltmp2, $4  }
0x2d: {  	s14 =	sshra.s32 s14, $0x2;
	[sflag:s7] =	ssyncadd.s32 $0xFFFFC000  }
0x2e: {  	[hbm4b:s3+s9] =	stream.indirect.scatter [tilespmem:s8], [sflag:$0x1], $0x80, s14, s9, $0xb8;
	[tilespmem:$0x5000] =	vst v63  }
0x2f: {  	_ =	swait.ge [sflag:s10], $0x4000  }
0x30: {  	[sflag:s10] =	ssyncset.done $0x0  }
0x31: {  	s11 =	sadd.s32 $0x1, s11  }
0x32: {  	p0 =	sne.s32 s11, s5  }
.Ltmp3:
0x33: {  	_ = 	snop;
	(pc) =	sbr.rel @p0 .LBB2_2-.Ltmp3, $2  }
0x34: {  	_ =	sdelay $0x2  }
0x35: {  	[sflag:s10] =	ssyncadd.s32 $0xFFFFC000  }
.LBB2_7:
0x36: {  	_ =	sfence.sel $0x180000  }
0x37: {  	[bflag:$0x0] =	sbarrier.arrive $0xFFFF  }
0x38: {  	p0 =	sne.s32 s1, $0x0;
	_ =	strace $0x90000047  }
0x39: {  	s0 =	sadd.s32 @!p0 $0x100000, s0;
	[bflag:$0x2] =	sbarrier.arrive $0xFFFF  }
0x3a: {  	[sflag:s0] =	ssyncadd.tile.s32 @!p0 $0x1;
	_ =	shalt  }
.Lfunc_end2:
_tile_overlayer_lowered:
.L_overlay_start_2:
0x3b: {  	(tag) =	ssettag $0x2  }
0x3c: {  	s0 =	rddreg [dreg:$0x0];
	s2 =	stileid.u32  }
0x3d: {  	s1 =	rddreg [dreg:$0x1];
	p0 =	sne.s32 s2, $0x0  }
0x3e: {  	s3 =	rddreg [dreg:$0x2];
	[bflag:$0x3] =	sbarrier.arrive $0xFFFF;
	s2 =	simm.s32 @!p0 $0x1C02  }
0x3f: {  	[timem:s3], [sflag:s2] =	dma.local @!p0 [hbm:s0], s1  }
0x40: {  	s0 =	simm.s32 @!p0 $0x2  }
0x41: {  	_ =	swait.ge @!p0 [sflag:s0], s1  }
0x42: {  	s1 =	ssub.s32 @!p0 $0x0, s1;
	[sflag:s0] =	ssyncset.done @!p0 $0x0  }
0x43: {  	[sflag:s0] =	ssyncadd.s32 @!p0 s1  }
0x44: {  	[bflag:$0x3] =	sbarrier.arrive $0xFFFF  }
0x45: {  	_ =	shalt  }

</sc_bundles>
